<compile_context>
chip_gen: v7x
topology: tpu7x:2x2x1
jax: 0.10.2.dev20260603
libtpu: 0.0.44.dev20260713+nightly
codegen_flags: <defaults>
</compile_context>

<pallas_src>
import functools

import jax
import jax.numpy as jnp
from jax import lax
from jax.experimental import pallas as pl
from jax.experimental.pallas import tpu as pltpu
from jax.experimental.pallas import tpu_sc as plsc

B, S, D = 4, 2048, 1024
NW = 32
S_PER_W = S // NW
CH = 16
N_CH = S_PER_W // CH
T = B * N_CH


def _sc_body(x_hbm, pos_hbm, out_hbm, pos_v, buf_v, sem_in, sem_out):
    wid = lax.axis_index("s") * 2 + lax.axis_index("c")
    s0 = wid * S_PER_W
    pltpu.sync_copy(pos_hbm.at[pl.ds(s0, S_PER_W)], pos_v)

    def add_chunk(buf, k):
        def body(r, _):
            pr = k * CH + r

            @plsc.parallel_loop(0, D, step=16, unroll=8)
            def _col(c):
                buf[r, pl.ds(c, 16)] = buf[r, pl.ds(c, 16)] + pos_v[
                    pr, pl.ds(c, 16)
                ]

            return 0

        lax.fori_loop(0, CH, body, 0)

    def start_in(t, j):
        b = t // N_CH
        k = t % N_CH
        return pltpu.async_copy(
            x_hbm.at[b, pl.ds(s0 + k * CH, CH)], buf_v.at[j], sem_in.at[j]
        )

    def start_out(t, j):
        b = t // N_CH
        k = t % N_CH
        return pltpu.async_copy(
            buf_v.at[j], out_hbm.at[b, pl.ds(s0 + k * CH, CH)], sem_out.at[j]
        )

    in_h = [None, None]
    out_h = [None, None]
    for t in range(T):
        j = t % 2
        if out_h[j] is not None:
            out_h[j].wait()
        in_h[j] = start_in(t, j)
        if t >= 1:
            jp = (t - 1) % 2
            in_h[jp].wait()
            add_chunk(buf_v.at[jp], (t - 1) % N_CH)
            out_h[jp] = start_out(t - 1, jp)
    jl = (T - 1) % 2
    in_h[jl].wait()
    add_chunk(buf_v.at[jl], (T - 1) % N_CH)
    out_h[jl] = start_out(T - 1, jl)
    out_h[(T - 2) % 2].wait()
    out_h[jl].wait()


def kernel(x, pos_weight):
    mesh = plsc.VectorSubcoreMesh(core_axis_name="c", subcore_axis_name="s")
    k = functools.partial(
        pl.kernel,
        mesh=mesh,
        out_type=jax.ShapeDtypeStruct((B, S, D), jnp.float32),
        scratch_types=[
            pltpu.VMEM((S_PER_W, D), jnp.float32),
            pltpu.VMEM((2, CH, D), jnp.float32),
            pltpu.SemaphoreType.DMA((2,)),
            pltpu.SemaphoreType.DMA((2,)),
        ],
    )(_sc_body)
    return k(x, pos_weight)

# --- scband reference (transcript-rebuilt; emitter-appended) ---
"""Pipeline reference for scband-learnable-positional-encoding-13340168421506 (READ-ONLY COPY).

The authoritative reference and input builder live on the scoring server;
editing this copy changes nothing except your own understanding.
"""

import jax, jax.numpy as jnp
import numpy as np

D_MODEL = 1024
MAX_LEN = 2048
BATCH = 4
SEQ_LEN = 2048

def setup_inputs(seed: int = 0) -> dict:
    key = jax.random.key(seed)
    k_x, k_w = jax.random.split(key)
    x = jax.random.normal(k_x, (BATCH, SEQ_LEN, D_MODEL), dtype=jnp.float32)
    # Xavier uniform init for embedding weight [max_len, d_model]
    limit = float(np.sqrt(6.0 / (MAX_LEN + D_MODEL)))
    pos_weight = jax.random.uniform(k_w, (MAX_LEN, D_MODEL), dtype=jnp.float32, minval=-limit, maxval=limit)
    return {"x": x, "pos_weight": pos_weight}

def reference(x, pos_weight):
    # forward: x + position_embedding(arange(seq_len))
    seq_len = x.shape[1]
    position_ids = jnp.arange(seq_len, dtype=jnp.int32)
    position_embedding = jnp.take(pos_weight, position_ids, axis=0)  # [seq_len, d_model]
    return x + position_embedding[None, :, :]

if __name__ == "__main__":
    import jax
    _d = setup_inputs()
    print(jax.jit(kernel)(*tuple(_d.values())))

</pallas_src>

<mosaic_0001>
#map = affine_map<(d0, d1) -> (0, 0, 0)>
#map1 = affine_map<(d0, d1) -> (0, 0)>
module attributes {stable_mosaic.version = 14 : i64} {
  func.func @_sc_body(%arg0: i32, %arg1: i32, %arg2: memref<4x2048x1024xf32, #tpu.memory_space<hbm>>, %arg3: memref<2048x1024xf32, #tpu.memory_space<hbm>>, %arg4: memref<4x2048x1024xf32, #tpu.memory_space<hbm>>, %arg5: memref<64x1024xf32, #tpu.memory_space<vmem>>, %arg6: memref<2x16x1024xf32, #tpu.memory_space<vmem>>, %arg7: memref<2x!tpu.dma_semaphore, #tpu.memory_space<semaphore_mem>>, %arg8: memref<2x!tpu.dma_semaphore, #tpu.memory_space<semaphore_mem>>) attributes {dimension_semantics = [#tpu.dimension_semantics<core_parallel>, #tpu.dimension_semantics<subcore_parallel>], iteration_bounds = array<i64: 2, 16>, scalar_prefetch = 0 : i64, scratch_operands = 4 : i64, tpu.core_type = #tpu.core_type<sc_vector_subcore>, window_params = [{transform_indices = #map}, {transform_indices = #map1}, {transform_indices = #map}]} {
    %mul3A = arith.constant 2 : i32
    %mul3A_0 = arith.muli %arg1, %mul3A : i32
    %add3A = arith.addi %mul3A_0, %arg0 : i32
    %mul3A_1 = arith.constant 64 : i32
    %mul3A_2 = arith.muli %add3A, %mul3A_1 : i32
    "tpu.region"() ({
      %run_scoped3A = tpu.sem_alloc : memref<!tpu.dma_semaphore, #tpu.memory_space<semaphore_mem>>
      %dma_start3A_1408 = arith.constant 0 : i32
      %dma_start3A_1409 = tpu.memref_slice %arg3[%mul3A_2, %dma_start3A_1408] : memref<2048x1024xf32, #tpu.memory_space<hbm>> -> memref<64x1024xf32, #tpu.memory_space<hbm>>
      %dma_start3A_1410 = arith.constant 0 : i32
      %dma_start3A_1411 = tpu.memref_slice %arg3[%mul3A_2, %dma_start3A_1410] : memref<2048x1024xf32, #tpu.memory_space<hbm>> -> memref<64x1024xf32, #tpu.memory_space<hbm>>
      tpu.enqueue_dma source(%dma_start3A_1411 : memref<64x1024xf32, #tpu.memory_space<hbm>>) target(%arg5 : memref<64x1024xf32, #tpu.memory_space<vmem>>) target_semaphore(%run_scoped3A : memref<!tpu.dma_semaphore, #tpu.memory_space<semaphore_mem>>)
      %dma_wait3A_1412 = arith.constant 0 : i32
      %dma_wait3A_1413 = tpu.memref_slice %arg3[%mul3A_2, %dma_wait3A_1412] : memref<2048x1024xf32, #tpu.memory_space<hbm>> -> memref<64x1024xf32, #tpu.memory_space<hbm>>
      %dma_wait3A_1414 = arith.constant 0 : i32
      %dma_wait3A_1415 = tpu.memref_slice %arg3[%mul3A_2, %dma_wait3A_1414] : memref<2048x1024xf32, #tpu.memory_space<hbm>> -> memref<64x1024xf32, #tpu.memory_space<hbm>>
      tpu.wait_dma2 semaphore(%run_scoped3A : memref<!tpu.dma_semaphore, #tpu.memory_space<semaphore_mem>>) src(%dma_wait3A_1415 : memref<64x1024xf32, #tpu.memory_space<hbm>>) dst(%arg5 : memref<64x1024xf32, #tpu.memory_space<vmem>>)
      tpu.yield
    }) : () -> ()
    %add3A_3 = arith.constant 0 : i32
    %add3A_4 = arith.addi %mul3A_2, %add3A_3 : i32
    %dma_start3A = arith.constant 0 : i32
    %dma_start3A_5 = arith.constant 0 : i32
    %dma_start3A_6 = arith.constant 0 : i32
    %dma_start3A_7 = arith.constant 0 : i32
    %dma_start3A_8 = arith.constant 0 : i32
    %dma_start3A_9 = tpu.memref_slice %arg6[%dma_start3A_5, %dma_start3A_7, %dma_start3A_8] : memref<2x16x1024xf32, #tpu.memory_space<vmem>> -> memref<1x16x1024xf32, #tpu.memory_space<vmem>>
    %dma_start3A_10 = tpu.memref_squeeze %dma_start3A_9 : memref<1x16x1024xf32, #tpu.memory_space<vmem>> -> memref<16x1024xf32, #tpu.memory_space<vmem>>
    %dma_start3A_11 = arith.constant 0 : i32
    %dma_start3A_12 = tpu.memref_slice %arg2[%dma_start3A, %add3A_4, %dma_start3A_11] : memref<4x2048x1024xf32, #tpu.memory_space<hbm>> -> memref<1x16x1024xf32, #tpu.memory_space<hbm>>
    %dma_start3A_13 = tpu.memref_squeeze %dma_start3A_12 : memref<1x16x1024xf32, #tpu.memory_space<hbm>> -> memref<16x1024xf32, #tpu.memory_space<hbm>>
    %dma_start3A_14 = tpu.memref_slice %arg7[%dma_start3A_6] : memref<2x!tpu.dma_semaphore, #tpu.memory_space<semaphore_mem>> -> memref<1x!tpu.dma_semaphore, #tpu.memory_space<semaphore_mem>>
    %dma_start3A_15 = tpu.memref_squeeze %dma_start3A_14 : memref<1x!tpu.dma_semaphore, #tpu.memory_space<semaphore_mem>> -> memref<!tpu.dma_semaphore, #tpu.memory_space<semaphore_mem>>
    %dma_start3A_16 = arith.constant 0 : i32
    %dma_start3A_17 = arith.constant 0 : i32
    %dma_start3A_18 = tpu.memref_slice %arg6[%dma_start3A_5, %dma_start3A_16, %dma_start3A_17] : memref<2x16x1024xf32, #tpu.memory_space<vmem>> -> memref<1x16x1024xf32, #tpu.memory_space<vmem>>
    %dma_start3A_19 = tpu.memref_squeeze %dma_start3A_18 : memref<1x16x1024xf32, #tpu.memory_space<vmem>> -> memref<16x1024xf32, #tpu.memory_space<vmem>>
    %dma_start3A_20 = arith.constant 0 : i32
    %dma_start3A_21 = tpu.memref_slice %arg2[%dma_start3A, %add3A_4, %dma_start3A_20] : memref<4x2048x1024xf32, #tpu.memory_space<hbm>> -> memref<1x16x1024xf32, #tpu.memory_space<hbm>>
    %dma_start3A_22 = tpu.memref_squeeze %dma_start3A_21 : memref<1x16x1024xf32, #tpu.memory_space<hbm>> -> memref<16x1024xf32, #tpu.memory_space<hbm>>
    tpu.enqueue_dma source(%dma_start3A_22 : memref<16x1024xf32, #tpu.memory_space<hbm>>) target(%dma_start3A_19 : memref<16x1024xf32, #tpu.memory_space<vmem>>) target_semaphore(%dma_start3A_15 : memref<!tpu.dma_semaphore, #tpu.memory_space<semaphore_mem>>)
    %add3A_23 = arith.constant 16 : i32
    %add3A_24 = arith.addi %mul3A_2, %add3A_23 : i32
    %dma_start3A_25 = arith.constant 0 : i32
    %dma_start3A_26 = arith.constant 1 : i32
    %dma_start3A_27 = arith.constant 1 : i32
    %dma_start3A_28 = arith.constant 0 : i32
    %dma_start3A_29 = arith.constant 0 : i32
    %dma_start3A_30 = tpu.memref_slice %arg6[%dma_start3A_26, %dma_start3A_28, %dma_start3A_29] : memref<2x16x1024xf32, #tpu.memory_space<vmem>> -> memref<1x16x1024xf32, #tpu.memory_space<vmem>>
    %dma_start3A_31 = tpu.memref_squeeze %dma_start3A_30 : memref<1x16x1024xf32, #tpu.memory_space<vmem>> -> memref<16x1024xf32, #tpu.memory_space<vmem>>
    %dma_start3A_32 = arith.constant 0 : i32
    %dma_start3A_33 = tpu.memref_slice %arg2[%dma_start3A_25, %add3A_24, %dma_start3A_32] : memref<4x2048x1024xf32, #tpu.memory_space<hbm>> -> memref<1x16x1024xf32, #tpu.memory_space<hbm>>
    %dma_start3A_34 = tpu.memref_squeeze %dma_start3A_33 : memref<1x16x1024xf32, #tpu.memory_space<hbm>> -> memref<16x1024xf32, #tpu.memory_space<hbm>>
    %dma_start3A_35 = tpu.memref_slice %arg7[%dma_start3A_27] : memref<2x!tpu.dma_semaphore, #tpu.memory_space<semaphore_mem>> -> memref<1x!tpu.dma_semaphore, #tpu.memory_space<semaphore_mem>>
    %dma_start3A_36 = tpu.memref_squeeze %dma_start3A_35 : memref<1x!tpu.dma_semaphore, #tpu.memory_space<semaphore_mem>> -> memref<!tpu.dma_semaphore, #tpu.memory_space<semaphore_mem>>
    %dma_start3A_37 = arith.constant 0 : i32
    %dma_start3A_38 = arith.constant 0 : i32
    %dma_start3A_39 = tpu.memref_slice %arg6[%dma_start3A_26, %dma_start3A_37, %dma_start3A_38] : memref<2x16x1024xf32, #tpu.memory_space<vmem>> -> memref<1x16x1024xf32, #tpu.memory_space<vmem>>
    %dma_start3A_40 = tpu.memref_squeeze %dma_start3A_39 : memref<1x16x1024xf32, #tpu.memory_space<vmem>> -> memref<16x1024xf32, #tpu.memory_space<vmem>>
    %dma_start3A_41 = arith.constant 0 : i32
    %dma_start3A_42 = tpu.memref_slice %arg2[%dma_start3A_25, %add3A_24, %dma_start3A_41] : memref<4x2048x1024xf32, #tpu.memory_space<hbm>> -> memref<1x16x1024xf32, #tpu.memory_space<hbm>>
    %dma_start3A_43 = tpu.memref_squeeze %dma_start3A_42 : memref<1x16x1024xf32, #tpu.memory_space<hbm>> -> memref<16x1024xf32, #tpu.memory_space<hbm>>
    tpu.enqueue_dma source(%dma_start3A_43 : memref<16x1024xf32, #tpu.memory_space<hbm>>) target(%dma_start3A_40 : memref<16x1024xf32, #tpu.memory_space<vmem>>) target_semaphore(%dma_start3A_36 : memref<!tpu.dma_semaphore, #tpu.memory_space<semaphore_mem>>)
    %dma_wait3A = arith.constant 0 : i32
    %dma_wait3A_44 = arith.constant 0 : i32
    %dma_wait3A_45 = arith.constant 0 : i32
    %dma_wait3A_46 = arith.constant 0 : i32
    %dma_wait3A_47 = arith.constant 0 : i32
    %dma_wait3A_48 = tpu.memref_slice %arg6[%dma_wait3A_44, %dma_wait3A_46, %dma_wait3A_47] : memref<2x16x1024xf32, #tpu.memory_space<vmem>> -> memref<1x16x1024xf32, #tpu.memory_space<vmem>>
    %dma_wait3A_49 = tpu.memref_squeeze %dma_wait3A_48 : memref<1x16x1024xf32, #tpu.memory_space<vmem>> -> memref<16x1024xf32, #tpu.memory_space<vmem>>
    %dma_wait3A_50 = arith.constant 0 : i32
    %dma_wait3A_51 = tpu.memref_slice %arg2[%dma_wait3A, %add3A_4, %dma_wait3A_50] : memref<4x2048x1024xf32, #tpu.memory_space<hbm>> -> memref<1x16x1024xf32, #tpu.memory_space<hbm>>
    %dma_wait3A_52 = tpu.memref_squeeze %dma_wait3A_51 : memref<1x16x1024xf32, #tpu.memory_space<hbm>> -> memref<16x1024xf32, #tpu.memory_space<hbm>>
    %dma_wait3A_53 = tpu.memref_slice %arg7[%dma_wait3A_45] : memref<2x!tpu.dma_semaphore, #tpu.memory_space<semaphore_mem>> -> memref<1x!tpu.dma_semaphore, #tpu.memory_space<semaphore_mem>>
    %dma_wait3A_54 = tpu.memref_squeeze %dma_wait3A_53 : memref<1x!tpu.dma_semaphore, #tpu.memory_space<semaphore_mem>> -> memref<!tpu.dma_semaphore, #tpu.memory_space<semaphore_mem>>
    %dma_wait3A_55 = arith.constant 0 : i32
    %dma_wait3A_56 = arith.constant 0 : i32
    %dma_wait3A_57 = tpu.memref_slice %arg6[%dma_wait3A_44, %dma_wait3A_55, %dma_wait3A_56] : memref<2x16x1024xf32, #tpu.memory_space<vmem>> -> memref<1x16x1024xf32, #tpu.memory_space<vmem>>
    %dma_wait3A_58 = tpu.memref_squeeze %dma_wait3A_57 : memref<1x16x1024xf32, #tpu.memory_space<vmem>> -> memref<16x1024xf32, #tpu.memory_space<vmem>>
    %dma_wait3A_59 = arith.constant 0 : i32
    %dma_wait3A_60 = tpu.memref_slice %arg2[%dma_wait3A, %add3A_4, %dma_wait3A_59] : memref<4x2048x1024xf32, #tpu.memory_space<hbm>> -> memref<1x16x1024xf32, #tpu.memory_space<hbm>>
    %dma_wait3A_61 = tpu.memref_squeeze %dma_wait3A_60 : memref<1x16x1024xf32, #tpu.memory_space<hbm>> -> memref<16x1024xf32, #tpu.memory_space<hbm>>
    tpu.wait_dma2 semaphore(%dma_wait3A_54 : memref<!tpu.dma_semaphore, #tpu.memory_space<semaphore_mem>>) src(%dma_wait3A_61 : memref<16x1024xf32, #tpu.memory_space<hbm>>) dst(%dma_wait3A_58 : memref<16x1024xf32, #tpu.memory_space<vmem>>)
    %scan3A = arith.constant 0 : i32
    %scan3A_62 = arith.constant 0 : i32
    %scan3A_63 = arith.constant 0 : i32
    %scan3A_64 = arith.constant 16 : i32
    %scan3A_65 = arith.addi %scan3A_63, %scan3A_64 : i32
    %scan3A_66 = arith.constant 1 : i32
    %scan3A_67 = scf.for %scan3A_1408 = %scan3A_63 to %scan3A_65 step %scan3A_66 iter_args(%scan3A_1409 = %scan3A_62) -> (i32)  : i32 {
      %add3A_1410 = arith.constant 0 : i32
      %add3A_1411 = arith.addi %add3A_1410, %scan3A_1408 : i32
      %parallel_loop3A = arith.constant 0 : i32
      %parallel_loop3A_1412 = arith.constant 1024 : i32
      %parallel_loop3A_1413 = arith.constant 16 : i32
      scf.for %parallel_loop3A_1415 = %parallel_loop3A to %parallel_loop3A_1412 step %parallel_loop3A_1413  : i32 {
        %parallel_loop3A_1416 = arith.constant 0 : i32
        %parallel_loop3A_1417 = arith.constant 0 : i32
        %parallel_loop3A_1418 = tpu.memref_slice %arg6[%scan3A, %parallel_loop3A_1416, %parallel_loop3A_1417] : memref<2x16x1024xf32, #tpu.memory_space<vmem>> -> memref<1x16x1024xf32, #tpu.memory_space<vmem>>
        %parallel_loop3A_1419 = tpu.memref_squeeze %parallel_loop3A_1418 : memref<1x16x1024xf32, #tpu.memory_space<vmem>> -> memref<16x1024xf32, #tpu.memory_space<vmem>>
        %parallel_loop3A_1420 = arith.index_cast %scan3A_1408 : i32 to index
        %parallel_loop3A_1421 = arith.index_cast %parallel_loop3A_1415 : i32 to index
        %parallel_loop3A_1422 = tpu.vector_load %parallel_loop3A_1419[%parallel_loop3A_1420, %parallel_loop3A_1421] {strides = array<i32>} : memref<16x1024xf32, #tpu.memory_space<vmem>>, vector<1x16xf32>,
        %parallel_loop3A_1423 = vector.shape_cast %parallel_loop3A_1422 : vector<1x16xf32> to vector<16xf32>
        %parallel_loop3A_1424 = arith.index_cast %add3A_1411 : i32 to index
        %parallel_loop3A_1425 = arith.index_cast %parallel_loop3A_1415 : i32 to index
        %parallel_loop3A_1426 = tpu.vector_load %arg5[%parallel_loop3A_1424, %parallel_loop3A_1425] {strides = array<i32>} : memref<64x1024xf32, #tpu.memory_space<vmem>>, vector<1x16xf32>,
        %parallel_loop3A_1427 = vector.shape_cast %parallel_loop3A_1426 : vector<1x16xf32> to vector<16xf32>
        %parallel_loop3A_1428 = arith.addf %parallel_loop3A_1423, %parallel_loop3A_1427 : vector<16xf32>
        %parallel_loop3A_1429 = arith.constant 0 : i32
        %parallel_loop3A_1430 = arith.constant 0 : i32
        %parallel_loop3A_1431 = tpu.memref_slice %arg6[%scan3A, %parallel_loop3A_1429, %parallel_loop3A_1430] : memref<2x16x1024xf32, #tpu.memory_space<vmem>> -> memref<1x16x1024xf32, #tpu.memory_space<vmem>>
        %parallel_loop3A_1432 = tpu.memref_squeeze %parallel_loop3A_1431 : memref<1x16x1024xf32, #tpu.memory_space<vmem>> -> memref<16x1024xf32, #tpu.memory_space<vmem>>
        %parallel_loop3A_1433 = arith.index_cast %scan3A_1408 : i32 to index
        %parallel_loop3A_1434 = arith.index_cast %parallel_loop3A_1415 : i32 to index
        %parallel_loop3A_1435 = tpu.vector_load %parallel_loop3A_1432[%parallel_loop3A_1433, %parallel_loop3A_1434] {strides = array<i32>} : memref<16x1024xf32, #tpu.memory_space<vmem>>, vector<1x16xf32>,
        %parallel_loop3A_1436 = vector.shape_cast %parallel_loop3A_1435 : vector<1x16xf32> to vector<16xf32>
        %parallel_loop3A_1437 = vector.shape_cast %parallel_loop3A_1428 : vector<16xf32> to vector<1x16xf32>
        tpu.vector_store %parallel_loop3A_1432[%parallel_loop3A_1433, %parallel_loop3A_1434], %parallel_loop3A_1437 {strides = array<i32>} : memref<16x1024xf32, #tpu.memory_space<vmem>>, vector<1x16xf32>,
      } {sc.loop_unroll_factor = 8 : i64, sc.parallel_access}
      %scan3A_1414 = arith.constant 0 : i32
      scf.yield %scan3A_1414 : i32
    }
    %scan3A_68 = arith.constant 16 : i32
    %add3A_69 = arith.constant 0 : i32
    %add3A_70 = arith.addi %mul3A_2, %add3A_69 : i32
    %dma_start3A_71 = arith.constant 0 : i32
    %dma_start3A_72 = arith.constant 0 : i32
    %dma_start3A_73 = arith.constant 0 : i32
    %dma_start3A_74 = arith.constant 0 : i32
    %dma_start3A_75 = arith.constant 0 : i32
    %dma_start3A_76 = tpu.memref_slice %arg6[%dma_start3A_71, %dma_start3A_74, %dma_start3A_75] : memref<2x16x1024xf32, #tpu.memory_space<vmem>> -> memref<1x16x1024xf32, #tpu.memory_space<vmem>>
    %dma_start3A_77 = tpu.memref_squeeze %dma_start3A_76 : memref<1x16x1024xf32, #tpu.memory_space<vmem>> -> memref<16x1024xf32, #tpu.memory_space<vmem>>
    %dma_start3A_78 = arith.constant 0 : i32
    %dma_start3A_79 = tpu.memref_slice %arg4[%dma_start3A_72, %add3A_70, %dma_start3A_78] : memref<4x2048x1024xf32, #tpu.memory_space<hbm>> -> memref<1x16x1024xf32, #tpu.memory_space<hbm>>
    %dma_start3A_80 = tpu.memref_squeeze %dma_start3A_79 : memref<1x16x1024xf32, #tpu.memory_space<hbm>> -> memref<16x1024xf32, #tpu.memory_space<hbm>>
    %dma_start3A_81 = tpu.memref_slice %arg8[%dma_start3A_73] : memref<2x!tpu.dma_semaphore, #tpu.memory_space<semaphore_mem>> -> memref<1x!tpu.dma_semaphore, #tpu.memory_space<semaphore_mem>>
    %dma_start3A_82 = tpu.memref_squeeze %dma_start3A_81 : memref<1x!tpu.dma_semaphore, #tpu.memory_space<semaphore_mem>> -> memref<!tpu.dma_semaphore, #tpu.memory_space<semaphore_mem>>
    %dma_start3A_83 = arith.constant 0 : i32
    %dma_start3A_84 = tpu.memref_slice %arg4[%dma_start3A_72, %add3A_70, %dma_start3A_83] : memref<4x2048x1024xf32, #tpu.memory_space<hbm>> -> memref<1x16x1024xf32, #tpu.memory_space<hbm>>
    %dma_start3A_85 = tpu.memref_squeeze %dma_start3A_84 : memref<1x16x1024xf32, #tpu.memory_space<hbm>> -> memref<16x1024xf32, #tpu.memory_space<hbm>>
    %dma_start3A_86 = arith.constant 0 : i32
    %dma_start3A_87 = arith.constant 0 : i32
    %dma_start3A_88 = tpu.memref_slice %arg6[%dma_start3A_71, %dma_start3A_86, %dma_start3A_87] : memref<2x16x1024xf32, #tpu.memory_space<vmem>> -> memref<1x16x1024xf32, #tpu.memory_space<vmem>>
    %dma_start3A_89 = tpu.memref_squeeze %dma_start3A_88 : memref<1x16x1024xf32, #tpu.memory_space<vmem>> -> memref<16x1024xf32, #tpu.memory_space<vmem>>
    tpu.enqueue_dma source(%dma_start3A_89 : memref<16x1024xf32, #tpu.memory_space<vmem>>) target(%dma_start3A_85 : memref<16x1024xf32, #tpu.memory_space<hbm>>) target_semaphore(%dma_start3A_82 : memref<!tpu.dma_semaphore, #tpu.memory_space<semaphore_mem>>)
    %dma_wait3A_90 = arith.constant 0 : i32
    %dma_wait3A_91 = arith.constant 0 : i32
    %dma_wait3A_92 = arith.constant 0 : i32
    %dma_wait3A_93 = arith.constant 0 : i32
    %dma_wait3A_94 = arith.constant 0 : i32
    %dma_wait3A_95 = tpu.memref_slice %arg6[%dma_wait3A_90, %dma_wait3A_93, %dma_wait3A_94] : memref<2x16x1024xf32, #tpu.memory_space<vmem>> -> memref<1x16x1024xf32, #tpu.memory_space<vmem>>
    %dma_wait3A_96 = tpu.memref_squeeze %dma_wait3A_95 : memref<1x16x1024xf32, #tpu.memory_space<vmem>> -> memref<16x1024xf32, #tpu.memory_space<vmem>>
    %dma_wait3A_97 = arith.constant 0 : i32
    %dma_wait3A_98 = tpu.memref_slice %arg4[%dma_wait3A_91, %add3A_70, %dma_wait3A_97] : memref<4x2048x1024xf32, #tpu.memory_space<hbm>> -> memref<1x16x1024xf32, #tpu.memory_space<hbm>>
    %dma_wait3A_99 = tpu.memref_squeeze %dma_wait3A_98 : memref<1x16x1024xf32, #tpu.memory_space<hbm>> -> memref<16x1024xf32, #tpu.memory_space<hbm>>
    %dma_wait3A_100 = tpu.memref_slice %arg8[%dma_wait3A_92] : memref<2x!tpu.dma_semaphore, #tpu.memory_space<semaphore_mem>> -> memref<1x!tpu.dma_semaphore, #tpu.memory_space<semaphore_mem>>
    %dma_wait3A_101 = tpu.memref_squeeze %dma_wait3A_100 : memref<1x!tpu.dma_semaphore, #tpu.memory_space<semaphore_mem>> -> memref<!tpu.dma_semaphore, #tpu.memory_space<semaphore_mem>>
    %dma_wait3A_102 = arith.constant 0 : i32
    %dma_wait3A_103 = tpu.memref_slice %arg4[%dma_wait3A_91, %add3A_70, %dma_wait3A_102] : memref<4x2048x1024xf32, #tpu.memory_space<hbm>> -> memref<1x16x1024xf32, #tpu.memory_space<hbm>>
    %dma_wait3A_104 = tpu.memref_squeeze %dma_wait3A_103 : memref<1x16x1024xf32, #tpu.memory_space<hbm>> -> memref<16x1024xf32, #tpu.memory_space<hbm>>
    %dma_wait3A_105 = arith.constant 0 : i32
    %dma_wait3A_106 = arith.constant 0 : i32
    %dma_wait3A_107 = tpu.memref_slice %arg6[%dma_wait3A_90, %dma_wait3A_105, %dma_wait3A_106] : memref<2x16x1024xf32, #tpu.memory_space<vmem>> -> memref<1x16x1024xf32, #tpu.memory_space<vmem>>
    %dma_wait3A_108 = tpu.memref_squeeze %dma_wait3A_107 : memref<1x16x1024xf32, #tpu.memory_space<vmem>> -> memref<16x1024xf32, #tpu.memory_space<vmem>>
    tpu.wait_dma2 semaphore(%dma_wait3A_101 : memref<!tpu.dma_semaphore, #tpu.memory_space<semaphore_mem>>) src(%dma_wait3A_108 : memref<16x1024xf32, #tpu.memory_space<vmem>>) dst(%dma_wait3A_104 : memref<16x1024xf32, #tpu.memory_space<hbm>>)
    %add3A_109 = arith.constant 32 : i32
    %add3A_110 = arith.addi %mul3A_2, %add3A_109 : i32
    %dma_start3A_111 = arith.constant 0 : i32
    %dma_start3A_112 = arith.constant 0 : i32
    %dma_start3A_113 = arith.constant 0 : i32
    %dma_start3A_114 = arith.constant 0 : i32
    %dma_start3A_115 = arith.constant 0 : i32
    %dma_start3A_116 = tpu.memref_slice %arg6[%dma_start3A_112, %dma_start3A_114, %dma_start3A_115] : memref<2x16x1024xf32, #tpu.memory_space<vmem>> -> memref<1x16x1024xf32, #tpu.memory_space<vmem>>
    %dma_start3A_117 = tpu.memref_squeeze %dma_start3A_116 : memref<1x16x1024xf32, #tpu.memory_space<vmem>> -> memref<16x1024xf32, #tpu.memory_space<vmem>>
    %dma_start3A_118 = arith.constant 0 : i32
    %dma_start3A_119 = tpu.memref_slice %arg2[%dma_start3A_111, %add3A_110, %dma_start3A_118] : memref<4x2048x1024xf32, #tpu.memory_space<hbm>> -> memref<1x16x1024xf32, #tpu.memory_space<hbm>>
    %dma_start3A_120 = tpu.memref_squeeze %dma_start3A_119 : memref<1x16x1024xf32, #tpu.memory_space<hbm>> -> memref<16x1024xf32, #tpu.memory_space<hbm>>
    %dma_start3A_121 = tpu.memref_slice %arg7[%dma_start3A_113] : memref<2x!tpu.dma_semaphore, #tpu.memory_space<semaphore_mem>> -> memref<1x!tpu.dma_semaphore, #tpu.memory_space<semaphore_mem>>
    %dma_start3A_122 = tpu.memref_squeeze %dma_start3A_121 : memref<1x!tpu.dma_semaphore, #tpu.memory_space<semaphore_mem>> -> memref<!tpu.dma_semaphore, #tpu.memory_space<semaphore_mem>>
    %dma_start3A_123 = arith.constant 0 : i32
    %dma_start3A_124 = arith.constant 0 : i32
    %dma_start3A_125 = tpu.memref_slice %arg6[%dma_start3A_112, %dma_start3A_123, %dma_start3A_124] : memref<2x16x1024xf32, #tpu.memory_space<vmem>> -> memref<1x16x1024xf32, #tpu.memory_space<vmem>>
    %dma_start3A_126 = tpu.memref_squeeze %dma_start3A_125 : memref<1x16x1024xf32, #tpu.memory_space<vmem>> -> memref<16x1024xf32, #tpu.memory_space<vmem>>
    %dma_start3A_127 = arith.constant 0 : i32
    %dma_start3A_128 = tpu.memref_slice %arg2[%dma_start3A_111, %add3A_110, %dma_start3A_127] : memref<4x2048x1024xf32, #tpu.memory_space<hbm>> -> memref<1x16x1024xf32, #tpu.memory_space<hbm>>
    %dma_start3A_129 = tpu.memref_squeeze %dma_start3A_128 : memref<1x16x1024xf32, #tpu.memory_space<hbm>> -> memref<16x1024xf32, #tpu.memory_space<hbm>>
    tpu.enqueue_dma source(%dma_start3A_129 : memref<16x1024xf32, #tpu.memory_space<hbm>>) target(%dma_start3A_126 : memref<16x1024xf32, #tpu.memory_space<vmem>>) target_semaphore(%dma_start3A_122 : memref<!tpu.dma_semaphore, #tpu.memory_space<semaphore_mem>>)
    %dma_wait3A_130 = arith.constant 0 : i32
    %dma_wait3A_131 = arith.constant 1 : i32
    %dma_wait3A_132 = arith.constant 1 : i32
    %dma_wait3A_133 = arith.constant 0 : i32
    %dma_wait3A_134 = arith.constant 0 : i32
    %dma_wait3A_135 = tpu.memref_slice %arg6[%dma_wait3A_131, %dma_wait3A_133, %dma_wait3A_134] : memref<2x16x1024xf32, #tpu.memory_space<vmem>> -> memref<1x16x1024xf32, #tpu.memory_space<vmem>>
    %dma_wait3A_136 = tpu.memref_squeeze %dma_wait3A_135 : memref<1x16x1024xf32, #tpu.memory_space<vmem>> -> memref<16x1024xf32, #tpu.memory_space<vmem>>
    %dma_wait3A_137 = arith.constant 0 : i32
    %dma_wait3A_138 = tpu.memref_slice %arg2[%dma_wait3A_130, %add3A_24, %dma_wait3A_137] : memref<4x2048x1024xf32, #tpu.memory_space<hbm>> -> memref<1x16x1024xf32, #tpu.memory_space<hbm>>
    %dma_wait3A_139 = tpu.memref_squeeze %dma_wait3A_138 : memref<1x16x1024xf32, #tpu.memory_space<hbm>> -> memref<16x1024xf32, #tpu.memory_space<hbm>>
    %dma_wait3A_140 = tpu.memref_slice %arg7[%dma_wait3A_132] : memref<2x!tpu.dma_semaphore, #tpu.memory_space<semaphore_mem>> -> memref<1x!tpu.dma_semaphore, #tpu.memory_space<semaphore_mem>>
    %dma_wait3A_141 = tpu.memref_squeeze %dma_wait3A_140 : memref<1x!tpu.dma_semaphore, #tpu.memory_space<semaphore_mem>> -> memref<!tpu.dma_semaphore, #tpu.memory_space<semaphore_mem>>
    %dma_wait3A_142 = arith.constant 0 : i32
    %dma_wait3A_143 = arith.constant 0 : i32
    %dma_wait3A_144 = tpu.memref_slice %arg6[%dma_wait3A_131, %dma_wait3A_142, %dma_wait3A_143] : memref<2x16x1024xf32, #tpu.memory_space<vmem>> -> memref<1x16x1024xf32, #tpu.memory_space<vmem>>
    %dma_wait3A_145 = tpu.memref_squeeze %dma_wait3A_144 : memref<1x16x1024xf32, #tpu.memory_space<vmem>> -> memref<16x1024xf32, #tpu.memory_space<vmem>>
    %dma_wait3A_146 = arith.constant 0 : i32
    %dma_wait3A_147 = tpu.memref_slice %arg2[%dma_wait3A_130, %add3A_24, %dma_wait3A_146] : memref<4x2048x1024xf32, #tpu.memory_space<hbm>> -> memref<1x16x1024xf32, #tpu.memory_space<hbm>>
    %dma_wait3A_148 = tpu.memref_squeeze %dma_wait3A_147 : memref<1x16x1024xf32, #tpu.memory_space<hbm>> -> memref<16x1024xf32, #tpu.memory_space<hbm>>
    tpu.wait_dma2 semaphore(%dma_wait3A_141 : memref<!tpu.dma_semaphore, #tpu.memory_space<semaphore_mem>>) src(%dma_wait3A_148 : memref<16x1024xf32, #tpu.memory_space<hbm>>) dst(%dma_wait3A_145 : memref<16x1024xf32, #tpu.memory_space<vmem>>)
    %scan3A_149 = arith.constant 1 : i32
    %scan3A_150 = arith.constant 0 : i32
    %scan3A_151 = arith.constant 0 : i32
    %scan3A_152 = arith.constant 16 : i32
    %scan3A_153 = arith.addi %scan3A_151, %scan3A_152 : i32
    %scan3A_154 = arith.constant 1 : i32
    %scan3A_155 = scf.for %scan3A_1408 = %scan3A_151 to %scan3A_153 step %scan3A_154 iter_args(%scan3A_1409 = %scan3A_150) -> (i32)  : i32 {
      %add3A_1410 = arith.constant 16 : i32
      %add3A_1411 = arith.addi %add3A_1410, %scan3A_1408 : i32
      %parallel_loop3A = arith.constant 0 : i32
      %parallel_loop3A_1412 = arith.constant 1024 : i32
      %parallel_loop3A_1413 = arith.constant 16 : i32
      scf.for %parallel_loop3A_1415 = %parallel_loop3A to %parallel_loop3A_1412 step %parallel_loop3A_1413  : i32 {
        %parallel_loop3A_1416 = arith.constant 0 : i32
        %parallel_loop3A_1417 = arith.constant 0 : i32
        %parallel_loop3A_1418 = tpu.memref_slice %arg6[%scan3A_149, %parallel_loop3A_1416, %parallel_loop3A_1417] : memref<2x16x1024xf32, #tpu.memory_space<vmem>> -> memref<1x16x1024xf32, #tpu.memory_space<vmem>>
        %parallel_loop3A_1419 = tpu.memref_squeeze %parallel_loop3A_1418 : memref<1x16x1024xf32, #tpu.memory_space<vmem>> -> memref<16x1024xf32, #tpu.memory_space<vmem>>
        %parallel_loop3A_1420 = arith.index_cast %scan3A_1408 : i32 to index
        %parallel_loop3A_1421 = arith.index_cast %parallel_loop3A_1415 : i32 to index
        %parallel_loop3A_1422 = tpu.vector_load %parallel_loop3A_1419[%parallel_loop3A_1420, %parallel_loop3A_1421] {strides = array<i32>} : memref<16x1024xf32, #tpu.memory_space<vmem>>, vector<1x16xf32>,
        %parallel_loop3A_1423 = vector.shape_cast %parallel_loop3A_1422 : vector<1x16xf32> to vector<16xf32>
        %parallel_loop3A_1424 = arith.index_cast %add3A_1411 : i32 to index
        %parallel_loop3A_1425 = arith.index_cast %parallel_loop3A_1415 : i32 to index
        %parallel_loop3A_1426 = tpu.vector_load %arg5[%parallel_loop3A_1424, %parallel_loop3A_1425] {strides = array<i32>} : memref<64x1024xf32, #tpu.memory_space<vmem>>, vector<1x16xf32>,
        %parallel_loop3A_1427 = vector.shape_cast %parallel_loop3A_1426 : vector<1x16xf32> to vector<16xf32>
        %parallel_loop3A_1428 = arith.addf %parallel_loop3A_1423, %parallel_loop3A_1427 : vector<16xf32>
        %parallel_loop3A_1429 = arith.constant 0 : i32
        %parallel_loop3A_1430 = arith.constant 0 : i32
        %parallel_loop3A_1431 = tpu.memref_slice %arg6[%scan3A_149, %parallel_loop3A_1429, %parallel_loop3A_1430] : memref<2x16x1024xf32, #tpu.memory_space<vmem>> -> memref<1x16x1024xf32, #tpu.memory_space<vmem>>
        %parallel_loop3A_1432 = tpu.memref_squeeze %parallel_loop3A_1431 : memref<1x16x1024xf32, #tpu.memory_space<vmem>> -> memref<16x1024xf32, #tpu.memory_space<vmem>>
        %parallel_loop3A_1433 = arith.index_cast %scan3A_1408 : i32 to index
        %parallel_loop3A_1434 = arith.index_cast %parallel_loop3A_1415 : i32 to index
        %parallel_loop3A_1435 = tpu.vector_load %parallel_loop3A_1432[%parallel_loop3A_1433, %parallel_loop3A_1434] {strides = array<i32>} : memref<16x1024xf32, #tpu.memory_space<vmem>>, vector<1x16xf32>,
        %parallel_loop3A_1436 = vector.shape_cast %parallel_loop3A_1435 : vector<1x16xf32> to vector<16xf32>
        %parallel_loop3A_1437 = vector.shape_cast %parallel_loop3A_1428 : vector<16xf32> to vector<1x16xf32>
        tpu.vector_store %parallel_loop3A_1432[%parallel_loop3A_1433, %parallel_loop3A_1434], %parallel_loop3A_1437 {strides = array<i32>} : memref<16x1024xf32, #tpu.memory_space<vmem>>, vector<1x16xf32>,
      } {sc.loop_unroll_factor = 8 : i64, sc.parallel_access}
      %scan3A_1414 = arith.constant 0 : i32
      scf.yield %scan3A_1414 : i32
    }
    %scan3A_156 = arith.constant 16 : i32
    %add3A_157 = arith.constant 16 : i32
    %add3A_158 = arith.addi %mul3A_2, %add3A_157 : i32
    %dma_start3A_159 = arith.constant 1 : i32
    %dma_start3A_160 = arith.constant 0 : i32
    %dma_start3A_161 = arith.constant 1 : i32
    %dma_start3A_162 = arith.constant 0 : i32
    %dma_start3A_163 = arith.constant 0 : i32
    %dma_start3A_164 = tpu.memref_slice %arg6[%dma_start3A_159, %dma_start3A_162, %dma_start3A_163] : memref<2x16x1024xf32, #tpu.memory_space<vmem>> -> memref<1x16x1024xf32, #tpu.memory_space<vmem>>
    %dma_start3A_165 = tpu.memref_squeeze %dma_start3A_164 : memref<1x16x1024xf32, #tpu.memory_space<vmem>> -> memref<16x1024xf32, #tpu.memory_space<vmem>>
    %dma_start3A_166 = arith.constant 0 : i32
    %dma_start3A_167 = tpu.memref_slice %arg4[%dma_start3A_160, %add3A_158, %dma_start3A_166] : memref<4x2048x1024xf32, #tpu.memory_space<hbm>> -> memref<1x16x1024xf32, #tpu.memory_space<hbm>>
    %dma_start3A_168 = tpu.memref_squeeze %dma_start3A_167 : memref<1x16x1024xf32, #tpu.memory_space<hbm>> -> memref<16x1024xf32, #tpu.memory_space<hbm>>
    %dma_start3A_169 = tpu.memref_slice %arg8[%dma_start3A_161] : memref<2x!tpu.dma_semaphore, #tpu.memory_space<semaphore_mem>> -> memref<1x!tpu.dma_semaphore, #tpu.memory_space<semaphore_mem>>
    %dma_start3A_170 = tpu.memref_squeeze %dma_start3A_169 : memref<1x!tpu.dma_semaphore, #tpu.memory_space<semaphore_mem>> -> memref<!tpu.dma_semaphore, #tpu.memory_space<semaphore_mem>>
    %dma_start3A_171 = arith.constant 0 : i32
    %dma_start3A_172 = tpu.memref_slice %arg4[%dma_start3A_160, %add3A_158, %dma_start3A_171] : memref<4x2048x1024xf32, #tpu.memory_space<hbm>> -> memref<1x16x1024xf32, #tpu.memory_space<hbm>>
    %dma_start3A_173 = tpu.memref_squeeze %dma_start3A_172 : memref<1x16x1024xf32, #tpu.memory_space<hbm>> -> memref<16x1024xf32, #tpu.memory_space<hbm>>
    %dma_start3A_174 = arith.constant 0 : i32
    %dma_start3A_175 = arith.constant 0 : i32
    %dma_start3A_176 = tpu.memref_slice %arg6[%dma_start3A_159, %dma_start3A_174, %dma_start3A_175] : memref<2x16x1024xf32, #tpu.memory_space<vmem>> -> memref<1x16x1024xf32, #tpu.memory_space<vmem>>
    %dma_start3A_177 = tpu.memref_squeeze %dma_start3A_176 : memref<1x16x1024xf32, #tpu.memory_space<vmem>> -> memref<16x1024xf32, #tpu.memory_space<vmem>>
    tpu.enqueue_dma source(%dma_start3A_177 : memref<16x1024xf32, #tpu.memory_space<vmem>>) target(%dma_start3A_173 : memref<16x1024xf32, #tpu.memory_space<hbm>>) target_semaphore(%dma_start3A_170 : memref<!tpu.dma_semaphore, #tpu.memory_space<semaphore_mem>>)
    %dma_wait3A_178 = arith.constant 1 : i32
    %dma_wait3A_179 = arith.constant 0 : i32
    %dma_wait3A_180 = arith.constant 1 : i32
    %dma_wait3A_181 = arith.constant 0 : i32
    %dma_wait3A_182 = arith.constant 0 : i32
    %dma_wait3A_183 = tpu.memref_slice %arg6[%dma_wait3A_178, %dma_wait3A_181, %dma_wait3A_182] : memref<2x16x1024xf32, #tpu.memory_space<vmem>> -> memref<1x16x1024xf32, #tpu.memory_space<vmem>>
    %dma_wait3A_184 = tpu.memref_squeeze %dma_wait3A_183 : memref<1x16x1024xf32, #tpu.memory_space<vmem>> -> memref<16x1024xf32, #tpu.memory_space<vmem>>
    %dma_wait3A_185 = arith.constant 0 : i32
    %dma_wait3A_186 = tpu.memref_slice %arg4[%dma_wait3A_179, %add3A_158, %dma_wait3A_185] : memref<4x2048x1024xf32, #tpu.memory_space<hbm>> -> memref<1x16x1024xf32, #tpu.memory_space<hbm>>
    %dma_wait3A_187 = tpu.memref_squeeze %dma_wait3A_186 : memref<1x16x1024xf32, #tpu.memory_space<hbm>> -> memref<16x1024xf32, #tpu.memory_space<hbm>>
    %dma_wait3A_188 = tpu.memref_slice %arg8[%dma_wait3A_180] : memref<2x!tpu.dma_semaphore, #tpu.memory_space<semaphore_mem>> -> memref<1x!tpu.dma_semaphore, #tpu.memory_space<semaphore_mem>>
    %dma_wait3A_189 = tpu.memref_squeeze %dma_wait3A_188 : memref<1x!tpu.dma_semaphore, #tpu.memory_space<semaphore_mem>> -> memref<!tpu.dma_semaphore, #tpu.memory_space<semaphore_mem>>
    %dma_wait3A_190 = arith.constant 0 : i32
    %dma_wait3A_191 = tpu.memref_slice %arg4[%dma_wait3A_179, %add3A_158, %dma_wait3A_190] : memref<4x2048x1024xf32, #tpu.memory_space<hbm>> -> memref<1x16x1024xf32, #tpu.memory_space<hbm>>
    %dma_wait3A_192 = tpu.memref_squeeze %dma_wait3A_191 : memref<1x16x1024xf32, #tpu.memory_space<hbm>> -> memref<16x1024xf32, #tpu.memory_space<hbm>>
    %dma_wait3A_193 = arith.constant 0 : i32
    %dma_wait3A_194 = arith.constant 0 : i32
    %dma_wait3A_195 = tpu.memref_slice %arg6[%dma_wait3A_178, %dma_wait3A_193, %dma_wait3A_194] : memref<2x16x1024xf32, #tpu.memory_space<vmem>> -> memref<1x16x1024xf32, #tpu.memory_space<vmem>>
    %dma_wait3A_196 = tpu.memref_squeeze %dma_wait3A_195 : memref<1x16x1024xf32, #tpu.memory_space<vmem>> -> memref<16x1024xf32, #tpu.memory_space<vmem>>
    tpu.wait_dma2 semaphore(%dma_wait3A_189 : memref<!tpu.dma_semaphore, #tpu.memory_space<semaphore_mem>>) src(%dma_wait3A_196 : memref<16x1024xf32, #tpu.memory_space<vmem>>) dst(%dma_wait3A_192 : memref<16x1024xf32, #tpu.memory_space<hbm>>)
    %add3A_197 = arith.constant 48 : i32
    %add3A_198 = arith.addi %mul3A_2, %add3A_197 : i32
    %dma_start3A_199 = arith.constant 0 : i32
    %dma_start3A_200 = arith.constant 1 : i32
    %dma_start3A_201 = arith.constant 1 : i32
    %dma_start3A_202 = arith.constant 0 : i32
    %dma_start3A_203 = arith.constant 0 : i32
    %dma_start3A_204 = tpu.memref_slice %arg6[%dma_start3A_200, %dma_start3A_202, %dma_start3A_203] : memref<2x16x1024xf32, #tpu.memory_space<vmem>> -> memref<1x16x1024xf32, #tpu.memory_space<vmem>>
    %dma_start3A_205 = tpu.memref_squeeze %dma_start3A_204 : memref<1x16x1024xf32, #tpu.memory_space<vmem>> -> memref<16x1024xf32, #tpu.memory_space<vmem>>
    %dma_start3A_206 = arith.constant 0 : i32
    %dma_start3A_207 = tpu.memref_slice %arg2[%dma_start3A_199, %add3A_198, %dma_start3A_206] : memref<4x2048x1024xf32, #tpu.memory_space<hbm>> -> memref<1x16x1024xf32, #tpu.memory_space<hbm>>
    %dma_start3A_208 = tpu.memref_squeeze %dma_start3A_207 : memref<1x16x1024xf32, #tpu.memory_space<hbm>> -> memref<16x1024xf32, #tpu.memory_space<hbm>>
    %dma_start3A_209 = tpu.memref_slice %arg7[%dma_start3A_201] : memref<2x!tpu.dma_semaphore, #tpu.memory_space<semaphore_mem>> -> memref<1x!tpu.dma_semaphore, #tpu.memory_space<semaphore_mem>>
    %dma_start3A_210 = tpu.memref_squeeze %dma_start3A_209 : memref<1x!tpu.dma_semaphore, #tpu.memory_space<semaphore_mem>> -> memref<!tpu.dma_semaphore, #tpu.memory_space<semaphore_mem>>
    %dma_start3A_211 = arith.constant 0 : i32
    %dma_start3A_212 = arith.constant 0 : i32
    %dma_start3A_213 = tpu.memref_slice %arg6[%dma_start3A_200, %dma_start3A_211, %dma_start3A_212] : memref<2x16x1024xf32, #tpu.memory_space<vmem>> -> memref<1x16x1024xf32, #tpu.memory_space<vmem>>
    %dma_start3A_214 = tpu.memref_squeeze %dma_start3A_213 : memref<1x16x1024xf32, #tpu.memory_space<vmem>> -> memref<16x1024xf32, #tpu.memory_space<vmem>>
    %dma_start3A_215 = arith.constant 0 : i32
    %dma_start3A_216 = tpu.memref_slice %arg2[%dma_start3A_199, %add3A_198, %dma_start3A_215] : memref<4x2048x1024xf32, #tpu.memory_space<hbm>> -> memref<1x16x1024xf32, #tpu.memory_space<hbm>>
    %dma_start3A_217 = tpu.memref_squeeze %dma_start3A_216 : memref<1x16x1024xf32, #tpu.memory_space<hbm>> -> memref<16x1024xf32, #tpu.memory_space<hbm>>
    tpu.enqueue_dma source(%dma_start3A_217 : memref<16x1024xf32, #tpu.memory_space<hbm>>) target(%dma_start3A_214 : memref<16x1024xf32, #tpu.memory_space<vmem>>) target_semaphore(%dma_start3A_210 : memref<!tpu.dma_semaphore, #tpu.memory_space<semaphore_mem>>)
    %dma_wait3A_218 = arith.constant 0 : i32
    %dma_wait3A_219 = arith.constant 0 : i32
    %dma_wait3A_220 = arith.constant 0 : i32
    %dma_wait3A_221 = arith.constant 0 : i32
    %dma_wait3A_222 = arith.constant 0 : i32
    %dma_wait3A_223 = tpu.memref_slice %arg6[%dma_wait3A_219, %dma_wait3A_221, %dma_wait3A_222] : memref<2x16x1024xf32, #tpu.memory_space<vmem>> -> memref<1x16x1024xf32, #tpu.memory_space<vmem>>
    %dma_wait3A_224 = tpu.memref_squeeze %dma_wait3A_223 : memref<1x16x1024xf32, #tpu.memory_space<vmem>> -> memref<16x1024xf32, #tpu.memory_space<vmem>>
    %dma_wait3A_225 = arith.constant 0 : i32
    %dma_wait3A_226 = tpu.memref_slice %arg2[%dma_wait3A_218, %add3A_110, %dma_wait3A_225] : memref<4x2048x1024xf32, #tpu.memory_space<hbm>> -> memref<1x16x1024xf32, #tpu.memory_space<hbm>>
    %dma_wait3A_227 = tpu.memref_squeeze %dma_wait3A_226 : memref<1x16x1024xf32, #tpu.memory_space<hbm>> -> memref<16x1024xf32, #tpu.memory_space<hbm>>
    %dma_wait3A_228 = tpu.memref_slice %arg7[%dma_wait3A_220] : memref<2x!tpu.dma_semaphore, #tpu.memory_space<semaphore_mem>> -> memref<1x!tpu.dma_semaphore, #tpu.memory_space<semaphore_mem>>
    %dma_wait3A_229 = tpu.memref_squeeze %dma_wait3A_228 : memref<1x!tpu.dma_semaphore, #tpu.memory_space<semaphore_mem>> -> memref<!tpu.dma_semaphore, #tpu.memory_space<semaphore_mem>>
    %dma_wait3A_230 = arith.constant 0 : i32
    %dma_wait3A_231 = arith.constant 0 : i32
    %dma_wait3A_232 = tpu.memref_slice %arg6[%dma_wait3A_219, %dma_wait3A_230, %dma_wait3A_231] : memref<2x16x1024xf32, #tpu.memory_space<vmem>> -> memref<1x16x1024xf32, #tpu.memory_space<vmem>>
    %dma_wait3A_233 = tpu.memref_squeeze %dma_wait3A_232 : memref<1x16x1024xf32, #tpu.memory_space<vmem>> -> memref<16x1024xf32, #tpu.memory_space<vmem>>
    %dma_wait3A_234 = arith.constant 0 : i32
    %dma_wait3A_235 = tpu.memref_slice %arg2[%dma_wait3A_218, %add3A_110, %dma_wait3A_234] : memref<4x2048x1024xf32, #tpu.memory_space<hbm>> -> memref<1x16x1024xf32, #tpu.memory_space<hbm>>
    %dma_wait3A_236 = tpu.memref_squeeze %dma_wait3A_235 : memref<1x16x1024xf32, #tpu.memory_space<hbm>> -> memref<16x1024xf32, #tpu.memory_space<hbm>>
    tpu.wait_dma2 semaphore(%dma_wait3A_229 : memref<!tpu.dma_semaphore, #tpu.memory_space<semaphore_mem>>) src(%dma_wait3A_236 : memref<16x1024xf32, #tpu.memory_space<hbm>>) dst(%dma_wait3A_233 : memref<16x1024xf32, #tpu.memory_space<vmem>>)
    %scan3A_237 = arith.constant 0 : i32
    %scan3A_238 = arith.constant 0 : i32
    %scan3A_239 = arith.constant 0 : i32
    %scan3A_240 = arith.constant 16 : i32
    %scan3A_241 = arith.addi %scan3A_239, %scan3A_240 : i32
    %scan3A_242 = arith.constant 1 : i32
    %scan3A_243 = scf.for %scan3A_1408 = %scan3A_239 to %scan3A_241 step %scan3A_242 iter_args(%scan3A_1409 = %scan3A_238) -> (i32)  : i32 {
      %add3A_1410 = arith.constant 32 : i32
      %add3A_1411 = arith.addi %add3A_1410, %scan3A_1408 : i32
      %parallel_loop3A = arith.constant 0 : i32
      %parallel_loop3A_1412 = arith.constant 1024 : i32
      %parallel_loop3A_1413 = arith.constant 16 : i32
      scf.for %parallel_loop3A_1415 = %parallel_loop3A to %parallel_loop3A_1412 step %parallel_loop3A_1413  : i32 {
        %parallel_loop3A_1416 = arith.constant 0 : i32
        %parallel_loop3A_1417 = arith.constant 0 : i32
        %parallel_loop3A_1418 = tpu.memref_slice %arg6[%scan3A_237, %parallel_loop3A_1416, %parallel_loop3A_1417] : memref<2x16x1024xf32, #tpu.memory_space<vmem>> -> memref<1x16x1024xf32, #tpu.memory_space<vmem>>
        %parallel_loop3A_1419 = tpu.memref_squeeze %parallel_loop3A_1418 : memref<1x16x1024xf32, #tpu.memory_space<vmem>> -> memref<16x1024xf32, #tpu.memory_space<vmem>>
        %parallel_loop3A_1420 = arith.index_cast %scan3A_1408 : i32 to index
        %parallel_loop3A_1421 = arith.index_cast %parallel_loop3A_1415 : i32 to index
        %parallel_loop3A_1422 = tpu.vector_load %parallel_loop3A_1419[%parallel_loop3A_1420, %parallel_loop3A_1421] {strides = array<i32>} : memref<16x1024xf32, #tpu.memory_space<vmem>>, vector<1x16xf32>,
        %parallel_loop3A_1423 = vector.shape_cast %parallel_loop3A_1422 : vector<1x16xf32> to vector<16xf32>
        %parallel_loop3A_1424 = arith.index_cast %add3A_1411 : i32 to index
        %parallel_loop3A_1425 = arith.index_cast %parallel_loop3A_1415 : i32 to index
        %parallel_loop3A_1426 = tpu.vector_load %arg5[%parallel_loop3A_1424, %parallel_loop3A_1425] {strides = array<i32>} : memref<64x1024xf32, #tpu.memory_space<vmem>>, vector<1x16xf32>,
        %parallel_loop3A_1427 = vector.shape_cast %parallel_loop3A_1426 : vector<1x16xf32> to vector<16xf32>
        %parallel_loop3A_1428 = arith.addf %parallel_loop3A_1423, %parallel_loop3A_1427 : vector<16xf32>
        %parallel_loop3A_1429 = arith.constant 0 : i32
        %parallel_loop3A_1430 = arith.constant 0 : i32
        %parallel_loop3A_1431 = tpu.memref_slice %arg6[%scan3A_237, %parallel_loop3A_1429, %parallel_loop3A_1430] : memref<2x16x1024xf32, #tpu.memory_space<vmem>> -> memref<1x16x1024xf32, #tpu.memory_space<vmem>>
        %parallel_loop3A_1432 = tpu.memref_squeeze %parallel_loop3A_1431 : memref<1x16x1024xf32, #tpu.memory_space<vmem>> -> memref<16x1024xf32, #tpu.memory_space<vmem>>
        %parallel_loop3A_1433 = arith.index_cast %scan3A_1408 : i32 to index
        %parallel_loop3A_1434 = arith.index_cast %parallel_loop3A_1415 : i32 to index
        %parallel_loop3A_1435 = tpu.vector_load %parallel_loop3A_1432[%parallel_loop3A_1433, %parallel_loop3A_1434] {strides = array<i32>} : memref<16x1024xf32, #tpu.memory_space<vmem>>, vector<1x16xf32>,
        %parallel_loop3A_1436 = vector.shape_cast %parallel_loop3A_1435 : vector<1x16xf32> to vector<16xf32>
        %parallel_loop3A_1437 = vector.shape_cast %parallel_loop3A_1428 : vector<16xf32> to vector<1x16xf32>
        tpu.vector_store %parallel_loop3A_1432[%parallel_loop3A_1433, %parallel_loop3A_1434], %parallel_loop3A_1437 {strides = array<i32>} : memref<16x1024xf32, #tpu.memory_space<vmem>>, vector<1x16xf32>,
      } {sc.loop_unroll_factor = 8 : i64, sc.parallel_access}
      %scan3A_1414 = arith.constant 0 : i32
      scf.yield %scan3A_1414 : i32
    }
    %scan3A_244 = arith.constant 16 : i32
    %add3A_245 = arith.constant 32 : i32
    %add3A_246 = arith.addi %mul3A_2, %add3A_245 : i32
    %dma_start3A_247 = arith.constant 0 : i32
    %dma_start3A_248 = arith.constant 0 : i32
    %dma_start3A_249 = arith.constant 0 : i32
    %dma_start3A_250 = arith.constant 0 : i32
    %dma_start3A_251 = arith.constant 0 : i32
    %dma_start3A_252 = tpu.memref_slice %arg6[%dma_start3A_247, %dma_start3A_250, %dma_start3A_251] : memref<2x16x1024xf32, #tpu.memory_space<vmem>> -> memref<1x16x1024xf32, #tpu.memory_space<vmem>>
    %dma_start3A_253 = tpu.memref_squeeze %dma_start3A_252 : memref<1x16x1024xf32, #tpu.memory_space<vmem>> -> memref<16x1024xf32, #tpu.memory_space<vmem>>
    %dma_start3A_254 = arith.constant 0 : i32
    %dma_start3A_255 = tpu.memref_slice %arg4[%dma_start3A_248, %add3A_246, %dma_start3A_254] : memref<4x2048x1024xf32, #tpu.memory_space<hbm>> -> memref<1x16x1024xf32, #tpu.memory_space<hbm>>
    %dma_start3A_256 = tpu.memref_squeeze %dma_start3A_255 : memref<1x16x1024xf32, #tpu.memory_space<hbm>> -> memref<16x1024xf32, #tpu.memory_space<hbm>>
    %dma_start3A_257 = tpu.memref_slice %arg8[%dma_start3A_249] : memref<2x!tpu.dma_semaphore, #tpu.memory_space<semaphore_mem>> -> memref<1x!tpu.dma_semaphore, #tpu.memory_space<semaphore_mem>>
    %dma_start3A_258 = tpu.memref_squeeze %dma_start3A_257 : memref<1x!tpu.dma_semaphore, #tpu.memory_space<semaphore_mem>> -> memref<!tpu.dma_semaphore, #tpu.memory_space<semaphore_mem>>
    %dma_start3A_259 = arith.constant 0 : i32
    %dma_start3A_260 = tpu.memref_slice %arg4[%dma_start3A_248, %add3A_246, %dma_start3A_259] : memref<4x2048x1024xf32, #tpu.memory_space<hbm>> -> memref<1x16x1024xf32, #tpu.memory_space<hbm>>
    %dma_start3A_261 = tpu.memref_squeeze %dma_start3A_260 : memref<1x16x1024xf32, #tpu.memory_space<hbm>> -> memref<16x1024xf32, #tpu.memory_space<hbm>>
    %dma_start3A_262 = arith.constant 0 : i32
    %dma_start3A_263 = arith.constant 0 : i32
    %dma_start3A_264 = tpu.memref_slice %arg6[%dma_start3A_247, %dma_start3A_262, %dma_start3A_263] : memref<2x16x1024xf32, #tpu.memory_space<vmem>> -> memref<1x16x1024xf32, #tpu.memory_space<vmem>>
    %dma_start3A_265 = tpu.memref_squeeze %dma_start3A_264 : memref<1x16x1024xf32, #tpu.memory_space<vmem>> -> memref<16x1024xf32, #tpu.memory_space<vmem>>
    tpu.enqueue_dma source(%dma_start3A_265 : memref<16x1024xf32, #tpu.memory_space<vmem>>) target(%dma_start3A_261 : memref<16x1024xf32, #tpu.memory_space<hbm>>) target_semaphore(%dma_start3A_258 : memref<!tpu.dma_semaphore, #tpu.memory_space<semaphore_mem>>)
    %dma_wait3A_266 = arith.constant 0 : i32
    %dma_wait3A_267 = arith.constant 0 : i32
    %dma_wait3A_268 = arith.constant 0 : i32
    %dma_wait3A_269 = arith.constant 0 : i32
    %dma_wait3A_270 = arith.constant 0 : i32
    %dma_wait3A_271 = tpu.memref_slice %arg6[%dma_wait3A_266, %dma_wait3A_269, %dma_wait3A_270] : memref<2x16x1024xf32, #tpu.memory_space<vmem>> -> memref<1x16x1024xf32, #tpu.memory_space<vmem>>
    %dma_wait3A_272 = tpu.memref_squeeze %dma_wait3A_271 : memref<1x16x1024xf32, #tpu.memory_space<vmem>> -> memref<16x1024xf32, #tpu.memory_space<vmem>>
    %dma_wait3A_273 = arith.constant 0 : i32
    %dma_wait3A_274 = tpu.memref_slice %arg4[%dma_wait3A_267, %add3A_246, %dma_wait3A_273] : memref<4x2048x1024xf32, #tpu.memory_space<hbm>> -> memref<1x16x1024xf32, #tpu.memory_space<hbm>>
    %dma_wait3A_275 = tpu.memref_squeeze %dma_wait3A_274 : memref<1x16x1024xf32, #tpu.memory_space<hbm>> -> memref<16x1024xf32, #tpu.memory_space<hbm>>
    %dma_wait3A_276 = tpu.memref_slice %arg8[%dma_wait3A_268] : memref<2x!tpu.dma_semaphore, #tpu.memory_space<semaphore_mem>> -> memref<1x!tpu.dma_semaphore, #tpu.memory_space<semaphore_mem>>
    %dma_wait3A_277 = tpu.memref_squeeze %dma_wait3A_276 : memref<1x!tpu.dma_semaphore, #tpu.memory_space<semaphore_mem>> -> memref<!tpu.dma_semaphore, #tpu.memory_space<semaphore_mem>>
    %dma_wait3A_278 = arith.constant 0 : i32
    %dma_wait3A_279 = tpu.memref_slice %arg4[%dma_wait3A_267, %add3A_246, %dma_wait3A_278] : memref<4x2048x1024xf32, #tpu.memory_space<hbm>> -> memref<1x16x1024xf32, #tpu.memory_space<hbm>>
    %dma_wait3A_280 = tpu.memref_squeeze %dma_wait3A_279 : memref<1x16x1024xf32, #tpu.memory_space<hbm>> -> memref<16x1024xf32, #tpu.memory_space<hbm>>
    %dma_wait3A_281 = arith.constant 0 : i32
    %dma_wait3A_282 = arith.constant 0 : i32
    %dma_wait3A_283 = tpu.memref_slice %arg6[%dma_wait3A_266, %dma_wait3A_281, %dma_wait3A_282] : memref<2x16x1024xf32, #tpu.memory_space<vmem>> -> memref<1x16x1024xf32, #tpu.memory_space<vmem>>
    %dma_wait3A_284 = tpu.memref_squeeze %dma_wait3A_283 : memref<1x16x1024xf32, #tpu.memory_space<vmem>> -> memref<16x1024xf32, #tpu.memory_space<vmem>>
    tpu.wait_dma2 semaphore(%dma_wait3A_277 : memref<!tpu.dma_semaphore, #tpu.memory_space<semaphore_mem>>) src(%dma_wait3A_284 : memref<16x1024xf32, #tpu.memory_space<vmem>>) dst(%dma_wait3A_280 : memref<16x1024xf32, #tpu.memory_space<hbm>>)
    %add3A_285 = arith.constant 0 : i32
    %add3A_286 = arith.addi %mul3A_2, %add3A_285 : i32
    %dma_start3A_287 = arith.constant 1 : i32
    %dma_start3A_288 = arith.constant 0 : i32
    %dma_start3A_289 = arith.constant 0 : i32
    %dma_start3A_290 = arith.constant 0 : i32
    %dma_start3A_291 = arith.constant 0 : i32
    %dma_start3A_292 = tpu.memref_slice %arg6[%dma_start3A_288, %dma_start3A_290, %dma_start3A_291] : memref<2x16x1024xf32, #tpu.memory_space<vmem>> -> memref<1x16x1024xf32, #tpu.memory_space<vmem>>
    %dma_start3A_293 = tpu.memref_squeeze %dma_start3A_292 : memref<1x16x1024xf32, #tpu.memory_space<vmem>> -> memref<16x1024xf32, #tpu.memory_space<vmem>>
    %dma_start3A_294 = arith.constant 0 : i32
    %dma_start3A_295 = tpu.memref_slice %arg2[%dma_start3A_287, %add3A_286, %dma_start3A_294] : memref<4x2048x1024xf32, #tpu.memory_space<hbm>> -> memref<1x16x1024xf32, #tpu.memory_space<hbm>>
    %dma_start3A_296 = tpu.memref_squeeze %dma_start3A_295 : memref<1x16x1024xf32, #tpu.memory_space<hbm>> -> memref<16x1024xf32, #tpu.memory_space<hbm>>
    %dma_start3A_297 = tpu.memref_slice %arg7[%dma_start3A_289] : memref<2x!tpu.dma_semaphore, #tpu.memory_space<semaphore_mem>> -> memref<1x!tpu.dma_semaphore, #tpu.memory_space<semaphore_mem>>
    %dma_start3A_298 = tpu.memref_squeeze %dma_start3A_297 : memref<1x!tpu.dma_semaphore, #tpu.memory_space<semaphore_mem>> -> memref<!tpu.dma_semaphore, #tpu.memory_space<semaphore_mem>>
    %dma_start3A_299 = arith.constant 0 : i32
    %dma_start3A_300 = arith.constant 0 : i32
    %dma_start3A_301 = tpu.memref_slice %arg6[%dma_start3A_288, %dma_start3A_299, %dma_start3A_300] : memref<2x16x1024xf32, #tpu.memory_space<vmem>> -> memref<1x16x1024xf32, #tpu.memory_space<vmem>>
    %dma_start3A_302 = tpu.memref_squeeze %dma_start3A_301 : memref<1x16x1024xf32, #tpu.memory_space<vmem>> -> memref<16x1024xf32, #tpu.memory_space<vmem>>
    %dma_start3A_303 = arith.constant 0 : i32
    %dma_start3A_304 = tpu.memref_slice %arg2[%dma_start3A_287, %add3A_286, %dma_start3A_303] : memref<4x2048x1024xf32, #tpu.memory_space<hbm>> -> memref<1x16x1024xf32, #tpu.memory_space<hbm>>
    %dma_start3A_305 = tpu.memref_squeeze %dma_start3A_304 : memref<1x16x1024xf32, #tpu.memory_space<hbm>> -> memref<16x1024xf32, #tpu.memory_space<hbm>>
    tpu.enqueue_dma source(%dma_start3A_305 : memref<16x1024xf32, #tpu.memory_space<hbm>>) target(%dma_start3A_302 : memref<16x1024xf32, #tpu.memory_space<vmem>>) target_semaphore(%dma_start3A_298 : memref<!tpu.dma_semaphore, #tpu.memory_space<semaphore_mem>>)
    %dma_wait3A_306 = arith.constant 0 : i32
    %dma_wait3A_307 = arith.constant 1 : i32
    %dma_wait3A_308 = arith.constant 1 : i32
    %dma_wait3A_309 = arith.constant 0 : i32
    %dma_wait3A_310 = arith.constant 0 : i32
    %dma_wait3A_311 = tpu.memref_slice %arg6[%dma_wait3A_307, %dma_wait3A_309, %dma_wait3A_310] : memref<2x16x1024xf32, #tpu.memory_space<vmem>> -> memref<1x16x1024xf32, #tpu.memory_space<vmem>>
    %dma_wait3A_312 = tpu.memref_squeeze %dma_wait3A_311 : memref<1x16x1024xf32, #tpu.memory_space<vmem>> -> memref<16x1024xf32, #tpu.memory_space<vmem>>
    %dma_wait3A_313 = arith.constant 0 : i32
    %dma_wait3A_314 = tpu.memref_slice %arg2[%dma_wait3A_306, %add3A_198, %dma_wait3A_313] : memref<4x2048x1024xf32, #tpu.memory_space<hbm>> -> memref<1x16x1024xf32, #tpu.memory_space<hbm>>
    %dma_wait3A_315 = tpu.memref_squeeze %dma_wait3A_314 : memref<1x16x1024xf32, #tpu.memory_space<hbm>> -> memref<16x1024xf32, #tpu.memory_space<hbm>>
    %dma_wait3A_316 = tpu.memref_slice %arg7[%dma_wait3A_308] : memref<2x!tpu.dma_semaphore, #tpu.memory_space<semaphore_mem>> -> memref<1x!tpu.dma_semaphore, #tpu.memory_space<semaphore_mem>>
    %dma_wait3A_317 = tpu.memref_squeeze %dma_wait3A_316 : memref<1x!tpu.dma_semaphore, #tpu.memory_space<semaphore_mem>> -> memref<!tpu.dma_semaphore, #tpu.memory_space<semaphore_mem>>
    %dma_wait3A_318 = arith.constant 0 : i32
    %dma_wait3A_319 = arith.constant 0 : i32
    %dma_wait3A_320 = tpu.memref_slice %arg6[%dma_wait3A_307, %dma_wait3A_318, %dma_wait3A_319] : memref<2x16x1024xf32, #tpu.memory_space<vmem>> -> memref<1x16x1024xf32, #tpu.memory_space<vmem>>
    %dma_wait3A_321 = tpu.memref_squeeze %dma_wait3A_320 : memref<1x16x1024xf32, #tpu.memory_space<vmem>> -> memref<16x1024xf32, #tpu.memory_space<vmem>>
    %dma_wait3A_322 = arith.constant 0 : i32
    %dma_wait3A_323 = tpu.memref_slice %arg2[%dma_wait3A_306, %add3A_198, %dma_wait3A_322] : memref<4x2048x1024xf32, #tpu.memory_space<hbm>> -> memref<1x16x1024xf32, #tpu.memory_space<hbm>>
    %dma_wait3A_324 = tpu.memref_squeeze %dma_wait3A_323 : memref<1x16x1024xf32, #tpu.memory_space<hbm>> -> memref<16x1024xf32, #tpu.memory_space<hbm>>
    tpu.wait_dma2 semaphore(%dma_wait3A_317 : memref<!tpu.dma_semaphore, #tpu.memory_space<semaphore_mem>>) src(%dma_wait3A_324 : memref<16x1024xf32, #tpu.memory_space<hbm>>) dst(%dma_wait3A_321 : memref<16x1024xf32, #tpu.memory_space<vmem>>)
    %scan3A_325 = arith.constant 1 : i32
    %scan3A_326 = arith.constant 0 : i32
    %scan3A_327 = arith.constant 0 : i32
    %scan3A_328 = arith.constant 16 : i32
    %scan3A_329 = arith.addi %scan3A_327, %scan3A_328 : i32
    %scan3A_330 = arith.constant 1 : i32
    %scan3A_331 = scf.for %scan3A_1408 = %scan3A_327 to %scan3A_329 step %scan3A_330 iter_args(%scan3A_1409 = %scan3A_326) -> (i32)  : i32 {
      %add3A_1410 = arith.constant 48 : i32
      %add3A_1411 = arith.addi %add3A_1410, %scan3A_1408 : i32
      %parallel_loop3A = arith.constant 0 : i32
      %parallel_loop3A_1412 = arith.constant 1024 : i32
      %parallel_loop3A_1413 = arith.constant 16 : i32
      scf.for %parallel_loop3A_1415 = %parallel_loop3A to %parallel_loop3A_1412 step %parallel_loop3A_1413  : i32 {
        %parallel_loop3A_1416 = arith.constant 0 : i32
        %parallel_loop3A_1417 = arith.constant 0 : i32
        %parallel_loop3A_1418 = tpu.memref_slice %arg6[%scan3A_325, %parallel_loop3A_1416, %parallel_loop3A_1417] : memref<2x16x1024xf32, #tpu.memory_space<vmem>> -> memref<1x16x1024xf32, #tpu.memory_space<vmem>>
        %parallel_loop3A_1419 = tpu.memref_squeeze %parallel_loop3A_1418 : memref<1x16x1024xf32, #tpu.memory_space<vmem>> -> memref<16x1024xf32, #tpu.memory_space<vmem>>
        %parallel_loop3A_1420 = arith.index_cast %scan3A_1408 : i32 to index
        %parallel_loop3A_1421 = arith.index_cast %parallel_loop3A_1415 : i32 to index
        %parallel_loop3A_1422 = tpu.vector_load %parallel_loop3A_1419[%parallel_loop3A_1420, %parallel_loop3A_1421] {strides = array<i32>} : memref<16x1024xf32, #tpu.memory_space<vmem>>, vector<1x16xf32>,
        %parallel_loop3A_1423 = vector.shape_cast %parallel_loop3A_1422 : vector<1x16xf32> to vector<16xf32>
        %parallel_loop3A_1424 = arith.index_cast %add3A_1411 : i32 to index
        %parallel_loop3A_1425 = arith.index_cast %parallel_loop3A_1415 : i32 to index
        %parallel_loop3A_1426 = tpu.vector_load %arg5[%parallel_loop3A_1424, %parallel_loop3A_1425] {strides = array<i32>} : memref<64x1024xf32, #tpu.memory_space<vmem>>, vector<1x16xf32>,
        %parallel_loop3A_1427 = vector.shape_cast %parallel_loop3A_1426 : vector<1x16xf32> to vector<16xf32>
        %parallel_loop3A_1428 = arith.addf %parallel_loop3A_1423, %parallel_loop3A_1427 : vector<16xf32>
        %parallel_loop3A_1429 = arith.constant 0 : i32
        %parallel_loop3A_1430 = arith.constant 0 : i32
        %parallel_loop3A_1431 = tpu.memref_slice %arg6[%scan3A_325, %parallel_loop3A_1429, %parallel_loop3A_1430] : memref<2x16x1024xf32, #tpu.memory_space<vmem>> -> memref<1x16x1024xf32, #tpu.memory_space<vmem>>
        %parallel_loop3A_1432 = tpu.memref_squeeze %parallel_loop3A_1431 : memref<1x16x1024xf32, #tpu.memory_space<vmem>> -> memref<16x1024xf32, #tpu.memory_space<vmem>>
        %parallel_loop3A_1433 = arith.index_cast %scan3A_1408 : i32 to index
        %parallel_loop3A_1434 = arith.index_cast %parallel_loop3A_1415 : i32 to index
        %parallel_loop3A_1435 = tpu.vector_load %parallel_loop3A_1432[%parallel_loop3A_1433, %parallel_loop3A_1434] {strides = array<i32>} : memref<16x1024xf32, #tpu.memory_space<vmem>>, vector<1x16xf32>,
        %parallel_loop3A_1436 = vector.shape_cast %parallel_loop3A_1435 : vector<1x16xf32> to vector<16xf32>
        %parallel_loop3A_1437 = vector.shape_cast %parallel_loop3A_1428 : vector<16xf32> to vector<1x16xf32>
        tpu.vector_store %parallel_loop3A_1432[%parallel_loop3A_1433, %parallel_loop3A_1434], %parallel_loop3A_1437 {strides = array<i32>} : memref<16x1024xf32, #tpu.memory_space<vmem>>, vector<1x16xf32>,
      } {sc.loop_unroll_factor = 8 : i64, sc.parallel_access}
      %scan3A_1414 = arith.constant 0 : i32
      scf.yield %scan3A_1414 : i32
    }
    %scan3A_332 = arith.constant 16 : i32
    %add3A_333 = arith.constant 48 : i32
    %add3A_334 = arith.addi %mul3A_2, %add3A_333 : i32
    %dma_start3A_335 = arith.constant 1 : i32
    %dma_start3A_336 = arith.constant 0 : i32
    %dma_start3A_337 = arith.constant 1 : i32
    %dma_start3A_338 = arith.constant 0 : i32
    %dma_start3A_339 = arith.constant 0 : i32
    %dma_start3A_340 = tpu.memref_slice %arg6[%dma_start3A_335, %dma_start3A_338, %dma_start3A_339] : memref<2x16x1024xf32, #tpu.memory_space<vmem>> -> memref<1x16x1024xf32, #tpu.memory_space<vmem>>
    %dma_start3A_341 = tpu.memref_squeeze %dma_start3A_340 : memref<1x16x1024xf32, #tpu.memory_space<vmem>> -> memref<16x1024xf32, #tpu.memory_space<vmem>>
    %dma_start3A_342 = arith.constant 0 : i32
    %dma_start3A_343 = tpu.memref_slice %arg4[%dma_start3A_336, %add3A_334, %dma_start3A_342] : memref<4x2048x1024xf32, #tpu.memory_space<hbm>> -> memref<1x16x1024xf32, #tpu.memory_space<hbm>>
    %dma_start3A_344 = tpu.memref_squeeze %dma_start3A_343 : memref<1x16x1024xf32, #tpu.memory_space<hbm>> -> memref<16x1024xf32, #tpu.memory_space<hbm>>
    %dma_start3A_345 = tpu.memref_slice %arg8[%dma_start3A_337] : memref<2x!tpu.dma_semaphore, #tpu.memory_space<semaphore_mem>> -> memref<1x!tpu.dma_semaphore, #tpu.memory_space<semaphore_mem>>
    %dma_start3A_346 = tpu.memref_squeeze %dma_start3A_345 : memref<1x!tpu.dma_semaphore, #tpu.memory_space<semaphore_mem>> -> memref<!tpu.dma_semaphore, #tpu.memory_space<semaphore_mem>>
    %dma_start3A_347 = arith.constant 0 : i32
    %dma_start3A_348 = tpu.memref_slice %arg4[%dma_start3A_336, %add3A_334, %dma_start3A_347] : memref<4x2048x1024xf32, #tpu.memory_space<hbm>> -> memref<1x16x1024xf32, #tpu.memory_space<hbm>>
    %dma_start3A_349 = tpu.memref_squeeze %dma_start3A_348 : memref<1x16x1024xf32, #tpu.memory_space<hbm>> -> memref<16x1024xf32, #tpu.memory_space<hbm>>
    %dma_start3A_350 = arith.constant 0 : i32
    %dma_start3A_351 = arith.constant 0 : i32
    %dma_start3A_352 = tpu.memref_slice %arg6[%dma_start3A_335, %dma_start3A_350, %dma_start3A_351] : memref<2x16x1024xf32, #tpu.memory_space<vmem>> -> memref<1x16x1024xf32, #tpu.memory_space<vmem>>
    %dma_start3A_353 = tpu.memref_squeeze %dma_start3A_352 : memref<1x16x1024xf32, #tpu.memory_space<vmem>> -> memref<16x1024xf32, #tpu.memory_space<vmem>>
    tpu.enqueue_dma source(%dma_start3A_353 : memref<16x1024xf32, #tpu.memory_space<vmem>>) target(%dma_start3A_349 : memref<16x1024xf32, #tpu.memory_space<hbm>>) target_semaphore(%dma_start3A_346 : memref<!tpu.dma_semaphore, #tpu.memory_space<semaphore_mem>>)
    %dma_wait3A_354 = arith.constant 1 : i32
    %dma_wait3A_355 = arith.constant 0 : i32
    %dma_wait3A_356 = arith.constant 1 : i32
    %dma_wait3A_357 = arith.constant 0 : i32
    %dma_wait3A_358 = arith.constant 0 : i32
    %dma_wait3A_359 = tpu.memref_slice %arg6[%dma_wait3A_354, %dma_wait3A_357, %dma_wait3A_358] : memref<2x16x1024xf32, #tpu.memory_space<vmem>> -> memref<1x16x1024xf32, #tpu.memory_space<vmem>>
    %dma_wait3A_360 = tpu.memref_squeeze %dma_wait3A_359 : memref<1x16x1024xf32, #tpu.memory_space<vmem>> -> memref<16x1024xf32, #tpu.memory_space<vmem>>
    %dma_wait3A_361 = arith.constant 0 : i32
    %dma_wait3A_362 = tpu.memref_slice %arg4[%dma_wait3A_355, %add3A_334, %dma_wait3A_361] : memref<4x2048x1024xf32, #tpu.memory_space<hbm>> -> memref<1x16x1024xf32, #tpu.memory_space<hbm>>
    %dma_wait3A_363 = tpu.memref_squeeze %dma_wait3A_362 : memref<1x16x1024xf32, #tpu.memory_space<hbm>> -> memref<16x1024xf32, #tpu.memory_space<hbm>>
    %dma_wait3A_364 = tpu.memref_slice %arg8[%dma_wait3A_356] : memref<2x!tpu.dma_semaphore, #tpu.memory_space<semaphore_mem>> -> memref<1x!tpu.dma_semaphore, #tpu.memory_space<semaphore_mem>>
    %dma_wait3A_365 = tpu.memref_squeeze %dma_wait3A_364 : memref<1x!tpu.dma_semaphore, #tpu.memory_space<semaphore_mem>> -> memref<!tpu.dma_semaphore, #tpu.memory_space<semaphore_mem>>
    %dma_wait3A_366 = arith.constant 0 : i32
    %dma_wait3A_367 = tpu.memref_slice %arg4[%dma_wait3A_355, %add3A_334, %dma_wait3A_366] : memref<4x2048x1024xf32, #tpu.memory_space<hbm>> -> memref<1x16x1024xf32, #tpu.memory_space<hbm>>
    %dma_wait3A_368 = tpu.memref_squeeze %dma_wait3A_367 : memref<1x16x1024xf32, #tpu.memory_space<hbm>> -> memref<16x1024xf32, #tpu.memory_space<hbm>>
    %dma_wait3A_369 = arith.constant 0 : i32
    %dma_wait3A_370 = arith.constant 0 : i32
    %dma_wait3A_371 = tpu.memref_slice %arg6[%dma_wait3A_354, %dma_wait3A_369, %dma_wait3A_370] : memref<2x16x1024xf32, #tpu.memory_space<vmem>> -> memref<1x16x1024xf32, #tpu.memory_space<vmem>>
    %dma_wait3A_372 = tpu.memref_squeeze %dma_wait3A_371 : memref<1x16x1024xf32, #tpu.memory_space<vmem>> -> memref<16x1024xf32, #tpu.memory_space<vmem>>
    tpu.wait_dma2 semaphore(%dma_wait3A_365 : memref<!tpu.dma_semaphore, #tpu.memory_space<semaphore_mem>>) src(%dma_wait3A_372 : memref<16x1024xf32, #tpu.memory_space<vmem>>) dst(%dma_wait3A_368 : memref<16x1024xf32, #tpu.memory_space<hbm>>)
    %add3A_373 = arith.constant 16 : i32
    %add3A_374 = arith.addi %mul3A_2, %add3A_373 : i32
    %dma_start3A_375 = arith.constant 1 : i32
    %dma_start3A_376 = arith.constant 1 : i32
    %dma_start3A_377 = arith.constant 1 : i32
    %dma_start3A_378 = arith.constant 0 : i32
    %dma_start3A_379 = arith.constant 0 : i32
    %dma_start3A_380 = tpu.memref_slice %arg6[%dma_start3A_376, %dma_start3A_378, %dma_start3A_379] : memref<2x16x1024xf32, #tpu.memory_space<vmem>> -> memref<1x16x1024xf32, #tpu.memory_space<vmem>>
    %dma_start3A_381 = tpu.memref_squeeze %dma_start3A_380 : memref<1x16x1024xf32, #tpu.memory_space<vmem>> -> memref<16x1024xf32, #tpu.memory_space<vmem>>
    %dma_start3A_382 = arith.constant 0 : i32
    %dma_start3A_383 = tpu.memref_slice %arg2[%dma_start3A_375, %add3A_374, %dma_start3A_382] : memref<4x2048x1024xf32, #tpu.memory_space<hbm>> -> memref<1x16x1024xf32, #tpu.memory_space<hbm>>
    %dma_start3A_384 = tpu.memref_squeeze %dma_start3A_383 : memref<1x16x1024xf32, #tpu.memory_space<hbm>> -> memref<16x1024xf32, #tpu.memory_space<hbm>>
    %dma_start3A_385 = tpu.memref_slice %arg7[%dma_start3A_377] : memref<2x!tpu.dma_semaphore, #tpu.memory_space<semaphore_mem>> -> memref<1x!tpu.dma_semaphore, #tpu.memory_space<semaphore_mem>>
    %dma_start3A_386 = tpu.memref_squeeze %dma_start3A_385 : memref<1x!tpu.dma_semaphore, #tpu.memory_space<semaphore_mem>> -> memref<!tpu.dma_semaphore, #tpu.memory_space<semaphore_mem>>
    %dma_start3A_387 = arith.constant 0 : i32
    %dma_start3A_388 = arith.constant 0 : i32
    %dma_start3A_389 = tpu.memref_slice %arg6[%dma_start3A_376, %dma_start3A_387, %dma_start3A_388] : memref<2x16x1024xf32, #tpu.memory_space<vmem>> -> memref<1x16x1024xf32, #tpu.memory_space<vmem>>
    %dma_start3A_390 = tpu.memref_squeeze %dma_start3A_389 : memref<1x16x1024xf32, #tpu.memory_space<vmem>> -> memref<16x1024xf32, #tpu.memory_space<vmem>>
    %dma_start3A_391 = arith.constant 0 : i32
    %dma_start3A_392 = tpu.memref_slice %arg2[%dma_start3A_375, %add3A_374, %dma_start3A_391] : memref<4x2048x1024xf32, #tpu.memory_space<hbm>> -> memref<1x16x1024xf32, #tpu.memory_space<hbm>>
    %dma_start3A_393 = tpu.memref_squeeze %dma_start3A_392 : memref<1x16x1024xf32, #tpu.memory_space<hbm>> -> memref<16x1024xf32, #tpu.memory_space<hbm>>
    tpu.enqueue_dma source(%dma_start3A_393 : memref<16x1024xf32, #tpu.memory_space<hbm>>) target(%dma_start3A_390 : memref<16x1024xf32, #tpu.memory_space<vmem>>) target_semaphore(%dma_start3A_386 : memref<!tpu.dma_semaphore, #tpu.memory_space<semaphore_mem>>)
    %dma_wait3A_394 = arith.constant 1 : i32
    %dma_wait3A_395 = arith.constant 0 : i32
    %dma_wait3A_396 = arith.constant 0 : i32
    %dma_wait3A_397 = arith.constant 0 : i32
    %dma_wait3A_398 = arith.constant 0 : i32
    %dma_wait3A_399 = tpu.memref_slice %arg6[%dma_wait3A_395, %dma_wait3A_397, %dma_wait3A_398] : memref<2x16x1024xf32, #tpu.memory_space<vmem>> -> memref<1x16x1024xf32, #tpu.memory_space<vmem>>
    %dma_wait3A_400 = tpu.memref_squeeze %dma_wait3A_399 : memref<1x16x1024xf32, #tpu.memory_space<vmem>> -> memref<16x1024xf32, #tpu.memory_space<vmem>>
    %dma_wait3A_401 = arith.constant 0 : i32
    %dma_wait3A_402 = tpu.memref_slice %arg2[%dma_wait3A_394, %add3A_286, %dma_wait3A_401] : memref<4x2048x1024xf32, #tpu.memory_space<hbm>> -> memref<1x16x1024xf32, #tpu.memory_space<hbm>>
    %dma_wait3A_403 = tpu.memref_squeeze %dma_wait3A_402 : memref<1x16x1024xf32, #tpu.memory_space<hbm>> -> memref<16x1024xf32, #tpu.memory_space<hbm>>
    %dma_wait3A_404 = tpu.memref_slice %arg7[%dma_wait3A_396] : memref<2x!tpu.dma_semaphore, #tpu.memory_space<semaphore_mem>> -> memref<1x!tpu.dma_semaphore, #tpu.memory_space<semaphore_mem>>
    %dma_wait3A_405 = tpu.memref_squeeze %dma_wait3A_404 : memref<1x!tpu.dma_semaphore, #tpu.memory_space<semaphore_mem>> -> memref<!tpu.dma_semaphore, #tpu.memory_space<semaphore_mem>>
    %dma_wait3A_406 = arith.constant 0 : i32
    %dma_wait3A_407 = arith.constant 0 : i32
    %dma_wait3A_408 = tpu.memref_slice %arg6[%dma_wait3A_395, %dma_wait3A_406, %dma_wait3A_407] : memref<2x16x1024xf32, #tpu.memory_space<vmem>> -> memref<1x16x1024xf32, #tpu.memory_space<vmem>>
    %dma_wait3A_409 = tpu.memref_squeeze %dma_wait3A_408 : memref<1x16x1024xf32, #tpu.memory_space<vmem>> -> memref<16x1024xf32, #tpu.memory_space<vmem>>
    %dma_wait3A_410 = arith.constant 0 : i32
    %dma_wait3A_411 = tpu.memref_slice %arg2[%dma_wait3A_394, %add3A_286, %dma_wait3A_410] : memref<4x2048x1024xf32, #tpu.memory_space<hbm>> -> memref<1x16x1024xf32, #tpu.memory_space<hbm>>
    %dma_wait3A_412 = tpu.memref_squeeze %dma_wait3A_411 : memref<1x16x1024xf32, #tpu.memory_space<hbm>> -> memref<16x1024xf32, #tpu.memory_space<hbm>>
    tpu.wait_dma2 semaphore(%dma_wait3A_405 : memref<!tpu.dma_semaphore, #tpu.memory_space<semaphore_mem>>) src(%dma_wait3A_412 : memref<16x1024xf32, #tpu.memory_space<hbm>>) dst(%dma_wait3A_409 : memref<16x1024xf32, #tpu.memory_space<vmem>>)
    %scan3A_413 = arith.constant 0 : i32
    %scan3A_414 = arith.constant 0 : i32
    %scan3A_415 = arith.constant 0 : i32
    %scan3A_416 = arith.constant 16 : i32
    %scan3A_417 = arith.addi %scan3A_415, %scan3A_416 : i32
    %scan3A_418 = arith.constant 1 : i32
    %scan3A_419 = scf.for %scan3A_1408 = %scan3A_415 to %scan3A_417 step %scan3A_418 iter_args(%scan3A_1409 = %scan3A_414) -> (i32)  : i32 {
      %add3A_1410 = arith.constant 0 : i32
      %add3A_1411 = arith.addi %add3A_1410, %scan3A_1408 : i32
      %parallel_loop3A = arith.constant 0 : i32
      %parallel_loop3A_1412 = arith.constant 1024 : i32
      %parallel_loop3A_1413 = arith.constant 16 : i32
      scf.for %parallel_loop3A_1415 = %parallel_loop3A to %parallel_loop3A_1412 step %parallel_loop3A_1413  : i32 {
        %parallel_loop3A_1416 = arith.constant 0 : i32
        %parallel_loop3A_1417 = arith.constant 0 : i32
        %parallel_loop3A_1418 = tpu.memref_slice %arg6[%scan3A_413, %parallel_loop3A_1416, %parallel_loop3A_1417] : memref<2x16x1024xf32, #tpu.memory_space<vmem>> -> memref<1x16x1024xf32, #tpu.memory_space<vmem>>
        %parallel_loop3A_1419 = tpu.memref_squeeze %parallel_loop3A_1418 : memref<1x16x1024xf32, #tpu.memory_space<vmem>> -> memref<16x1024xf32, #tpu.memory_space<vmem>>
        %parallel_loop3A_1420 = arith.index_cast %scan3A_1408 : i32 to index
        %parallel_loop3A_1421 = arith.index_cast %parallel_loop3A_1415 : i32 to index
        %parallel_loop3A_1422 = tpu.vector_load %parallel_loop3A_1419[%parallel_loop3A_1420, %parallel_loop3A_1421] {strides = array<i32>} : memref<16x1024xf32, #tpu.memory_space<vmem>>, vector<1x16xf32>,
        %parallel_loop3A_1423 = vector.shape_cast %parallel_loop3A_1422 : vector<1x16xf32> to vector<16xf32>
        %parallel_loop3A_1424 = arith.index_cast %add3A_1411 : i32 to index
        %parallel_loop3A_1425 = arith.index_cast %parallel_loop3A_1415 : i32 to index
        %parallel_loop3A_1426 = tpu.vector_load %arg5[%parallel_loop3A_1424, %parallel_loop3A_1425] {strides = array<i32>} : memref<64x1024xf32, #tpu.memory_space<vmem>>, vector<1x16xf32>,
        %parallel_loop3A_1427 = vector.shape_cast %parallel_loop3A_1426 : vector<1x16xf32> to vector<16xf32>
        %parallel_loop3A_1428 = arith.addf %parallel_loop3A_1423, %parallel_loop3A_1427 : vector<16xf32>
        %parallel_loop3A_1429 = arith.constant 0 : i32
        %parallel_loop3A_1430 = arith.constant 0 : i32
        %parallel_loop3A_1431 = tpu.memref_slice %arg6[%scan3A_413, %parallel_loop3A_1429, %parallel_loop3A_1430] : memref<2x16x1024xf32, #tpu.memory_space<vmem>> -> memref<1x16x1024xf32, #tpu.memory_space<vmem>>
        %parallel_loop3A_1432 = tpu.memref_squeeze %parallel_loop3A_1431 : memref<1x16x1024xf32, #tpu.memory_space<vmem>> -> memref<16x1024xf32, #tpu.memory_space<vmem>>
        %parallel_loop3A_1433 = arith.index_cast %scan3A_1408 : i32 to index
        %parallel_loop3A_1434 = arith.index_cast %parallel_loop3A_1415 : i32 to index
        %parallel_loop3A_1435 = tpu.vector_load %parallel_loop3A_1432[%parallel_loop3A_1433, %parallel_loop3A_1434] {strides = array<i32>} : memref<16x1024xf32, #tpu.memory_space<vmem>>, vector<1x16xf32>,
        %parallel_loop3A_1436 = vector.shape_cast %parallel_loop3A_1435 : vector<1x16xf32> to vector<16xf32>
        %parallel_loop3A_1437 = vector.shape_cast %parallel_loop3A_1428 : vector<16xf32> to vector<1x16xf32>
        tpu.vector_store %parallel_loop3A_1432[%parallel_loop3A_1433, %parallel_loop3A_1434], %parallel_loop3A_1437 {strides = array<i32>} : memref<16x1024xf32, #tpu.memory_space<vmem>>, vector<1x16xf32>,
      } {sc.loop_unroll_factor = 8 : i64, sc.parallel_access}
      %scan3A_1414 = arith.constant 0 : i32
      scf.yield %scan3A_1414 : i32
    }
    %scan3A_420 = arith.constant 16 : i32
    %add3A_421 = arith.constant 0 : i32
    %add3A_422 = arith.addi %mul3A_2, %add3A_421 : i32
    %dma_start3A_423 = arith.constant 0 : i32
    %dma_start3A_424 = arith.constant 1 : i32
    %dma_start3A_425 = arith.constant 0 : i32
    %dma_start3A_426 = arith.constant 0 : i32
    %dma_start3A_427 = arith.constant 0 : i32
    %dma_start3A_428 = tpu.memref_slice %arg6[%dma_start3A_423, %dma_start3A_426, %dma_start3A_427] : memref<2x16x1024xf32, #tpu.memory_space<vmem>> -> memref<1x16x1024xf32, #tpu.memory_space<vmem>>
    %dma_start3A_429 = tpu.memref_squeeze %dma_start3A_428 : memref<1x16x1024xf32, #tpu.memory_space<vmem>> -> memref<16x1024xf32, #tpu.memory_space<vmem>>
    %dma_start3A_430 = arith.constant 0 : i32
    %dma_start3A_431 = tpu.memref_slice %arg4[%dma_start3A_424, %add3A_422, %dma_start3A_430] : memref<4x2048x1024xf32, #tpu.memory_space<hbm>> -> memref<1x16x1024xf32, #tpu.memory_space<hbm>>
    %dma_start3A_432 = tpu.memref_squeeze %dma_start3A_431 : memref<1x16x1024xf32, #tpu.memory_space<hbm>> -> memref<16x1024xf32, #tpu.memory_space<hbm>>
    %dma_start3A_433 = tpu.memref_slice %arg8[%dma_start3A_425] : memref<2x!tpu.dma_semaphore, #tpu.memory_space<semaphore_mem>> -> memref<1x!tpu.dma_semaphore, #tpu.memory_space<semaphore_mem>>
    %dma_start3A_434 = tpu.memref_squeeze %dma_start3A_433 : memref<1x!tpu.dma_semaphore, #tpu.memory_space<semaphore_mem>> -> memref<!tpu.dma_semaphore, #tpu.memory_space<semaphore_mem>>
    %dma_start3A_435 = arith.constant 0 : i32
    %dma_start3A_436 = tpu.memref_slice %arg4[%dma_start3A_424, %add3A_422, %dma_start3A_435] : memref<4x2048x1024xf32, #tpu.memory_space<hbm>> -> memref<1x16x1024xf32, #tpu.memory_space<hbm>>
    %dma_start3A_437 = tpu.memref_squeeze %dma_start3A_436 : memref<1x16x1024xf32, #tpu.memory_space<hbm>> -> memref<16x1024xf32, #tpu.memory_space<hbm>>
    %dma_start3A_438 = arith.constant 0 : i32
    %dma_start3A_439 = arith.constant 0 : i32
    %dma_start3A_440 = tpu.memref_slice %arg6[%dma_start3A_423, %dma_start3A_438, %dma_start3A_439] : memref<2x16x1024xf32, #tpu.memory_space<vmem>> -> memref<1x16x1024xf32, #tpu.memory_space<vmem>>
    %dma_start3A_441 = tpu.memref_squeeze %dma_start3A_440 : memref<1x16x1024xf32, #tpu.memory_space<vmem>> -> memref<16x1024xf32, #tpu.memory_space<vmem>>
    tpu.enqueue_dma source(%dma_start3A_441 : memref<16x1024xf32, #tpu.memory_space<vmem>>) target(%dma_start3A_437 : memref<16x1024xf32, #tpu.memory_space<hbm>>) target_semaphore(%dma_start3A_434 : memref<!tpu.dma_semaphore, #tpu.memory_space<semaphore_mem>>)
    %dma_wait3A_442 = arith.constant 0 : i32
    %dma_wait3A_443 = arith.constant 1 : i32
    %dma_wait3A_444 = arith.constant 0 : i32
    %dma_wait3A_445 = arith.constant 0 : i32
    %dma_wait3A_446 = arith.constant 0 : i32
    %dma_wait3A_447 = tpu.memref_slice %arg6[%dma_wait3A_442, %dma_wait3A_445, %dma_wait3A_446] : memref<2x16x1024xf32, #tpu.memory_space<vmem>> -> memref<1x16x1024xf32, #tpu.memory_space<vmem>>
    %dma_wait3A_448 = tpu.memref_squeeze %dma_wait3A_447 : memref<1x16x1024xf32, #tpu.memory_space<vmem>> -> memref<16x1024xf32, #tpu.memory_space<vmem>>
    %dma_wait3A_449 = arith.constant 0 : i32
    %dma_wait3A_450 = tpu.memref_slice %arg4[%dma_wait3A_443, %add3A_422, %dma_wait3A_449] : memref<4x2048x1024xf32, #tpu.memory_space<hbm>> -> memref<1x16x1024xf32, #tpu.memory_space<hbm>>
    %dma_wait3A_451 = tpu.memref_squeeze %dma_wait3A_450 : memref<1x16x1024xf32, #tpu.memory_space<hbm>> -> memref<16x1024xf32, #tpu.memory_space<hbm>>
    %dma_wait3A_452 = tpu.memref_slice %arg8[%dma_wait3A_444] : memref<2x!tpu.dma_semaphore, #tpu.memory_space<semaphore_mem>> -> memref<1x!tpu.dma_semaphore, #tpu.memory_space<semaphore_mem>>
    %dma_wait3A_453 = tpu.memref_squeeze %dma_wait3A_452 : memref<1x!tpu.dma_semaphore, #tpu.memory_space<semaphore_mem>> -> memref<!tpu.dma_semaphore, #tpu.memory_space<semaphore_mem>>
    %dma_wait3A_454 = arith.constant 0 : i32
    %dma_wait3A_455 = tpu.memref_slice %arg4[%dma_wait3A_443, %add3A_422, %dma_wait3A_454] : memref<4x2048x1024xf32, #tpu.memory_space<hbm>> -> memref<1x16x1024xf32, #tpu.memory_space<hbm>>
    %dma_wait3A_456 = tpu.memref_squeeze %dma_wait3A_455 : memref<1x16x1024xf32, #tpu.memory_space<hbm>> -> memref<16x1024xf32, #tpu.memory_space<hbm>>
    %dma_wait3A_457 = arith.constant 0 : i32
    %dma_wait3A_458 = arith.constant 0 : i32
    %dma_wait3A_459 = tpu.memref_slice %arg6[%dma_wait3A_442, %dma_wait3A_457, %dma_wait3A_458] : memref<2x16x1024xf32, #tpu.memory_space<vmem>> -> memref<1x16x1024xf32, #tpu.memory_space<vmem>>
    %dma_wait3A_460 = tpu.memref_squeeze %dma_wait3A_459 : memref<1x16x1024xf32, #tpu.memory_space<vmem>> -> memref<16x1024xf32, #tpu.memory_space<vmem>>
    tpu.wait_dma2 semaphore(%dma_wait3A_453 : memref<!tpu.dma_semaphore, #tpu.memory_space<semaphore_mem>>) src(%dma_wait3A_460 : memref<16x1024xf32, #tpu.memory_space<vmem>>) dst(%dma_wait3A_456 : memref<16x1024xf32, #tpu.memory_space<hbm>>)
    %add3A_461 = arith.constant 32 : i32
    %add3A_462 = arith.addi %mul3A_2, %add3A_461 : i32
    %dma_start3A_463 = arith.constant 1 : i32
    %dma_start3A_464 = arith.constant 0 : i32
    %dma_start3A_465 = arith.constant 0 : i32
    %dma_start3A_466 = arith.constant 0 : i32
    %dma_start3A_467 = arith.constant 0 : i32
    %dma_start3A_468 = tpu.memref_slice %arg6[%dma_start3A_464, %dma_start3A_466, %dma_start3A_467] : memref<2x16x1024xf32, #tpu.memory_space<vmem>> -> memref<1x16x1024xf32, #tpu.memory_space<vmem>>
    %dma_start3A_469 = tpu.memref_squeeze %dma_start3A_468 : memref<1x16x1024xf32, #tpu.memory_space<vmem>> -> memref<16x1024xf32, #tpu.memory_space<vmem>>
    %dma_start3A_470 = arith.constant 0 : i32
    %dma_start3A_471 = tpu.memref_slice %arg2[%dma_start3A_463, %add3A_462, %dma_start3A_470] : memref<4x2048x1024xf32, #tpu.memory_space<hbm>> -> memref<1x16x1024xf32, #tpu.memory_space<hbm>>
    %dma_start3A_472 = tpu.memref_squeeze %dma_start3A_471 : memref<1x16x1024xf32, #tpu.memory_space<hbm>> -> memref<16x1024xf32, #tpu.memory_space<hbm>>
    %dma_start3A_473 = tpu.memref_slice %arg7[%dma_start3A_465] : memref<2x!tpu.dma_semaphore, #tpu.memory_space<semaphore_mem>> -> memref<1x!tpu.dma_semaphore, #tpu.memory_space<semaphore_mem>>
    %dma_start3A_474 = tpu.memref_squeeze %dma_start3A_473 : memref<1x!tpu.dma_semaphore, #tpu.memory_space<semaphore_mem>> -> memref<!tpu.dma_semaphore, #tpu.memory_space<semaphore_mem>>
    %dma_start3A_475 = arith.constant 0 : i32
    %dma_start3A_476 = arith.constant 0 : i32
    %dma_start3A_477 = tpu.memref_slice %arg6[%dma_start3A_464, %dma_start3A_475, %dma_start3A_476] : memref<2x16x1024xf32, #tpu.memory_space<vmem>> -> memref<1x16x1024xf32, #tpu.memory_space<vmem>>
    %dma_start3A_478 = tpu.memref_squeeze %dma_start3A_477 : memref<1x16x1024xf32, #tpu.memory_space<vmem>> -> memref<16x1024xf32, #tpu.memory_space<vmem>>
    %dma_start3A_479 = arith.constant 0 : i32
    %dma_start3A_480 = tpu.memref_slice %arg2[%dma_start3A_463, %add3A_462, %dma_start3A_479] : memref<4x2048x1024xf32, #tpu.memory_space<hbm>> -> memref<1x16x1024xf32, #tpu.memory_space<hbm>>
    %dma_start3A_481 = tpu.memref_squeeze %dma_start3A_480 : memref<1x16x1024xf32, #tpu.memory_space<hbm>> -> memref<16x1024xf32, #tpu.memory_space<hbm>>
    tpu.enqueue_dma source(%dma_start3A_481 : memref<16x1024xf32, #tpu.memory_space<hbm>>) target(%dma_start3A_478 : memref<16x1024xf32, #tpu.memory_space<vmem>>) target_semaphore(%dma_start3A_474 : memref<!tpu.dma_semaphore, #tpu.memory_space<semaphore_mem>>)
    %dma_wait3A_482 = arith.constant 1 : i32
    %dma_wait3A_483 = arith.constant 1 : i32
    %dma_wait3A_484 = arith.constant 1 : i32
    %dma_wait3A_485 = arith.constant 0 : i32
    %dma_wait3A_486 = arith.constant 0 : i32
    %dma_wait3A_487 = tpu.memref_slice %arg6[%dma_wait3A_483, %dma_wait3A_485, %dma_wait3A_486] : memref<2x16x1024xf32, #tpu.memory_space<vmem>> -> memref<1x16x1024xf32, #tpu.memory_space<vmem>>
    %dma_wait3A_488 = tpu.memref_squeeze %dma_wait3A_487 : memref<1x16x1024xf32, #tpu.memory_space<vmem>> -> memref<16x1024xf32, #tpu.memory_space<vmem>>
    %dma_wait3A_489 = arith.constant 0 : i32
    %dma_wait3A_490 = tpu.memref_slice %arg2[%dma_wait3A_482, %add3A_374, %dma_wait3A_489] : memref<4x2048x1024xf32, #tpu.memory_space<hbm>> -> memref<1x16x1024xf32, #tpu.memory_space<hbm>>
    %dma_wait3A_491 = tpu.memref_squeeze %dma_wait3A_490 : memref<1x16x1024xf32, #tpu.memory_space<hbm>> -> memref<16x1024xf32, #tpu.memory_space<hbm>>
    %dma_wait3A_492 = tpu.memref_slice %arg7[%dma_wait3A_484] : memref<2x!tpu.dma_semaphore, #tpu.memory_space<semaphore_mem>> -> memref<1x!tpu.dma_semaphore, #tpu.memory_space<semaphore_mem>>
    %dma_wait3A_493 = tpu.memref_squeeze %dma_wait3A_492 : memref<1x!tpu.dma_semaphore, #tpu.memory_space<semaphore_mem>> -> memref<!tpu.dma_semaphore, #tpu.memory_space<semaphore_mem>>
    %dma_wait3A_494 = arith.constant 0 : i32
    %dma_wait3A_495 = arith.constant 0 : i32
    %dma_wait3A_496 = tpu.memref_slice %arg6[%dma_wait3A_483, %dma_wait3A_494, %dma_wait3A_495] : memref<2x16x1024xf32, #tpu.memory_space<vmem>> -> memref<1x16x1024xf32, #tpu.memory_space<vmem>>
    %dma_wait3A_497 = tpu.memref_squeeze %dma_wait3A_496 : memref<1x16x1024xf32, #tpu.memory_space<vmem>> -> memref<16x1024xf32, #tpu.memory_space<vmem>>
    %dma_wait3A_498 = arith.constant 0 : i32
    %dma_wait3A_499 = tpu.memref_slice %arg2[%dma_wait3A_482, %add3A_374, %dma_wait3A_498] : memref<4x2048x1024xf32, #tpu.memory_space<hbm>> -> memref<1x16x1024xf32, #tpu.memory_space<hbm>>
    %dma_wait3A_500 = tpu.memref_squeeze %dma_wait3A_499 : memref<1x16x1024xf32, #tpu.memory_space<hbm>> -> memref<16x1024xf32, #tpu.memory_space<hbm>>
    tpu.wait_dma2 semaphore(%dma_wait3A_493 : memref<!tpu.dma_semaphore, #tpu.memory_space<semaphore_mem>>) src(%dma_wait3A_500 : memref<16x1024xf32, #tpu.memory_space<hbm>>) dst(%dma_wait3A_497 : memref<16x1024xf32, #tpu.memory_space<vmem>>)
    %scan3A_501 = arith.constant 1 : i32
    %scan3A_502 = arith.constant 0 : i32
    %scan3A_503 = arith.constant 0 : i32
    %scan3A_504 = arith.constant 16 : i32
    %scan3A_505 = arith.addi %scan3A_503, %scan3A_504 : i32
    %scan3A_506 = arith.constant 1 : i32
    %scan3A_507 = scf.for %scan3A_1408 = %scan3A_503 to %scan3A_505 step %scan3A_506 iter_args(%scan3A_1409 = %scan3A_502) -> (i32)  : i32 {
      %add3A_1410 = arith.constant 16 : i32
      %add3A_1411 = arith.addi %add3A_1410, %scan3A_1408 : i32
      %parallel_loop3A = arith.constant 0 : i32
      %parallel_loop3A_1412 = arith.constant 1024 : i32
      %parallel_loop3A_1413 = arith.constant 16 : i32
      scf.for %parallel_loop3A_1415 = %parallel_loop3A to %parallel_loop3A_1412 step %parallel_loop3A_1413  : i32 {
        %parallel_loop3A_1416 = arith.constant 0 : i32
        %parallel_loop3A_1417 = arith.constant 0 : i32
        %parallel_loop3A_1418 = tpu.memref_slice %arg6[%scan3A_501, %parallel_loop3A_1416, %parallel_loop3A_1417] : memref<2x16x1024xf32, #tpu.memory_space<vmem>> -> memref<1x16x1024xf32, #tpu.memory_space<vmem>>
        %parallel_loop3A_1419 = tpu.memref_squeeze %parallel_loop3A_1418 : memref<1x16x1024xf32, #tpu.memory_space<vmem>> -> memref<16x1024xf32, #tpu.memory_space<vmem>>
        %parallel_loop3A_1420 = arith.index_cast %scan3A_1408 : i32 to index
        %parallel_loop3A_1421 = arith.index_cast %parallel_loop3A_1415 : i32 to index
        %parallel_loop3A_1422 = tpu.vector_load %parallel_loop3A_1419[%parallel_loop3A_1420, %parallel_loop3A_1421] {strides = array<i32>} : memref<16x1024xf32, #tpu.memory_space<vmem>>, vector<1x16xf32>,
        %parallel_loop3A_1423 = vector.shape_cast %parallel_loop3A_1422 : vector<1x16xf32> to vector<16xf32>
        %parallel_loop3A_1424 = arith.index_cast %add3A_1411 : i32 to index
        %parallel_loop3A_1425 = arith.index_cast %parallel_loop3A_1415 : i32 to index
        %parallel_loop3A_1426 = tpu.vector_load %arg5[%parallel_loop3A_1424, %parallel_loop3A_1425] {strides = array<i32>} : memref<64x1024xf32, #tpu.memory_space<vmem>>, vector<1x16xf32>,
        %parallel_loop3A_1427 = vector.shape_cast %parallel_loop3A_1426 : vector<1x16xf32> to vector<16xf32>
        %parallel_loop3A_1428 = arith.addf %parallel_loop3A_1423, %parallel_loop3A_1427 : vector<16xf32>
        %parallel_loop3A_1429 = arith.constant 0 : i32
        %parallel_loop3A_1430 = arith.constant 0 : i32
        %parallel_loop3A_1431 = tpu.memref_slice %arg6[%scan3A_501, %parallel_loop3A_1429, %parallel_loop3A_1430] : memref<2x16x1024xf32, #tpu.memory_space<vmem>> -> memref<1x16x1024xf32, #tpu.memory_space<vmem>>
        %parallel_loop3A_1432 = tpu.memref_squeeze %parallel_loop3A_1431 : memref<1x16x1024xf32, #tpu.memory_space<vmem>> -> memref<16x1024xf32, #tpu.memory_space<vmem>>
        %parallel_loop3A_1433 = arith.index_cast %scan3A_1408 : i32 to index
        %parallel_loop3A_1434 = arith.index_cast %parallel_loop3A_1415 : i32 to index
        %parallel_loop3A_1435 = tpu.vector_load %parallel_loop3A_1432[%parallel_loop3A_1433, %parallel_loop3A_1434] {strides = array<i32>} : memref<16x1024xf32, #tpu.memory_space<vmem>>, vector<1x16xf32>,
        %parallel_loop3A_1436 = vector.shape_cast %parallel_loop3A_1435 : vector<1x16xf32> to vector<16xf32>
        %parallel_loop3A_1437 = vector.shape_cast %parallel_loop3A_1428 : vector<16xf32> to vector<1x16xf32>
        tpu.vector_store %parallel_loop3A_1432[%parallel_loop3A_1433, %parallel_loop3A_1434], %parallel_loop3A_1437 {strides = array<i32>} : memref<16x1024xf32, #tpu.memory_space<vmem>>, vector<1x16xf32>,
      } {sc.loop_unroll_factor = 8 : i64, sc.parallel_access}
      %scan3A_1414 = arith.constant 0 : i32
      scf.yield %scan3A_1414 : i32
    }
    %scan3A_508 = arith.constant 16 : i32
    %add3A_509 = arith.constant 16 : i32
    %add3A_510 = arith.addi %mul3A_2, %add3A_509 : i32
    %dma_start3A_511 = arith.constant 1 : i32
    %dma_start3A_512 = arith.constant 1 : i32
    %dma_start3A_513 = arith.constant 1 : i32
    %dma_start3A_514 = arith.constant 0 : i32
    %dma_start3A_515 = arith.constant 0 : i32
    %dma_start3A_516 = tpu.memref_slice %arg6[%dma_start3A_511, %dma_start3A_514, %dma_start3A_515] : memref<2x16x1024xf32, #tpu.memory_space<vmem>> -> memref<1x16x1024xf32, #tpu.memory_space<vmem>>
    %dma_start3A_517 = tpu.memref_squeeze %dma_start3A_516 : memref<1x16x1024xf32, #tpu.memory_space<vmem>> -> memref<16x1024xf32, #tpu.memory_space<vmem>>
    %dma_start3A_518 = arith.constant 0 : i32
    %dma_start3A_519 = tpu.memref_slice %arg4[%dma_start3A_512, %add3A_510, %dma_start3A_518] : memref<4x2048x1024xf32, #tpu.memory_space<hbm>> -> memref<1x16x1024xf32, #tpu.memory_space<hbm>>
    %dma_start3A_520 = tpu.memref_squeeze %dma_start3A_519 : memref<1x16x1024xf32, #tpu.memory_space<hbm>> -> memref<16x1024xf32, #tpu.memory_space<hbm>>
    %dma_start3A_521 = tpu.memref_slice %arg8[%dma_start3A_513] : memref<2x!tpu.dma_semaphore, #tpu.memory_space<semaphore_mem>> -> memref<1x!tpu.dma_semaphore, #tpu.memory_space<semaphore_mem>>
    %dma_start3A_522 = tpu.memref_squeeze %dma_start3A_521 : memref<1x!tpu.dma_semaphore, #tpu.memory_space<semaphore_mem>> -> memref<!tpu.dma_semaphore, #tpu.memory_space<semaphore_mem>>
    %dma_start3A_523 = arith.constant 0 : i32
    %dma_start3A_524 = tpu.memref_slice %arg4[%dma_start3A_512, %add3A_510, %dma_start3A_523] : memref<4x2048x1024xf32, #tpu.memory_space<hbm>> -> memref<1x16x1024xf32, #tpu.memory_space<hbm>>
    %dma_start3A_525 = tpu.memref_squeeze %dma_start3A_524 : memref<1x16x1024xf32, #tpu.memory_space<hbm>> -> memref<16x1024xf32, #tpu.memory_space<hbm>>
    %dma_start3A_526 = arith.constant 0 : i32
    %dma_start3A_527 = arith.constant 0 : i32
    %dma_start3A_528 = tpu.memref_slice %arg6[%dma_start3A_511, %dma_start3A_526, %dma_start3A_527] : memref<2x16x1024xf32, #tpu.memory_space<vmem>> -> memref<1x16x1024xf32, #tpu.memory_space<vmem>>
    %dma_start3A_529 = tpu.memref_squeeze %dma_start3A_528 : memref<1x16x1024xf32, #tpu.memory_space<vmem>> -> memref<16x1024xf32, #tpu.memory_space<vmem>>
    tpu.enqueue_dma source(%dma_start3A_529 : memref<16x1024xf32, #tpu.memory_space<vmem>>) target(%dma_start3A_525 : memref<16x1024xf32, #tpu.memory_space<hbm>>) target_semaphore(%dma_start3A_522 : memref<!tpu.dma_semaphore, #tpu.memory_space<semaphore_mem>>)
    %dma_wait3A_530 = arith.constant 1 : i32
    %dma_wait3A_531 = arith.constant 1 : i32
    %dma_wait3A_532 = arith.constant 1 : i32
    %dma_wait3A_533 = arith.constant 0 : i32
    %dma_wait3A_534 = arith.constant 0 : i32
    %dma_wait3A_535 = tpu.memref_slice %arg6[%dma_wait3A_530, %dma_wait3A_533, %dma_wait3A_534] : memref<2x16x1024xf32, #tpu.memory_space<vmem>> -> memref<1x16x1024xf32, #tpu.memory_space<vmem>>
    %dma_wait3A_536 = tpu.memref_squeeze %dma_wait3A_535 : memref<1x16x1024xf32, #tpu.memory_space<vmem>> -> memref<16x1024xf32, #tpu.memory_space<vmem>>
    %dma_wait3A_537 = arith.constant 0 : i32
    %dma_wait3A_538 = tpu.memref_slice %arg4[%dma_wait3A_531, %add3A_510, %dma_wait3A_537] : memref<4x2048x1024xf32, #tpu.memory_space<hbm>> -> memref<1x16x1024xf32, #tpu.memory_space<hbm>>
    %dma_wait3A_539 = tpu.memref_squeeze %dma_wait3A_538 : memref<1x16x1024xf32, #tpu.memory_space<hbm>> -> memref<16x1024xf32, #tpu.memory_space<hbm>>
    %dma_wait3A_540 = tpu.memref_slice %arg8[%dma_wait3A_532] : memref<2x!tpu.dma_semaphore, #tpu.memory_space<semaphore_mem>> -> memref<1x!tpu.dma_semaphore, #tpu.memory_space<semaphore_mem>>
    %dma_wait3A_541 = tpu.memref_squeeze %dma_wait3A_540 : memref<1x!tpu.dma_semaphore, #tpu.memory_space<semaphore_mem>> -> memref<!tpu.dma_semaphore, #tpu.memory_space<semaphore_mem>>
    %dma_wait3A_542 = arith.constant 0 : i32
    %dma_wait3A_543 = tpu.memref_slice %arg4[%dma_wait3A_531, %add3A_510, %dma_wait3A_542] : memref<4x2048x1024xf32, #tpu.memory_space<hbm>> -> memref<1x16x1024xf32, #tpu.memory_space<hbm>>
    %dma_wait3A_544 = tpu.memref_squeeze %dma_wait3A_543 : memref<1x16x1024xf32, #tpu.memory_space<hbm>> -> memref<16x1024xf32, #tpu.memory_space<hbm>>
    %dma_wait3A_545 = arith.constant 0 : i32
    %dma_wait3A_546 = arith.constant 0 : i32
    %dma_wait3A_547 = tpu.memref_slice %arg6[%dma_wait3A_530, %dma_wait3A_545, %dma_wait3A_546] : memref<2x16x1024xf32, #tpu.memory_space<vmem>> -> memref<1x16x1024xf32, #tpu.memory_space<vmem>>
    %dma_wait3A_548 = tpu.memref_squeeze %dma_wait3A_547 : memref<1x16x1024xf32, #tpu.memory_space<vmem>> -> memref<16x1024xf32, #tpu.memory_space<vmem>>
    tpu.wait_dma2 semaphore(%dma_wait3A_541 : memref<!tpu.dma_semaphore, #tpu.memory_space<semaphore_mem>>) src(%dma_wait3A_548 : memref<16x1024xf32, #tpu.memory_space<vmem>>) dst(%dma_wait3A_544 : memref<16x1024xf32, #tpu.memory_space<hbm>>)
    %add3A_549 = arith.constant 48 : i32
    %add3A_550 = arith.addi %mul3A_2, %add3A_549 : i32
    %dma_start3A_551 = arith.constant 1 : i32
    %dma_start3A_552 = arith.constant 1 : i32
    %dma_start3A_553 = arith.constant 1 : i32
    %dma_start3A_554 = arith.constant 0 : i32
    %dma_start3A_555 = arith.constant 0 : i32
    %dma_start3A_556 = tpu.memref_slice %arg6[%dma_start3A_552, %dma_start3A_554, %dma_start3A_555] : memref<2x16x1024xf32, #tpu.memory_space<vmem>> -> memref<1x16x1024xf32, #tpu.memory_space<vmem>>
    %dma_start3A_557 = tpu.memref_squeeze %dma_start3A_556 : memref<1x16x1024xf32, #tpu.memory_space<vmem>> -> memref<16x1024xf32, #tpu.memory_space<vmem>>
    %dma_start3A_558 = arith.constant 0 : i32
    %dma_start3A_559 = tpu.memref_slice %arg2[%dma_start3A_551, %add3A_550, %dma_start3A_558] : memref<4x2048x1024xf32, #tpu.memory_space<hbm>> -> memref<1x16x1024xf32, #tpu.memory_space<hbm>>
    %dma_start3A_560 = tpu.memref_squeeze %dma_start3A_559 : memref<1x16x1024xf32, #tpu.memory_space<hbm>> -> memref<16x1024xf32, #tpu.memory_space<hbm>>
    %dma_start3A_561 = tpu.memref_slice %arg7[%dma_start3A_553] : memref<2x!tpu.dma_semaphore, #tpu.memory_space<semaphore_mem>> -> memref<1x!tpu.dma_semaphore, #tpu.memory_space<semaphore_mem>>
    %dma_start3A_562 = tpu.memref_squeeze %dma_start3A_561 : memref<1x!tpu.dma_semaphore, #tpu.memory_space<semaphore_mem>> -> memref<!tpu.dma_semaphore, #tpu.memory_space<semaphore_mem>>
    %dma_start3A_563 = arith.constant 0 : i32
    %dma_start3A_564 = arith.constant 0 : i32
    %dma_start3A_565 = tpu.memref_slice %arg6[%dma_start3A_552, %dma_start3A_563, %dma_start3A_564] : memref<2x16x1024xf32, #tpu.memory_space<vmem>> -> memref<1x16x1024xf32, #tpu.memory_space<vmem>>
    %dma_start3A_566 = tpu.memref_squeeze %dma_start3A_565 : memref<1x16x1024xf32, #tpu.memory_space<vmem>> -> memref<16x1024xf32, #tpu.memory_space<vmem>>
    %dma_start3A_567 = arith.constant 0 : i32
    %dma_start3A_568 = tpu.memref_slice %arg2[%dma_start3A_551, %add3A_550, %dma_start3A_567] : memref<4x2048x1024xf32, #tpu.memory_space<hbm>> -> memref<1x16x1024xf32, #tpu.memory_space<hbm>>
    %dma_start3A_569 = tpu.memref_squeeze %dma_start3A_568 : memref<1x16x1024xf32, #tpu.memory_space<hbm>> -> memref<16x1024xf32, #tpu.memory_space<hbm>>
    tpu.enqueue_dma source(%dma_start3A_569 : memref<16x1024xf32, #tpu.memory_space<hbm>>) target(%dma_start3A_566 : memref<16x1024xf32, #tpu.memory_space<vmem>>) target_semaphore(%dma_start3A_562 : memref<!tpu.dma_semaphore, #tpu.memory_space<semaphore_mem>>)
    %dma_wait3A_570 = arith.constant 1 : i32
    %dma_wait3A_571 = arith.constant 0 : i32
    %dma_wait3A_572 = arith.constant 0 : i32
    %dma_wait3A_573 = arith.constant 0 : i32
    %dma_wait3A_574 = arith.constant 0 : i32
    %dma_wait3A_575 = tpu.memref_slice %arg6[%dma_wait3A_571, %dma_wait3A_573, %dma_wait3A_574] : memref<2x16x1024xf32, #tpu.memory_space<vmem>> -> memref<1x16x1024xf32, #tpu.memory_space<vmem>>
    %dma_wait3A_576 = tpu.memref_squeeze %dma_wait3A_575 : memref<1x16x1024xf32, #tpu.memory_space<vmem>> -> memref<16x1024xf32, #tpu.memory_space<vmem>>
    %dma_wait3A_577 = arith.constant 0 : i32
    %dma_wait3A_578 = tpu.memref_slice %arg2[%dma_wait3A_570, %add3A_462, %dma_wait3A_577] : memref<4x2048x1024xf32, #tpu.memory_space<hbm>> -> memref<1x16x1024xf32, #tpu.memory_space<hbm>>
    %dma_wait3A_579 = tpu.memref_squeeze %dma_wait3A_578 : memref<1x16x1024xf32, #tpu.memory_space<hbm>> -> memref<16x1024xf32, #tpu.memory_space<hbm>>
    %dma_wait3A_580 = tpu.memref_slice %arg7[%dma_wait3A_572] : memref<2x!tpu.dma_semaphore, #tpu.memory_space<semaphore_mem>> -> memref<1x!tpu.dma_semaphore, #tpu.memory_space<semaphore_mem>>
    %dma_wait3A_581 = tpu.memref_squeeze %dma_wait3A_580 : memref<1x!tpu.dma_semaphore, #tpu.memory_space<semaphore_mem>> -> memref<!tpu.dma_semaphore, #tpu.memory_space<semaphore_mem>>
    %dma_wait3A_582 = arith.constant 0 : i32
    %dma_wait3A_583 = arith.constant 0 : i32
    %dma_wait3A_584 = tpu.memref_slice %arg6[%dma_wait3A_571, %dma_wait3A_582, %dma_wait3A_583] : memref<2x16x1024xf32, #tpu.memory_space<vmem>> -> memref<1x16x1024xf32, #tpu.memory_space<vmem>>
    %dma_wait3A_585 = tpu.memref_squeeze %dma_wait3A_584 : memref<1x16x1024xf32, #tpu.memory_space<vmem>> -> memref<16x1024xf32, #tpu.memory_space<vmem>>
    %dma_wait3A_586 = arith.constant 0 : i32
    %dma_wait3A_587 = tpu.memref_slice %arg2[%dma_wait3A_570, %add3A_462, %dma_wait3A_586] : memref<4x2048x1024xf32, #tpu.memory_space<hbm>> -> memref<1x16x1024xf32, #tpu.memory_space<hbm>>
    %dma_wait3A_588 = tpu.memref_squeeze %dma_wait3A_587 : memref<1x16x1024xf32, #tpu.memory_space<hbm>> -> memref<16x1024xf32, #tpu.memory_space<hbm>>
    tpu.wait_dma2 semaphore(%dma_wait3A_581 : memref<!tpu.dma_semaphore, #tpu.memory_space<semaphore_mem>>) src(%dma_wait3A_588 : memref<16x1024xf32, #tpu.memory_space<hbm>>) dst(%dma_wait3A_585 : memref<16x1024xf32, #tpu.memory_space<vmem>>)
    %scan3A_589 = arith.constant 0 : i32
    %scan3A_590 = arith.constant 0 : i32
    %scan3A_591 = arith.constant 0 : i32
    %scan3A_592 = arith.constant 16 : i32
    %scan3A_593 = arith.addi %scan3A_591, %scan3A_592 : i32
    %scan3A_594 = arith.constant 1 : i32
    %scan3A_595 = scf.for %scan3A_1408 = %scan3A_591 to %scan3A_593 step %scan3A_594 iter_args(%scan3A_1409 = %scan3A_590) -> (i32)  : i32 {
      %add3A_1410 = arith.constant 32 : i32
      %add3A_1411 = arith.addi %add3A_1410, %scan3A_1408 : i32
      %parallel_loop3A = arith.constant 0 : i32
      %parallel_loop3A_1412 = arith.constant 1024 : i32
      %parallel_loop3A_1413 = arith.constant 16 : i32
      scf.for %parallel_loop3A_1415 = %parallel_loop3A to %parallel_loop3A_1412 step %parallel_loop3A_1413  : i32 {
        %parallel_loop3A_1416 = arith.constant 0 : i32
        %parallel_loop3A_1417 = arith.constant 0 : i32
        %parallel_loop3A_1418 = tpu.memref_slice %arg6[%scan3A_589, %parallel_loop3A_1416, %parallel_loop3A_1417] : memref<2x16x1024xf32, #tpu.memory_space<vmem>> -> memref<1x16x1024xf32, #tpu.memory_space<vmem>>
        %parallel_loop3A_1419 = tpu.memref_squeeze %parallel_loop3A_1418 : memref<1x16x1024xf32, #tpu.memory_space<vmem>> -> memref<16x1024xf32, #tpu.memory_space<vmem>>
        %parallel_loop3A_1420 = arith.index_cast %scan3A_1408 : i32 to index
        %parallel_loop3A_1421 = arith.index_cast %parallel_loop3A_1415 : i32 to index
        %parallel_loop3A_1422 = tpu.vector_load %parallel_loop3A_1419[%parallel_loop3A_1420, %parallel_loop3A_1421] {strides = array<i32>} : memref<16x1024xf32, #tpu.memory_space<vmem>>, vector<1x16xf32>,
        %parallel_loop3A_1423 = vector.shape_cast %parallel_loop3A_1422 : vector<1x16xf32> to vector<16xf32>
        %parallel_loop3A_1424 = arith.index_cast %add3A_1411 : i32 to index
        %parallel_loop3A_1425 = arith.index_cast %parallel_loop3A_1415 : i32 to index
        %parallel_loop3A_1426 = tpu.vector_load %arg5[%parallel_loop3A_1424, %parallel_loop3A_1425] {strides = array<i32>} : memref<64x1024xf32, #tpu.memory_space<vmem>>, vector<1x16xf32>,
        %parallel_loop3A_1427 = vector.shape_cast %parallel_loop3A_1426 : vector<1x16xf32> to vector<16xf32>
        %parallel_loop3A_1428 = arith.addf %parallel_loop3A_1423, %parallel_loop3A_1427 : vector<16xf32>
        %parallel_loop3A_1429 = arith.constant 0 : i32
        %parallel_loop3A_1430 = arith.constant 0 : i32
        %parallel_loop3A_1431 = tpu.memref_slice %arg6[%scan3A_589, %parallel_loop3A_1429, %parallel_loop3A_1430] : memref<2x16x1024xf32, #tpu.memory_space<vmem>> -> memref<1x16x1024xf32, #tpu.memory_space<vmem>>
        %parallel_loop3A_1432 = tpu.memref_squeeze %parallel_loop3A_1431 : memref<1x16x1024xf32, #tpu.memory_space<vmem>> -> memref<16x1024xf32, #tpu.memory_space<vmem>>
        %parallel_loop3A_1433 = arith.index_cast %scan3A_1408 : i32 to index
        %parallel_loop3A_1434 = arith.index_cast %parallel_loop3A_1415 : i32 to index
        %parallel_loop3A_1435 = tpu.vector_load %parallel_loop3A_1432[%parallel_loop3A_1433, %parallel_loop3A_1434] {strides = array<i32>} : memref<16x1024xf32, #tpu.memory_space<vmem>>, vector<1x16xf32>,
        %parallel_loop3A_1436 = vector.shape_cast %parallel_loop3A_1435 : vector<1x16xf32> to vector<16xf32>
        %parallel_loop3A_1437 = vector.shape_cast %parallel_loop3A_1428 : vector<16xf32> to vector<1x16xf32>
        tpu.vector_store %parallel_loop3A_1432[%parallel_loop3A_1433, %parallel_loop3A_1434], %parallel_loop3A_1437 {strides = array<i32>} : memref<16x1024xf32, #tpu.memory_space<vmem>>, vector<1x16xf32>,
      } {sc.loop_unroll_factor = 8 : i64, sc.parallel_access}
      %scan3A_1414 = arith.constant 0 : i32
      scf.yield %scan3A_1414 : i32
    }
    %scan3A_596 = arith.constant 16 : i32
    %add3A_597 = arith.constant 32 : i32
    %add3A_598 = arith.addi %mul3A_2, %add3A_597 : i32
    %dma_start3A_599 = arith.constant 0 : i32
    %dma_start3A_600 = arith.constant 1 : i32
    %dma_start3A_601 = arith.constant 0 : i32
    %dma_start3A_602 = arith.constant 0 : i32
    %dma_start3A_603 = arith.constant 0 : i32
    %dma_start3A_604 = tpu.memref_slice %arg6[%dma_start3A_599, %dma_start3A_602, %dma_start3A_603] : memref<2x16x1024xf32, #tpu.memory_space<vmem>> -> memref<1x16x1024xf32, #tpu.memory_space<vmem>>
    %dma_start3A_605 = tpu.memref_squeeze %dma_start3A_604 : memref<1x16x1024xf32, #tpu.memory_space<vmem>> -> memref<16x1024xf32, #tpu.memory_space<vmem>>
    %dma_start3A_606 = arith.constant 0 : i32
    %dma_start3A_607 = tpu.memref_slice %arg4[%dma_start3A_600, %add3A_598, %dma_start3A_606] : memref<4x2048x1024xf32, #tpu.memory_space<hbm>> -> memref<1x16x1024xf32, #tpu.memory_space<hbm>>
    %dma_start3A_608 = tpu.memref_squeeze %dma_start3A_607 : memref<1x16x1024xf32, #tpu.memory_space<hbm>> -> memref<16x1024xf32, #tpu.memory_space<hbm>>
    %dma_start3A_609 = tpu.memref_slice %arg8[%dma_start3A_601] : memref<2x!tpu.dma_semaphore, #tpu.memory_space<semaphore_mem>> -> memref<1x!tpu.dma_semaphore, #tpu.memory_space<semaphore_mem>>
    %dma_start3A_610 = tpu.memref_squeeze %dma_start3A_609 : memref<1x!tpu.dma_semaphore, #tpu.memory_space<semaphore_mem>> -> memref<!tpu.dma_semaphore, #tpu.memory_space<semaphore_mem>>
    %dma_start3A_611 = arith.constant 0 : i32
    %dma_start3A_612 = tpu.memref_slice %arg4[%dma_start3A_600, %add3A_598, %dma_start3A_611] : memref<4x2048x1024xf32, #tpu.memory_space<hbm>> -> memref<1x16x1024xf32, #tpu.memory_space<hbm>>
    %dma_start3A_613 = tpu.memref_squeeze %dma_start3A_612 : memref<1x16x1024xf32, #tpu.memory_space<hbm>> -> memref<16x1024xf32, #tpu.memory_space<hbm>>
    %dma_start3A_614 = arith.constant 0 : i32
    %dma_start3A_615 = arith.constant 0 : i32
    %dma_start3A_616 = tpu.memref_slice %arg6[%dma_start3A_599, %dma_start3A_614, %dma_start3A_615] : memref<2x16x1024xf32, #tpu.memory_space<vmem>> -> memref<1x16x1024xf32, #tpu.memory_space<vmem>>
    %dma_start3A_617 = tpu.memref_squeeze %dma_start3A_616 : memref<1x16x1024xf32, #tpu.memory_space<vmem>> -> memref<16x1024xf32, #tpu.memory_space<vmem>>
    tpu.enqueue_dma source(%dma_start3A_617 : memref<16x1024xf32, #tpu.memory_space<vmem>>) target(%dma_start3A_613 : memref<16x1024xf32, #tpu.memory_space<hbm>>) target_semaphore(%dma_start3A_610 : memref<!tpu.dma_semaphore, #tpu.memory_space<semaphore_mem>>)
    %dma_wait3A_618 = arith.constant 0 : i32
    %dma_wait3A_619 = arith.constant 1 : i32
    %dma_wait3A_620 = arith.constant 0 : i32
    %dma_wait3A_621 = arith.constant 0 : i32
    %dma_wait3A_622 = arith.constant 0 : i32
    %dma_wait3A_623 = tpu.memref_slice %arg6[%dma_wait3A_618, %dma_wait3A_621, %dma_wait3A_622] : memref<2x16x1024xf32, #tpu.memory_space<vmem>> -> memref<1x16x1024xf32, #tpu.memory_space<vmem>>
    %dma_wait3A_624 = tpu.memref_squeeze %dma_wait3A_623 : memref<1x16x1024xf32, #tpu.memory_space<vmem>> -> memref<16x1024xf32, #tpu.memory_space<vmem>>
    %dma_wait3A_625 = arith.constant 0 : i32
    %dma_wait3A_626 = tpu.memref_slice %arg4[%dma_wait3A_619, %add3A_598, %dma_wait3A_625] : memref<4x2048x1024xf32, #tpu.memory_space<hbm>> -> memref<1x16x1024xf32, #tpu.memory_space<hbm>>
    %dma_wait3A_627 = tpu.memref_squeeze %dma_wait3A_626 : memref<1x16x1024xf32, #tpu.memory_space<hbm>> -> memref<16x1024xf32, #tpu.memory_space<hbm>>
    %dma_wait3A_628 = tpu.memref_slice %arg8[%dma_wait3A_620] : memref<2x!tpu.dma_semaphore, #tpu.memory_space<semaphore_mem>> -> memref<1x!tpu.dma_semaphore, #tpu.memory_space<semaphore_mem>>
    %dma_wait3A_629 = tpu.memref_squeeze %dma_wait3A_628 : memref<1x!tpu.dma_semaphore, #tpu.memory_space<semaphore_mem>> -> memref<!tpu.dma_semaphore, #tpu.memory_space<semaphore_mem>>
    %dma_wait3A_630 = arith.constant 0 : i32
    %dma_wait3A_631 = tpu.memref_slice %arg4[%dma_wait3A_619, %add3A_598, %dma_wait3A_630] : memref<4x2048x1024xf32, #tpu.memory_space<hbm>> -> memref<1x16x1024xf32, #tpu.memory_space<hbm>>
    %dma_wait3A_632 = tpu.memref_squeeze %dma_wait3A_631 : memref<1x16x1024xf32, #tpu.memory_space<hbm>> -> memref<16x1024xf32, #tpu.memory_space<hbm>>
    %dma_wait3A_633 = arith.constant 0 : i32
    %dma_wait3A_634 = arith.constant 0 : i32
    %dma_wait3A_635 = tpu.memref_slice %arg6[%dma_wait3A_618, %dma_wait3A_633, %dma_wait3A_634] : memref<2x16x1024xf32, #tpu.memory_space<vmem>> -> memref<1x16x1024xf32, #tpu.memory_space<vmem>>
    %dma_wait3A_636 = tpu.memref_squeeze %dma_wait3A_635 : memref<1x16x1024xf32, #tpu.memory_space<vmem>> -> memref<16x1024xf32, #tpu.memory_space<vmem>>
    tpu.wait_dma2 semaphore(%dma_wait3A_629 : memref<!tpu.dma_semaphore, #tpu.memory_space<semaphore_mem>>) src(%dma_wait3A_636 : memref<16x1024xf32, #tpu.memory_space<vmem>>) dst(%dma_wait3A_632 : memref<16x1024xf32, #tpu.memory_space<hbm>>)
    %add3A_637 = arith.constant 0 : i32
    %add3A_638 = arith.addi %mul3A_2, %add3A_637 : i32
    %dma_start3A_639 = arith.constant 2 : i32
    %dma_start3A_640 = arith.constant 0 : i32
    %dma_start3A_641 = arith.constant 0 : i32
    %dma_start3A_642 = arith.constant 0 : i32
    %dma_start3A_643 = arith.constant 0 : i32
    %dma_start3A_644 = tpu.memref_slice %arg6[%dma_start3A_640, %dma_start3A_642, %dma_start3A_643] : memref<2x16x1024xf32, #tpu.memory_space<vmem>> -> memref<1x16x1024xf32, #tpu.memory_space<vmem>>
    %dma_start3A_645 = tpu.memref_squeeze %dma_start3A_644 : memref<1x16x1024xf32, #tpu.memory_space<vmem>> -> memref<16x1024xf32, #tpu.memory_space<vmem>>
    %dma_start3A_646 = arith.constant 0 : i32
    %dma_start3A_647 = tpu.memref_slice %arg2[%dma_start3A_639, %add3A_638, %dma_start3A_646] : memref<4x2048x1024xf32, #tpu.memory_space<hbm>> -> memref<1x16x1024xf32, #tpu.memory_space<hbm>>
    %dma_start3A_648 = tpu.memref_squeeze %dma_start3A_647 : memref<1x16x1024xf32, #tpu.memory_space<hbm>> -> memref<16x1024xf32, #tpu.memory_space<hbm>>
    %dma_start3A_649 = tpu.memref_slice %arg7[%dma_start3A_641] : memref<2x!tpu.dma_semaphore, #tpu.memory_space<semaphore_mem>> -> memref<1x!tpu.dma_semaphore, #tpu.memory_space<semaphore_mem>>
    %dma_start3A_650 = tpu.memref_squeeze %dma_start3A_649 : memref<1x!tpu.dma_semaphore, #tpu.memory_space<semaphore_mem>> -> memref<!tpu.dma_semaphore, #tpu.memory_space<semaphore_mem>>
    %dma_start3A_651 = arith.constant 0 : i32
    %dma_start3A_652 = arith.constant 0 : i32
    %dma_start3A_653 = tpu.memref_slice %arg6[%dma_start3A_640, %dma_start3A_651, %dma_start3A_652] : memref<2x16x1024xf32, #tpu.memory_space<vmem>> -> memref<1x16x1024xf32, #tpu.memory_space<vmem>>
    %dma_start3A_654 = tpu.memref_squeeze %dma_start3A_653 : memref<1x16x1024xf32, #tpu.memory_space<vmem>> -> memref<16x1024xf32, #tpu.memory_space<vmem>>
    %dma_start3A_655 = arith.constant 0 : i32
    %dma_start3A_656 = tpu.memref_slice %arg2[%dma_start3A_639, %add3A_638, %dma_start3A_655] : memref<4x2048x1024xf32, #tpu.memory_space<hbm>> -> memref<1x16x1024xf32, #tpu.memory_space<hbm>>
    %dma_start3A_657 = tpu.memref_squeeze %dma_start3A_656 : memref<1x16x1024xf32, #tpu.memory_space<hbm>> -> memref<16x1024xf32, #tpu.memory_space<hbm>>
    tpu.enqueue_dma source(%dma_start3A_657 : memref<16x1024xf32, #tpu.memory_space<hbm>>) target(%dma_start3A_654 : memref<16x1024xf32, #tpu.memory_space<vmem>>) target_semaphore(%dma_start3A_650 : memref<!tpu.dma_semaphore, #tpu.memory_space<semaphore_mem>>)
    %dma_wait3A_658 = arith.constant 1 : i32
    %dma_wait3A_659 = arith.constant 1 : i32
    %dma_wait3A_660 = arith.constant 1 : i32
    %dma_wait3A_661 = arith.constant 0 : i32
    %dma_wait3A_662 = arith.constant 0 : i32
    %dma_wait3A_663 = tpu.memref_slice %arg6[%dma_wait3A_659, %dma_wait3A_661, %dma_wait3A_662] : memref<2x16x1024xf32, #tpu.memory_space<vmem>> -> memref<1x16x1024xf32, #tpu.memory_space<vmem>>
    %dma_wait3A_664 = tpu.memref_squeeze %dma_wait3A_663 : memref<1x16x1024xf32, #tpu.memory_space<vmem>> -> memref<16x1024xf32, #tpu.memory_space<vmem>>
    %dma_wait3A_665 = arith.constant 0 : i32
    %dma_wait3A_666 = tpu.memref_slice %arg2[%dma_wait3A_658, %add3A_550, %dma_wait3A_665] : memref<4x2048x1024xf32, #tpu.memory_space<hbm>> -> memref<1x16x1024xf32, #tpu.memory_space<hbm>>
    %dma_wait3A_667 = tpu.memref_squeeze %dma_wait3A_666 : memref<1x16x1024xf32, #tpu.memory_space<hbm>> -> memref<16x1024xf32, #tpu.memory_space<hbm>>
    %dma_wait3A_668 = tpu.memref_slice %arg7[%dma_wait3A_660] : memref<2x!tpu.dma_semaphore, #tpu.memory_space<semaphore_mem>> -> memref<1x!tpu.dma_semaphore, #tpu.memory_space<semaphore_mem>>
    %dma_wait3A_669 = tpu.memref_squeeze %dma_wait3A_668 : memref<1x!tpu.dma_semaphore, #tpu.memory_space<semaphore_mem>> -> memref<!tpu.dma_semaphore, #tpu.memory_space<semaphore_mem>>
    %dma_wait3A_670 = arith.constant 0 : i32
    %dma_wait3A_671 = arith.constant 0 : i32
    %dma_wait3A_672 = tpu.memref_slice %arg6[%dma_wait3A_659, %dma_wait3A_670, %dma_wait3A_671] : memref<2x16x1024xf32, #tpu.memory_space<vmem>> -> memref<1x16x1024xf32, #tpu.memory_space<vmem>>
    %dma_wait3A_673 = tpu.memref_squeeze %dma_wait3A_672 : memref<1x16x1024xf32, #tpu.memory_space<vmem>> -> memref<16x1024xf32, #tpu.memory_space<vmem>>
    %dma_wait3A_674 = arith.constant 0 : i32
    %dma_wait3A_675 = tpu.memref_slice %arg2[%dma_wait3A_658, %add3A_550, %dma_wait3A_674] : memref<4x2048x1024xf32, #tpu.memory_space<hbm>> -> memref<1x16x1024xf32, #tpu.memory_space<hbm>>
    %dma_wait3A_676 = tpu.memref_squeeze %dma_wait3A_675 : memref<1x16x1024xf32, #tpu.memory_space<hbm>> -> memref<16x1024xf32, #tpu.memory_space<hbm>>
    tpu.wait_dma2 semaphore(%dma_wait3A_669 : memref<!tpu.dma_semaphore, #tpu.memory_space<semaphore_mem>>) src(%dma_wait3A_676 : memref<16x1024xf32, #tpu.memory_space<hbm>>) dst(%dma_wait3A_673 : memref<16x1024xf32, #tpu.memory_space<vmem>>)
    %scan3A_677 = arith.constant 1 : i32
    %scan3A_678 = arith.constant 0 : i32
    %scan3A_679 = arith.constant 0 : i32
    %scan3A_680 = arith.constant 16 : i32
    %scan3A_681 = arith.addi %scan3A_679, %scan3A_680 : i32
    %scan3A_682 = arith.constant 1 : i32
    %scan3A_683 = scf.for %scan3A_1408 = %scan3A_679 to %scan3A_681 step %scan3A_682 iter_args(%scan3A_1409 = %scan3A_678) -> (i32)  : i32 {
      %add3A_1410 = arith.constant 48 : i32
      %add3A_1411 = arith.addi %add3A_1410, %scan3A_1408 : i32
      %parallel_loop3A = arith.constant 0 : i32
      %parallel_loop3A_1412 = arith.constant 1024 : i32
      %parallel_loop3A_1413 = arith.constant 16 : i32
      scf.for %parallel_loop3A_1415 = %parallel_loop3A to %parallel_loop3A_1412 step %parallel_loop3A_1413  : i32 {
        %parallel_loop3A_1416 = arith.constant 0 : i32
        %parallel_loop3A_1417 = arith.constant 0 : i32
        %parallel_loop3A_1418 = tpu.memref_slice %arg6[%scan3A_677, %parallel_loop3A_1416, %parallel_loop3A_1417] : memref<2x16x1024xf32, #tpu.memory_space<vmem>> -> memref<1x16x1024xf32, #tpu.memory_space<vmem>>
        %parallel_loop3A_1419 = tpu.memref_squeeze %parallel_loop3A_1418 : memref<1x16x1024xf32, #tpu.memory_space<vmem>> -> memref<16x1024xf32, #tpu.memory_space<vmem>>
        %parallel_loop3A_1420 = arith.index_cast %scan3A_1408 : i32 to index
        %parallel_loop3A_1421 = arith.index_cast %parallel_loop3A_1415 : i32 to index
        %parallel_loop3A_1422 = tpu.vector_load %parallel_loop3A_1419[%parallel_loop3A_1420, %parallel_loop3A_1421] {strides = array<i32>} : memref<16x1024xf32, #tpu.memory_space<vmem>>, vector<1x16xf32>,
        %parallel_loop3A_1423 = vector.shape_cast %parallel_loop3A_1422 : vector<1x16xf32> to vector<16xf32>
        %parallel_loop3A_1424 = arith.index_cast %add3A_1411 : i32 to index
        %parallel_loop3A_1425 = arith.index_cast %parallel_loop3A_1415 : i32 to index
        %parallel_loop3A_1426 = tpu.vector_load %arg5[%parallel_loop3A_1424, %parallel_loop3A_1425] {strides = array<i32>} : memref<64x1024xf32, #tpu.memory_space<vmem>>, vector<1x16xf32>,
        %parallel_loop3A_1427 = vector.shape_cast %parallel_loop3A_1426 : vector<1x16xf32> to vector<16xf32>
        %parallel_loop3A_1428 = arith.addf %parallel_loop3A_1423, %parallel_loop3A_1427 : vector<16xf32>
        %parallel_loop3A_1429 = arith.constant 0 : i32
        %parallel_loop3A_1430 = arith.constant 0 : i32
        %parallel_loop3A_1431 = tpu.memref_slice %arg6[%scan3A_677, %parallel_loop3A_1429, %parallel_loop3A_1430] : memref<2x16x1024xf32, #tpu.memory_space<vmem>> -> memref<1x16x1024xf32, #tpu.memory_space<vmem>>
        %parallel_loop3A_1432 = tpu.memref_squeeze %parallel_loop3A_1431 : memref<1x16x1024xf32, #tpu.memory_space<vmem>> -> memref<16x1024xf32, #tpu.memory_space<vmem>>
        %parallel_loop3A_1433 = arith.index_cast %scan3A_1408 : i32 to index
        %parallel_loop3A_1434 = arith.index_cast %parallel_loop3A_1415 : i32 to index
        %parallel_loop3A_1435 = tpu.vector_load %parallel_loop3A_1432[%parallel_loop3A_1433, %parallel_loop3A_1434] {strides = array<i32>} : memref<16x1024xf32, #tpu.memory_space<vmem>>, vector<1x16xf32>,
        %parallel_loop3A_1436 = vector.shape_cast %parallel_loop3A_1435 : vector<1x16xf32> to vector<16xf32>
        %parallel_loop3A_1437 = vector.shape_cast %parallel_loop3A_1428 : vector<16xf32> to vector<1x16xf32>
        tpu.vector_store %parallel_loop3A_1432[%parallel_loop3A_1433, %parallel_loop3A_1434], %parallel_loop3A_1437 {strides = array<i32>} : memref<16x1024xf32, #tpu.memory_space<vmem>>, vector<1x16xf32>,
      } {sc.loop_unroll_factor = 8 : i64, sc.parallel_access}
      %scan3A_1414 = arith.constant 0 : i32
      scf.yield %scan3A_1414 : i32
    }
    %scan3A_684 = arith.constant 16 : i32
    %add3A_685 = arith.constant 48 : i32
    %add3A_686 = arith.addi %mul3A_2, %add3A_685 : i32
    %dma_start3A_687 = arith.constant 1 : i32
    %dma_start3A_688 = arith.constant 1 : i32
    %dma_start3A_689 = arith.constant 1 : i32
    %dma_start3A_690 = arith.constant 0 : i32
    %dma_start3A_691 = arith.constant 0 : i32
    %dma_start3A_692 = tpu.memref_slice %arg6[%dma_start3A_687, %dma_start3A_690, %dma_start3A_691] : memref<2x16x1024xf32, #tpu.memory_space<vmem>> -> memref<1x16x1024xf32, #tpu.memory_space<vmem>>
    %dma_start3A_693 = tpu.memref_squeeze %dma_start3A_692 : memref<1x16x1024xf32, #tpu.memory_space<vmem>> -> memref<16x1024xf32, #tpu.memory_space<vmem>>
    %dma_start3A_694 = arith.constant 0 : i32
    %dma_start3A_695 = tpu.memref_slice %arg4[%dma_start3A_688, %add3A_686, %dma_start3A_694] : memref<4x2048x1024xf32, #tpu.memory_space<hbm>> -> memref<1x16x1024xf32, #tpu.memory_space<hbm>>
    %dma_start3A_696 = tpu.memref_squeeze %dma_start3A_695 : memref<1x16x1024xf32, #tpu.memory_space<hbm>> -> memref<16x1024xf32, #tpu.memory_space<hbm>>
    %dma_start3A_697 = tpu.memref_slice %arg8[%dma_start3A_689] : memref<2x!tpu.dma_semaphore, #tpu.memory_space<semaphore_mem>> -> memref<1x!tpu.dma_semaphore, #tpu.memory_space<semaphore_mem>>
    %dma_start3A_698 = tpu.memref_squeeze %dma_start3A_697 : memref<1x!tpu.dma_semaphore, #tpu.memory_space<semaphore_mem>> -> memref<!tpu.dma_semaphore, #tpu.memory_space<semaphore_mem>>
    %dma_start3A_699 = arith.constant 0 : i32
    %dma_start3A_700 = tpu.memref_slice %arg4[%dma_start3A_688, %add3A_686, %dma_start3A_699] : memref<4x2048x1024xf32, #tpu.memory_space<hbm>> -> memref<1x16x1024xf32, #tpu.memory_space<hbm>>
    %dma_start3A_701 = tpu.memref_squeeze %dma_start3A_700 : memref<1x16x1024xf32, #tpu.memory_space<hbm>> -> memref<16x1024xf32, #tpu.memory_space<hbm>>
    %dma_start3A_702 = arith.constant 0 : i32
    %dma_start3A_703 = arith.constant 0 : i32
    %dma_start3A_704 = tpu.memref_slice %arg6[%dma_start3A_687, %dma_start3A_702, %dma_start3A_703] : memref<2x16x1024xf32, #tpu.memory_space<vmem>> -> memref<1x16x1024xf32, #tpu.memory_space<vmem>>
    %dma_start3A_705 = tpu.memref_squeeze %dma_start3A_704 : memref<1x16x1024xf32, #tpu.memory_space<vmem>> -> memref<16x1024xf32, #tpu.memory_space<vmem>>
    tpu.enqueue_dma source(%dma_start3A_705 : memref<16x1024xf32, #tpu.memory_space<vmem>>) target(%dma_start3A_701 : memref<16x1024xf32, #tpu.memory_space<hbm>>) target_semaphore(%dma_start3A_698 : memref<!tpu.dma_semaphore, #tpu.memory_space<semaphore_mem>>)
    %dma_wait3A_706 = arith.constant 1 : i32
    %dma_wait3A_707 = arith.constant 1 : i32
    %dma_wait3A_708 = arith.constant 1 : i32
    %dma_wait3A_709 = arith.constant 0 : i32
    %dma_wait3A_710 = arith.constant 0 : i32
    %dma_wait3A_711 = tpu.memref_slice %arg6[%dma_wait3A_706, %dma_wait3A_709, %dma_wait3A_710] : memref<2x16x1024xf32, #tpu.memory_space<vmem>> -> memref<1x16x1024xf32, #tpu.memory_space<vmem>>
    %dma_wait3A_712 = tpu.memref_squeeze %dma_wait3A_711 : memref<1x16x1024xf32, #tpu.memory_space<vmem>> -> memref<16x1024xf32, #tpu.memory_space<vmem>>
    %dma_wait3A_713 = arith.constant 0 : i32
    %dma_wait3A_714 = tpu.memref_slice %arg4[%dma_wait3A_707, %add3A_686, %dma_wait3A_713] : memref<4x2048x1024xf32, #tpu.memory_space<hbm>> -> memref<1x16x1024xf32, #tpu.memory_space<hbm>>
    %dma_wait3A_715 = tpu.memref_squeeze %dma_wait3A_714 : memref<1x16x1024xf32, #tpu.memory_space<hbm>> -> memref<16x1024xf32, #tpu.memory_space<hbm>>
    %dma_wait3A_716 = tpu.memref_slice %arg8[%dma_wait3A_708] : memref<2x!tpu.dma_semaphore, #tpu.memory_space<semaphore_mem>> -> memref<1x!tpu.dma_semaphore, #tpu.memory_space<semaphore_mem>>
    %dma_wait3A_717 = tpu.memref_squeeze %dma_wait3A_716 : memref<1x!tpu.dma_semaphore, #tpu.memory_space<semaphore_mem>> -> memref<!tpu.dma_semaphore, #tpu.memory_space<semaphore_mem>>
    %dma_wait3A_718 = arith.constant 0 : i32
    %dma_wait3A_719 = tpu.memref_slice %arg4[%dma_wait3A_707, %add3A_686, %dma_wait3A_718] : memref<4x2048x1024xf32, #tpu.memory_space<hbm>> -> memref<1x16x1024xf32, #tpu.memory_space<hbm>>
    %dma_wait3A_720 = tpu.memref_squeeze %dma_wait3A_719 : memref<1x16x1024xf32, #tpu.memory_space<hbm>> -> memref<16x1024xf32, #tpu.memory_space<hbm>>
    %dma_wait3A_721 = arith.constant 0 : i32
    %dma_wait3A_722 = arith.constant 0 : i32
    %dma_wait3A_723 = tpu.memref_slice %arg6[%dma_wait3A_706, %dma_wait3A_721, %dma_wait3A_722] : memref<2x16x1024xf32, #tpu.memory_space<vmem>> -> memref<1x16x1024xf32, #tpu.memory_space<vmem>>
    %dma_wait3A_724 = tpu.memref_squeeze %dma_wait3A_723 : memref<1x16x1024xf32, #tpu.memory_space<vmem>> -> memref<16x1024xf32, #tpu.memory_space<vmem>>
    tpu.wait_dma2 semaphore(%dma_wait3A_717 : memref<!tpu.dma_semaphore, #tpu.memory_space<semaphore_mem>>) src(%dma_wait3A_724 : memref<16x1024xf32, #tpu.memory_space<vmem>>) dst(%dma_wait3A_720 : memref<16x1024xf32, #tpu.memory_space<hbm>>)
    %add3A_725 = arith.constant 16 : i32
    %add3A_726 = arith.addi %mul3A_2, %add3A_725 : i32
    %dma_start3A_727 = arith.constant 2 : i32
    %dma_start3A_728 = arith.constant 1 : i32
    %dma_start3A_729 = arith.constant 1 : i32
    %dma_start3A_730 = arith.constant 0 : i32
    %dma_start3A_731 = arith.constant 0 : i32
    %dma_start3A_732 = tpu.memref_slice %arg6[%dma_start3A_728, %dma_start3A_730, %dma_start3A_731] : memref<2x16x1024xf32, #tpu.memory_space<vmem>> -> memref<1x16x1024xf32, #tpu.memory_space<vmem>>
    %dma_start3A_733 = tpu.memref_squeeze %dma_start3A_732 : memref<1x16x1024xf32, #tpu.memory_space<vmem>> -> memref<16x1024xf32, #tpu.memory_space<vmem>>
    %dma_start3A_734 = arith.constant 0 : i32
    %dma_start3A_735 = tpu.memref_slice %arg2[%dma_start3A_727, %add3A_726, %dma_start3A_734] : memref<4x2048x1024xf32, #tpu.memory_space<hbm>> -> memref<1x16x1024xf32, #tpu.memory_space<hbm>>
    %dma_start3A_736 = tpu.memref_squeeze %dma_start3A_735 : memref<1x16x1024xf32, #tpu.memory_space<hbm>> -> memref<16x1024xf32, #tpu.memory_space<hbm>>
    %dma_start3A_737 = tpu.memref_slice %arg7[%dma_start3A_729] : memref<2x!tpu.dma_semaphore, #tpu.memory_space<semaphore_mem>> -> memref<1x!tpu.dma_semaphore, #tpu.memory_space<semaphore_mem>>
    %dma_start3A_738 = tpu.memref_squeeze %dma_start3A_737 : memref<1x!tpu.dma_semaphore, #tpu.memory_space<semaphore_mem>> -> memref<!tpu.dma_semaphore, #tpu.memory_space<semaphore_mem>>
    %dma_start3A_739 = arith.constant 0 : i32
    %dma_start3A_740 = arith.constant 0 : i32
    %dma_start3A_741 = tpu.memref_slice %arg6[%dma_start3A_728, %dma_start3A_739, %dma_start3A_740] : memref<2x16x1024xf32, #tpu.memory_space<vmem>> -> memref<1x16x1024xf32, #tpu.memory_space<vmem>>
    %dma_start3A_742 = tpu.memref_squeeze %dma_start3A_741 : memref<1x16x1024xf32, #tpu.memory_space<vmem>> -> memref<16x1024xf32, #tpu.memory_space<vmem>>
    %dma_start3A_743 = arith.constant 0 : i32
    %dma_start3A_744 = tpu.memref_slice %arg2[%dma_start3A_727, %add3A_726, %dma_start3A_743] : memref<4x2048x1024xf32, #tpu.memory_space<hbm>> -> memref<1x16x1024xf32, #tpu.memory_space<hbm>>
    %dma_start3A_745 = tpu.memref_squeeze %dma_start3A_744 : memref<1x16x1024xf32, #tpu.memory_space<hbm>> -> memref<16x1024xf32, #tpu.memory_space<hbm>>
    tpu.enqueue_dma source(%dma_start3A_745 : memref<16x1024xf32, #tpu.memory_space<hbm>>) target(%dma_start3A_742 : memref<16x1024xf32, #tpu.memory_space<vmem>>) target_semaphore(%dma_start3A_738 : memref<!tpu.dma_semaphore, #tpu.memory_space<semaphore_mem>>)
    %dma_wait3A_746 = arith.constant 2 : i32
    %dma_wait3A_747 = arith.constant 0 : i32
    %dma_wait3A_748 = arith.constant 0 : i32
    %dma_wait3A_749 = arith.constant 0 : i32
    %dma_wait3A_750 = arith.constant 0 : i32
    %dma_wait3A_751 = tpu.memref_slice %arg6[%dma_wait3A_747, %dma_wait3A_749, %dma_wait3A_750] : memref<2x16x1024xf32, #tpu.memory_space<vmem>> -> memref<1x16x1024xf32, #tpu.memory_space<vmem>>
    %dma_wait3A_752 = tpu.memref_squeeze %dma_wait3A_751 : memref<1x16x1024xf32, #tpu.memory_space<vmem>> -> memref<16x1024xf32, #tpu.memory_space<vmem>>
    %dma_wait3A_753 = arith.constant 0 : i32
    %dma_wait3A_754 = tpu.memref_slice %arg2[%dma_wait3A_746, %add3A_638, %dma_wait3A_753] : memref<4x2048x1024xf32, #tpu.memory_space<hbm>> -> memref<1x16x1024xf32, #tpu.memory_space<hbm>>
    %dma_wait3A_755 = tpu.memref_squeeze %dma_wait3A_754 : memref<1x16x1024xf32, #tpu.memory_space<hbm>> -> memref<16x1024xf32, #tpu.memory_space<hbm>>
    %dma_wait3A_756 = tpu.memref_slice %arg7[%dma_wait3A_748] : memref<2x!tpu.dma_semaphore, #tpu.memory_space<semaphore_mem>> -> memref<1x!tpu.dma_semaphore, #tpu.memory_space<semaphore_mem>>
    %dma_wait3A_757 = tpu.memref_squeeze %dma_wait3A_756 : memref<1x!tpu.dma_semaphore, #tpu.memory_space<semaphore_mem>> -> memref<!tpu.dma_semaphore, #tpu.memory_space<semaphore_mem>>
    %dma_wait3A_758 = arith.constant 0 : i32
    %dma_wait3A_759 = arith.constant 0 : i32
    %dma_wait3A_760 = tpu.memref_slice %arg6[%dma_wait3A_747, %dma_wait3A_758, %dma_wait3A_759] : memref<2x16x1024xf32, #tpu.memory_space<vmem>> -> memref<1x16x1024xf32, #tpu.memory_space<vmem>>
    %dma_wait3A_761 = tpu.memref_squeeze %dma_wait3A_760 : memref<1x16x1024xf32, #tpu.memory_space<vmem>> -> memref<16x1024xf32, #tpu.memory_space<vmem>>
    %dma_wait3A_762 = arith.constant 0 : i32
    %dma_wait3A_763 = tpu.memref_slice %arg2[%dma_wait3A_746, %add3A_638, %dma_wait3A_762] : memref<4x2048x1024xf32, #tpu.memory_space<hbm>> -> memref<1x16x1024xf32, #tpu.memory_space<hbm>>
    %dma_wait3A_764 = tpu.memref_squeeze %dma_wait3A_763 : memref<1x16x1024xf32, #tpu.memory_space<hbm>> -> memref<16x1024xf32, #tpu.memory_space<hbm>>
    tpu.wait_dma2 semaphore(%dma_wait3A_757 : memref<!tpu.dma_semaphore, #tpu.memory_space<semaphore_mem>>) src(%dma_wait3A_764 : memref<16x1024xf32, #tpu.memory_space<hbm>>) dst(%dma_wait3A_761 : memref<16x1024xf32, #tpu.memory_space<vmem>>)
    %scan3A_765 = arith.constant 0 : i32
    %scan3A_766 = arith.constant 0 : i32
    %scan3A_767 = arith.constant 0 : i32
    %scan3A_768 = arith.constant 16 : i32
    %scan3A_769 = arith.addi %scan3A_767, %scan3A_768 : i32
    %scan3A_770 = arith.constant 1 : i32
    %scan3A_771 = scf.for %scan3A_1408 = %scan3A_767 to %scan3A_769 step %scan3A_770 iter_args(%scan3A_1409 = %scan3A_766) -> (i32)  : i32 {
      %add3A_1410 = arith.constant 0 : i32
      %add3A_1411 = arith.addi %add3A_1410, %scan3A_1408 : i32
      %parallel_loop3A = arith.constant 0 : i32
      %parallel_loop3A_1412 = arith.constant 1024 : i32
      %parallel_loop3A_1413 = arith.constant 16 : i32
      scf.for %parallel_loop3A_1415 = %parallel_loop3A to %parallel_loop3A_1412 step %parallel_loop3A_1413  : i32 {
        %parallel_loop3A_1416 = arith.constant 0 : i32
        %parallel_loop3A_1417 = arith.constant 0 : i32
        %parallel_loop3A_1418 = tpu.memref_slice %arg6[%scan3A_765, %parallel_loop3A_1416, %parallel_loop3A_1417] : memref<2x16x1024xf32, #tpu.memory_space<vmem>> -> memref<1x16x1024xf32, #tpu.memory_space<vmem>>
        %parallel_loop3A_1419 = tpu.memref_squeeze %parallel_loop3A_1418 : memref<1x16x1024xf32, #tpu.memory_space<vmem>> -> memref<16x1024xf32, #tpu.memory_space<vmem>>
        %parallel_loop3A_1420 = arith.index_cast %scan3A_1408 : i32 to index
        %parallel_loop3A_1421 = arith.index_cast %parallel_loop3A_1415 : i32 to index
        %parallel_loop3A_1422 = tpu.vector_load %parallel_loop3A_1419[%parallel_loop3A_1420, %parallel_loop3A_1421] {strides = array<i32>} : memref<16x1024xf32, #tpu.memory_space<vmem>>, vector<1x16xf32>,
        %parallel_loop3A_1423 = vector.shape_cast %parallel_loop3A_1422 : vector<1x16xf32> to vector<16xf32>
        %parallel_loop3A_1424 = arith.index_cast %add3A_1411 : i32 to index
        %parallel_loop3A_1425 = arith.index_cast %parallel_loop3A_1415 : i32 to index
        %parallel_loop3A_1426 = tpu.vector_load %arg5[%parallel_loop3A_1424, %parallel_loop3A_1425] {strides = array<i32>} : memref<64x1024xf32, #tpu.memory_space<vmem>>, vector<1x16xf32>,
        %parallel_loop3A_1427 = vector.shape_cast %parallel_loop3A_1426 : vector<1x16xf32> to vector<16xf32>
        %parallel_loop3A_1428 = arith.addf %parallel_loop3A_1423, %parallel_loop3A_1427 : vector<16xf32>
        %parallel_loop3A_1429 = arith.constant 0 : i32
        %parallel_loop3A_1430 = arith.constant 0 : i32
        %parallel_loop3A_1431 = tpu.memref_slice %arg6[%scan3A_765, %parallel_loop3A_1429, %parallel_loop3A_1430] : memref<2x16x1024xf32, #tpu.memory_space<vmem>> -> memref<1x16x1024xf32, #tpu.memory_space<vmem>>
        %parallel_loop3A_1432 = tpu.memref_squeeze %parallel_loop3A_1431 : memref<1x16x1024xf32, #tpu.memory_space<vmem>> -> memref<16x1024xf32, #tpu.memory_space<vmem>>
        %parallel_loop3A_1433 = arith.index_cast %scan3A_1408 : i32 to index
        %parallel_loop3A_1434 = arith.index_cast %parallel_loop3A_1415 : i32 to index
        %parallel_loop3A_1435 = tpu.vector_load %parallel_loop3A_1432[%parallel_loop3A_1433, %parallel_loop3A_1434] {strides = array<i32>} : memref<16x1024xf32, #tpu.memory_space<vmem>>, vector<1x16xf32>,
        %parallel_loop3A_1436 = vector.shape_cast %parallel_loop3A_1435 : vector<1x16xf32> to vector<16xf32>
        %parallel_loop3A_1437 = vector.shape_cast %parallel_loop3A_1428 : vector<16xf32> to vector<1x16xf32>
        tpu.vector_store %parallel_loop3A_1432[%parallel_loop3A_1433, %parallel_loop3A_1434], %parallel_loop3A_1437 {strides = array<i32>} : memref<16x1024xf32, #tpu.memory_space<vmem>>, vector<1x16xf32>,
      } {sc.loop_unroll_factor = 8 : i64, sc.parallel_access}
      %scan3A_1414 = arith.constant 0 : i32
      scf.yield %scan3A_1414 : i32
    }
    %scan3A_772 = arith.constant 16 : i32
    %add3A_773 = arith.constant 0 : i32
    %add3A_774 = arith.addi %mul3A_2, %add3A_773 : i32
    %dma_start3A_775 = arith.constant 0 : i32
    %dma_start3A_776 = arith.constant 2 : i32
    %dma_start3A_777 = arith.constant 0 : i32
    %dma_start3A_778 = arith.constant 0 : i32
    %dma_start3A_779 = arith.constant 0 : i32
    %dma_start3A_780 = tpu.memref_slice %arg6[%dma_start3A_775, %dma_start3A_778, %dma_start3A_779] : memref<2x16x1024xf32, #tpu.memory_space<vmem>> -> memref<1x16x1024xf32, #tpu.memory_space<vmem>>
    %dma_start3A_781 = tpu.memref_squeeze %dma_start3A_780 : memref<1x16x1024xf32, #tpu.memory_space<vmem>> -> memref<16x1024xf32, #tpu.memory_space<vmem>>
    %dma_start3A_782 = arith.constant 0 : i32
    %dma_start3A_783 = tpu.memref_slice %arg4[%dma_start3A_776, %add3A_774, %dma_start3A_782] : memref<4x2048x1024xf32, #tpu.memory_space<hbm>> -> memref<1x16x1024xf32, #tpu.memory_space<hbm>>
    %dma_start3A_784 = tpu.memref_squeeze %dma_start3A_783 : memref<1x16x1024xf32, #tpu.memory_space<hbm>> -> memref<16x1024xf32, #tpu.memory_space<hbm>>
    %dma_start3A_785 = tpu.memref_slice %arg8[%dma_start3A_777] : memref<2x!tpu.dma_semaphore, #tpu.memory_space<semaphore_mem>> -> memref<1x!tpu.dma_semaphore, #tpu.memory_space<semaphore_mem>>
    %dma_start3A_786 = tpu.memref_squeeze %dma_start3A_785 : memref<1x!tpu.dma_semaphore, #tpu.memory_space<semaphore_mem>> -> memref<!tpu.dma_semaphore, #tpu.memory_space<semaphore_mem>>
    %dma_start3A_787 = arith.constant 0 : i32
    %dma_start3A_788 = tpu.memref_slice %arg4[%dma_start3A_776, %add3A_774, %dma_start3A_787] : memref<4x2048x1024xf32, #tpu.memory_space<hbm>> -> memref<1x16x1024xf32, #tpu.memory_space<hbm>>
    %dma_start3A_789 = tpu.memref_squeeze %dma_start3A_788 : memref<1x16x1024xf32, #tpu.memory_space<hbm>> -> memref<16x1024xf32, #tpu.memory_space<hbm>>
    %dma_start3A_790 = arith.constant 0 : i32
    %dma_start3A_791 = arith.constant 0 : i32
    %dma_start3A_792 = tpu.memref_slice %arg6[%dma_start3A_775, %dma_start3A_790, %dma_start3A_791] : memref<2x16x1024xf32, #tpu.memory_space<vmem>> -> memref<1x16x1024xf32, #tpu.memory_space<vmem>>
    %dma_start3A_793 = tpu.memref_squeeze %dma_start3A_792 : memref<1x16x1024xf32, #tpu.memory_space<vmem>> -> memref<16x1024xf32, #tpu.memory_space<vmem>>
    tpu.enqueue_dma source(%dma_start3A_793 : memref<16x1024xf32, #tpu.memory_space<vmem>>) target(%dma_start3A_789 : memref<16x1024xf32, #tpu.memory_space<hbm>>) target_semaphore(%dma_start3A_786 : memref<!tpu.dma_semaphore, #tpu.memory_space<semaphore_mem>>)
    %dma_wait3A_794 = arith.constant 0 : i32
    %dma_wait3A_795 = arith.constant 2 : i32
    %dma_wait3A_796 = arith.constant 0 : i32
    %dma_wait3A_797 = arith.constant 0 : i32
    %dma_wait3A_798 = arith.constant 0 : i32
    %dma_wait3A_799 = tpu.memref_slice %arg6[%dma_wait3A_794, %dma_wait3A_797, %dma_wait3A_798] : memref<2x16x1024xf32, #tpu.memory_space<vmem>> -> memref<1x16x1024xf32, #tpu.memory_space<vmem>>
    %dma_wait3A_800 = tpu.memref_squeeze %dma_wait3A_799 : memref<1x16x1024xf32, #tpu.memory_space<vmem>> -> memref<16x1024xf32, #tpu.memory_space<vmem>>
    %dma_wait3A_801 = arith.constant 0 : i32
    %dma_wait3A_802 = tpu.memref_slice %arg4[%dma_wait3A_795, %add3A_774, %dma_wait3A_801] : memref<4x2048x1024xf32, #tpu.memory_space<hbm>> -> memref<1x16x1024xf32, #tpu.memory_space<hbm>>
    %dma_wait3A_803 = tpu.memref_squeeze %dma_wait3A_802 : memref<1x16x1024xf32, #tpu.memory_space<hbm>> -> memref<16x1024xf32, #tpu.memory_space<hbm>>
    %dma_wait3A_804 = tpu.memref_slice %arg8[%dma_wait3A_796] : memref<2x!tpu.dma_semaphore, #tpu.memory_space<semaphore_mem>> -> memref<1x!tpu.dma_semaphore, #tpu.memory_space<semaphore_mem>>
    %dma_wait3A_805 = tpu.memref_squeeze %dma_wait3A_804 : memref<1x!tpu.dma_semaphore, #tpu.memory_space<semaphore_mem>> -> memref<!tpu.dma_semaphore, #tpu.memory_space<semaphore_mem>>
    %dma_wait3A_806 = arith.constant 0 : i32
    %dma_wait3A_807 = tpu.memref_slice %arg4[%dma_wait3A_795, %add3A_774, %dma_wait3A_806] : memref<4x2048x1024xf32, #tpu.memory_space<hbm>> -> memref<1x16x1024xf32, #tpu.memory_space<hbm>>
    %dma_wait3A_808 = tpu.memref_squeeze %dma_wait3A_807 : memref<1x16x1024xf32, #tpu.memory_space<hbm>> -> memref<16x1024xf32, #tpu.memory_space<hbm>>
    %dma_wait3A_809 = arith.constant 0 : i32
    %dma_wait3A_810 = arith.constant 0 : i32
    %dma_wait3A_811 = tpu.memref_slice %arg6[%dma_wait3A_794, %dma_wait3A_809, %dma_wait3A_810] : memref<2x16x1024xf32, #tpu.memory_space<vmem>> -> memref<1x16x1024xf32, #tpu.memory_space<vmem>>
    %dma_wait3A_812 = tpu.memref_squeeze %dma_wait3A_811 : memref<1x16x1024xf32, #tpu.memory_space<vmem>> -> memref<16x1024xf32, #tpu.memory_space<vmem>>
    tpu.wait_dma2 semaphore(%dma_wait3A_805 : memref<!tpu.dma_semaphore, #tpu.memory_space<semaphore_mem>>) src(%dma_wait3A_812 : memref<16x1024xf32, #tpu.memory_space<vmem>>) dst(%dma_wait3A_808 : memref<16x1024xf32, #tpu.memory_space<hbm>>)
    %add3A_813 = arith.constant 32 : i32
    %add3A_814 = arith.addi %mul3A_2, %add3A_813 : i32
    %dma_start3A_815 = arith.constant 2 : i32
    %dma_start3A_816 = arith.constant 0 : i32
    %dma_start3A_817 = arith.constant 0 : i32
    %dma_start3A_818 = arith.constant 0 : i32
    %dma_start3A_819 = arith.constant 0 : i32
    %dma_start3A_820 = tpu.memref_slice %arg6[%dma_start3A_816, %dma_start3A_818, %dma_start3A_819] : memref<2x16x1024xf32, #tpu.memory_space<vmem>> -> memref<1x16x1024xf32, #tpu.memory_space<vmem>>
    %dma_start3A_821 = tpu.memref_squeeze %dma_start3A_820 : memref<1x16x1024xf32, #tpu.memory_space<vmem>> -> memref<16x1024xf32, #tpu.memory_space<vmem>>
    %dma_start3A_822 = arith.constant 0 : i32
    %dma_start3A_823 = tpu.memref_slice %arg2[%dma_start3A_815, %add3A_814, %dma_start3A_822] : memref<4x2048x1024xf32, #tpu.memory_space<hbm>> -> memref<1x16x1024xf32, #tpu.memory_space<hbm>>
    %dma_start3A_824 = tpu.memref_squeeze %dma_start3A_823 : memref<1x16x1024xf32, #tpu.memory_space<hbm>> -> memref<16x1024xf32, #tpu.memory_space<hbm>>
    %dma_start3A_825 = tpu.memref_slice %arg7[%dma_start3A_817] : memref<2x!tpu.dma_semaphore, #tpu.memory_space<semaphore_mem>> -> memref<1x!tpu.dma_semaphore, #tpu.memory_space<semaphore_mem>>
    %dma_start3A_826 = tpu.memref_squeeze %dma_start3A_825 : memref<1x!tpu.dma_semaphore, #tpu.memory_space<semaphore_mem>> -> memref<!tpu.dma_semaphore, #tpu.memory_space<semaphore_mem>>
    %dma_start3A_827 = arith.constant 0 : i32
    %dma_start3A_828 = arith.constant 0 : i32
    %dma_start3A_829 = tpu.memref_slice %arg6[%dma_start3A_816, %dma_start3A_827, %dma_start3A_828] : memref<2x16x1024xf32, #tpu.memory_space<vmem>> -> memref<1x16x1024xf32, #tpu.memory_space<vmem>>
    %dma_start3A_830 = tpu.memref_squeeze %dma_start3A_829 : memref<1x16x1024xf32, #tpu.memory_space<vmem>> -> memref<16x1024xf32, #tpu.memory_space<vmem>>
    %dma_start3A_831 = arith.constant 0 : i32
    %dma_start3A_832 = tpu.memref_slice %arg2[%dma_start3A_815, %add3A_814, %dma_start3A_831] : memref<4x2048x1024xf32, #tpu.memory_space<hbm>> -> memref<1x16x1024xf32, #tpu.memory_space<hbm>>
    %dma_start3A_833 = tpu.memref_squeeze %dma_start3A_832 : memref<1x16x1024xf32, #tpu.memory_space<hbm>> -> memref<16x1024xf32, #tpu.memory_space<hbm>>
    tpu.enqueue_dma source(%dma_start3A_833 : memref<16x1024xf32, #tpu.memory_space<hbm>>) target(%dma_start3A_830 : memref<16x1024xf32, #tpu.memory_space<vmem>>) target_semaphore(%dma_start3A_826 : memref<!tpu.dma_semaphore, #tpu.memory_space<semaphore_mem>>)
    %dma_wait3A_834 = arith.constant 2 : i32
    %dma_wait3A_835 = arith.constant 1 : i32
    %dma_wait3A_836 = arith.constant 1 : i32
    %dma_wait3A_837 = arith.constant 0 : i32
    %dma_wait3A_838 = arith.constant 0 : i32
    %dma_wait3A_839 = tpu.memref_slice %arg6[%dma_wait3A_835, %dma_wait3A_837, %dma_wait3A_838] : memref<2x16x1024xf32, #tpu.memory_space<vmem>> -> memref<1x16x1024xf32, #tpu.memory_space<vmem>>
    %dma_wait3A_840 = tpu.memref_squeeze %dma_wait3A_839 : memref<1x16x1024xf32, #tpu.memory_space<vmem>> -> memref<16x1024xf32, #tpu.memory_space<vmem>>
    %dma_wait3A_841 = arith.constant 0 : i32
    %dma_wait3A_842 = tpu.memref_slice %arg2[%dma_wait3A_834, %add3A_726, %dma_wait3A_841] : memref<4x2048x1024xf32, #tpu.memory_space<hbm>> -> memref<1x16x1024xf32, #tpu.memory_space<hbm>>
    %dma_wait3A_843 = tpu.memref_squeeze %dma_wait3A_842 : memref<1x16x1024xf32, #tpu.memory_space<hbm>> -> memref<16x1024xf32, #tpu.memory_space<hbm>>
    %dma_wait3A_844 = tpu.memref_slice %arg7[%dma_wait3A_836] : memref<2x!tpu.dma_semaphore, #tpu.memory_space<semaphore_mem>> -> memref<1x!tpu.dma_semaphore, #tpu.memory_space<semaphore_mem>>
    %dma_wait3A_845 = tpu.memref_squeeze %dma_wait3A_844 : memref<1x!tpu.dma_semaphore, #tpu.memory_space<semaphore_mem>> -> memref<!tpu.dma_semaphore, #tpu.memory_space<semaphore_mem>>
    %dma_wait3A_846 = arith.constant 0 : i32
    %dma_wait3A_847 = arith.constant 0 : i32
    %dma_wait3A_848 = tpu.memref_slice %arg6[%dma_wait3A_835, %dma_wait3A_846, %dma_wait3A_847] : memref<2x16x1024xf32, #tpu.memory_space<vmem>> -> memref<1x16x1024xf32, #tpu.memory_space<vmem>>
    %dma_wait3A_849 = tpu.memref_squeeze %dma_wait3A_848 : memref<1x16x1024xf32, #tpu.memory_space<vmem>> -> memref<16x1024xf32, #tpu.memory_space<vmem>>
    %dma_wait3A_850 = arith.constant 0 : i32
    %dma_wait3A_851 = tpu.memref_slice %arg2[%dma_wait3A_834, %add3A_726, %dma_wait3A_850] : memref<4x2048x1024xf32, #tpu.memory_space<hbm>> -> memref<1x16x1024xf32, #tpu.memory_space<hbm>>
    %dma_wait3A_852 = tpu.memref_squeeze %dma_wait3A_851 : memref<1x16x1024xf32, #tpu.memory_space<hbm>> -> memref<16x1024xf32, #tpu.memory_space<hbm>>
    tpu.wait_dma2 semaphore(%dma_wait3A_845 : memref<!tpu.dma_semaphore, #tpu.memory_space<semaphore_mem>>) src(%dma_wait3A_852 : memref<16x1024xf32, #tpu.memory_space<hbm>>) dst(%dma_wait3A_849 : memref<16x1024xf32, #tpu.memory_space<vmem>>)
    %scan3A_853 = arith.constant 1 : i32
    %scan3A_854 = arith.constant 0 : i32
    %scan3A_855 = arith.constant 0 : i32
    %scan3A_856 = arith.constant 16 : i32
    %scan3A_857 = arith.addi %scan3A_855, %scan3A_856 : i32
    %scan3A_858 = arith.constant 1 : i32
    %scan3A_859 = scf.for %scan3A_1408 = %scan3A_855 to %scan3A_857 step %scan3A_858 iter_args(%scan3A_1409 = %scan3A_854) -> (i32)  : i32 {
      %add3A_1410 = arith.constant 16 : i32
      %add3A_1411 = arith.addi %add3A_1410, %scan3A_1408 : i32
      %parallel_loop3A = arith.constant 0 : i32
      %parallel_loop3A_1412 = arith.constant 1024 : i32
      %parallel_loop3A_1413 = arith.constant 16 : i32
      scf.for %parallel_loop3A_1415 = %parallel_loop3A to %parallel_loop3A_1412 step %parallel_loop3A_1413  : i32 {
        %parallel_loop3A_1416 = arith.constant 0 : i32
        %parallel_loop3A_1417 = arith.constant 0 : i32
        %parallel_loop3A_1418 = tpu.memref_slice %arg6[%scan3A_853, %parallel_loop3A_1416, %parallel_loop3A_1417] : memref<2x16x1024xf32, #tpu.memory_space<vmem>> -> memref<1x16x1024xf32, #tpu.memory_space<vmem>>
        %parallel_loop3A_1419 = tpu.memref_squeeze %parallel_loop3A_1418 : memref<1x16x1024xf32, #tpu.memory_space<vmem>> -> memref<16x1024xf32, #tpu.memory_space<vmem>>
        %parallel_loop3A_1420 = arith.index_cast %scan3A_1408 : i32 to index
        %parallel_loop3A_1421 = arith.index_cast %parallel_loop3A_1415 : i32 to index
        %parallel_loop3A_1422 = tpu.vector_load %parallel_loop3A_1419[%parallel_loop3A_1420, %parallel_loop3A_1421] {strides = array<i32>} : memref<16x1024xf32, #tpu.memory_space<vmem>>, vector<1x16xf32>,
        %parallel_loop3A_1423 = vector.shape_cast %parallel_loop3A_1422 : vector<1x16xf32> to vector<16xf32>
        %parallel_loop3A_1424 = arith.index_cast %add3A_1411 : i32 to index
        %parallel_loop3A_1425 = arith.index_cast %parallel_loop3A_1415 : i32 to index
        %parallel_loop3A_1426 = tpu.vector_load %arg5[%parallel_loop3A_1424, %parallel_loop3A_1425] {strides = array<i32>} : memref<64x1024xf32, #tpu.memory_space<vmem>>, vector<1x16xf32>,
        %parallel_loop3A_1427 = vector.shape_cast %parallel_loop3A_1426 : vector<1x16xf32> to vector<16xf32>
        %parallel_loop3A_1428 = arith.addf %parallel_loop3A_1423, %parallel_loop3A_1427 : vector<16xf32>
        %parallel_loop3A_1429 = arith.constant 0 : i32
        %parallel_loop3A_1430 = arith.constant 0 : i32
        %parallel_loop3A_1431 = tpu.memref_slice %arg6[%scan3A_853, %parallel_loop3A_1429, %parallel_loop3A_1430] : memref<2x16x1024xf32, #tpu.memory_space<vmem>> -> memref<1x16x1024xf32, #tpu.memory_space<vmem>>
        %parallel_loop3A_1432 = tpu.memref_squeeze %parallel_loop3A_1431 : memref<1x16x1024xf32, #tpu.memory_space<vmem>> -> memref<16x1024xf32, #tpu.memory_space<vmem>>
        %parallel_loop3A_1433 = arith.index_cast %scan3A_1408 : i32 to index
        %parallel_loop3A_1434 = arith.index_cast %parallel_loop3A_1415 : i32 to index
        %parallel_loop3A_1435 = tpu.vector_load %parallel_loop3A_1432[%parallel_loop3A_1433, %parallel_loop3A_1434] {strides = array<i32>} : memref<16x1024xf32, #tpu.memory_space<vmem>>, vector<1x16xf32>,
        %parallel_loop3A_1436 = vector.shape_cast %parallel_loop3A_1435 : vector<1x16xf32> to vector<16xf32>
        %parallel_loop3A_1437 = vector.shape_cast %parallel_loop3A_1428 : vector<16xf32> to vector<1x16xf32>
        tpu.vector_store %parallel_loop3A_1432[%parallel_loop3A_1433, %parallel_loop3A_1434], %parallel_loop3A_1437 {strides = array<i32>} : memref<16x1024xf32, #tpu.memory_space<vmem>>, vector<1x16xf32>,
      } {sc.loop_unroll_factor = 8 : i64, sc.parallel_access}
      %scan3A_1414 = arith.constant 0 : i32
      scf.yield %scan3A_1414 : i32
    }
    %scan3A_860 = arith.constant 16 : i32
    %add3A_861 = arith.constant 16 : i32
    %add3A_862 = arith.addi %mul3A_2, %add3A_861 : i32
    %dma_start3A_863 = arith.constant 1 : i32
    %dma_start3A_864 = arith.constant 2 : i32
    %dma_start3A_865 = arith.constant 1 : i32
    %dma_start3A_866 = arith.constant 0 : i32
    %dma_start3A_867 = arith.constant 0 : i32
    %dma_start3A_868 = tpu.memref_slice %arg6[%dma_start3A_863, %dma_start3A_866, %dma_start3A_867] : memref<2x16x1024xf32, #tpu.memory_space<vmem>> -> memref<1x16x1024xf32, #tpu.memory_space<vmem>>
    %dma_start3A_869 = tpu.memref_squeeze %dma_start3A_868 : memref<1x16x1024xf32, #tpu.memory_space<vmem>> -> memref<16x1024xf32, #tpu.memory_space<vmem>>
    %dma_start3A_870 = arith.constant 0 : i32
    %dma_start3A_871 = tpu.memref_slice %arg4[%dma_start3A_864, %add3A_862, %dma_start3A_870] : memref<4x2048x1024xf32, #tpu.memory_space<hbm>> -> memref<1x16x1024xf32, #tpu.memory_space<hbm>>
    %dma_start3A_872 = tpu.memref_squeeze %dma_start3A_871 : memref<1x16x1024xf32, #tpu.memory_space<hbm>> -> memref<16x1024xf32, #tpu.memory_space<hbm>>
    %dma_start3A_873 = tpu.memref_slice %arg8[%dma_start3A_865] : memref<2x!tpu.dma_semaphore, #tpu.memory_space<semaphore_mem>> -> memref<1x!tpu.dma_semaphore, #tpu.memory_space<semaphore_mem>>
    %dma_start3A_874 = tpu.memref_squeeze %dma_start3A_873 : memref<1x!tpu.dma_semaphore, #tpu.memory_space<semaphore_mem>> -> memref<!tpu.dma_semaphore, #tpu.memory_space<semaphore_mem>>
    %dma_start3A_875 = arith.constant 0 : i32
    %dma_start3A_876 = tpu.memref_slice %arg4[%dma_start3A_864, %add3A_862, %dma_start3A_875] : memref<4x2048x1024xf32, #tpu.memory_space<hbm>> -> memref<1x16x1024xf32, #tpu.memory_space<hbm>>
    %dma_start3A_877 = tpu.memref_squeeze %dma_start3A_876 : memref<1x16x1024xf32, #tpu.memory_space<hbm>> -> memref<16x1024xf32, #tpu.memory_space<hbm>>
    %dma_start3A_878 = arith.constant 0 : i32
    %dma_start3A_879 = arith.constant 0 : i32
    %dma_start3A_880 = tpu.memref_slice %arg6[%dma_start3A_863, %dma_start3A_878, %dma_start3A_879] : memref<2x16x1024xf32, #tpu.memory_space<vmem>> -> memref<1x16x1024xf32, #tpu.memory_space<vmem>>
    %dma_start3A_881 = tpu.memref_squeeze %dma_start3A_880 : memref<1x16x1024xf32, #tpu.memory_space<vmem>> -> memref<16x1024xf32, #tpu.memory_space<vmem>>
    tpu.enqueue_dma source(%dma_start3A_881 : memref<16x1024xf32, #tpu.memory_space<vmem>>) target(%dma_start3A_877 : memref<16x1024xf32, #tpu.memory_space<hbm>>) target_semaphore(%dma_start3A_874 : memref<!tpu.dma_semaphore, #tpu.memory_space<semaphore_mem>>)
    %dma_wait3A_882 = arith.constant 1 : i32
    %dma_wait3A_883 = arith.constant 2 : i32
    %dma_wait3A_884 = arith.constant 1 : i32
    %dma_wait3A_885 = arith.constant 0 : i32
    %dma_wait3A_886 = arith.constant 0 : i32
    %dma_wait3A_887 = tpu.memref_slice %arg6[%dma_wait3A_882, %dma_wait3A_885, %dma_wait3A_886] : memref<2x16x1024xf32, #tpu.memory_space<vmem>> -> memref<1x16x1024xf32, #tpu.memory_space<vmem>>
    %dma_wait3A_888 = tpu.memref_squeeze %dma_wait3A_887 : memref<1x16x1024xf32, #tpu.memory_space<vmem>> -> memref<16x1024xf32, #tpu.memory_space<vmem>>
    %dma_wait3A_889 = arith.constant 0 : i32
    %dma_wait3A_890 = tpu.memref_slice %arg4[%dma_wait3A_883, %add3A_862, %dma_wait3A_889] : memref<4x2048x1024xf32, #tpu.memory_space<hbm>> -> memref<1x16x1024xf32, #tpu.memory_space<hbm>>
    %dma_wait3A_891 = tpu.memref_squeeze %dma_wait3A_890 : memref<1x16x1024xf32, #tpu.memory_space<hbm>> -> memref<16x1024xf32, #tpu.memory_space<hbm>>
    %dma_wait3A_892 = tpu.memref_slice %arg8[%dma_wait3A_884] : memref<2x!tpu.dma_semaphore, #tpu.memory_space<semaphore_mem>> -> memref<1x!tpu.dma_semaphore, #tpu.memory_space<semaphore_mem>>
    %dma_wait3A_893 = tpu.memref_squeeze %dma_wait3A_892 : memref<1x!tpu.dma_semaphore, #tpu.memory_space<semaphore_mem>> -> memref<!tpu.dma_semaphore, #tpu.memory_space<semaphore_mem>>
    %dma_wait3A_894 = arith.constant 0 : i32
    %dma_wait3A_895 = tpu.memref_slice %arg4[%dma_wait3A_883, %add3A_862, %dma_wait3A_894] : memref<4x2048x1024xf32, #tpu.memory_space<hbm>> -> memref<1x16x1024xf32, #tpu.memory_space<hbm>>
    %dma_wait3A_896 = tpu.memref_squeeze %dma_wait3A_895 : memref<1x16x1024xf32, #tpu.memory_space<hbm>> -> memref<16x1024xf32, #tpu.memory_space<hbm>>
    %dma_wait3A_897 = arith.constant 0 : i32
    %dma_wait3A_898 = arith.constant 0 : i32
    %dma_wait3A_899 = tpu.memref_slice %arg6[%dma_wait3A_882, %dma_wait3A_897, %dma_wait3A_898] : memref<2x16x1024xf32, #tpu.memory_space<vmem>> -> memref<1x16x1024xf32, #tpu.memory_space<vmem>>
    %dma_wait3A_900 = tpu.memref_squeeze %dma_wait3A_899 : memref<1x16x1024xf32, #tpu.memory_space<vmem>> -> memref<16x1024xf32, #tpu.memory_space<vmem>>
    tpu.wait_dma2 semaphore(%dma_wait3A_893 : memref<!tpu.dma_semaphore, #tpu.memory_space<semaphore_mem>>) src(%dma_wait3A_900 : memref<16x1024xf32, #tpu.memory_space<vmem>>) dst(%dma_wait3A_896 : memref<16x1024xf32, #tpu.memory_space<hbm>>)
    %add3A_901 = arith.constant 48 : i32
    %add3A_902 = arith.addi %mul3A_2, %add3A_901 : i32
    %dma_start3A_903 = arith.constant 2 : i32
    %dma_start3A_904 = arith.constant 1 : i32
    %dma_start3A_905 = arith.constant 1 : i32
    %dma_start3A_906 = arith.constant 0 : i32
    %dma_start3A_907 = arith.constant 0 : i32
    %dma_start3A_908 = tpu.memref_slice %arg6[%dma_start3A_904, %dma_start3A_906, %dma_start3A_907] : memref<2x16x1024xf32, #tpu.memory_space<vmem>> -> memref<1x16x1024xf32, #tpu.memory_space<vmem>>
    %dma_start3A_909 = tpu.memref_squeeze %dma_start3A_908 : memref<1x16x1024xf32, #tpu.memory_space<vmem>> -> memref<16x1024xf32, #tpu.memory_space<vmem>>
    %dma_start3A_910 = arith.constant 0 : i32
    %dma_start3A_911 = tpu.memref_slice %arg2[%dma_start3A_903, %add3A_902, %dma_start3A_910] : memref<4x2048x1024xf32, #tpu.memory_space<hbm>> -> memref<1x16x1024xf32, #tpu.memory_space<hbm>>
    %dma_start3A_912 = tpu.memref_squeeze %dma_start3A_911 : memref<1x16x1024xf32, #tpu.memory_space<hbm>> -> memref<16x1024xf32, #tpu.memory_space<hbm>>
    %dma_start3A_913 = tpu.memref_slice %arg7[%dma_start3A_905] : memref<2x!tpu.dma_semaphore, #tpu.memory_space<semaphore_mem>> -> memref<1x!tpu.dma_semaphore, #tpu.memory_space<semaphore_mem>>
    %dma_start3A_914 = tpu.memref_squeeze %dma_start3A_913 : memref<1x!tpu.dma_semaphore, #tpu.memory_space<semaphore_mem>> -> memref<!tpu.dma_semaphore, #tpu.memory_space<semaphore_mem>>
    %dma_start3A_915 = arith.constant 0 : i32
    %dma_start3A_916 = arith.constant 0 : i32
    %dma_start3A_917 = tpu.memref_slice %arg6[%dma_start3A_904, %dma_start3A_915, %dma_start3A_916] : memref<2x16x1024xf32, #tpu.memory_space<vmem>> -> memref<1x16x1024xf32, #tpu.memory_space<vmem>>
    %dma_start3A_918 = tpu.memref_squeeze %dma_start3A_917 : memref<1x16x1024xf32, #tpu.memory_space<vmem>> -> memref<16x1024xf32, #tpu.memory_space<vmem>>
    %dma_start3A_919 = arith.constant 0 : i32
    %dma_start3A_920 = tpu.memref_slice %arg2[%dma_start3A_903, %add3A_902, %dma_start3A_919] : memref<4x2048x1024xf32, #tpu.memory_space<hbm>> -> memref<1x16x1024xf32, #tpu.memory_space<hbm>>
    %dma_start3A_921 = tpu.memref_squeeze %dma_start3A_920 : memref<1x16x1024xf32, #tpu.memory_space<hbm>> -> memref<16x1024xf32, #tpu.memory_space<hbm>>
    tpu.enqueue_dma source(%dma_start3A_921 : memref<16x1024xf32, #tpu.memory_space<hbm>>) target(%dma_start3A_918 : memref<16x1024xf32, #tpu.memory_space<vmem>>) target_semaphore(%dma_start3A_914 : memref<!tpu.dma_semaphore, #tpu.memory_space<semaphore_mem>>)
    %dma_wait3A_922 = arith.constant 2 : i32
    %dma_wait3A_923 = arith.constant 0 : i32
    %dma_wait3A_924 = arith.constant 0 : i32
    %dma_wait3A_925 = arith.constant 0 : i32
    %dma_wait3A_926 = arith.constant 0 : i32
    %dma_wait3A_927 = tpu.memref_slice %arg6[%dma_wait3A_923, %dma_wait3A_925, %dma_wait3A_926] : memref<2x16x1024xf32, #tpu.memory_space<vmem>> -> memref<1x16x1024xf32, #tpu.memory_space<vmem>>
    %dma_wait3A_928 = tpu.memref_squeeze %dma_wait3A_927 : memref<1x16x1024xf32, #tpu.memory_space<vmem>> -> memref<16x1024xf32, #tpu.memory_space<vmem>>
    %dma_wait3A_929 = arith.constant 0 : i32
    %dma_wait3A_930 = tpu.memref_slice %arg2[%dma_wait3A_922, %add3A_814, %dma_wait3A_929] : memref<4x2048x1024xf32, #tpu.memory_space<hbm>> -> memref<1x16x1024xf32, #tpu.memory_space<hbm>>
    %dma_wait3A_931 = tpu.memref_squeeze %dma_wait3A_930 : memref<1x16x1024xf32, #tpu.memory_space<hbm>> -> memref<16x1024xf32, #tpu.memory_space<hbm>>
    %dma_wait3A_932 = tpu.memref_slice %arg7[%dma_wait3A_924] : memref<2x!tpu.dma_semaphore, #tpu.memory_space<semaphore_mem>> -> memref<1x!tpu.dma_semaphore, #tpu.memory_space<semaphore_mem>>
    %dma_wait3A_933 = tpu.memref_squeeze %dma_wait3A_932 : memref<1x!tpu.dma_semaphore, #tpu.memory_space<semaphore_mem>> -> memref<!tpu.dma_semaphore, #tpu.memory_space<semaphore_mem>>
    %dma_wait3A_934 = arith.constant 0 : i32
    %dma_wait3A_935 = arith.constant 0 : i32
    %dma_wait3A_936 = tpu.memref_slice %arg6[%dma_wait3A_923, %dma_wait3A_934, %dma_wait3A_935] : memref<2x16x1024xf32, #tpu.memory_space<vmem>> -> memref<1x16x1024xf32, #tpu.memory_space<vmem>>
    %dma_wait3A_937 = tpu.memref_squeeze %dma_wait3A_936 : memref<1x16x1024xf32, #tpu.memory_space<vmem>> -> memref<16x1024xf32, #tpu.memory_space<vmem>>
    %dma_wait3A_938 = arith.constant 0 : i32
    %dma_wait3A_939 = tpu.memref_slice %arg2[%dma_wait3A_922, %add3A_814, %dma_wait3A_938] : memref<4x2048x1024xf32, #tpu.memory_space<hbm>> -> memref<1x16x1024xf32, #tpu.memory_space<hbm>>
    %dma_wait3A_940 = tpu.memref_squeeze %dma_wait3A_939 : memref<1x16x1024xf32, #tpu.memory_space<hbm>> -> memref<16x1024xf32, #tpu.memory_space<hbm>>
    tpu.wait_dma2 semaphore(%dma_wait3A_933 : memref<!tpu.dma_semaphore, #tpu.memory_space<semaphore_mem>>) src(%dma_wait3A_940 : memref<16x1024xf32, #tpu.memory_space<hbm>>) dst(%dma_wait3A_937 : memref<16x1024xf32, #tpu.memory_space<vmem>>)
    %scan3A_941 = arith.constant 0 : i32
    %scan3A_942 = arith.constant 0 : i32
    %scan3A_943 = arith.constant 0 : i32
    %scan3A_944 = arith.constant 16 : i32
    %scan3A_945 = arith.addi %scan3A_943, %scan3A_944 : i32
    %scan3A_946 = arith.constant 1 : i32
    %scan3A_947 = scf.for %scan3A_1408 = %scan3A_943 to %scan3A_945 step %scan3A_946 iter_args(%scan3A_1409 = %scan3A_942) -> (i32)  : i32 {
      %add3A_1410 = arith.constant 32 : i32
      %add3A_1411 = arith.addi %add3A_1410, %scan3A_1408 : i32
      %parallel_loop3A = arith.constant 0 : i32
      %parallel_loop3A_1412 = arith.constant 1024 : i32
      %parallel_loop3A_1413 = arith.constant 16 : i32
      scf.for %parallel_loop3A_1415 = %parallel_loop3A to %parallel_loop3A_1412 step %parallel_loop3A_1413  : i32 {
        %parallel_loop3A_1416 = arith.constant 0 : i32
        %parallel_loop3A_1417 = arith.constant 0 : i32
        %parallel_loop3A_1418 = tpu.memref_slice %arg6[%scan3A_941, %parallel_loop3A_1416, %parallel_loop3A_1417] : memref<2x16x1024xf32, #tpu.memory_space<vmem>> -> memref<1x16x1024xf32, #tpu.memory_space<vmem>>
        %parallel_loop3A_1419 = tpu.memref_squeeze %parallel_loop3A_1418 : memref<1x16x1024xf32, #tpu.memory_space<vmem>> -> memref<16x1024xf32, #tpu.memory_space<vmem>>
        %parallel_loop3A_1420 = arith.index_cast %scan3A_1408 : i32 to index
        %parallel_loop3A_1421 = arith.index_cast %parallel_loop3A_1415 : i32 to index
        %parallel_loop3A_1422 = tpu.vector_load %parallel_loop3A_1419[%parallel_loop3A_1420, %parallel_loop3A_1421] {strides = array<i32>} : memref<16x1024xf32, #tpu.memory_space<vmem>>, vector<1x16xf32>,
        %parallel_loop3A_1423 = vector.shape_cast %parallel_loop3A_1422 : vector<1x16xf32> to vector<16xf32>
        %parallel_loop3A_1424 = arith.index_cast %add3A_1411 : i32 to index
        %parallel_loop3A_1425 = arith.index_cast %parallel_loop3A_1415 : i32 to index
        %parallel_loop3A_1426 = tpu.vector_load %arg5[%parallel_loop3A_1424, %parallel_loop3A_1425] {strides = array<i32>} : memref<64x1024xf32, #tpu.memory_space<vmem>>, vector<1x16xf32>,
        %parallel_loop3A_1427 = vector.shape_cast %parallel_loop3A_1426 : vector<1x16xf32> to vector<16xf32>
        %parallel_loop3A_1428 = arith.addf %parallel_loop3A_1423, %parallel_loop3A_1427 : vector<16xf32>
        %parallel_loop3A_1429 = arith.constant 0 : i32
        %parallel_loop3A_1430 = arith.constant 0 : i32
        %parallel_loop3A_1431 = tpu.memref_slice %arg6[%scan3A_941, %parallel_loop3A_1429, %parallel_loop3A_1430] : memref<2x16x1024xf32, #tpu.memory_space<vmem>> -> memref<1x16x1024xf32, #tpu.memory_space<vmem>>
        %parallel_loop3A_1432 = tpu.memref_squeeze %parallel_loop3A_1431 : memref<1x16x1024xf32, #tpu.memory_space<vmem>> -> memref<16x1024xf32, #tpu.memory_space<vmem>>
        %parallel_loop3A_1433 = arith.index_cast %scan3A_1408 : i32 to index
        %parallel_loop3A_1434 = arith.index_cast %parallel_loop3A_1415 : i32 to index
        %parallel_loop3A_1435 = tpu.vector_load %parallel_loop3A_1432[%parallel_loop3A_1433, %parallel_loop3A_1434] {strides = array<i32>} : memref<16x1024xf32, #tpu.memory_space<vmem>>, vector<1x16xf32>,
        %parallel_loop3A_1436 = vector.shape_cast %parallel_loop3A_1435 : vector<1x16xf32> to vector<16xf32>
        %parallel_loop3A_1437 = vector.shape_cast %parallel_loop3A_1428 : vector<16xf32> to vector<1x16xf32>
        tpu.vector_store %parallel_loop3A_1432[%parallel_loop3A_1433, %parallel_loop3A_1434], %parallel_loop3A_1437 {strides = array<i32>} : memref<16x1024xf32, #tpu.memory_space<vmem>>, vector<1x16xf32>,
      } {sc.loop_unroll_factor = 8 : i64, sc.parallel_access}
      %scan3A_1414 = arith.constant 0 : i32
      scf.yield %scan3A_1414 : i32
    }
    %scan3A_948 = arith.constant 16 : i32
    %add3A_949 = arith.constant 32 : i32
    %add3A_950 = arith.addi %mul3A_2, %add3A_949 : i32
    %dma_start3A_951 = arith.constant 0 : i32
    %dma_start3A_952 = arith.constant 2 : i32
    %dma_start3A_953 = arith.constant 0 : i32
    %dma_start3A_954 = arith.constant 0 : i32
    %dma_start3A_955 = arith.constant 0 : i32
    %dma_start3A_956 = tpu.memref_slice %arg6[%dma_start3A_951, %dma_start3A_954, %dma_start3A_955] : memref<2x16x1024xf32, #tpu.memory_space<vmem>> -> memref<1x16x1024xf32, #tpu.memory_space<vmem>>
    %dma_start3A_957 = tpu.memref_squeeze %dma_start3A_956 : memref<1x16x1024xf32, #tpu.memory_space<vmem>> -> memref<16x1024xf32, #tpu.memory_space<vmem>>
    %dma_start3A_958 = arith.constant 0 : i32
    %dma_start3A_959 = tpu.memref_slice %arg4[%dma_start3A_952, %add3A_950, %dma_start3A_958] : memref<4x2048x1024xf32, #tpu.memory_space<hbm>> -> memref<1x16x1024xf32, #tpu.memory_space<hbm>>
    %dma_start3A_960 = tpu.memref_squeeze %dma_start3A_959 : memref<1x16x1024xf32, #tpu.memory_space<hbm>> -> memref<16x1024xf32, #tpu.memory_space<hbm>>
    %dma_start3A_961 = tpu.memref_slice %arg8[%dma_start3A_953] : memref<2x!tpu.dma_semaphore, #tpu.memory_space<semaphore_mem>> -> memref<1x!tpu.dma_semaphore, #tpu.memory_space<semaphore_mem>>
    %dma_start3A_962 = tpu.memref_squeeze %dma_start3A_961 : memref<1x!tpu.dma_semaphore, #tpu.memory_space<semaphore_mem>> -> memref<!tpu.dma_semaphore, #tpu.memory_space<semaphore_mem>>
    %dma_start3A_963 = arith.constant 0 : i32
    %dma_start3A_964 = tpu.memref_slice %arg4[%dma_start3A_952, %add3A_950, %dma_start3A_963] : memref<4x2048x1024xf32, #tpu.memory_space<hbm>> -> memref<1x16x1024xf32, #tpu.memory_space<hbm>>
    %dma_start3A_965 = tpu.memref_squeeze %dma_start3A_964 : memref<1x16x1024xf32, #tpu.memory_space<hbm>> -> memref<16x1024xf32, #tpu.memory_space<hbm>>
    %dma_start3A_966 = arith.constant 0 : i32
    %dma_start3A_967 = arith.constant 0 : i32
    %dma_start3A_968 = tpu.memref_slice %arg6[%dma_start3A_951, %dma_start3A_966, %dma_start3A_967] : memref<2x16x1024xf32, #tpu.memory_space<vmem>> -> memref<1x16x1024xf32, #tpu.memory_space<vmem>>
    %dma_start3A_969 = tpu.memref_squeeze %dma_start3A_968 : memref<1x16x1024xf32, #tpu.memory_space<vmem>> -> memref<16x1024xf32, #tpu.memory_space<vmem>>
    tpu.enqueue_dma source(%dma_start3A_969 : memref<16x1024xf32, #tpu.memory_space<vmem>>) target(%dma_start3A_965 : memref<16x1024xf32, #tpu.memory_space<hbm>>) target_semaphore(%dma_start3A_962 : memref<!tpu.dma_semaphore, #tpu.memory_space<semaphore_mem>>)
    %dma_wait3A_970 = arith.constant 0 : i32
    %dma_wait3A_971 = arith.constant 2 : i32
    %dma_wait3A_972 = arith.constant 0 : i32
    %dma_wait3A_973 = arith.constant 0 : i32
    %dma_wait3A_974 = arith.constant 0 : i32
    %dma_wait3A_975 = tpu.memref_slice %arg6[%dma_wait3A_970, %dma_wait3A_973, %dma_wait3A_974] : memref<2x16x1024xf32, #tpu.memory_space<vmem>> -> memref<1x16x1024xf32, #tpu.memory_space<vmem>>
    %dma_wait3A_976 = tpu.memref_squeeze %dma_wait3A_975 : memref<1x16x1024xf32, #tpu.memory_space<vmem>> -> memref<16x1024xf32, #tpu.memory_space<vmem>>
    %dma_wait3A_977 = arith.constant 0 : i32
    %dma_wait3A_978 = tpu.memref_slice %arg4[%dma_wait3A_971, %add3A_950, %dma_wait3A_977] : memref<4x2048x1024xf32, #tpu.memory_space<hbm>> -> memref<1x16x1024xf32, #tpu.memory_space<hbm>>
    %dma_wait3A_979 = tpu.memref_squeeze %dma_wait3A_978 : memref<1x16x1024xf32, #tpu.memory_space<hbm>> -> memref<16x1024xf32, #tpu.memory_space<hbm>>
    %dma_wait3A_980 = tpu.memref_slice %arg8[%dma_wait3A_972] : memref<2x!tpu.dma_semaphore, #tpu.memory_space<semaphore_mem>> -> memref<1x!tpu.dma_semaphore, #tpu.memory_space<semaphore_mem>>
    %dma_wait3A_981 = tpu.memref_squeeze %dma_wait3A_980 : memref<1x!tpu.dma_semaphore, #tpu.memory_space<semaphore_mem>> -> memref<!tpu.dma_semaphore, #tpu.memory_space<semaphore_mem>>
    %dma_wait3A_982 = arith.constant 0 : i32
    %dma_wait3A_983 = tpu.memref_slice %arg4[%dma_wait3A_971, %add3A_950, %dma_wait3A_982] : memref<4x2048x1024xf32, #tpu.memory_space<hbm>> -> memref<1x16x1024xf32, #tpu.memory_space<hbm>>
    %dma_wait3A_984 = tpu.memref_squeeze %dma_wait3A_983 : memref<1x16x1024xf32, #tpu.memory_space<hbm>> -> memref<16x1024xf32, #tpu.memory_space<hbm>>
    %dma_wait3A_985 = arith.constant 0 : i32
    %dma_wait3A_986 = arith.constant 0 : i32
    %dma_wait3A_987 = tpu.memref_slice %arg6[%dma_wait3A_970, %dma_wait3A_985, %dma_wait3A_986] : memref<2x16x1024xf32, #tpu.memory_space<vmem>> -> memref<1x16x1024xf32, #tpu.memory_space<vmem>>
    %dma_wait3A_988 = tpu.memref_squeeze %dma_wait3A_987 : memref<1x16x1024xf32, #tpu.memory_space<vmem>> -> memref<16x1024xf32, #tpu.memory_space<vmem>>
    tpu.wait_dma2 semaphore(%dma_wait3A_981 : memref<!tpu.dma_semaphore, #tpu.memory_space<semaphore_mem>>) src(%dma_wait3A_988 : memref<16x1024xf32, #tpu.memory_space<vmem>>) dst(%dma_wait3A_984 : memref<16x1024xf32, #tpu.memory_space<hbm>>)
    %add3A_989 = arith.constant 0 : i32
    %add3A_990 = arith.addi %mul3A_2, %add3A_989 : i32
    %dma_start3A_991 = arith.constant 3 : i32
    %dma_start3A_992 = arith.constant 0 : i32
    %dma_start3A_993 = arith.constant 0 : i32
    %dma_start3A_994 = arith.constant 0 : i32
    %dma_start3A_995 = arith.constant 0 : i32
    %dma_start3A_996 = tpu.memref_slice %arg6[%dma_start3A_992, %dma_start3A_994, %dma_start3A_995] : memref<2x16x1024xf32, #tpu.memory_space<vmem>> -> memref<1x16x1024xf32, #tpu.memory_space<vmem>>
    %dma_start3A_997 = tpu.memref_squeeze %dma_start3A_996 : memref<1x16x1024xf32, #tpu.memory_space<vmem>> -> memref<16x1024xf32, #tpu.memory_space<vmem>>
    %dma_start3A_998 = arith.constant 0 : i32
    %dma_start3A_999 = tpu.memref_slice %arg2[%dma_start3A_991, %add3A_990, %dma_start3A_998] : memref<4x2048x1024xf32, #tpu.memory_space<hbm>> -> memref<1x16x1024xf32, #tpu.memory_space<hbm>>
    %dma_start3A_1000 = tpu.memref_squeeze %dma_start3A_999 : memref<1x16x1024xf32, #tpu.memory_space<hbm>> -> memref<16x1024xf32, #tpu.memory_space<hbm>>
    %dma_start3A_1001 = tpu.memref_slice %arg7[%dma_start3A_993] : memref<2x!tpu.dma_semaphore, #tpu.memory_space<semaphore_mem>> -> memref<1x!tpu.dma_semaphore, #tpu.memory_space<semaphore_mem>>
    %dma_start3A_1002 = tpu.memref_squeeze %dma_start3A_1001 : memref<1x!tpu.dma_semaphore, #tpu.memory_space<semaphore_mem>> -> memref<!tpu.dma_semaphore, #tpu.memory_space<semaphore_mem>>
    %dma_start3A_1003 = arith.constant 0 : i32
    %dma_start3A_1004 = arith.constant 0 : i32
    %dma_start3A_1005 = tpu.memref_slice %arg6[%dma_start3A_992, %dma_start3A_1003, %dma_start3A_1004] : memref<2x16x1024xf32, #tpu.memory_space<vmem>> -> memref<1x16x1024xf32, #tpu.memory_space<vmem>>
    %dma_start3A_1006 = tpu.memref_squeeze %dma_start3A_1005 : memref<1x16x1024xf32, #tpu.memory_space<vmem>> -> memref<16x1024xf32, #tpu.memory_space<vmem>>
    %dma_start3A_1007 = arith.constant 0 : i32
    %dma_start3A_1008 = tpu.memref_slice %arg2[%dma_start3A_991, %add3A_990, %dma_start3A_1007] : memref<4x2048x1024xf32, #tpu.memory_space<hbm>> -> memref<1x16x1024xf32, #tpu.memory_space<hbm>>
    %dma_start3A_1009 = tpu.memref_squeeze %dma_start3A_1008 : memref<1x16x1024xf32, #tpu.memory_space<hbm>> -> memref<16x1024xf32, #tpu.memory_space<hbm>>
    tpu.enqueue_dma source(%dma_start3A_1009 : memref<16x1024xf32, #tpu.memory_space<hbm>>) target(%dma_start3A_1006 : memref<16x1024xf32, #tpu.memory_space<vmem>>) target_semaphore(%dma_start3A_1002 : memref<!tpu.dma_semaphore, #tpu.memory_space<semaphore_mem>>)
    %dma_wait3A_1010 = arith.constant 2 : i32
    %dma_wait3A_1011 = arith.constant 1 : i32
    %dma_wait3A_1012 = arith.constant 1 : i32
    %dma_wait3A_1013 = arith.constant 0 : i32
    %dma_wait3A_1014 = arith.constant 0 : i32
    %dma_wait3A_1015 = tpu.memref_slice %arg6[%dma_wait3A_1011, %dma_wait3A_1013, %dma_wait3A_1014] : memref<2x16x1024xf32, #tpu.memory_space<vmem>> -> memref<1x16x1024xf32, #tpu.memory_space<vmem>>
    %dma_wait3A_1016 = tpu.memref_squeeze %dma_wait3A_1015 : memref<1x16x1024xf32, #tpu.memory_space<vmem>> -> memref<16x1024xf32, #tpu.memory_space<vmem>>
    %dma_wait3A_1017 = arith.constant 0 : i32
    %dma_wait3A_1018 = tpu.memref_slice %arg2[%dma_wait3A_1010, %add3A_902, %dma_wait3A_1017] : memref<4x2048x1024xf32, #tpu.memory_space<hbm>> -> memref<1x16x1024xf32, #tpu.memory_space<hbm>>
    %dma_wait3A_1019 = tpu.memref_squeeze %dma_wait3A_1018 : memref<1x16x1024xf32, #tpu.memory_space<hbm>> -> memref<16x1024xf32, #tpu.memory_space<hbm>>
    %dma_wait3A_1020 = tpu.memref_slice %arg7[%dma_wait3A_1012] : memref<2x!tpu.dma_semaphore, #tpu.memory_space<semaphore_mem>> -> memref<1x!tpu.dma_semaphore, #tpu.memory_space<semaphore_mem>>
    %dma_wait3A_1021 = tpu.memref_squeeze %dma_wait3A_1020 : memref<1x!tpu.dma_semaphore, #tpu.memory_space<semaphore_mem>> -> memref<!tpu.dma_semaphore, #tpu.memory_space<semaphore_mem>>
    %dma_wait3A_1022 = arith.constant 0 : i32
    %dma_wait3A_1023 = arith.constant 0 : i32
    %dma_wait3A_1024 = tpu.memref_slice %arg6[%dma_wait3A_1011, %dma_wait3A_1022, %dma_wait3A_1023] : memref<2x16x1024xf32, #tpu.memory_space<vmem>> -> memref<1x16x1024xf32, #tpu.memory_space<vmem>>
    %dma_wait3A_1025 = tpu.memref_squeeze %dma_wait3A_1024 : memref<1x16x1024xf32, #tpu.memory_space<vmem>> -> memref<16x1024xf32, #tpu.memory_space<vmem>>
    %dma_wait3A_1026 = arith.constant 0 : i32
    %dma_wait3A_1027 = tpu.memref_slice %arg2[%dma_wait3A_1010, %add3A_902, %dma_wait3A_1026] : memref<4x2048x1024xf32, #tpu.memory_space<hbm>> -> memref<1x16x1024xf32, #tpu.memory_space<hbm>>
    %dma_wait3A_1028 = tpu.memref_squeeze %dma_wait3A_1027 : memref<1x16x1024xf32, #tpu.memory_space<hbm>> -> memref<16x1024xf32, #tpu.memory_space<hbm>>
    tpu.wait_dma2 semaphore(%dma_wait3A_1021 : memref<!tpu.dma_semaphore, #tpu.memory_space<semaphore_mem>>) src(%dma_wait3A_1028 : memref<16x1024xf32, #tpu.memory_space<hbm>>) dst(%dma_wait3A_1025 : memref<16x1024xf32, #tpu.memory_space<vmem>>)
    %scan3A_1029 = arith.constant 1 : i32
    %scan3A_1030 = arith.constant 0 : i32
    %scan3A_1031 = arith.constant 0 : i32
    %scan3A_1032 = arith.constant 16 : i32
    %scan3A_1033 = arith.addi %scan3A_1031, %scan3A_1032 : i32
    %scan3A_1034 = arith.constant 1 : i32
    %scan3A_1035 = scf.for %scan3A_1408 = %scan3A_1031 to %scan3A_1033 step %scan3A_1034 iter_args(%scan3A_1409 = %scan3A_1030) -> (i32)  : i32 {
      %add3A_1410 = arith.constant 48 : i32
      %add3A_1411 = arith.addi %add3A_1410, %scan3A_1408 : i32
      %parallel_loop3A = arith.constant 0 : i32
      %parallel_loop3A_1412 = arith.constant 1024 : i32
      %parallel_loop3A_1413 = arith.constant 16 : i32
      scf.for %parallel_loop3A_1415 = %parallel_loop3A to %parallel_loop3A_1412 step %parallel_loop3A_1413  : i32 {
        %parallel_loop3A_1416 = arith.constant 0 : i32
        %parallel_loop3A_1417 = arith.constant 0 : i32
        %parallel_loop3A_1418 = tpu.memref_slice %arg6[%scan3A_1029, %parallel_loop3A_1416, %parallel_loop3A_1417] : memref<2x16x1024xf32, #tpu.memory_space<vmem>> -> memref<1x16x1024xf32, #tpu.memory_space<vmem>>
        %parallel_loop3A_1419 = tpu.memref_squeeze %parallel_loop3A_1418 : memref<1x16x1024xf32, #tpu.memory_space<vmem>> -> memref<16x1024xf32, #tpu.memory_space<vmem>>
        %parallel_loop3A_1420 = arith.index_cast %scan3A_1408 : i32 to index
        %parallel_loop3A_1421 = arith.index_cast %parallel_loop3A_1415 : i32 to index
        %parallel_loop3A_1422 = tpu.vector_load %parallel_loop3A_1419[%parallel_loop3A_1420, %parallel_loop3A_1421] {strides = array<i32>} : memref<16x1024xf32, #tpu.memory_space<vmem>>, vector<1x16xf32>,
        %parallel_loop3A_1423 = vector.shape_cast %parallel_loop3A_1422 : vector<1x16xf32> to vector<16xf32>
        %parallel_loop3A_1424 = arith.index_cast %add3A_1411 : i32 to index
        %parallel_loop3A_1425 = arith.index_cast %parallel_loop3A_1415 : i32 to index
        %parallel_loop3A_1426 = tpu.vector_load %arg5[%parallel_loop3A_1424, %parallel_loop3A_1425] {strides = array<i32>} : memref<64x1024xf32, #tpu.memory_space<vmem>>, vector<1x16xf32>,
        %parallel_loop3A_1427 = vector.shape_cast %parallel_loop3A_1426 : vector<1x16xf32> to vector<16xf32>
        %parallel_loop3A_1428 = arith.addf %parallel_loop3A_1423, %parallel_loop3A_1427 : vector<16xf32>
        %parallel_loop3A_1429 = arith.constant 0 : i32
        %parallel_loop3A_1430 = arith.constant 0 : i32
        %parallel_loop3A_1431 = tpu.memref_slice %arg6[%scan3A_1029, %parallel_loop3A_1429, %parallel_loop3A_1430] : memref<2x16x1024xf32, #tpu.memory_space<vmem>> -> memref<1x16x1024xf32, #tpu.memory_space<vmem>>
        %parallel_loop3A_1432 = tpu.memref_squeeze %parallel_loop3A_1431 : memref<1x16x1024xf32, #tpu.memory_space<vmem>> -> memref<16x1024xf32, #tpu.memory_space<vmem>>
        %parallel_loop3A_1433 = arith.index_cast %scan3A_1408 : i32 to index
        %parallel_loop3A_1434 = arith.index_cast %parallel_loop3A_1415 : i32 to index
        %parallel_loop3A_1435 = tpu.vector_load %parallel_loop3A_1432[%parallel_loop3A_1433, %parallel_loop3A_1434] {strides = array<i32>} : memref<16x1024xf32, #tpu.memory_space<vmem>>, vector<1x16xf32>,
        %parallel_loop3A_1436 = vector.shape_cast %parallel_loop3A_1435 : vector<1x16xf32> to vector<16xf32>
        %parallel_loop3A_1437 = vector.shape_cast %parallel_loop3A_1428 : vector<16xf32> to vector<1x16xf32>
        tpu.vector_store %parallel_loop3A_1432[%parallel_loop3A_1433, %parallel_loop3A_1434], %parallel_loop3A_1437 {strides = array<i32>} : memref<16x1024xf32, #tpu.memory_space<vmem>>, vector<1x16xf32>,
      } {sc.loop_unroll_factor = 8 : i64, sc.parallel_access}
      %scan3A_1414 = arith.constant 0 : i32
      scf.yield %scan3A_1414 : i32
    }
    %scan3A_1036 = arith.constant 16 : i32
    %add3A_1037 = arith.constant 48 : i32
    %add3A_1038 = arith.addi %mul3A_2, %add3A_1037 : i32
    %dma_start3A_1039 = arith.constant 1 : i32
    %dma_start3A_1040 = arith.constant 2 : i32
    %dma_start3A_1041 = arith.constant 1 : i32
    %dma_start3A_1042 = arith.constant 0 : i32
    %dma_start3A_1043 = arith.constant 0 : i32
    %dma_start3A_1044 = tpu.memref_slice %arg6[%dma_start3A_1039, %dma_start3A_1042, %dma_start3A_1043] : memref<2x16x1024xf32, #tpu.memory_space<vmem>> -> memref<1x16x1024xf32, #tpu.memory_space<vmem>>
    %dma_start3A_1045 = tpu.memref_squeeze %dma_start3A_1044 : memref<1x16x1024xf32, #tpu.memory_space<vmem>> -> memref<16x1024xf32, #tpu.memory_space<vmem>>
    %dma_start3A_1046 = arith.constant 0 : i32
    %dma_start3A_1047 = tpu.memref_slice %arg4[%dma_start3A_1040, %add3A_1038, %dma_start3A_1046] : memref<4x2048x1024xf32, #tpu.memory_space<hbm>> -> memref<1x16x1024xf32, #tpu.memory_space<hbm>>
    %dma_start3A_1048 = tpu.memref_squeeze %dma_start3A_1047 : memref<1x16x1024xf32, #tpu.memory_space<hbm>> -> memref<16x1024xf32, #tpu.memory_space<hbm>>
    %dma_start3A_1049 = tpu.memref_slice %arg8[%dma_start3A_1041] : memref<2x!tpu.dma_semaphore, #tpu.memory_space<semaphore_mem>> -> memref<1x!tpu.dma_semaphore, #tpu.memory_space<semaphore_mem>>
    %dma_start3A_1050 = tpu.memref_squeeze %dma_start3A_1049 : memref<1x!tpu.dma_semaphore, #tpu.memory_space<semaphore_mem>> -> memref<!tpu.dma_semaphore, #tpu.memory_space<semaphore_mem>>
    %dma_start3A_1051 = arith.constant 0 : i32
    %dma_start3A_1052 = tpu.memref_slice %arg4[%dma_start3A_1040, %add3A_1038, %dma_start3A_1051] : memref<4x2048x1024xf32, #tpu.memory_space<hbm>> -> memref<1x16x1024xf32, #tpu.memory_space<hbm>>
    %dma_start3A_1053 = tpu.memref_squeeze %dma_start3A_1052 : memref<1x16x1024xf32, #tpu.memory_space<hbm>> -> memref<16x1024xf32, #tpu.memory_space<hbm>>
    %dma_start3A_1054 = arith.constant 0 : i32
    %dma_start3A_1055 = arith.constant 0 : i32
    %dma_start3A_1056 = tpu.memref_slice %arg6[%dma_start3A_1039, %dma_start3A_1054, %dma_start3A_1055] : memref<2x16x1024xf32, #tpu.memory_space<vmem>> -> memref<1x16x1024xf32, #tpu.memory_space<vmem>>
    %dma_start3A_1057 = tpu.memref_squeeze %dma_start3A_1056 : memref<1x16x1024xf32, #tpu.memory_space<vmem>> -> memref<16x1024xf32, #tpu.memory_space<vmem>>
    tpu.enqueue_dma source(%dma_start3A_1057 : memref<16x1024xf32, #tpu.memory_space<vmem>>) target(%dma_start3A_1053 : memref<16x1024xf32, #tpu.memory_space<hbm>>) target_semaphore(%dma_start3A_1050 : memref<!tpu.dma_semaphore, #tpu.memory_space<semaphore_mem>>)
    %dma_wait3A_1058 = arith.constant 1 : i32
    %dma_wait3A_1059 = arith.constant 2 : i32
    %dma_wait3A_1060 = arith.constant 1 : i32
    %dma_wait3A_1061 = arith.constant 0 : i32
    %dma_wait3A_1062 = arith.constant 0 : i32
    %dma_wait3A_1063 = tpu.memref_slice %arg6[%dma_wait3A_1058, %dma_wait3A_1061, %dma_wait3A_1062] : memref<2x16x1024xf32, #tpu.memory_space<vmem>> -> memref<1x16x1024xf32, #tpu.memory_space<vmem>>
    %dma_wait3A_1064 = tpu.memref_squeeze %dma_wait3A_1063 : memref<1x16x1024xf32, #tpu.memory_space<vmem>> -> memref<16x1024xf32, #tpu.memory_space<vmem>>
    %dma_wait3A_1065 = arith.constant 0 : i32
    %dma_wait3A_1066 = tpu.memref_slice %arg4[%dma_wait3A_1059, %add3A_1038, %dma_wait3A_1065] : memref<4x2048x1024xf32, #tpu.memory_space<hbm>> -> memref<1x16x1024xf32, #tpu.memory_space<hbm>>
    %dma_wait3A_1067 = tpu.memref_squeeze %dma_wait3A_1066 : memref<1x16x1024xf32, #tpu.memory_space<hbm>> -> memref<16x1024xf32, #tpu.memory_space<hbm>>
    %dma_wait3A_1068 = tpu.memref_slice %arg8[%dma_wait3A_1060] : memref<2x!tpu.dma_semaphore, #tpu.memory_space<semaphore_mem>> -> memref<1x!tpu.dma_semaphore, #tpu.memory_space<semaphore_mem>>
    %dma_wait3A_1069 = tpu.memref_squeeze %dma_wait3A_1068 : memref<1x!tpu.dma_semaphore, #tpu.memory_space<semaphore_mem>> -> memref<!tpu.dma_semaphore, #tpu.memory_space<semaphore_mem>>
    %dma_wait3A_1070 = arith.constant 0 : i32
    %dma_wait3A_1071 = tpu.memref_slice %arg4[%dma_wait3A_1059, %add3A_1038, %dma_wait3A_1070] : memref<4x2048x1024xf32, #tpu.memory_space<hbm>> -> memref<1x16x1024xf32, #tpu.memory_space<hbm>>
    %dma_wait3A_1072 = tpu.memref_squeeze %dma_wait3A_1071 : memref<1x16x1024xf32, #tpu.memory_space<hbm>> -> memref<16x1024xf32, #tpu.memory_space<hbm>>
    %dma_wait3A_1073 = arith.constant 0 : i32
    %dma_wait3A_1074 = arith.constant 0 : i32
    %dma_wait3A_1075 = tpu.memref_slice %arg6[%dma_wait3A_1058, %dma_wait3A_1073, %dma_wait3A_1074] : memref<2x16x1024xf32, #tpu.memory_space<vmem>> -> memref<1x16x1024xf32, #tpu.memory_space<vmem>>
    %dma_wait3A_1076 = tpu.memref_squeeze %dma_wait3A_1075 : memref<1x16x1024xf32, #tpu.memory_space<vmem>> -> memref<16x1024xf32, #tpu.memory_space<vmem>>
    tpu.wait_dma2 semaphore(%dma_wait3A_1069 : memref<!tpu.dma_semaphore, #tpu.memory_space<semaphore_mem>>) src(%dma_wait3A_1076 : memref<16x1024xf32, #tpu.memory_space<vmem>>) dst(%dma_wait3A_1072 : memref<16x1024xf32, #tpu.memory_space<hbm>>)
    %add3A_1077 = arith.constant 16 : i32
    %add3A_1078 = arith.addi %mul3A_2, %add3A_1077 : i32
    %dma_start3A_1079 = arith.constant 3 : i32
    %dma_start3A_1080 = arith.constant 1 : i32
    %dma_start3A_1081 = arith.constant 1 : i32
    %dma_start3A_1082 = arith.constant 0 : i32
    %dma_start3A_1083 = arith.constant 0 : i32
    %dma_start3A_1084 = tpu.memref_slice %arg6[%dma_start3A_1080, %dma_start3A_1082, %dma_start3A_1083] : memref<2x16x1024xf32, #tpu.memory_space<vmem>> -> memref<1x16x1024xf32, #tpu.memory_space<vmem>>
    %dma_start3A_1085 = tpu.memref_squeeze %dma_start3A_1084 : memref<1x16x1024xf32, #tpu.memory_space<vmem>> -> memref<16x1024xf32, #tpu.memory_space<vmem>>
    %dma_start3A_1086 = arith.constant 0 : i32
    %dma_start3A_1087 = tpu.memref_slice %arg2[%dma_start3A_1079, %add3A_1078, %dma_start3A_1086] : memref<4x2048x1024xf32, #tpu.memory_space<hbm>> -> memref<1x16x1024xf32, #tpu.memory_space<hbm>>
    %dma_start3A_1088 = tpu.memref_squeeze %dma_start3A_1087 : memref<1x16x1024xf32, #tpu.memory_space<hbm>> -> memref<16x1024xf32, #tpu.memory_space<hbm>>
    %dma_start3A_1089 = tpu.memref_slice %arg7[%dma_start3A_1081] : memref<2x!tpu.dma_semaphore, #tpu.memory_space<semaphore_mem>> -> memref<1x!tpu.dma_semaphore, #tpu.memory_space<semaphore_mem>>
    %dma_start3A_1090 = tpu.memref_squeeze %dma_start3A_1089 : memref<1x!tpu.dma_semaphore, #tpu.memory_space<semaphore_mem>> -> memref<!tpu.dma_semaphore, #tpu.memory_space<semaphore_mem>>
    %dma_start3A_1091 = arith.constant 0 : i32
    %dma_start3A_1092 = arith.constant 0 : i32
    %dma_start3A_1093 = tpu.memref_slice %arg6[%dma_start3A_1080, %dma_start3A_1091, %dma_start3A_1092] : memref<2x16x1024xf32, #tpu.memory_space<vmem>> -> memref<1x16x1024xf32, #tpu.memory_space<vmem>>
    %dma_start3A_1094 = tpu.memref_squeeze %dma_start3A_1093 : memref<1x16x1024xf32, #tpu.memory_space<vmem>> -> memref<16x1024xf32, #tpu.memory_space<vmem>>
    %dma_start3A_1095 = arith.constant 0 : i32
    %dma_start3A_1096 = tpu.memref_slice %arg2[%dma_start3A_1079, %add3A_1078, %dma_start3A_1095] : memref<4x2048x1024xf32, #tpu.memory_space<hbm>> -> memref<1x16x1024xf32, #tpu.memory_space<hbm>>
    %dma_start3A_1097 = tpu.memref_squeeze %dma_start3A_1096 : memref<1x16x1024xf32, #tpu.memory_space<hbm>> -> memref<16x1024xf32, #tpu.memory_space<hbm>>
    tpu.enqueue_dma source(%dma_start3A_1097 : memref<16x1024xf32, #tpu.memory_space<hbm>>) target(%dma_start3A_1094 : memref<16x1024xf32, #tpu.memory_space<vmem>>) target_semaphore(%dma_start3A_1090 : memref<!tpu.dma_semaphore, #tpu.memory_space<semaphore_mem>>)
    %dma_wait3A_1098 = arith.constant 3 : i32
    %dma_wait3A_1099 = arith.constant 0 : i32
    %dma_wait3A_1100 = arith.constant 0 : i32
    %dma_wait3A_1101 = arith.constant 0 : i32
    %dma_wait3A_1102 = arith.constant 0 : i32
    %dma_wait3A_1103 = tpu.memref_slice %arg6[%dma_wait3A_1099, %dma_wait3A_1101, %dma_wait3A_1102] : memref<2x16x1024xf32, #tpu.memory_space<vmem>> -> memref<1x16x1024xf32, #tpu.memory_space<vmem>>
    %dma_wait3A_1104 = tpu.memref_squeeze %dma_wait3A_1103 : memref<1x16x1024xf32, #tpu.memory_space<vmem>> -> memref<16x1024xf32, #tpu.memory_space<vmem>>
    %dma_wait3A_1105 = arith.constant 0 : i32
    %dma_wait3A_1106 = tpu.memref_slice %arg2[%dma_wait3A_1098, %add3A_990, %dma_wait3A_1105] : memref<4x2048x1024xf32, #tpu.memory_space<hbm>> -> memref<1x16x1024xf32, #tpu.memory_space<hbm>>
    %dma_wait3A_1107 = tpu.memref_squeeze %dma_wait3A_1106 : memref<1x16x1024xf32, #tpu.memory_space<hbm>> -> memref<16x1024xf32, #tpu.memory_space<hbm>>
    %dma_wait3A_1108 = tpu.memref_slice %arg7[%dma_wait3A_1100] : memref<2x!tpu.dma_semaphore, #tpu.memory_space<semaphore_mem>> -> memref<1x!tpu.dma_semaphore, #tpu.memory_space<semaphore_mem>>
    %dma_wait3A_1109 = tpu.memref_squeeze %dma_wait3A_1108 : memref<1x!tpu.dma_semaphore, #tpu.memory_space<semaphore_mem>> -> memref<!tpu.dma_semaphore, #tpu.memory_space<semaphore_mem>>
    %dma_wait3A_1110 = arith.constant 0 : i32
    %dma_wait3A_1111 = arith.constant 0 : i32
    %dma_wait3A_1112 = tpu.memref_slice %arg6[%dma_wait3A_1099, %dma_wait3A_1110, %dma_wait3A_1111] : memref<2x16x1024xf32, #tpu.memory_space<vmem>> -> memref<1x16x1024xf32, #tpu.memory_space<vmem>>
    %dma_wait3A_1113 = tpu.memref_squeeze %dma_wait3A_1112 : memref<1x16x1024xf32, #tpu.memory_space<vmem>> -> memref<16x1024xf32, #tpu.memory_space<vmem>>
    %dma_wait3A_1114 = arith.constant 0 : i32
    %dma_wait3A_1115 = tpu.memref_slice %arg2[%dma_wait3A_1098, %add3A_990, %dma_wait3A_1114] : memref<4x2048x1024xf32, #tpu.memory_space<hbm>> -> memref<1x16x1024xf32, #tpu.memory_space<hbm>>
    %dma_wait3A_1116 = tpu.memref_squeeze %dma_wait3A_1115 : memref<1x16x1024xf32, #tpu.memory_space<hbm>> -> memref<16x1024xf32, #tpu.memory_space<hbm>>
    tpu.wait_dma2 semaphore(%dma_wait3A_1109 : memref<!tpu.dma_semaphore, #tpu.memory_space<semaphore_mem>>) src(%dma_wait3A_1116 : memref<16x1024xf32, #tpu.memory_space<hbm>>) dst(%dma_wait3A_1113 : memref<16x1024xf32, #tpu.memory_space<vmem>>)
    %scan3A_1117 = arith.constant 0 : i32
    %scan3A_1118 = arith.constant 0 : i32
    %scan3A_1119 = arith.constant 0 : i32
    %scan3A_1120 = arith.constant 16 : i32
    %scan3A_1121 = arith.addi %scan3A_1119, %scan3A_1120 : i32
    %scan3A_1122 = arith.constant 1 : i32
    %scan3A_1123 = scf.for %scan3A_1408 = %scan3A_1119 to %scan3A_1121 step %scan3A_1122 iter_args(%scan3A_1409 = %scan3A_1118) -> (i32)  : i32 {
      %add3A_1410 = arith.constant 0 : i32
      %add3A_1411 = arith.addi %add3A_1410, %scan3A_1408 : i32
      %parallel_loop3A = arith.constant 0 : i32
      %parallel_loop3A_1412 = arith.constant 1024 : i32
      %parallel_loop3A_1413 = arith.constant 16 : i32
      scf.for %parallel_loop3A_1415 = %parallel_loop3A to %parallel_loop3A_1412 step %parallel_loop3A_1413  : i32 {
        %parallel_loop3A_1416 = arith.constant 0 : i32
        %parallel_loop3A_1417 = arith.constant 0 : i32
        %parallel_loop3A_1418 = tpu.memref_slice %arg6[%scan3A_1117, %parallel_loop3A_1416, %parallel_loop3A_1417] : memref<2x16x1024xf32, #tpu.memory_space<vmem>> -> memref<1x16x1024xf32, #tpu.memory_space<vmem>>
        %parallel_loop3A_1419 = tpu.memref_squeeze %parallel_loop3A_1418 : memref<1x16x1024xf32, #tpu.memory_space<vmem>> -> memref<16x1024xf32, #tpu.memory_space<vmem>>
        %parallel_loop3A_1420 = arith.index_cast %scan3A_1408 : i32 to index
        %parallel_loop3A_1421 = arith.index_cast %parallel_loop3A_1415 : i32 to index
        %parallel_loop3A_1422 = tpu.vector_load %parallel_loop3A_1419[%parallel_loop3A_1420, %parallel_loop3A_1421] {strides = array<i32>} : memref<16x1024xf32, #tpu.memory_space<vmem>>, vector<1x16xf32>,
        %parallel_loop3A_1423 = vector.shape_cast %parallel_loop3A_1422 : vector<1x16xf32> to vector<16xf32>
        %parallel_loop3A_1424 = arith.index_cast %add3A_1411 : i32 to index
        %parallel_loop3A_1425 = arith.index_cast %parallel_loop3A_1415 : i32 to index
        %parallel_loop3A_1426 = tpu.vector_load %arg5[%parallel_loop3A_1424, %parallel_loop3A_1425] {strides = array<i32>} : memref<64x1024xf32, #tpu.memory_space<vmem>>, vector<1x16xf32>,
        %parallel_loop3A_1427 = vector.shape_cast %parallel_loop3A_1426 : vector<1x16xf32> to vector<16xf32>
        %parallel_loop3A_1428 = arith.addf %parallel_loop3A_1423, %parallel_loop3A_1427 : vector<16xf32>
        %parallel_loop3A_1429 = arith.constant 0 : i32
        %parallel_loop3A_1430 = arith.constant 0 : i32
        %parallel_loop3A_1431 = tpu.memref_slice %arg6[%scan3A_1117, %parallel_loop3A_1429, %parallel_loop3A_1430] : memref<2x16x1024xf32, #tpu.memory_space<vmem>> -> memref<1x16x1024xf32, #tpu.memory_space<vmem>>
        %parallel_loop3A_1432 = tpu.memref_squeeze %parallel_loop3A_1431 : memref<1x16x1024xf32, #tpu.memory_space<vmem>> -> memref<16x1024xf32, #tpu.memory_space<vmem>>
        %parallel_loop3A_1433 = arith.index_cast %scan3A_1408 : i32 to index
        %parallel_loop3A_1434 = arith.index_cast %parallel_loop3A_1415 : i32 to index
        %parallel_loop3A_1435 = tpu.vector_load %parallel_loop3A_1432[%parallel_loop3A_1433, %parallel_loop3A_1434] {strides = array<i32>} : memref<16x1024xf32, #tpu.memory_space<vmem>>, vector<1x16xf32>,
        %parallel_loop3A_1436 = vector.shape_cast %parallel_loop3A_1435 : vector<1x16xf32> to vector<16xf32>
        %parallel_loop3A_1437 = vector.shape_cast %parallel_loop3A_1428 : vector<16xf32> to vector<1x16xf32>
        tpu.vector_store %parallel_loop3A_1432[%parallel_loop3A_1433, %parallel_loop3A_1434], %parallel_loop3A_1437 {strides = array<i32>} : memref<16x1024xf32, #tpu.memory_space<vmem>>, vector<1x16xf32>,
      } {sc.loop_unroll_factor = 8 : i64, sc.parallel_access}
      %scan3A_1414 = arith.constant 0 : i32
      scf.yield %scan3A_1414 : i32
    }
    %scan3A_1124 = arith.constant 16 : i32
    %add3A_1125 = arith.constant 0 : i32
    %add3A_1126 = arith.addi %mul3A_2, %add3A_1125 : i32
    %dma_start3A_1127 = arith.constant 0 : i32
    %dma_start3A_1128 = arith.constant 3 : i32
    %dma_start3A_1129 = arith.constant 0 : i32
    %dma_start3A_1130 = arith.constant 0 : i32
    %dma_start3A_1131 = arith.constant 0 : i32
    %dma_start3A_1132 = tpu.memref_slice %arg6[%dma_start3A_1127, %dma_start3A_1130, %dma_start3A_1131] : memref<2x16x1024xf32, #tpu.memory_space<vmem>> -> memref<1x16x1024xf32, #tpu.memory_space<vmem>>
    %dma_start3A_1133 = tpu.memref_squeeze %dma_start3A_1132 : memref<1x16x1024xf32, #tpu.memory_space<vmem>> -> memref<16x1024xf32, #tpu.memory_space<vmem>>
    %dma_start3A_1134 = arith.constant 0 : i32
    %dma_start3A_1135 = tpu.memref_slice %arg4[%dma_start3A_1128, %add3A_1126, %dma_start3A_1134] : memref<4x2048x1024xf32, #tpu.memory_space<hbm>> -> memref<1x16x1024xf32, #tpu.memory_space<hbm>>
    %dma_start3A_1136 = tpu.memref_squeeze %dma_start3A_1135 : memref<1x16x1024xf32, #tpu.memory_space<hbm>> -> memref<16x1024xf32, #tpu.memory_space<hbm>>
    %dma_start3A_1137 = tpu.memref_slice %arg8[%dma_start3A_1129] : memref<2x!tpu.dma_semaphore, #tpu.memory_space<semaphore_mem>> -> memref<1x!tpu.dma_semaphore, #tpu.memory_space<semaphore_mem>>
    %dma_start3A_1138 = tpu.memref_squeeze %dma_start3A_1137 : memref<1x!tpu.dma_semaphore, #tpu.memory_space<semaphore_mem>> -> memref<!tpu.dma_semaphore, #tpu.memory_space<semaphore_mem>>
    %dma_start3A_1139 = arith.constant 0 : i32
    %dma_start3A_1140 = tpu.memref_slice %arg4[%dma_start3A_1128, %add3A_1126, %dma_start3A_1139] : memref<4x2048x1024xf32, #tpu.memory_space<hbm>> -> memref<1x16x1024xf32, #tpu.memory_space<hbm>>
    %dma_start3A_1141 = tpu.memref_squeeze %dma_start3A_1140 : memref<1x16x1024xf32, #tpu.memory_space<hbm>> -> memref<16x1024xf32, #tpu.memory_space<hbm>>
    %dma_start3A_1142 = arith.constant 0 : i32
    %dma_start3A_1143 = arith.constant 0 : i32
    %dma_start3A_1144 = tpu.memref_slice %arg6[%dma_start3A_1127, %dma_start3A_1142, %dma_start3A_1143] : memref<2x16x1024xf32, #tpu.memory_space<vmem>> -> memref<1x16x1024xf32, #tpu.memory_space<vmem>>
    %dma_start3A_1145 = tpu.memref_squeeze %dma_start3A_1144 : memref<1x16x1024xf32, #tpu.memory_space<vmem>> -> memref<16x1024xf32, #tpu.memory_space<vmem>>
    tpu.enqueue_dma source(%dma_start3A_1145 : memref<16x1024xf32, #tpu.memory_space<vmem>>) target(%dma_start3A_1141 : memref<16x1024xf32, #tpu.memory_space<hbm>>) target_semaphore(%dma_start3A_1138 : memref<!tpu.dma_semaphore, #tpu.memory_space<semaphore_mem>>)
    %dma_wait3A_1146 = arith.constant 0 : i32
    %dma_wait3A_1147 = arith.constant 3 : i32
    %dma_wait3A_1148 = arith.constant 0 : i32
    %dma_wait3A_1149 = arith.constant 0 : i32
    %dma_wait3A_1150 = arith.constant 0 : i32
    %dma_wait3A_1151 = tpu.memref_slice %arg6[%dma_wait3A_1146, %dma_wait3A_1149, %dma_wait3A_1150] : memref<2x16x1024xf32, #tpu.memory_space<vmem>> -> memref<1x16x1024xf32, #tpu.memory_space<vmem>>
    %dma_wait3A_1152 = tpu.memref_squeeze %dma_wait3A_1151 : memref<1x16x1024xf32, #tpu.memory_space<vmem>> -> memref<16x1024xf32, #tpu.memory_space<vmem>>
    %dma_wait3A_1153 = arith.constant 0 : i32
    %dma_wait3A_1154 = tpu.memref_slice %arg4[%dma_wait3A_1147, %add3A_1126, %dma_wait3A_1153] : memref<4x2048x1024xf32, #tpu.memory_space<hbm>> -> memref<1x16x1024xf32, #tpu.memory_space<hbm>>
    %dma_wait3A_1155 = tpu.memref_squeeze %dma_wait3A_1154 : memref<1x16x1024xf32, #tpu.memory_space<hbm>> -> memref<16x1024xf32, #tpu.memory_space<hbm>>
    %dma_wait3A_1156 = tpu.memref_slice %arg8[%dma_wait3A_1148] : memref<2x!tpu.dma_semaphore, #tpu.memory_space<semaphore_mem>> -> memref<1x!tpu.dma_semaphore, #tpu.memory_space<semaphore_mem>>
    %dma_wait3A_1157 = tpu.memref_squeeze %dma_wait3A_1156 : memref<1x!tpu.dma_semaphore, #tpu.memory_space<semaphore_mem>> -> memref<!tpu.dma_semaphore, #tpu.memory_space<semaphore_mem>>
    %dma_wait3A_1158 = arith.constant 0 : i32
    %dma_wait3A_1159 = tpu.memref_slice %arg4[%dma_wait3A_1147, %add3A_1126, %dma_wait3A_1158] : memref<4x2048x1024xf32, #tpu.memory_space<hbm>> -> memref<1x16x1024xf32, #tpu.memory_space<hbm>>
    %dma_wait3A_1160 = tpu.memref_squeeze %dma_wait3A_1159 : memref<1x16x1024xf32, #tpu.memory_space<hbm>> -> memref<16x1024xf32, #tpu.memory_space<hbm>>
    %dma_wait3A_1161 = arith.constant 0 : i32
    %dma_wait3A_1162 = arith.constant 0 : i32
    %dma_wait3A_1163 = tpu.memref_slice %arg6[%dma_wait3A_1146, %dma_wait3A_1161, %dma_wait3A_1162] : memref<2x16x1024xf32, #tpu.memory_space<vmem>> -> memref<1x16x1024xf32, #tpu.memory_space<vmem>>
    %dma_wait3A_1164 = tpu.memref_squeeze %dma_wait3A_1163 : memref<1x16x1024xf32, #tpu.memory_space<vmem>> -> memref<16x1024xf32, #tpu.memory_space<vmem>>
    tpu.wait_dma2 semaphore(%dma_wait3A_1157 : memref<!tpu.dma_semaphore, #tpu.memory_space<semaphore_mem>>) src(%dma_wait3A_1164 : memref<16x1024xf32, #tpu.memory_space<vmem>>) dst(%dma_wait3A_1160 : memref<16x1024xf32, #tpu.memory_space<hbm>>)
    %add3A_1165 = arith.constant 32 : i32
    %add3A_1166 = arith.addi %mul3A_2, %add3A_1165 : i32
    %dma_start3A_1167 = arith.constant 3 : i32
    %dma_start3A_1168 = arith.constant 0 : i32
    %dma_start3A_1169 = arith.constant 0 : i32
    %dma_start3A_1170 = arith.constant 0 : i32
    %dma_start3A_1171 = arith.constant 0 : i32
    %dma_start3A_1172 = tpu.memref_slice %arg6[%dma_start3A_1168, %dma_start3A_1170, %dma_start3A_1171] : memref<2x16x1024xf32, #tpu.memory_space<vmem>> -> memref<1x16x1024xf32, #tpu.memory_space<vmem>>
    %dma_start3A_1173 = tpu.memref_squeeze %dma_start3A_1172 : memref<1x16x1024xf32, #tpu.memory_space<vmem>> -> memref<16x1024xf32, #tpu.memory_space<vmem>>
    %dma_start3A_1174 = arith.constant 0 : i32
    %dma_start3A_1175 = tpu.memref_slice %arg2[%dma_start3A_1167, %add3A_1166, %dma_start3A_1174] : memref<4x2048x1024xf32, #tpu.memory_space<hbm>> -> memref<1x16x1024xf32, #tpu.memory_space<hbm>>
    %dma_start3A_1176 = tpu.memref_squeeze %dma_start3A_1175 : memref<1x16x1024xf32, #tpu.memory_space<hbm>> -> memref<16x1024xf32, #tpu.memory_space<hbm>>
    %dma_start3A_1177 = tpu.memref_slice %arg7[%dma_start3A_1169] : memref<2x!tpu.dma_semaphore, #tpu.memory_space<semaphore_mem>> -> memref<1x!tpu.dma_semaphore, #tpu.memory_space<semaphore_mem>>
    %dma_start3A_1178 = tpu.memref_squeeze %dma_start3A_1177 : memref<1x!tpu.dma_semaphore, #tpu.memory_space<semaphore_mem>> -> memref<!tpu.dma_semaphore, #tpu.memory_space<semaphore_mem>>
    %dma_start3A_1179 = arith.constant 0 : i32
    %dma_start3A_1180 = arith.constant 0 : i32
    %dma_start3A_1181 = tpu.memref_slice %arg6[%dma_start3A_1168, %dma_start3A_1179, %dma_start3A_1180] : memref<2x16x1024xf32, #tpu.memory_space<vmem>> -> memref<1x16x1024xf32, #tpu.memory_space<vmem>>
    %dma_start3A_1182 = tpu.memref_squeeze %dma_start3A_1181 : memref<1x16x1024xf32, #tpu.memory_space<vmem>> -> memref<16x1024xf32, #tpu.memory_space<vmem>>
    %dma_start3A_1183 = arith.constant 0 : i32
    %dma_start3A_1184 = tpu.memref_slice %arg2[%dma_start3A_1167, %add3A_1166, %dma_start3A_1183] : memref<4x2048x1024xf32, #tpu.memory_space<hbm>> -> memref<1x16x1024xf32, #tpu.memory_space<hbm>>
    %dma_start3A_1185 = tpu.memref_squeeze %dma_start3A_1184 : memref<1x16x1024xf32, #tpu.memory_space<hbm>> -> memref<16x1024xf32, #tpu.memory_space<hbm>>
    tpu.enqueue_dma source(%dma_start3A_1185 : memref<16x1024xf32, #tpu.memory_space<hbm>>) target(%dma_start3A_1182 : memref<16x1024xf32, #tpu.memory_space<vmem>>) target_semaphore(%dma_start3A_1178 : memref<!tpu.dma_semaphore, #tpu.memory_space<semaphore_mem>>)
    %dma_wait3A_1186 = arith.constant 3 : i32
    %dma_wait3A_1187 = arith.constant 1 : i32
    %dma_wait3A_1188 = arith.constant 1 : i32
    %dma_wait3A_1189 = arith.constant 0 : i32
    %dma_wait3A_1190 = arith.constant 0 : i32
    %dma_wait3A_1191 = tpu.memref_slice %arg6[%dma_wait3A_1187, %dma_wait3A_1189, %dma_wait3A_1190] : memref<2x16x1024xf32, #tpu.memory_space<vmem>> -> memref<1x16x1024xf32, #tpu.memory_space<vmem>>
    %dma_wait3A_1192 = tpu.memref_squeeze %dma_wait3A_1191 : memref<1x16x1024xf32, #tpu.memory_space<vmem>> -> memref<16x1024xf32, #tpu.memory_space<vmem>>
    %dma_wait3A_1193 = arith.constant 0 : i32
    %dma_wait3A_1194 = tpu.memref_slice %arg2[%dma_wait3A_1186, %add3A_1078, %dma_wait3A_1193] : memref<4x2048x1024xf32, #tpu.memory_space<hbm>> -> memref<1x16x1024xf32, #tpu.memory_space<hbm>>
    %dma_wait3A_1195 = tpu.memref_squeeze %dma_wait3A_1194 : memref<1x16x1024xf32, #tpu.memory_space<hbm>> -> memref<16x1024xf32, #tpu.memory_space<hbm>>
    %dma_wait3A_1196 = tpu.memref_slice %arg7[%dma_wait3A_1188] : memref<2x!tpu.dma_semaphore, #tpu.memory_space<semaphore_mem>> -> memref<1x!tpu.dma_semaphore, #tpu.memory_space<semaphore_mem>>
    %dma_wait3A_1197 = tpu.memref_squeeze %dma_wait3A_1196 : memref<1x!tpu.dma_semaphore, #tpu.memory_space<semaphore_mem>> -> memref<!tpu.dma_semaphore, #tpu.memory_space<semaphore_mem>>
    %dma_wait3A_1198 = arith.constant 0 : i32
    %dma_wait3A_1199 = arith.constant 0 : i32
    %dma_wait3A_1200 = tpu.memref_slice %arg6[%dma_wait3A_1187, %dma_wait3A_1198, %dma_wait3A_1199] : memref<2x16x1024xf32, #tpu.memory_space<vmem>> -> memref<1x16x1024xf32, #tpu.memory_space<vmem>>
    %dma_wait3A_1201 = tpu.memref_squeeze %dma_wait3A_1200 : memref<1x16x1024xf32, #tpu.memory_space<vmem>> -> memref<16x1024xf32, #tpu.memory_space<vmem>>
    %dma_wait3A_1202 = arith.constant 0 : i32
    %dma_wait3A_1203 = tpu.memref_slice %arg2[%dma_wait3A_1186, %add3A_1078, %dma_wait3A_1202] : memref<4x2048x1024xf32, #tpu.memory_space<hbm>> -> memref<1x16x1024xf32, #tpu.memory_space<hbm>>
    %dma_wait3A_1204 = tpu.memref_squeeze %dma_wait3A_1203 : memref<1x16x1024xf32, #tpu.memory_space<hbm>> -> memref<16x1024xf32, #tpu.memory_space<hbm>>
    tpu.wait_dma2 semaphore(%dma_wait3A_1197 : memref<!tpu.dma_semaphore, #tpu.memory_space<semaphore_mem>>) src(%dma_wait3A_1204 : memref<16x1024xf32, #tpu.memory_space<hbm>>) dst(%dma_wait3A_1201 : memref<16x1024xf32, #tpu.memory_space<vmem>>)
    %scan3A_1205 = arith.constant 1 : i32
    %scan3A_1206 = arith.constant 0 : i32
    %scan3A_1207 = arith.constant 0 : i32
    %scan3A_1208 = arith.constant 16 : i32
    %scan3A_1209 = arith.addi %scan3A_1207, %scan3A_1208 : i32
    %scan3A_1210 = arith.constant 1 : i32
    %scan3A_1211 = scf.for %scan3A_1408 = %scan3A_1207 to %scan3A_1209 step %scan3A_1210 iter_args(%scan3A_1409 = %scan3A_1206) -> (i32)  : i32 {
      %add3A_1410 = arith.constant 16 : i32
      %add3A_1411 = arith.addi %add3A_1410, %scan3A_1408 : i32
      %parallel_loop3A = arith.constant 0 : i32
      %parallel_loop3A_1412 = arith.constant 1024 : i32
      %parallel_loop3A_1413 = arith.constant 16 : i32
      scf.for %parallel_loop3A_1415 = %parallel_loop3A to %parallel_loop3A_1412 step %parallel_loop3A_1413  : i32 {
        %parallel_loop3A_1416 = arith.constant 0 : i32
        %parallel_loop3A_1417 = arith.constant 0 : i32
        %parallel_loop3A_1418 = tpu.memref_slice %arg6[%scan3A_1205, %parallel_loop3A_1416, %parallel_loop3A_1417] : memref<2x16x1024xf32, #tpu.memory_space<vmem>> -> memref<1x16x1024xf32, #tpu.memory_space<vmem>>
        %parallel_loop3A_1419 = tpu.memref_squeeze %parallel_loop3A_1418 : memref<1x16x1024xf32, #tpu.memory_space<vmem>> -> memref<16x1024xf32, #tpu.memory_space<vmem>>
        %parallel_loop3A_1420 = arith.index_cast %scan3A_1408 : i32 to index
        %parallel_loop3A_1421 = arith.index_cast %parallel_loop3A_1415 : i32 to index
        %parallel_loop3A_1422 = tpu.vector_load %parallel_loop3A_1419[%parallel_loop3A_1420, %parallel_loop3A_1421] {strides = array<i32>} : memref<16x1024xf32, #tpu.memory_space<vmem>>, vector<1x16xf32>,
        %parallel_loop3A_1423 = vector.shape_cast %parallel_loop3A_1422 : vector<1x16xf32> to vector<16xf32>
        %parallel_loop3A_1424 = arith.index_cast %add3A_1411 : i32 to index
        %parallel_loop3A_1425 = arith.index_cast %parallel_loop3A_1415 : i32 to index
        %parallel_loop3A_1426 = tpu.vector_load %arg5[%parallel_loop3A_1424, %parallel_loop3A_1425] {strides = array<i32>} : memref<64x1024xf32, #tpu.memory_space<vmem>>, vector<1x16xf32>,
        %parallel_loop3A_1427 = vector.shape_cast %parallel_loop3A_1426 : vector<1x16xf32> to vector<16xf32>
        %parallel_loop3A_1428 = arith.addf %parallel_loop3A_1423, %parallel_loop3A_1427 : vector<16xf32>
        %parallel_loop3A_1429 = arith.constant 0 : i32
        %parallel_loop3A_1430 = arith.constant 0 : i32
        %parallel_loop3A_1431 = tpu.memref_slice %arg6[%scan3A_1205, %parallel_loop3A_1429, %parallel_loop3A_1430] : memref<2x16x1024xf32, #tpu.memory_space<vmem>> -> memref<1x16x1024xf32, #tpu.memory_space<vmem>>
        %parallel_loop3A_1432 = tpu.memref_squeeze %parallel_loop3A_1431 : memref<1x16x1024xf32, #tpu.memory_space<vmem>> -> memref<16x1024xf32, #tpu.memory_space<vmem>>
        %parallel_loop3A_1433 = arith.index_cast %scan3A_1408 : i32 to index
        %parallel_loop3A_1434 = arith.index_cast %parallel_loop3A_1415 : i32 to index
        %parallel_loop3A_1435 = tpu.vector_load %parallel_loop3A_1432[%parallel_loop3A_1433, %parallel_loop3A_1434] {strides = array<i32>} : memref<16x1024xf32, #tpu.memory_space<vmem>>, vector<1x16xf32>,
        %parallel_loop3A_1436 = vector.shape_cast %parallel_loop3A_1435 : vector<1x16xf32> to vector<16xf32>
        %parallel_loop3A_1437 = vector.shape_cast %parallel_loop3A_1428 : vector<16xf32> to vector<1x16xf32>
        tpu.vector_store %parallel_loop3A_1432[%parallel_loop3A_1433, %parallel_loop3A_1434], %parallel_loop3A_1437 {strides = array<i32>} : memref<16x1024xf32, #tpu.memory_space<vmem>>, vector<1x16xf32>,
      } {sc.loop_unroll_factor = 8 : i64, sc.parallel_access}
      %scan3A_1414 = arith.constant 0 : i32
      scf.yield %scan3A_1414 : i32
    }
    %scan3A_1212 = arith.constant 16 : i32
    %add3A_1213 = arith.constant 16 : i32
    %add3A_1214 = arith.addi %mul3A_2, %add3A_1213 : i32
    %dma_start3A_1215 = arith.constant 1 : i32
    %dma_start3A_1216 = arith.constant 3 : i32
    %dma_start3A_1217 = arith.constant 1 : i32
    %dma_start3A_1218 = arith.constant 0 : i32
    %dma_start3A_1219 = arith.constant 0 : i32
    %dma_start3A_1220 = tpu.memref_slice %arg6[%dma_start3A_1215, %dma_start3A_1218, %dma_start3A_1219] : memref<2x16x1024xf32, #tpu.memory_space<vmem>> -> memref<1x16x1024xf32, #tpu.memory_space<vmem>>
    %dma_start3A_1221 = tpu.memref_squeeze %dma_start3A_1220 : memref<1x16x1024xf32, #tpu.memory_space<vmem>> -> memref<16x1024xf32, #tpu.memory_space<vmem>>
    %dma_start3A_1222 = arith.constant 0 : i32
    %dma_start3A_1223 = tpu.memref_slice %arg4[%dma_start3A_1216, %add3A_1214, %dma_start3A_1222] : memref<4x2048x1024xf32, #tpu.memory_space<hbm>> -> memref<1x16x1024xf32, #tpu.memory_space<hbm>>
    %dma_start3A_1224 = tpu.memref_squeeze %dma_start3A_1223 : memref<1x16x1024xf32, #tpu.memory_space<hbm>> -> memref<16x1024xf32, #tpu.memory_space<hbm>>
    %dma_start3A_1225 = tpu.memref_slice %arg8[%dma_start3A_1217] : memref<2x!tpu.dma_semaphore, #tpu.memory_space<semaphore_mem>> -> memref<1x!tpu.dma_semaphore, #tpu.memory_space<semaphore_mem>>
    %dma_start3A_1226 = tpu.memref_squeeze %dma_start3A_1225 : memref<1x!tpu.dma_semaphore, #tpu.memory_space<semaphore_mem>> -> memref<!tpu.dma_semaphore, #tpu.memory_space<semaphore_mem>>
    %dma_start3A_1227 = arith.constant 0 : i32
    %dma_start3A_1228 = tpu.memref_slice %arg4[%dma_start3A_1216, %add3A_1214, %dma_start3A_1227] : memref<4x2048x1024xf32, #tpu.memory_space<hbm>> -> memref<1x16x1024xf32, #tpu.memory_space<hbm>>
    %dma_start3A_1229 = tpu.memref_squeeze %dma_start3A_1228 : memref<1x16x1024xf32, #tpu.memory_space<hbm>> -> memref<16x1024xf32, #tpu.memory_space<hbm>>
    %dma_start3A_1230 = arith.constant 0 : i32
    %dma_start3A_1231 = arith.constant 0 : i32
    %dma_start3A_1232 = tpu.memref_slice %arg6[%dma_start3A_1215, %dma_start3A_1230, %dma_start3A_1231] : memref<2x16x1024xf32, #tpu.memory_space<vmem>> -> memref<1x16x1024xf32, #tpu.memory_space<vmem>>
    %dma_start3A_1233 = tpu.memref_squeeze %dma_start3A_1232 : memref<1x16x1024xf32, #tpu.memory_space<vmem>> -> memref<16x1024xf32, #tpu.memory_space<vmem>>
    tpu.enqueue_dma source(%dma_start3A_1233 : memref<16x1024xf32, #tpu.memory_space<vmem>>) target(%dma_start3A_1229 : memref<16x1024xf32, #tpu.memory_space<hbm>>) target_semaphore(%dma_start3A_1226 : memref<!tpu.dma_semaphore, #tpu.memory_space<semaphore_mem>>)
    %dma_wait3A_1234 = arith.constant 1 : i32
    %dma_wait3A_1235 = arith.constant 3 : i32
    %dma_wait3A_1236 = arith.constant 1 : i32
    %dma_wait3A_1237 = arith.constant 0 : i32
    %dma_wait3A_1238 = arith.constant 0 : i32
    %dma_wait3A_1239 = tpu.memref_slice %arg6[%dma_wait3A_1234, %dma_wait3A_1237, %dma_wait3A_1238] : memref<2x16x1024xf32, #tpu.memory_space<vmem>> -> memref<1x16x1024xf32, #tpu.memory_space<vmem>>
    %dma_wait3A_1240 = tpu.memref_squeeze %dma_wait3A_1239 : memref<1x16x1024xf32, #tpu.memory_space<vmem>> -> memref<16x1024xf32, #tpu.memory_space<vmem>>
    %dma_wait3A_1241 = arith.constant 0 : i32
    %dma_wait3A_1242 = tpu.memref_slice %arg4[%dma_wait3A_1235, %add3A_1214, %dma_wait3A_1241] : memref<4x2048x1024xf32, #tpu.memory_space<hbm>> -> memref<1x16x1024xf32, #tpu.memory_space<hbm>>
    %dma_wait3A_1243 = tpu.memref_squeeze %dma_wait3A_1242 : memref<1x16x1024xf32, #tpu.memory_space<hbm>> -> memref<16x1024xf32, #tpu.memory_space<hbm>>
    %dma_wait3A_1244 = tpu.memref_slice %arg8[%dma_wait3A_1236] : memref<2x!tpu.dma_semaphore, #tpu.memory_space<semaphore_mem>> -> memref<1x!tpu.dma_semaphore, #tpu.memory_space<semaphore_mem>>
    %dma_wait3A_1245 = tpu.memref_squeeze %dma_wait3A_1244 : memref<1x!tpu.dma_semaphore, #tpu.memory_space<semaphore_mem>> -> memref<!tpu.dma_semaphore, #tpu.memory_space<semaphore_mem>>
    %dma_wait3A_1246 = arith.constant 0 : i32
    %dma_wait3A_1247 = tpu.memref_slice %arg4[%dma_wait3A_1235, %add3A_1214, %dma_wait3A_1246] : memref<4x2048x1024xf32, #tpu.memory_space<hbm>> -> memref<1x16x1024xf32, #tpu.memory_space<hbm>>
    %dma_wait3A_1248 = tpu.memref_squeeze %dma_wait3A_1247 : memref<1x16x1024xf32, #tpu.memory_space<hbm>> -> memref<16x1024xf32, #tpu.memory_space<hbm>>
    %dma_wait3A_1249 = arith.constant 0 : i32
    %dma_wait3A_1250 = arith.constant 0 : i32
    %dma_wait3A_1251 = tpu.memref_slice %arg6[%dma_wait3A_1234, %dma_wait3A_1249, %dma_wait3A_1250] : memref<2x16x1024xf32, #tpu.memory_space<vmem>> -> memref<1x16x1024xf32, #tpu.memory_space<vmem>>
    %dma_wait3A_1252 = tpu.memref_squeeze %dma_wait3A_1251 : memref<1x16x1024xf32, #tpu.memory_space<vmem>> -> memref<16x1024xf32, #tpu.memory_space<vmem>>
    tpu.wait_dma2 semaphore(%dma_wait3A_1245 : memref<!tpu.dma_semaphore, #tpu.memory_space<semaphore_mem>>) src(%dma_wait3A_1252 : memref<16x1024xf32, #tpu.memory_space<vmem>>) dst(%dma_wait3A_1248 : memref<16x1024xf32, #tpu.memory_space<hbm>>)
    %add3A_1253 = arith.constant 48 : i32
    %add3A_1254 = arith.addi %mul3A_2, %add3A_1253 : i32
    %dma_start3A_1255 = arith.constant 3 : i32
    %dma_start3A_1256 = arith.constant 1 : i32
    %dma_start3A_1257 = arith.constant 1 : i32
    %dma_start3A_1258 = arith.constant 0 : i32
    %dma_start3A_1259 = arith.constant 0 : i32
    %dma_start3A_1260 = tpu.memref_slice %arg6[%dma_start3A_1256, %dma_start3A_1258, %dma_start3A_1259] : memref<2x16x1024xf32, #tpu.memory_space<vmem>> -> memref<1x16x1024xf32, #tpu.memory_space<vmem>>
    %dma_start3A_1261 = tpu.memref_squeeze %dma_start3A_1260 : memref<1x16x1024xf32, #tpu.memory_space<vmem>> -> memref<16x1024xf32, #tpu.memory_space<vmem>>
    %dma_start3A_1262 = arith.constant 0 : i32
    %dma_start3A_1263 = tpu.memref_slice %arg2[%dma_start3A_1255, %add3A_1254, %dma_start3A_1262] : memref<4x2048x1024xf32, #tpu.memory_space<hbm>> -> memref<1x16x1024xf32, #tpu.memory_space<hbm>>
    %dma_start3A_1264 = tpu.memref_squeeze %dma_start3A_1263 : memref<1x16x1024xf32, #tpu.memory_space<hbm>> -> memref<16x1024xf32, #tpu.memory_space<hbm>>
    %dma_start3A_1265 = tpu.memref_slice %arg7[%dma_start3A_1257] : memref<2x!tpu.dma_semaphore, #tpu.memory_space<semaphore_mem>> -> memref<1x!tpu.dma_semaphore, #tpu.memory_space<semaphore_mem>>
    %dma_start3A_1266 = tpu.memref_squeeze %dma_start3A_1265 : memref<1x!tpu.dma_semaphore, #tpu.memory_space<semaphore_mem>> -> memref<!tpu.dma_semaphore, #tpu.memory_space<semaphore_mem>>
    %dma_start3A_1267 = arith.constant 0 : i32
    %dma_start3A_1268 = arith.constant 0 : i32
    %dma_start3A_1269 = tpu.memref_slice %arg6[%dma_start3A_1256, %dma_start3A_1267, %dma_start3A_1268] : memref<2x16x1024xf32, #tpu.memory_space<vmem>> -> memref<1x16x1024xf32, #tpu.memory_space<vmem>>
    %dma_start3A_1270 = tpu.memref_squeeze %dma_start3A_1269 : memref<1x16x1024xf32, #tpu.memory_space<vmem>> -> memref<16x1024xf32, #tpu.memory_space<vmem>>
    %dma_start3A_1271 = arith.constant 0 : i32
    %dma_start3A_1272 = tpu.memref_slice %arg2[%dma_start3A_1255, %add3A_1254, %dma_start3A_1271] : memref<4x2048x1024xf32, #tpu.memory_space<hbm>> -> memref<1x16x1024xf32, #tpu.memory_space<hbm>>
    %dma_start3A_1273 = tpu.memref_squeeze %dma_start3A_1272 : memref<1x16x1024xf32, #tpu.memory_space<hbm>> -> memref<16x1024xf32, #tpu.memory_space<hbm>>
    tpu.enqueue_dma source(%dma_start3A_1273 : memref<16x1024xf32, #tpu.memory_space<hbm>>) target(%dma_start3A_1270 : memref<16x1024xf32, #tpu.memory_space<vmem>>) target_semaphore(%dma_start3A_1266 : memref<!tpu.dma_semaphore, #tpu.memory_space<semaphore_mem>>)
    %dma_wait3A_1274 = arith.constant 3 : i32
    %dma_wait3A_1275 = arith.constant 0 : i32
    %dma_wait3A_1276 = arith.constant 0 : i32
    %dma_wait3A_1277 = arith.constant 0 : i32
    %dma_wait3A_1278 = arith.constant 0 : i32
    %dma_wait3A_1279 = tpu.memref_slice %arg6[%dma_wait3A_1275, %dma_wait3A_1277, %dma_wait3A_1278] : memref<2x16x1024xf32, #tpu.memory_space<vmem>> -> memref<1x16x1024xf32, #tpu.memory_space<vmem>>
    %dma_wait3A_1280 = tpu.memref_squeeze %dma_wait3A_1279 : memref<1x16x1024xf32, #tpu.memory_space<vmem>> -> memref<16x1024xf32, #tpu.memory_space<vmem>>
    %dma_wait3A_1281 = arith.constant 0 : i32
    %dma_wait3A_1282 = tpu.memref_slice %arg2[%dma_wait3A_1274, %add3A_1166, %dma_wait3A_1281] : memref<4x2048x1024xf32, #tpu.memory_space<hbm>> -> memref<1x16x1024xf32, #tpu.memory_space<hbm>>
    %dma_wait3A_1283 = tpu.memref_squeeze %dma_wait3A_1282 : memref<1x16x1024xf32, #tpu.memory_space<hbm>> -> memref<16x1024xf32, #tpu.memory_space<hbm>>
    %dma_wait3A_1284 = tpu.memref_slice %arg7[%dma_wait3A_1276] : memref<2x!tpu.dma_semaphore, #tpu.memory_space<semaphore_mem>> -> memref<1x!tpu.dma_semaphore, #tpu.memory_space<semaphore_mem>>
    %dma_wait3A_1285 = tpu.memref_squeeze %dma_wait3A_1284 : memref<1x!tpu.dma_semaphore, #tpu.memory_space<semaphore_mem>> -> memref<!tpu.dma_semaphore, #tpu.memory_space<semaphore_mem>>
    %dma_wait3A_1286 = arith.constant 0 : i32
    %dma_wait3A_1287 = arith.constant 0 : i32
    %dma_wait3A_1288 = tpu.memref_slice %arg6[%dma_wait3A_1275, %dma_wait3A_1286, %dma_wait3A_1287] : memref<2x16x1024xf32, #tpu.memory_space<vmem>> -> memref<1x16x1024xf32, #tpu.memory_space<vmem>>
    %dma_wait3A_1289 = tpu.memref_squeeze %dma_wait3A_1288 : memref<1x16x1024xf32, #tpu.memory_space<vmem>> -> memref<16x1024xf32, #tpu.memory_space<vmem>>
    %dma_wait3A_1290 = arith.constant 0 : i32
    %dma_wait3A_1291 = tpu.memref_slice %arg2[%dma_wait3A_1274, %add3A_1166, %dma_wait3A_1290] : memref<4x2048x1024xf32, #tpu.memory_space<hbm>> -> memref<1x16x1024xf32, #tpu.memory_space<hbm>>
    %dma_wait3A_1292 = tpu.memref_squeeze %dma_wait3A_1291 : memref<1x16x1024xf32, #tpu.memory_space<hbm>> -> memref<16x1024xf32, #tpu.memory_space<hbm>>
    tpu.wait_dma2 semaphore(%dma_wait3A_1285 : memref<!tpu.dma_semaphore, #tpu.memory_space<semaphore_mem>>) src(%dma_wait3A_1292 : memref<16x1024xf32, #tpu.memory_space<hbm>>) dst(%dma_wait3A_1289 : memref<16x1024xf32, #tpu.memory_space<vmem>>)
    %scan3A_1293 = arith.constant 0 : i32
    %scan3A_1294 = arith.constant 0 : i32
    %scan3A_1295 = arith.constant 0 : i32
    %scan3A_1296 = arith.constant 16 : i32
    %scan3A_1297 = arith.addi %scan3A_1295, %scan3A_1296 : i32
    %scan3A_1298 = arith.constant 1 : i32
    %scan3A_1299 = scf.for %scan3A_1408 = %scan3A_1295 to %scan3A_1297 step %scan3A_1298 iter_args(%scan3A_1409 = %scan3A_1294) -> (i32)  : i32 {
      %add3A_1410 = arith.constant 32 : i32
      %add3A_1411 = arith.addi %add3A_1410, %scan3A_1408 : i32
      %parallel_loop3A = arith.constant 0 : i32
      %parallel_loop3A_1412 = arith.constant 1024 : i32
      %parallel_loop3A_1413 = arith.constant 16 : i32
      scf.for %parallel_loop3A_1415 = %parallel_loop3A to %parallel_loop3A_1412 step %parallel_loop3A_1413  : i32 {
        %parallel_loop3A_1416 = arith.constant 0 : i32
        %parallel_loop3A_1417 = arith.constant 0 : i32
        %parallel_loop3A_1418 = tpu.memref_slice %arg6[%scan3A_1293, %parallel_loop3A_1416, %parallel_loop3A_1417] : memref<2x16x1024xf32, #tpu.memory_space<vmem>> -> memref<1x16x1024xf32, #tpu.memory_space<vmem>>
        %parallel_loop3A_1419 = tpu.memref_squeeze %parallel_loop3A_1418 : memref<1x16x1024xf32, #tpu.memory_space<vmem>> -> memref<16x1024xf32, #tpu.memory_space<vmem>>
        %parallel_loop3A_1420 = arith.index_cast %scan3A_1408 : i32 to index
        %parallel_loop3A_1421 = arith.index_cast %parallel_loop3A_1415 : i32 to index
        %parallel_loop3A_1422 = tpu.vector_load %parallel_loop3A_1419[%parallel_loop3A_1420, %parallel_loop3A_1421] {strides = array<i32>} : memref<16x1024xf32, #tpu.memory_space<vmem>>, vector<1x16xf32>,
        %parallel_loop3A_1423 = vector.shape_cast %parallel_loop3A_1422 : vector<1x16xf32> to vector<16xf32>
        %parallel_loop3A_1424 = arith.index_cast %add3A_1411 : i32 to index
        %parallel_loop3A_1425 = arith.index_cast %parallel_loop3A_1415 : i32 to index
        %parallel_loop3A_1426 = tpu.vector_load %arg5[%parallel_loop3A_1424, %parallel_loop3A_1425] {strides = array<i32>} : memref<64x1024xf32, #tpu.memory_space<vmem>>, vector<1x16xf32>,
        %parallel_loop3A_1427 = vector.shape_cast %parallel_loop3A_1426 : vector<1x16xf32> to vector<16xf32>
        %parallel_loop3A_1428 = arith.addf %parallel_loop3A_1423, %parallel_loop3A_1427 : vector<16xf32>
        %parallel_loop3A_1429 = arith.constant 0 : i32
        %parallel_loop3A_1430 = arith.constant 0 : i32
        %parallel_loop3A_1431 = tpu.memref_slice %arg6[%scan3A_1293, %parallel_loop3A_1429, %parallel_loop3A_1430] : memref<2x16x1024xf32, #tpu.memory_space<vmem>> -> memref<1x16x1024xf32, #tpu.memory_space<vmem>>
        %parallel_loop3A_1432 = tpu.memref_squeeze %parallel_loop3A_1431 : memref<1x16x1024xf32, #tpu.memory_space<vmem>> -> memref<16x1024xf32, #tpu.memory_space<vmem>>
        %parallel_loop3A_1433 = arith.index_cast %scan3A_1408 : i32 to index
        %parallel_loop3A_1434 = arith.index_cast %parallel_loop3A_1415 : i32 to index
        %parallel_loop3A_1435 = tpu.vector_load %parallel_loop3A_1432[%parallel_loop3A_1433, %parallel_loop3A_1434] {strides = array<i32>} : memref<16x1024xf32, #tpu.memory_space<vmem>>, vector<1x16xf32>,
        %parallel_loop3A_1436 = vector.shape_cast %parallel_loop3A_1435 : vector<1x16xf32> to vector<16xf32>
        %parallel_loop3A_1437 = vector.shape_cast %parallel_loop3A_1428 : vector<16xf32> to vector<1x16xf32>
        tpu.vector_store %parallel_loop3A_1432[%parallel_loop3A_1433, %parallel_loop3A_1434], %parallel_loop3A_1437 {strides = array<i32>} : memref<16x1024xf32, #tpu.memory_space<vmem>>, vector<1x16xf32>,
      } {sc.loop_unroll_factor = 8 : i64, sc.parallel_access}
      %scan3A_1414 = arith.constant 0 : i32
      scf.yield %scan3A_1414 : i32
    }
    %scan3A_1300 = arith.constant 16 : i32
    %add3A_1301 = arith.constant 32 : i32
    %add3A_1302 = arith.addi %mul3A_2, %add3A_1301 : i32
    %dma_start3A_1303 = arith.constant 0 : i32
    %dma_start3A_1304 = arith.constant 3 : i32
    %dma_start3A_1305 = arith.constant 0 : i32
    %dma_start3A_1306 = arith.constant 0 : i32
    %dma_start3A_1307 = arith.constant 0 : i32
    %dma_start3A_1308 = tpu.memref_slice %arg6[%dma_start3A_1303, %dma_start3A_1306, %dma_start3A_1307] : memref<2x16x1024xf32, #tpu.memory_space<vmem>> -> memref<1x16x1024xf32, #tpu.memory_space<vmem>>
    %dma_start3A_1309 = tpu.memref_squeeze %dma_start3A_1308 : memref<1x16x1024xf32, #tpu.memory_space<vmem>> -> memref<16x1024xf32, #tpu.memory_space<vmem>>
    %dma_start3A_1310 = arith.constant 0 : i32
    %dma_start3A_1311 = tpu.memref_slice %arg4[%dma_start3A_1304, %add3A_1302, %dma_start3A_1310] : memref<4x2048x1024xf32, #tpu.memory_space<hbm>> -> memref<1x16x1024xf32, #tpu.memory_space<hbm>>
    %dma_start3A_1312 = tpu.memref_squeeze %dma_start3A_1311 : memref<1x16x1024xf32, #tpu.memory_space<hbm>> -> memref<16x1024xf32, #tpu.memory_space<hbm>>
    %dma_start3A_1313 = tpu.memref_slice %arg8[%dma_start3A_1305] : memref<2x!tpu.dma_semaphore, #tpu.memory_space<semaphore_mem>> -> memref<1x!tpu.dma_semaphore, #tpu.memory_space<semaphore_mem>>
    %dma_start3A_1314 = tpu.memref_squeeze %dma_start3A_1313 : memref<1x!tpu.dma_semaphore, #tpu.memory_space<semaphore_mem>> -> memref<!tpu.dma_semaphore, #tpu.memory_space<semaphore_mem>>
    %dma_start3A_1315 = arith.constant 0 : i32
    %dma_start3A_1316 = tpu.memref_slice %arg4[%dma_start3A_1304, %add3A_1302, %dma_start3A_1315] : memref<4x2048x1024xf32, #tpu.memory_space<hbm>> -> memref<1x16x1024xf32, #tpu.memory_space<hbm>>
    %dma_start3A_1317 = tpu.memref_squeeze %dma_start3A_1316 : memref<1x16x1024xf32, #tpu.memory_space<hbm>> -> memref<16x1024xf32, #tpu.memory_space<hbm>>
    %dma_start3A_1318 = arith.constant 0 : i32
    %dma_start3A_1319 = arith.constant 0 : i32
    %dma_start3A_1320 = tpu.memref_slice %arg6[%dma_start3A_1303, %dma_start3A_1318, %dma_start3A_1319] : memref<2x16x1024xf32, #tpu.memory_space<vmem>> -> memref<1x16x1024xf32, #tpu.memory_space<vmem>>
    %dma_start3A_1321 = tpu.memref_squeeze %dma_start3A_1320 : memref<1x16x1024xf32, #tpu.memory_space<vmem>> -> memref<16x1024xf32, #tpu.memory_space<vmem>>
    tpu.enqueue_dma source(%dma_start3A_1321 : memref<16x1024xf32, #tpu.memory_space<vmem>>) target(%dma_start3A_1317 : memref<16x1024xf32, #tpu.memory_space<hbm>>) target_semaphore(%dma_start3A_1314 : memref<!tpu.dma_semaphore, #tpu.memory_space<semaphore_mem>>)
    %dma_wait3A_1322 = arith.constant 3 : i32
    %dma_wait3A_1323 = arith.constant 1 : i32
    %dma_wait3A_1324 = arith.constant 1 : i32
    %dma_wait3A_1325 = arith.constant 0 : i32
    %dma_wait3A_1326 = arith.constant 0 : i32
    %dma_wait3A_1327 = tpu.memref_slice %arg6[%dma_wait3A_1323, %dma_wait3A_1325, %dma_wait3A_1326] : memref<2x16x1024xf32, #tpu.memory_space<vmem>> -> memref<1x16x1024xf32, #tpu.memory_space<vmem>>
    %dma_wait3A_1328 = tpu.memref_squeeze %dma_wait3A_1327 : memref<1x16x1024xf32, #tpu.memory_space<vmem>> -> memref<16x1024xf32, #tpu.memory_space<vmem>>
    %dma_wait3A_1329 = arith.constant 0 : i32
    %dma_wait3A_1330 = tpu.memref_slice %arg2[%dma_wait3A_1322, %add3A_1254, %dma_wait3A_1329] : memref<4x2048x1024xf32, #tpu.memory_space<hbm>> -> memref<1x16x1024xf32, #tpu.memory_space<hbm>>
    %dma_wait3A_1331 = tpu.memref_squeeze %dma_wait3A_1330 : memref<1x16x1024xf32, #tpu.memory_space<hbm>> -> memref<16x1024xf32, #tpu.memory_space<hbm>>
    %dma_wait3A_1332 = tpu.memref_slice %arg7[%dma_wait3A_1324] : memref<2x!tpu.dma_semaphore, #tpu.memory_space<semaphore_mem>> -> memref<1x!tpu.dma_semaphore, #tpu.memory_space<semaphore_mem>>
    %dma_wait3A_1333 = tpu.memref_squeeze %dma_wait3A_1332 : memref<1x!tpu.dma_semaphore, #tpu.memory_space<semaphore_mem>> -> memref<!tpu.dma_semaphore, #tpu.memory_space<semaphore_mem>>
    %dma_wait3A_1334 = arith.constant 0 : i32
    %dma_wait3A_1335 = arith.constant 0 : i32
    %dma_wait3A_1336 = tpu.memref_slice %arg6[%dma_wait3A_1323, %dma_wait3A_1334, %dma_wait3A_1335] : memref<2x16x1024xf32, #tpu.memory_space<vmem>> -> memref<1x16x1024xf32, #tpu.memory_space<vmem>>
    %dma_wait3A_1337 = tpu.memref_squeeze %dma_wait3A_1336 : memref<1x16x1024xf32, #tpu.memory_space<vmem>> -> memref<16x1024xf32, #tpu.memory_space<vmem>>
    %dma_wait3A_1338 = arith.constant 0 : i32
    %dma_wait3A_1339 = tpu.memref_slice %arg2[%dma_wait3A_1322, %add3A_1254, %dma_wait3A_1338] : memref<4x2048x1024xf32, #tpu.memory_space<hbm>> -> memref<1x16x1024xf32, #tpu.memory_space<hbm>>
    %dma_wait3A_1340 = tpu.memref_squeeze %dma_wait3A_1339 : memref<1x16x1024xf32, #tpu.memory_space<hbm>> -> memref<16x1024xf32, #tpu.memory_space<hbm>>
    tpu.wait_dma2 semaphore(%dma_wait3A_1333 : memref<!tpu.dma_semaphore, #tpu.memory_space<semaphore_mem>>) src(%dma_wait3A_1340 : memref<16x1024xf32, #tpu.memory_space<hbm>>) dst(%dma_wait3A_1337 : memref<16x1024xf32, #tpu.memory_space<vmem>>)
    %scan3A_1341 = arith.constant 1 : i32
    %scan3A_1342 = arith.constant 0 : i32
    %scan3A_1343 = arith.constant 0 : i32
    %scan3A_1344 = arith.constant 16 : i32
    %scan3A_1345 = arith.addi %scan3A_1343, %scan3A_1344 : i32
    %scan3A_1346 = arith.constant 1 : i32
    %scan3A_1347 = scf.for %scan3A_1408 = %scan3A_1343 to %scan3A_1345 step %scan3A_1346 iter_args(%scan3A_1409 = %scan3A_1342) -> (i32)  : i32 {
      %add3A_1410 = arith.constant 48 : i32
      %add3A_1411 = arith.addi %add3A_1410, %scan3A_1408 : i32
      %parallel_loop3A = arith.constant 0 : i32
      %parallel_loop3A_1412 = arith.constant 1024 : i32
      %parallel_loop3A_1413 = arith.constant 16 : i32
      scf.for %parallel_loop3A_1415 = %parallel_loop3A to %parallel_loop3A_1412 step %parallel_loop3A_1413  : i32 {
        %parallel_loop3A_1416 = arith.constant 0 : i32
        %parallel_loop3A_1417 = arith.constant 0 : i32
        %parallel_loop3A_1418 = tpu.memref_slice %arg6[%scan3A_1341, %parallel_loop3A_1416, %parallel_loop3A_1417] : memref<2x16x1024xf32, #tpu.memory_space<vmem>> -> memref<1x16x1024xf32, #tpu.memory_space<vmem>>
        %parallel_loop3A_1419 = tpu.memref_squeeze %parallel_loop3A_1418 : memref<1x16x1024xf32, #tpu.memory_space<vmem>> -> memref<16x1024xf32, #tpu.memory_space<vmem>>
        %parallel_loop3A_1420 = arith.index_cast %scan3A_1408 : i32 to index
        %parallel_loop3A_1421 = arith.index_cast %parallel_loop3A_1415 : i32 to index
        %parallel_loop3A_1422 = tpu.vector_load %parallel_loop3A_1419[%parallel_loop3A_1420, %parallel_loop3A_1421] {strides = array<i32>} : memref<16x1024xf32, #tpu.memory_space<vmem>>, vector<1x16xf32>,
        %parallel_loop3A_1423 = vector.shape_cast %parallel_loop3A_1422 : vector<1x16xf32> to vector<16xf32>
        %parallel_loop3A_1424 = arith.index_cast %add3A_1411 : i32 to index
        %parallel_loop3A_1425 = arith.index_cast %parallel_loop3A_1415 : i32 to index
        %parallel_loop3A_1426 = tpu.vector_load %arg5[%parallel_loop3A_1424, %parallel_loop3A_1425] {strides = array<i32>} : memref<64x1024xf32, #tpu.memory_space<vmem>>, vector<1x16xf32>,
        %parallel_loop3A_1427 = vector.shape_cast %parallel_loop3A_1426 : vector<1x16xf32> to vector<16xf32>
        %parallel_loop3A_1428 = arith.addf %parallel_loop3A_1423, %parallel_loop3A_1427 : vector<16xf32>
        %parallel_loop3A_1429 = arith.constant 0 : i32
        %parallel_loop3A_1430 = arith.constant 0 : i32
        %parallel_loop3A_1431 = tpu.memref_slice %arg6[%scan3A_1341, %parallel_loop3A_1429, %parallel_loop3A_1430] : memref<2x16x1024xf32, #tpu.memory_space<vmem>> -> memref<1x16x1024xf32, #tpu.memory_space<vmem>>
        %parallel_loop3A_1432 = tpu.memref_squeeze %parallel_loop3A_1431 : memref<1x16x1024xf32, #tpu.memory_space<vmem>> -> memref<16x1024xf32, #tpu.memory_space<vmem>>
        %parallel_loop3A_1433 = arith.index_cast %scan3A_1408 : i32 to index
        %parallel_loop3A_1434 = arith.index_cast %parallel_loop3A_1415 : i32 to index
        %parallel_loop3A_1435 = tpu.vector_load %parallel_loop3A_1432[%parallel_loop3A_1433, %parallel_loop3A_1434] {strides = array<i32>} : memref<16x1024xf32, #tpu.memory_space<vmem>>, vector<1x16xf32>,
        %parallel_loop3A_1436 = vector.shape_cast %parallel_loop3A_1435 : vector<1x16xf32> to vector<16xf32>
        %parallel_loop3A_1437 = vector.shape_cast %parallel_loop3A_1428 : vector<16xf32> to vector<1x16xf32>
        tpu.vector_store %parallel_loop3A_1432[%parallel_loop3A_1433, %parallel_loop3A_1434], %parallel_loop3A_1437 {strides = array<i32>} : memref<16x1024xf32, #tpu.memory_space<vmem>>, vector<1x16xf32>,
      } {sc.loop_unroll_factor = 8 : i64, sc.parallel_access}
      %scan3A_1414 = arith.constant 0 : i32
      scf.yield %scan3A_1414 : i32
    }
    %scan3A_1348 = arith.constant 16 : i32
    %add3A_1349 = arith.constant 48 : i32
    %add3A_1350 = arith.addi %mul3A_2, %add3A_1349 : i32
    %dma_start3A_1351 = arith.constant 1 : i32
    %dma_start3A_1352 = arith.constant 3 : i32
    %dma_start3A_1353 = arith.constant 1 : i32
    %dma_start3A_1354 = arith.constant 0 : i32
    %dma_start3A_1355 = arith.constant 0 : i32
    %dma_start3A_1356 = tpu.memref_slice %arg6[%dma_start3A_1351, %dma_start3A_1354, %dma_start3A_1355] : memref<2x16x1024xf32, #tpu.memory_space<vmem>> -> memref<1x16x1024xf32, #tpu.memory_space<vmem>>
    %dma_start3A_1357 = tpu.memref_squeeze %dma_start3A_1356 : memref<1x16x1024xf32, #tpu.memory_space<vmem>> -> memref<16x1024xf32, #tpu.memory_space<vmem>>
    %dma_start3A_1358 = arith.constant 0 : i32
    %dma_start3A_1359 = tpu.memref_slice %arg4[%dma_start3A_1352, %add3A_1350, %dma_start3A_1358] : memref<4x2048x1024xf32, #tpu.memory_space<hbm>> -> memref<1x16x1024xf32, #tpu.memory_space<hbm>>
    %dma_start3A_1360 = tpu.memref_squeeze %dma_start3A_1359 : memref<1x16x1024xf32, #tpu.memory_space<hbm>> -> memref<16x1024xf32, #tpu.memory_space<hbm>>
    %dma_start3A_1361 = tpu.memref_slice %arg8[%dma_start3A_1353] : memref<2x!tpu.dma_semaphore, #tpu.memory_space<semaphore_mem>> -> memref<1x!tpu.dma_semaphore, #tpu.memory_space<semaphore_mem>>
    %dma_start3A_1362 = tpu.memref_squeeze %dma_start3A_1361 : memref<1x!tpu.dma_semaphore, #tpu.memory_space<semaphore_mem>> -> memref<!tpu.dma_semaphore, #tpu.memory_space<semaphore_mem>>
    %dma_start3A_1363 = arith.constant 0 : i32
    %dma_start3A_1364 = tpu.memref_slice %arg4[%dma_start3A_1352, %add3A_1350, %dma_start3A_1363] : memref<4x2048x1024xf32, #tpu.memory_space<hbm>> -> memref<1x16x1024xf32, #tpu.memory_space<hbm>>
    %dma_start3A_1365 = tpu.memref_squeeze %dma_start3A_1364 : memref<1x16x1024xf32, #tpu.memory_space<hbm>> -> memref<16x1024xf32, #tpu.memory_space<hbm>>
    %dma_start3A_1366 = arith.constant 0 : i32
    %dma_start3A_1367 = arith.constant 0 : i32
    %dma_start3A_1368 = tpu.memref_slice %arg6[%dma_start3A_1351, %dma_start3A_1366, %dma_start3A_1367] : memref<2x16x1024xf32, #tpu.memory_space<vmem>> -> memref<1x16x1024xf32, #tpu.memory_space<vmem>>
    %dma_start3A_1369 = tpu.memref_squeeze %dma_start3A_1368 : memref<1x16x1024xf32, #tpu.memory_space<vmem>> -> memref<16x1024xf32, #tpu.memory_space<vmem>>
    tpu.enqueue_dma source(%dma_start3A_1369 : memref<16x1024xf32, #tpu.memory_space<vmem>>) target(%dma_start3A_1365 : memref<16x1024xf32, #tpu.memory_space<hbm>>) target_semaphore(%dma_start3A_1362 : memref<!tpu.dma_semaphore, #tpu.memory_space<semaphore_mem>>)
    %dma_wait3A_1370 = arith.constant 0 : i32
    %dma_wait3A_1371 = arith.constant 3 : i32
    %dma_wait3A_1372 = arith.constant 0 : i32
    %dma_wait3A_1373 = arith.constant 0 : i32
    %dma_wait3A_1374 = arith.constant 0 : i32
    %dma_wait3A_1375 = tpu.memref_slice %arg6[%dma_wait3A_1370, %dma_wait3A_1373, %dma_wait3A_1374] : memref<2x16x1024xf32, #tpu.memory_space<vmem>> -> memref<1x16x1024xf32, #tpu.memory_space<vmem>>
    %dma_wait3A_1376 = tpu.memref_squeeze %dma_wait3A_1375 : memref<1x16x1024xf32, #tpu.memory_space<vmem>> -> memref<16x1024xf32, #tpu.memory_space<vmem>>
    %dma_wait3A_1377 = arith.constant 0 : i32
    %dma_wait3A_1378 = tpu.memref_slice %arg4[%dma_wait3A_1371, %add3A_1302, %dma_wait3A_1377] : memref<4x2048x1024xf32, #tpu.memory_space<hbm>> -> memref<1x16x1024xf32, #tpu.memory_space<hbm>>
    %dma_wait3A_1379 = tpu.memref_squeeze %dma_wait3A_1378 : memref<1x16x1024xf32, #tpu.memory_space<hbm>> -> memref<16x1024xf32, #tpu.memory_space<hbm>>
    %dma_wait3A_1380 = tpu.memref_slice %arg8[%dma_wait3A_1372] : memref<2x!tpu.dma_semaphore, #tpu.memory_space<semaphore_mem>> -> memref<1x!tpu.dma_semaphore, #tpu.memory_space<semaphore_mem>>
    %dma_wait3A_1381 = tpu.memref_squeeze %dma_wait3A_1380 : memref<1x!tpu.dma_semaphore, #tpu.memory_space<semaphore_mem>> -> memref<!tpu.dma_semaphore, #tpu.memory_space<semaphore_mem>>
    %dma_wait3A_1382 = arith.constant 0 : i32
    %dma_wait3A_1383 = tpu.memref_slice %arg4[%dma_wait3A_1371, %add3A_1302, %dma_wait3A_1382] : memref<4x2048x1024xf32, #tpu.memory_space<hbm>> -> memref<1x16x1024xf32, #tpu.memory_space<hbm>>
    %dma_wait3A_1384 = tpu.memref_squeeze %dma_wait3A_1383 : memref<1x16x1024xf32, #tpu.memory_space<hbm>> -> memref<16x1024xf32, #tpu.memory_space<hbm>>
    %dma_wait3A_1385 = arith.constant 0 : i32
    %dma_wait3A_1386 = arith.constant 0 : i32
    %dma_wait3A_1387 = tpu.memref_slice %arg6[%dma_wait3A_1370, %dma_wait3A_1385, %dma_wait3A_1386] : memref<2x16x1024xf32, #tpu.memory_space<vmem>> -> memref<1x16x1024xf32, #tpu.memory_space<vmem>>
    %dma_wait3A_1388 = tpu.memref_squeeze %dma_wait3A_1387 : memref<1x16x1024xf32, #tpu.memory_space<vmem>> -> memref<16x1024xf32, #tpu.memory_space<vmem>>
    tpu.wait_dma2 semaphore(%dma_wait3A_1381 : memref<!tpu.dma_semaphore, #tpu.memory_space<semaphore_mem>>) src(%dma_wait3A_1388 : memref<16x1024xf32, #tpu.memory_space<vmem>>) dst(%dma_wait3A_1384 : memref<16x1024xf32, #tpu.memory_space<hbm>>)
    %dma_wait3A_1389 = arith.constant 1 : i32
    %dma_wait3A_1390 = arith.constant 3 : i32
    %dma_wait3A_1391 = arith.constant 1 : i32
    %dma_wait3A_1392 = arith.constant 0 : i32
    %dma_wait3A_1393 = arith.constant 0 : i32
    %dma_wait3A_1394 = tpu.memref_slice %arg6[%dma_wait3A_1389, %dma_wait3A_1392, %dma_wait3A_1393] : memref<2x16x1024xf32, #tpu.memory_space<vmem>> -> memref<1x16x1024xf32, #tpu.memory_space<vmem>>
    %dma_wait3A_1395 = tpu.memref_squeeze %dma_wait3A_1394 : memref<1x16x1024xf32, #tpu.memory_space<vmem>> -> memref<16x1024xf32, #tpu.memory_space<vmem>>
    %dma_wait3A_1396 = arith.constant 0 : i32
    %dma_wait3A_1397 = tpu.memref_slice %arg4[%dma_wait3A_1390, %add3A_1350, %dma_wait3A_1396] : memref<4x2048x1024xf32, #tpu.memory_space<hbm>> -> memref<1x16x1024xf32, #tpu.memory_space<hbm>>
    %dma_wait3A_1398 = tpu.memref_squeeze %dma_wait3A_1397 : memref<1x16x1024xf32, #tpu.memory_space<hbm>> -> memref<16x1024xf32, #tpu.memory_space<hbm>>
    %dma_wait3A_1399 = tpu.memref_slice %arg8[%dma_wait3A_1391] : memref<2x!tpu.dma_semaphore, #tpu.memory_space<semaphore_mem>> -> memref<1x!tpu.dma_semaphore, #tpu.memory_space<semaphore_mem>>
    %dma_wait3A_1400 = tpu.memref_squeeze %dma_wait3A_1399 : memref<1x!tpu.dma_semaphore, #tpu.memory_space<semaphore_mem>> -> memref<!tpu.dma_semaphore, #tpu.memory_space<semaphore_mem>>
    %dma_wait3A_1401 = arith.constant 0 : i32
    %dma_wait3A_1402 = tpu.memref_slice %arg4[%dma_wait3A_1390, %add3A_1350, %dma_wait3A_1401] : memref<4x2048x1024xf32, #tpu.memory_space<hbm>> -> memref<1x16x1024xf32, #tpu.memory_space<hbm>>
    %dma_wait3A_1403 = tpu.memref_squeeze %dma_wait3A_1402 : memref<1x16x1024xf32, #tpu.memory_space<hbm>> -> memref<16x1024xf32, #tpu.memory_space<hbm>>
    %dma_wait3A_1404 = arith.constant 0 : i32
    %dma_wait3A_1405 = arith.constant 0 : i32
    %dma_wait3A_1406 = tpu.memref_slice %arg6[%dma_wait3A_1389, %dma_wait3A_1404, %dma_wait3A_1405] : memref<2x16x1024xf32, #tpu.memory_space<vmem>> -> memref<1x16x1024xf32, #tpu.memory_space<vmem>>
    %dma_wait3A_1407 = tpu.memref_squeeze %dma_wait3A_1406 : memref<1x16x1024xf32, #tpu.memory_space<vmem>> -> memref<16x1024xf32, #tpu.memory_space<vmem>>
    tpu.wait_dma2 semaphore(%dma_wait3A_1400 : memref<!tpu.dma_semaphore, #tpu.memory_space<semaphore_mem>>) src(%dma_wait3A_1407 : memref<16x1024xf32, #tpu.memory_space<vmem>>) dst(%dma_wait3A_1403 : memref<16x1024xf32, #tpu.memory_space<hbm>>)
    return
  }
}

</mosaic_0001>

<sc_bundles>
// kernel: kernel.3.cloned.1.call-start
scs
__scs_entry_jumppad:
0x0: {  	(pc) =	sbr.rel $0x88, $3  }
0x1: {  	(tag) =	ssettag $0x0;
	lr =	simm.s32 $0x1  }
0x2: {  	[smem:$0x3F9F] =	sst lr;
	_ =	strace $0xD0000000  }
0x3: {  	_ = 	snop  }
0x4: {  	_ = 	snop  }
0x5: {  	_ = 	snop  }
0x6: {  	_ = 	snop  }
0x7: {  	_ = 	snop  }
__scs_overlays_trampoline_lowered:
0x8: {  	[smem:$0x3FAE] =	sst s0  }
0x9: {  	[smem:$0x3FAF] =	sst s1  }
0xa: {  	[smem:$0x3FB0] =	sst s2  }
0xb: {  	[smem:$0x3FB1] =	sst s3  }
0xc: {  	[smem:$0x3FB2] =	sst s4  }
0xd: {  	[smem:$0x3FB3] =	sst s5  }
0xe: {  	[smem:$0x3FB4] =	sst s6  }
0xf: {  	[smem:$0x3FB5] =	sst s7  }
0x10: {  	[smem:$0x3FB6] =	sst s8  }
0x11: {  	[smem:$0x3FB7] =	sst s9;
	s0 =	simm.s32 @!p0 $0x0  }
0x12: {  	s1 =	sld [smem:$0x3F9D];
	s0 =	simm.s32 @p0 $0x1  }
0x13: {  	[smem:$0x3FB8] =	sst s0;
	s0 =	simm.s32 @!p1 $0x0  }
0x14: {  	s2 =	sld [smem:$0x3F9C];
	s0 =	simm.s32 @p1 $0x1  }
0x15: {  	[smem:$0x3FB9] =	sst s0;
	s0 =	simm.s32 @!p2 $0x0  }
0x16: {  	s3 =	sld [smem:$0x3FDB];
	s0 =	simm.s32 @p2 $0x1  }
0x17: {  	s4 =	simm.s32 $0x1BF5;
	[smem:$0x3FBB] =	sst s0  }
0x18: {  	s0 =	sld [smem:$0x3F9E];
	_ =	swait.ge [sflag:s4], $0x0  }
0x19: {  	s7 =	sld [smem:$0x3F9F]  }
0x1a: {  	s8 =	sadd.s32 $0xFFFFE003, lr  }
0x1b: {  	s9 =	sadd.s32 $0xFFFFFEF7, lr;
	s5 =	simm.s32 $0xFFFFFFFF;
	p2 =	slt.u32 s8, $0xFFFFF086  }
0x1c: {  	p1 =	slt.u32 s9, $0xF7A;
	s5 =	simm.s32 @!p2 $0x0  }
0x1d: {  	s5 =	simm.s32 @p1 $0x1;
	p0 =	seq.s32 s7, s2  }
0x1e: {  	s7 =	smul.u32 @!p0 $0xF7A, s2;
	p2 =	seq.s32 @!p0 s5, $0x0  }
0x1f: {  	s9 =	smul.u32 $0xF7A, s1;
	s8 =	simm.s32 @!p0 $0x1BF5;
	p2 =	por !p2, p0  }
0x20: {  	[sflag:s8] =	ssyncset.s32 @!p0 $0xFFFFF086;
	s6 =	sadd.s32 @!p0 s3, s7;
	s7 =	simm.s32 @!p0 $0x108  }
0x21: {  	s3 =	sadd.s32 s3, s9;
	s6 =	sadd.s32 @!p0 $0x88, s6;
	s7 =	simm.s32 @p2 $0x1082  }
0x22: {  	[simem:s7], [sflag:s8] =	dma.local @!p0 [hbm:s6], $0xF7A  }
0x23: {  	s9 =	sor.u32 $0xD0000000, s2;
	s6 =	simm.s32 $0x108;
	_ =	swait.ge @!p0 [sflag:s8], $0x0  }
0x24: {  	s3 =	sadd.s32 $0x88, s3;
	s6 =	simm.s32 @!p1 $0x1082;
	[sflag:s4] =	ssyncset.s32 $0xFFFFF086  }
0x25: {  	[simem:s6], [sflag:s4] =	dma.local [hbm:s3], $0xF7A  }
0x26: {  	[smem:$0x3F9F] =	sst s1;
	(tag) =	ssettag s2;
	_ =	strace s9  }
0x27: {  	s1 =	sld [smem:$0x3FAF]  }
0x28: {  	s2 =	sld [smem:$0x3FB0]  }
0x29: {  	s4 =	sld [smem:$0x3FB2]  }
0x2a: {  	p0 =	seq.s32 s5, $0x0;
	s5 =	sld [smem:$0x3FB3]  }
0x2b: {  	s6 =	sld [smem:$0x3FB4]  }
0x2c: {  	s7 =	sld [smem:$0x3FB5]  }
0x2d: {  	s3 =	simm.s32 $0x108;
	s8 =	sld [smem:$0x3FB6]  }
0x2e: {  	s3 =	simm.s32 @!p0 $0x1082;
	s9 =	sld [smem:$0x3FB7]  }
0x2f: {  	lr =	sadd.s32 s0, s3;
	s0 =	sld [smem:$0x3FAE]  }
0x30: {  	s3 =	sld [smem:$0x3FB1]  }
0x31: {  	[smem:$0x3FBA] =	sst s10  }
0x32: {  	s10 =	sld [smem:$0x3FB8];
	_ =	sdelay $0x3  }
0x33: {  	p0 =	seq.s32 s10, $0x1;
	s10 =	sld [smem:$0x3FBA];
	_ =	sdelay $0x3  }
0x34: {  	[smem:$0x3FBA] =	sst s10  }
0x35: {  	s10 =	sld [smem:$0x3FB9];
	_ =	sdelay $0x3  }
0x36: {  	p1 =	seq.s32 s10, $0x1;
	s10 =	sld [smem:$0x3FBA];
	_ =	sdelay $0x3  }
0x37: {  	[smem:$0x3FBA] =	sst s10  }
0x38: {  	s10 =	sld [smem:$0x3FBB]  }
0x39: {  	_ = 	snop;
	(pc) =	sbr.ind lr, $3  }
0x3a: {  	_ = 	snop  }
0x3b: {  	_ = 	snop  }
0x3c: {  	p2 =	seq.s32 s10, $0x1;
	s10 =	sld [smem:$0x3FBA]  }
0x3d: {  	_ =	shalt  }
0x3e: {  	_ =	shalt  }
0x3f: {  	_ =	shalt  }
0x40: {  	_ =	shalt  }
0x41: {  	_ =	shalt  }
0x42: {  	_ =	shalt  }
0x43: {  	_ =	shalt  }
0x44: {  	_ =	shalt  }
0x45: {  	_ =	shalt  }
0x46: {  	_ =	shalt  }
0x47: {  	_ =	shalt  }
0x48: {  	_ =	shalt  }
0x49: {  	_ =	shalt  }
0x4a: {  	_ =	shalt  }
0x4b: {  	_ =	shalt  }
0x4c: {  	_ =	shalt  }
0x4d: {  	_ =	shalt  }
0x4e: {  	_ =	shalt  }
0x4f: {  	_ =	shalt  }
0x50: {  	_ =	shalt  }
0x51: {  	_ =	shalt  }
0x52: {  	_ =	shalt  }
0x53: {  	_ =	shalt  }
0x54: {  	_ =	shalt  }
0x55: {  	_ =	shalt  }
0x56: {  	_ =	shalt  }
0x57: {  	_ =	shalt  }
0x58: {  	_ =	shalt  }
0x59: {  	_ =	shalt  }
0x5a: {  	_ =	shalt  }
0x5b: {  	_ =	shalt  }
0x5c: {  	_ =	shalt  }
0x5d: {  	_ =	shalt  }
0x5e: {  	_ =	shalt  }
0x5f: {  	_ =	shalt  }
0x60: {  	_ =	shalt  }
0x61: {  	_ =	shalt  }
0x62: {  	_ =	shalt  }
0x63: {  	_ =	shalt  }
0x64: {  	_ =	shalt  }
0x65: {  	_ =	shalt  }
0x66: {  	_ =	shalt  }
0x67: {  	_ =	shalt  }
0x68: {  	_ =	shalt  }
0x69: {  	_ =	shalt  }
0x6a: {  	_ =	shalt  }
0x6b: {  	_ =	shalt  }
0x6c: {  	_ =	shalt  }
0x6d: {  	_ =	shalt  }
0x6e: {  	_ =	shalt  }
0x6f: {  	_ =	shalt  }
0x70: {  	_ =	shalt  }
0x71: {  	_ =	shalt  }
0x72: {  	_ =	shalt  }
0x73: {  	_ =	shalt  }
0x74: {  	_ =	shalt  }
0x75: {  	_ =	shalt  }
0x76: {  	_ =	shalt  }
0x77: {  	_ =	shalt  }
0x78: {  	_ =	shalt  }
0x79: {  	_ =	shalt  }
0x7a: {  	_ =	shalt  }
0x7b: {  	_ =	shalt  }
0x7c: {  	_ =	shalt  }
0x7d: {  	_ =	shalt  }
0x7e: {  	_ =	shalt  }
0x7f: {  	_ =	shalt  }
0x80: {  	_ =	shalt  }
0x81: {  	_ =	shalt  }
0x82: {  	_ =	shalt  }
0x83: {  	_ =	shalt  }
0x84: {  	_ =	shalt  }
0x85: {  	_ =	shalt  }
0x86: {  	_ =	shalt  }
0x87: {  	_ =	shalt  }
.Lfunc_end0:
.L_simem_size_0:
called_computation_lowered:
.L_overlay_start_0:
0x88: {  	s2 =	sld [smem:$0x3FD9]  }
0x89: {  	s3 =	sld [smem:$0x3FFE];
	_ =	sdelay $0x1  }
0x8a: {  	s1 =	srdreg.scid  }
0x8b: {  	s0 =	sand.u32 $0x1, s1  }
0x8c: {  	s18 =	sshll.u32 s0, $0xA;
	s2 =	sadd.s32 s3, s2  }
0x8d: {  	s2 =	sadd.s32 s2, s18  }
0x8e: {  	[smem:$0x3FC6] =	sst s2  }
0x8f: {  	_ = 	snop  }
0x90: {  	s2 =	sld [smem:$0x3FC9]  }
0x91: {  	s19 =	sld [smem:$0x3FC8]  }
0x92: {  	s4 =	sld [smem:$0x3FD0];
	(tm) =	ssettm $0x1  }
0x93: {  	s5 =	sld [smem:$0x3FFB];
	_ =	sdelay $0x3  }
0x94: {  	_ =	strace s5  }
0x95: {  	s5 =	sld [smem:$0x3FFC];
	_ =	sdelay $0x3  }
0x96: {  	_ =	strace s5  }
0x97: {  	s5 =	sld [smem:$0x3FFD];
	_ =	sdelay $0x3  }
0x98: {  	_ =	strace s5  }
0x99: {  	_ =	strace $0x8FFFFFFF  }
0x9a: {  	s20 =	sld [smem:$0x3FDB];
	_ =	sdelay $0x1  }
0x9b: {  	s6 =	simm.s32 $_scs_section_size  }
0x9c: {  	s7 =	simm.s32 $_size__tile_overlayer_lowered;
	s8 =	simm.s32 $_tile_overlayer_lowered  }
0x9d: {  	s23 =	simm.s32 $0x1BFF;
	s22 =	sshll.u32 s8, $0x1;
	s5 =	sadd.s32 s6, s20  }
0x9e: {  	s9 =	simm.s32 $0x0;
	s21 =	sshll.u32 s7, $0x1;
	s7 =	sadd.s32 s22, s5  }
0x9f: {  	[timem:s9], [sflag:s23] =	dma.local [hbm:s7], s21  }
0xa0: {  	_ =	swait.ge [sflag:s23], s21  }
0xa1: {  	s6 =	ssub.s32 $0x0, s21;
	[sflag:s23] =	ssyncset.done $0x0  }
0xa2: {  	[sflag:s23] =	ssyncadd.s32 s6;
	_ =	sdelay $0x1  }
0xa3: {  	s24 =	simm.s32 $0x1B8B  }
0xa4: {  	_ =	swait.ge [sflag:s24], $0x1  }
0xa5: {  	[sflag:s24] =	ssyncset.done $0x0  }
0xa6: {  	s25 =	simm.s32 $0x1B8E;
	[sflag:s24] =	ssyncadd.s32 $0xFFFFFFFF  }
0xa7: {  	s26 =	simm.s32 $execute0_lowered;
	[smem:$0x3FD2] =	sst s25  }
0xa8: {  	s6 =	sshll.u32 s26, $0x1;
	_ =	strace $0x80000046;
	[dreg:$0x1] =	wrdreg $0xFFFFFFFF  }
0xa9: {  	s28 =	simm.s32 $_size_execute0_lowered;
	s5 =	sadd.s32 s5, s6;
	[dreg:$0x0] =	wrdreg $0x0  }
0xaa: {  	s6 =	sshll.u32 s28, $0x1;
	[dreg:$0x2] =	wrdreg s5  }
0xab: {  	[dreg:$0x3] =	wrdreg s6  }
0xac: {  	[dreg:$0x4] =	wrdreg $0xC0  }
0xad: {  	_ =	task [dreg:s9], $0x5FFFF  }
0xae: {  	[dreg:$0x1] =	wrdreg $0xFFFFFFFF  }
0xaf: {  	[dreg:$0x0] =	wrdreg $0x60  }
0xb0: {  	[dreg:$0x2] =	wrdreg s2  }
0xb1: {  	[dreg:$0x3] =	wrdreg s19  }
0xb2: {  	[dreg:$0x4] =	wrdreg s4  }
0xb3: {  	[dreg:$0x5] =	wrdreg $0x9  }
0xb4: {  	_ =	task.clear_ibuf [dreg:s9], $0x6FFFF;
	_ =	strace $0x90000046  }
0xb5: {  	s29 =	simm.s32 $0x9;
	_ =	strace $0x80000048  }
0xb6: {  	_ =	swait.ge [sflag:s29], $0x1  }
0xb7: {  	[sflag:s29] =	ssyncadd.s32 $0xFFFFFFFF  }
0xb8: {  	_ =	strace $0x90000048  }
0xb9: {  	_ =	sfence  }
0xba: {  	s30 =	sld [smem:$0x0];
	_ =	sdelay $0x2  }
0xbb: {  	s31 =	sshll.u32 s1, $0xD;
	s1 =	sshrl.u32 s1, $0x2  }
0xbc: {  	s3 =	sand.u32 $0x4000, s31;
	s1 =	sadd.s32 s1, s30  }
0xbd: {  	s0 =	sor.u32 s3, s0;
	s1 =	sshll.u32 s1, $0x11  }
0xbe: {  	s0 =	sor.u32 s1, s0  }
0xbf: {  	s0 =	sadd.s32 $0x8F2B, s0  }
0xc0: {  	[sflag:s0] =	ssyncadd.remote.s32 $0x1  }
0xc1: {  	_ =	sfence.sel $0xFFFF  }
0xc2: {  	[dreg:$0x0] =	wrdreg $0xFFFFFFFF;
	(pc) =	sbr.abs _section_cstart, $3  }
0xc3: {  	[dreg:$0x1] =	wrdreg $0xFFFFFFFF  }
0xc4: {  	_ =	task.clear_ibuf [dreg:s9], $0x2FFFF;
	_ =	strace $0x9FFFFFFF  }
0xc5: {  	(tm) =	ssettm $0x7FFFFFFF  }
tec
execute0_lowered:
.L_overlay_start_1:
0x0: {  	(tag) =	ssettag $0x1  }
0x1: {  	s2 =	rddreg [dreg:$0x0]  }
0x2: {  	s0 =	rddreg [dreg:$0x1]  }
0x3: {  	s4 =	rddreg [dreg:$0x2];
	s3 =	srdreg.scid  }
0x4: {  	s1 =	simm.s32 $0x0;
	s6 =	stileid.u32;
	s3 =	sand.u32 $0x1, s3  }
0x5: {  	s6 =	sshll.u32 s6, $0xE;
	s5 =	ssub.s32 $0x2, s3;
	s3 =	sshll.u32 s3, $0xD  }
0x6: {  	[smem:$0x7FF] =	sst s1;
	s7 =	sshrl.u32 s5, $0x1;
	s3 =	sor.u32 s3, s6  }
0x7: {  	s5 =	ssub.s32 s5, s7;
	s0 =	sadd.s32 s0, s3;
	s15 =	sor.u32 $0x800, s3  }
0x8: {  	s17 =	sor.u32 $0x1000, s3;
	s18 =	sor.u32 $0x1800, s3;
	s21 =	sor.u32 $0x40000, s3  }
0x9: {  	s22 =	sor.u32 $0x40800, s3;
	[dreg:$0x4] =	wrdreg s0;
	s16 =	sadd.s32 s2, s15  }
0xa: {  	s25 =	sor.u32 $0x41000, s3;
	s8 =	sadd.s32 s2, s17;
	[dreg:$0x5] =	wrdreg s16  }
0xb: {  	s26 =	sor.u32 $0x41800, s3;
	s0 =	sadd.s32 s4, s15;
	[dreg:$0x6] =	wrdreg s8  }
0xc: {  	s11 =	sor.u32 $0x80000, s3;
	s19 =	sadd.s32 s2, s18;
	[dreg:$0x7] =	wrdreg s0  }
0xd: {  	s12 =	sor.u32 $0x80800, s3;
	s20 =	sadd.s32 s4, s17;
	[dreg:$0x8] =	wrdreg s19  }
0xe: {  	s31 =	sadd.s32 s2, s3;
	s23 =	sadd.s32 s2, s21;
	[dreg:$0x9] =	wrdreg s20  }
0xf: {  	s30 =	sadd.s32 s4, s3;
	s7 =	sadd.s32 s4, s18;
	[dreg:$0xa] =	wrdreg s23  }
0x10: {  	s24 =	sadd.s32 s2, s22;
	s9 =	sadd.s32 s2, s25;
	[dreg:$0xb] =	wrdreg s7  }
0x11: {  	s6 =	sadd.s32 s4, s22;
	s10 =	sadd.s32 s2, s26;
	[dreg:$0xc] =	wrdreg s24  }
0x12: {  	s13 =	sadd.s32 s2, s11;
	s14 =	sadd.s32 s2, s12;
	[dreg:$0xe] =	wrdreg s9  }
0x13: {  	s15 =	sor.u32 $0x81000, s3;
	s17 =	sor.u32 $0xC0000, s3;
	[dreg:$0xf] =	wrdreg s6  }
0x14: {  	s18 =	sor.u32 $0xC0800, s3;
	s5 =	smax.u32 s5, $0x1;
	[dreg:$0x10] =	wrdreg s10  }
0x15: {  	s0 =	sadd.s32 s4, s21;
	[dreg:$0x12] =	wrdreg s13;
	s7 =	sadd.s32 s4, s26  }
0x16: {  	[dreg:$0x14] =	wrdreg s14;
	s6 =	sadd.s32 s4, s12;
	s21 =	sadd.s32 s2, s15  }
0x17: {  	s22 =	sadd.s32 s4, s15;
	s16 =	sor.u32 $0x81800, s3;
	s26 =	sadd.s32 s4, s17  }
0x18: {  	s28 =	sadd.s32 s2, s18;
	s29 =	sadd.s32 s4, s18;
	s19 =	sor.u32 $0xC1000, s3  }
0x19: {  	s20 =	sor.u32 $0xC1800, s3;
	s8 =	simm.s32 $0x14000;
	s9 =	simm.s32 $0x1  }
0x1a: {  	s10 =	simm.s32 $0x3;
	s12 =	simm.s32 $0x4;
	[dreg:$0xd] =	wrdreg s0  }
0x1b: {  	s13 =	simm.s32 $0x0;
	s0 =	sadd.s32 s4, s25;
	[dreg:$0x13] =	wrdreg s7  }
0x1c: {  	[dreg:$0x16] =	wrdreg s6;
	s23 =	sadd.s32 s2, s16;
	s24 =	sadd.s32 s4, s16  }
0x1d: {  	s25 =	sadd.s32 s2, s17;
	s3 =	sadd.s32 s4, s19;
	s6 =	simm.s32 $0x5  }
0x1e: {  	s7 =	simm.s32 $0x10000;
	[dreg:$0x11] =	wrdreg s0;
	s0 =	sadd.s32 s4, s11  }
0x1f: {  	s4 =	sadd.s32 s4, s20;
	s11 =	simm.s32 $0x2;
	[dreg:$0x15] =	wrdreg s0  }
0x20: {  	s0 =	sadd.s32 s2, s19;
	s2 =	sadd.s32 s2, s20;
	_ =	strace $0x80000047  }
.LBB2_1:
0x21: {  	s14 =	rddreg [dreg:$0x4]  }
0x22: {  	[tilespmem:s1], [sflag:$0x5] =	stream.linear.gather [hbm4b:s14+s1], $0x10000, $0x38;
	[tilespmem:$0x18000] =	vst v63  }
0x23: {  	_ =	swait.ge [sflag:s6], $0x10000  }
0x24: {  	[sflag:s6] =	ssyncset.done $0x0  }
0x25: {  	[sflag:s6] =	ssyncadd.s32 $0xFFFF0000  }
0x26: {  	[tilespmem:s7], [sflag:$0x1] =	stream.linear.gather [hbm4b:s31+s1], $0x4000, $0x38;
	[tilespmem:$0x18000] =	vst v63  }
0x27: {  	s20 =	rddreg [dreg:$0x5]  }
0x28: {  	[tilespmem:s8], [sflag:$0x2] =	stream.linear.gather [hbm4b:s20+s1], $0x4000, $0x38;
	[tilespmem:$0x18000] =	vst v63  }
0x29: {  	_ =	swait.ge [sflag:s9], $0x4000  }
0x2a: {  	s15 =	simm.s32 $0x0;
	[sflag:s9] =	ssyncset.done $0x0  }
0x2b: {  	s16 =	simm.s32 $0x0;
	s14 =	simm.s32 $0x0;
	[sflag:s9] =	ssyncadd.s32 $0xFFFFC000  }
.LBB2_2:
0x2c: {  	s17 =	sshll.u32 s15, $0x2;
	s18 =	sand.u32 $0x7, s14  }
0x2d: {  	s17 =	sand.u32 $0xFFFF8000, s17;
	s18 =	sshll.u32 s18, $0x9  }
0x2e: {  	s17 =	sor.u32 s18, s17  }
0x2f: {  	s18 =	sshrl.u32 s17, $0x2  }
0x30: {  	s17 =	sadd.s32 $0x10040, s18  }
0x31: {  	s18 =	sor.u32 $0x40, s18;
	v1 =	vld [tilespmem:s17+$0x30]  }
0x32: {  	v2 =	vld [tilespmem:s18+$0x30]  }
0x33: {  	v0 =	vld [tilespmem:s18+$0xFFFFFFC0]  }
0x34: {  	v3 =	vld [tilespmem:s17+$0xFFFFFFD0]  }
0x35: {  	v4 =	vld [tilespmem:s18+$0xFFFFFFD0]  }
0x36: {  	v5 =	vld [tilespmem:s17+$0xFFFFFFE0]  }
0x37: {  	v6 =	vld [tilespmem:s18+$0xFFFFFFE0]  }
0x38: {  	v7 =	vld [tilespmem:s17+$0xFFFFFFF0]  }
0x39: {  	v8 =	vld [tilespmem:s18+$0xFFFFFFF0]  }
0x3a: {  	v9 =	vld [tilespmem:s17+$0x0]  }
0x3b: {  	v10 =	vld [tilespmem:s18+$0x0];
	v2 =	vadd.f32 v2, v1  }
0x3c: {  	v4 =	vadd.f32 v4, v3;
	v1 =	vld [tilespmem:s17+$0x10]  }
0x3d: {  	v5 =	vadd.f32 v6, v5;
	v3 =	vld [tilespmem:s18+$0x10];
	[tilespmem:s17+$0x30] =	vst v2  }
0x3e: {  	v6 =	vadd.f32 v8, v7;
	[tilespmem:s17+$0xFFFFFFD0] =	vst v4;
	v2 =	vld [tilespmem:s17+$0x20]  }
0x3f: {  	[tilespmem:s17+$0xFFFFFFE0] =	vst v5;
	v5 =	vld [tilespmem:s18+$0x20]  }
0x40: {  	s19 =	simm.s32 $0x0;
	s20 =	sadd.s32 $0x400, s17;
	v4 =	vld [tilespmem:s17+$0xFFFFFFC0];
	[tilespmem:s17+$0xFFFFFFF0] =	vst v6;
	v6 =	vadd.f32 v10, v9  }
.LBB2_3:
0x41: {  	v7 =	vld [tilespmem:s20+$0x30];
	s18 =	sadd.s32 $0x400, s18  }
0x42: {  	s19 =	sadd.s32 $0x80, s19;
	v8 =	vld [tilespmem:s18+$0x30];
	[tilespmem:s17+$0x0] =	vst v6;
	v1 =	vadd.f32 v3, v1  }
0x43: {  	p0 =	slt.u32 s19, $0x380;
	v3 =	vld [tilespmem:s18+$0xFFFFFFC0]  }
0x44: {  	v6 =	vld [tilespmem:s20+$0xFFFFFFD0];
	[tilespmem:s17+$0x10] =	vst v1;
	v1 =	vadd.f32 v5, v2  }
0x45: {  	v2 =	vld [tilespmem:s18+$0xFFFFFFD0];
	v9 =	vadd.f32 v0, v4  }
0x46: {  	v4 =	vld [tilespmem:s20+$0xFFFFFFE0];
	[tilespmem:s17+$0x20] =	vst v1  }
0x47: {  	v1 =	vld [tilespmem:s18+$0xFFFFFFE0];
	v5 =	vadd.f32 v8, v7;
	[tilespmem:s17+$0xFFFFFFC0] =	vst v9;
	s17 =	smov.u32 s20  }
0x48: {  	v7 =	vld [tilespmem:s20+$0xFFFFFFF0];
	v0 =	vmov v3  }
0x49: {  	v8 =	vld [tilespmem:s18+$0xFFFFFFF0];
	[tilespmem:s20+$0x30] =	vst v5  }
0x4a: {  	v2 =	vadd.f32 v2, v6;
	v6 =	vld [tilespmem:s20+$0x0]  }
0x4b: {  	v9 =	vld [tilespmem:s18+$0x0]  }
.Ltmp0:
0x4c: {  	[tilespmem:s20+$0xFFFFFFD0] =	vst v2;
	v2 =	vadd.f32 v1, v4;
	v1 =	vld [tilespmem:s20+$0x10];
	(pc) =	sbr.rel @p0 .LBB2_3-.Ltmp0, $4  }
0x4d: {  	v3 =	vld [tilespmem:s18+$0x10]  }
0x4e: {  	[tilespmem:s20+$0xFFFFFFE0] =	vst v2;
	v7 =	vadd.f32 v8, v7;
	v2 =	vld [tilespmem:s20+$0x20]  }
0x4f: {  	v5 =	vld [tilespmem:s18+$0x20]  }
0x50: {  	s20 =	sadd.s32 $0x400, s20;
	v4 =	vld [tilespmem:s17+$0xFFFFFFC0];
	[tilespmem:s17+$0xFFFFFFF0] =	vst v7;
	v6 =	vadd.f32 v9, v6  }
0x51: {  	s16 =	sadd.s32 $0x1, s16  }
0x52: {  	p0 =	sne.s32 s16, $0x10  }
.Ltmp1:
0x53: {  	v1 =	vadd.f32 v3, v1;
	(pc) =	sbr.rel @p0 .LBB2_2-.Ltmp1, $4  }
0x54: {  	[tilespmem:s17+$0x0] =	vst v6;
	v2 =	vadd.f32 v5, v2  }
0x55: {  	[tilespmem:s17+$0x10] =	vst v1;
	v0 =	vadd.f32 v0, v4  }
0x56: {  	[tilespmem:s17+$0x20] =	vst v2  }
0x57: {  	s15 =	sadd.s32 $0x400, s15;
	s14 =	sadd.s32 $0x1, s14;
	[tilespmem:s17+$0xFFFFFFC0] =	vst v0  }
0x58: {  	s14 =	simm.s32 $0x0  }
0x59: {  	[hbm4b:s30+s14] =	stream.linear.scatter [tilespmem:s7], [sflag:$0x3], $0x4000, $0x38;
	[tilespmem:$0x18000] =	vst v63  }
0x5a: {  	_ =	swait.ge [sflag:s10], $0x4000  }
0x5b: {  	[sflag:s10] =	ssyncset.done $0x0  }
0x5c: {  	s15 =	rddreg [dreg:$0x6];
	[sflag:s10] =	ssyncadd.s32 $0xFFFFC000  }
0x5d: {  	[tilespmem:s7], [sflag:$0x1] =	stream.linear.gather [hbm4b:s15+s14], $0x4000, $0x38;
	[tilespmem:$0x18000] =	vst v63  }
0x5e: {  	_ =	swait.ge [sflag:s11], $0x4000  }
0x5f: {  	[sflag:s11] =	ssyncset.done $0x0  }
0x60: {  	s16 =	simm.s32 $0x0;
	s15 =	simm.s32 $0x0;
	[sflag:s11] =	ssyncadd.s32 $0xFFFFC000  }
.LBB2_6:
0x61: {  	s17 =	sand.u32 $0x7, s15  }
0x62: {  	s17 =	sshll.u32 s17, $0x9  }
0x63: {  	s17 =	sshrl.u32 s17, $0x2  }
0x64: {  	v0 =	vmov s17;
	_ =	sdelay $0x2  }
0x65: {  	s18 =	sand.u32 $0x3FFFE000, s14  }
0x66: {  	s17 =	sadd.s32 $0x10000, s18  }
0x67: {  	v2 =	vld.idx.msk [tilespmem:v0+s17+$0x4070 ss:$0x1], $0xffff  }
0x68: {  	v4 =	vld.idx.msk [tilespmem:v0+s18+$0x4070 ss:$0x1], $0xffff  }
0x69: {  	v1 =	vld.idx.msk [tilespmem:v0+s18+$0x4000 ss:$0x1], $0xffff  }
0x6a: {  	v5 =	vld.idx.msk [tilespmem:v0+s17+$0x4010 ss:$0x1], $0xffff  }
0x6b: {  	v7 =	vld.idx.msk [tilespmem:v0+s18+$0x4010 ss:$0x1], $0xffff  }
0x6c: {  	v8 =	vld.idx.msk [tilespmem:v0+s17+$0x4020 ss:$0x1], $0xffff  }
0x6d: {  	v9 =	vld.idx.msk [tilespmem:v0+s18+$0x4020 ss:$0x1], $0xffff  }
0x6e: {  	v10 =	vld.idx.msk [tilespmem:v0+s17+$0x4030 ss:$0x1], $0xffff  }
0x6f: {  	v11 =	vld.idx.msk [tilespmem:v0+s18+$0x4030 ss:$0x1], $0xffff  }
0x70: {  	v3 =	vld.idx.msk [tilespmem:v0+s17+$0x4040 ss:$0x1], $0xffff  }
0x71: {  	v6 =	vld.idx.msk [tilespmem:v0+s18+$0x4040 ss:$0x1], $0xffff  }
0x72: {  	v4 =	vadd.f32 v4, v2;
	v2 =	vld.idx.msk [tilespmem:v0+s17+$0x4050 ss:$0x1], $0xffff  }
0x73: {  	v7 =	vadd.f32 v7, v5;
	v5 =	vld.idx.msk [tilespmem:v0+s18+$0x4050 ss:$0x1], $0xffff  }
0x74: {  	v8 =	vadd.f32 v9, v8;
	[tilespmem:v0+s17+$0x4070 ss:$0x1] =	vst.idx.msk $0xffff, v4;
	v4 =	vld.idx.msk [tilespmem:v0+s17+$0x4060 ss:$0x1], $0xffff  }
0x75: {  	v9 =	vadd.f32 v11, v10;
	[tilespmem:v0+s17+$0x4010 ss:$0x1] =	vst.idx.msk $0xffff, v7;
	v7 =	vld.idx.msk [tilespmem:v0+s18+$0x4060 ss:$0x1], $0xffff  }
0x76: {  	s19 =	simm.s32 $0x0;
	s20 =	sadd.s32 $0x400, s17;
	[tilespmem:v0+s17+$0x4020 ss:$0x1] =	vst.idx.msk $0xffff, v8;
	v8 =	vld.idx.msk [tilespmem:v0+s17+$0x4000 ss:$0x1], $0xffff  }
.LBB2_7:
0x77: {  	v10 =	vld.idx.msk [tilespmem:v0+s20+$0x4070 ss:$0x1], $0xffff;
	[tilespmem:v0+s17+$0x4030 ss:$0x1] =	vst.idx.msk $0xffff, v9;
	v3 =	vadd.f32 v6, v3;
	s18 =	sadd.s32 $0x400, s18  }
0x78: {  	s19 =	sadd.s32 $0x80, s19;
	v6 =	vld.idx.msk [tilespmem:v0+s18+$0x4070 ss:$0x1], $0xffff  }
0x79: {  	p0 =	slt.u32 s19, $0x380;
	v2 =	vadd.f32 v5, v2;
	v9 =	vld.idx.msk [tilespmem:v0+s18+$0x4000 ss:$0x1], $0xffff;
	[tilespmem:v0+s17+$0x4040 ss:$0x1] =	vst.idx.msk $0xffff, v3  }
0x7a: {  	v5 =	vld.idx.msk [tilespmem:v0+s20+$0x4010 ss:$0x1], $0xffff  }
0x7b: {  	v11 =	vld.idx.msk [tilespmem:v0+s18+$0x4010 ss:$0x1], $0xffff;
	[tilespmem:v0+s17+$0x4050 ss:$0x1] =	vst.idx.msk $0xffff, v2;
	v2 =	vadd.f32 v7, v4  }
0x7c: {  	v3 =	vadd.f32 v1, v8;
	v4 =	vld.idx.msk [tilespmem:v0+s20+$0x4020 ss:$0x1], $0xffff  }
0x7d: {  	v7 =	vld.idx.msk [tilespmem:v0+s18+$0x4020 ss:$0x1], $0xffff;
	[tilespmem:v0+s17+$0x4060 ss:$0x1] =	vst.idx.msk $0xffff, v2  }
0x7e: {  	v2 =	vadd.f32 v6, v10;
	v8 =	vld.idx.msk [tilespmem:v0+s20+$0x4030 ss:$0x1], $0xffff;
	[tilespmem:v0+s17+$0x4000 ss:$0x1] =	vst.idx.msk $0xffff, v3;
	s17 =	smov.u32 s20  }
0x7f: {  	v1 =	vmov v9;
	v10 =	vld.idx.msk [tilespmem:v0+s18+$0x4030 ss:$0x1], $0xffff  }
0x80: {  	v3 =	vld.idx.msk [tilespmem:v0+s20+$0x4040 ss:$0x1], $0xffff;
	[tilespmem:v0+s20+$0x4070 ss:$0x1] =	vst.idx.msk $0xffff, v2  }
0x81: {  	v5 =	vadd.f32 v11, v5;
	v6 =	vld.idx.msk [tilespmem:v0+s18+$0x4040 ss:$0x1], $0xffff  }
.Ltmp2:
0x82: {  	v2 =	vld.idx.msk [tilespmem:v0+s20+$0x4050 ss:$0x1], $0xffff;
	(pc) =	sbr.rel @p0 .LBB2_7-.Ltmp2, $4  }
0x83: {  	v7 =	vadd.f32 v7, v4;
	[tilespmem:v0+s20+$0x4010 ss:$0x1] =	vst.idx.msk $0xffff, v5;
	v5 =	vld.idx.msk [tilespmem:v0+s18+$0x4050 ss:$0x1], $0xffff  }
0x84: {  	v4 =	vld.idx.msk [tilespmem:v0+s20+$0x4060 ss:$0x1], $0xffff  }
0x85: {  	v9 =	vadd.f32 v10, v8;
	[tilespmem:v0+s20+$0x4020 ss:$0x1] =	vst.idx.msk $0xffff, v7;
	v7 =	vld.idx.msk [tilespmem:v0+s18+$0x4060 ss:$0x1], $0xffff  }
0x86: {  	s20 =	sadd.s32 $0x400, s20;
	v8 =	vld.idx.msk [tilespmem:v0+s17+$0x4000 ss:$0x1], $0xffff  }
0x87: {  	_ =	sdelay $0x1  }
0x88: {  	s16 =	sadd.s32 $0x1, s16  }
0x89: {  	v3 =	vadd.f32 v6, v3;
	p0 =	sne.s32 s16, $0x10  }
.Ltmp3:
0x8a: {  	[tilespmem:v0+s17+$0x4030 ss:$0x1] =	vst.idx.msk $0xffff, v9;
	v2 =	vadd.f32 v5, v2;
	(pc) =	sbr.rel @p0 .LBB2_6-.Ltmp3, $4  }
0x8b: {  	[tilespmem:v0+s17+$0x4040 ss:$0x1] =	vst.idx.msk $0xffff, v3;
	v63 =	vadd.f32 v7, v4  }
0x8c: {  	[tilespmem:v0+s17+$0x4050 ss:$0x1] =	vst.idx.msk $0xffff, v2;
	v1 =	vadd.f32 v1, v8  }
0x8d: {  	[tilespmem:v0+s17+$0x4060 ss:$0x1] =	vst.idx.msk $0xffff, v63  }
0x8e: {  	s15 =	sadd.s32 $0x1, s15;
	s14 =	sadd.s32 $0x400, s14;
	[tilespmem:v0+s17+$0x4000 ss:$0x1] =	vst.idx.msk $0xffff, v1  }
0x8f: {  	s14 =	simm.s32 $0x0;
	s15 =	rddreg [dreg:$0x7]  }
0x90: {  	[hbm4b:s15+s14] =	stream.linear.scatter [tilespmem:s8], [sflag:$0x4], $0x4000, $0x38;
	[tilespmem:$0x18000] =	vst v63  }
0x91: {  	_ =	swait.ge [sflag:s12], $0x4000  }
0x92: {  	[sflag:s12] =	ssyncset.done $0x0  }
0x93: {  	s20 =	rddreg [dreg:$0x8];
	[sflag:s12] =	ssyncadd.s32 $0xFFFFC000  }
0x94: {  	[tilespmem:s8], [sflag:$0x2] =	stream.linear.gather [hbm4b:s20+s14], $0x4000, $0x38;
	[tilespmem:$0x18000] =	vst v63  }
0x95: {  	_ =	swait.ge [sflag:s9], $0x4000  }
0x96: {  	[sflag:s9] =	ssyncset.done $0x0  }
0x97: {  	s16 =	simm.s32 $0x0;
	s15 =	simm.s32 $0x0;
	[sflag:s9] =	ssyncadd.s32 $0xFFFFC000  }
.LBB2_10:
0x98: {  	s17 =	sand.u32 $0x7, s15  }
0x99: {  	s17 =	sshll.u32 s17, $0x9  }
0x9a: {  	s17 =	sshrl.u32 s17, $0x2  }
0x9b: {  	v0 =	vmov s17;
	_ =	sdelay $0x2  }
0x9c: {  	s18 =	sand.u32 $0x3FFFE000, s14  }
0x9d: {  	s17 =	sadd.s32 $0x10040, s18  }
0x9e: {  	v2 =	vld.idx.msk [tilespmem:v0+s17+$0x30 ss:$0x1], $0xffff  }
0x9f: {  	v4 =	vld.idx.msk [tilespmem:v0+s18+$0x8070 ss:$0x1], $0xffff  }
0xa0: {  	v1 =	vld.idx.msk [tilespmem:v0+s18+$0x8000 ss:$0x1], $0xffff  }
0xa1: {  	v5 =	vld.idx.msk [tilespmem:v0+s17+$0xFFFFFFD0 ss:$0x1], $0xffff  }
0xa2: {  	v7 =	vld.idx.msk [tilespmem:v0+s18+$0x8010 ss:$0x1], $0xffff  }
0xa3: {  	v8 =	vld.idx.msk [tilespmem:v0+s17+$0xFFFFFFE0 ss:$0x1], $0xffff  }
0xa4: {  	v9 =	vld.idx.msk [tilespmem:v0+s18+$0x8020 ss:$0x1], $0xffff  }
0xa5: {  	v10 =	vld.idx.msk [tilespmem:v0+s17+$0xFFFFFFF0 ss:$0x1], $0xffff  }
0xa6: {  	v11 =	vld.idx.msk [tilespmem:v0+s18+$0x8030 ss:$0x1], $0xffff  }
0xa7: {  	v3 =	vld.idx.msk [tilespmem:v0+s17+$0x0 ss:$0x1], $0xffff  }
0xa8: {  	v6 =	vld.idx.msk [tilespmem:v0+s18+$0x8040 ss:$0x1], $0xffff  }
0xa9: {  	v4 =	vadd.f32 v4, v2;
	v2 =	vld.idx.msk [tilespmem:v0+s17+$0x10 ss:$0x1], $0xffff  }
0xaa: {  	v7 =	vadd.f32 v7, v5;
	v5 =	vld.idx.msk [tilespmem:v0+s18+$0x8050 ss:$0x1], $0xffff  }
0xab: {  	v8 =	vadd.f32 v9, v8;
	[tilespmem:v0+s17+$0x30 ss:$0x1] =	vst.idx.msk $0xffff, v4;
	v4 =	vld.idx.msk [tilespmem:v0+s17+$0x20 ss:$0x1], $0xffff  }
0xac: {  	v9 =	vadd.f32 v11, v10;
	[tilespmem:v0+s17+$0xFFFFFFD0 ss:$0x1] =	vst.idx.msk $0xffff, v7;
	v7 =	vld.idx.msk [tilespmem:v0+s18+$0x8060 ss:$0x1], $0xffff  }
0xad: {  	s19 =	simm.s32 $0x0;
	s20 =	sadd.s32 $0x400, s17;
	[tilespmem:v0+s17+$0xFFFFFFE0 ss:$0x1] =	vst.idx.msk $0xffff, v8;
	v8 =	vld.idx.msk [tilespmem:v0+s17+$0xFFFFFFC0 ss:$0x1], $0xffff  }
.LBB2_11:
0xae: {  	v10 =	vld.idx.msk [tilespmem:v0+s20+$0x30 ss:$0x1], $0xffff;
	[tilespmem:v0+s17+$0xFFFFFFF0 ss:$0x1] =	vst.idx.msk $0xffff, v9;
	v3 =	vadd.f32 v6, v3;
	s18 =	sadd.s32 $0x400, s18  }
0xaf: {  	s19 =	sadd.s32 $0x80, s19;
	v6 =	vld.idx.msk [tilespmem:v0+s18+$0x8070 ss:$0x1], $0xffff  }
0xb0: {  	p0 =	slt.u32 s19, $0x380;
	v2 =	vadd.f32 v5, v2;
	v9 =	vld.idx.msk [tilespmem:v0+s18+$0x8000 ss:$0x1], $0xffff;
	[tilespmem:v0+s17+$0x0 ss:$0x1] =	vst.idx.msk $0xffff, v3  }
0xb1: {  	v5 =	vld.idx.msk [tilespmem:v0+s20+$0xFFFFFFD0 ss:$0x1], $0xffff  }
0xb2: {  	v11 =	vld.idx.msk [tilespmem:v0+s18+$0x8010 ss:$0x1], $0xffff;
	[tilespmem:v0+s17+$0x10 ss:$0x1] =	vst.idx.msk $0xffff, v2;
	v2 =	vadd.f32 v7, v4  }
0xb3: {  	v3 =	vadd.f32 v1, v8;
	v4 =	vld.idx.msk [tilespmem:v0+s20+$0xFFFFFFE0 ss:$0x1], $0xffff  }
0xb4: {  	v7 =	vld.idx.msk [tilespmem:v0+s18+$0x8020 ss:$0x1], $0xffff;
	[tilespmem:v0+s17+$0x20 ss:$0x1] =	vst.idx.msk $0xffff, v2  }
0xb5: {  	v2 =	vadd.f32 v6, v10;
	v8 =	vld.idx.msk [tilespmem:v0+s20+$0xFFFFFFF0 ss:$0x1], $0xffff;
	[tilespmem:v0+s17+$0xFFFFFFC0 ss:$0x1] =	vst.idx.msk $0xffff, v3;
	s17 =	smov.u32 s20  }
0xb6: {  	v1 =	vmov v9;
	v10 =	vld.idx.msk [tilespmem:v0+s18+$0x8030 ss:$0x1], $0xffff  }
0xb7: {  	v3 =	vld.idx.msk [tilespmem:v0+s20+$0x0 ss:$0x1], $0xffff;
	[tilespmem:v0+s20+$0x30 ss:$0x1] =	vst.idx.msk $0xffff, v2  }
0xb8: {  	v5 =	vadd.f32 v11, v5;
	v6 =	vld.idx.msk [tilespmem:v0+s18+$0x8040 ss:$0x1], $0xffff  }
.Ltmp4:
0xb9: {  	v2 =	vld.idx.msk [tilespmem:v0+s20+$0x10 ss:$0x1], $0xffff;
	(pc) =	sbr.rel @p0 .LBB2_11-.Ltmp4, $4  }
0xba: {  	v7 =	vadd.f32 v7, v4;
	[tilespmem:v0+s20+$0xFFFFFFD0 ss:$0x1] =	vst.idx.msk $0xffff, v5;
	v5 =	vld.idx.msk [tilespmem:v0+s18+$0x8050 ss:$0x1], $0xffff  }
0xbb: {  	v4 =	vld.idx.msk [tilespmem:v0+s20+$0x20 ss:$0x1], $0xffff  }
0xbc: {  	v9 =	vadd.f32 v10, v8;
	[tilespmem:v0+s20+$0xFFFFFFE0 ss:$0x1] =	vst.idx.msk $0xffff, v7;
	v7 =	vld.idx.msk [tilespmem:v0+s18+$0x8060 ss:$0x1], $0xffff  }
0xbd: {  	s20 =	sadd.s32 $0x400, s20;
	v8 =	vld.idx.msk [tilespmem:v0+s17+$0xFFFFFFC0 ss:$0x1], $0xffff  }
0xbe: {  	_ =	sdelay $0x1  }
0xbf: {  	s16 =	sadd.s32 $0x1, s16  }
0xc0: {  	v3 =	vadd.f32 v6, v3;
	p0 =	sne.s32 s16, $0x10  }
.Ltmp5:
0xc1: {  	[tilespmem:v0+s17+$0xFFFFFFF0 ss:$0x1] =	vst.idx.msk $0xffff, v9;
	v2 =	vadd.f32 v5, v2;
	(pc) =	sbr.rel @p0 .LBB2_10-.Ltmp5, $4  }
0xc2: {  	[tilespmem:v0+s17+$0x0 ss:$0x1] =	vst.idx.msk $0xffff, v3;
	v63 =	vadd.f32 v7, v4  }
0xc3: {  	[tilespmem:v0+s17+$0x10 ss:$0x1] =	vst.idx.msk $0xffff, v2;
	v1 =	vadd.f32 v1, v8  }
0xc4: {  	[tilespmem:v0+s17+$0x20 ss:$0x1] =	vst.idx.msk $0xffff, v63  }
0xc5: {  	s15 =	sadd.s32 $0x1, s15;
	s14 =	sadd.s32 $0x400, s14;
	[tilespmem:v0+s17+$0xFFFFFFC0 ss:$0x1] =	vst.idx.msk $0xffff, v1  }
0xc6: {  	s14 =	simm.s32 $0x0;
	s15 =	rddreg [dreg:$0x9]  }
0xc7: {  	[hbm4b:s15+s14] =	stream.linear.scatter [tilespmem:s7], [sflag:$0x3], $0x4000, $0x38;
	[tilespmem:$0x18000] =	vst v63  }
0xc8: {  	_ =	swait.ge [sflag:s10], $0x4000  }
0xc9: {  	[sflag:s10] =	ssyncset.done $0x0  }
0xca: {  	s20 =	rddreg [dreg:$0xa];
	[sflag:s10] =	ssyncadd.s32 $0xFFFFC000  }
0xcb: {  	[tilespmem:s7], [sflag:$0x1] =	stream.linear.gather [hbm4b:s20+s14], $0x4000, $0x38;
	[tilespmem:$0x18000] =	vst v63  }
0xcc: {  	_ =	swait.ge [sflag:s11], $0x4000  }
0xcd: {  	[sflag:s11] =	ssyncset.done $0x0  }
0xce: {  	s16 =	simm.s32 $0x0;
	s15 =	simm.s32 $0x0;
	[sflag:s11] =	ssyncadd.s32 $0xFFFFC000  }
.LBB2_14:
0xcf: {  	s17 =	sand.u32 $0x7, s15  }
0xd0: {  	s17 =	sshll.u32 s17, $0x9  }
0xd1: {  	s17 =	sshrl.u32 s17, $0x2  }
0xd2: {  	v0 =	vmov s17;
	_ =	sdelay $0x2  }
0xd3: {  	s18 =	sand.u32 $0x3FFFE000, s14  }
0xd4: {  	s17 =	sadd.s32 $0x10000, s18  }
0xd5: {  	v2 =	vld.idx.msk [tilespmem:v0+s17+$0x4070 ss:$0x1], $0xffff  }
0xd6: {  	v4 =	vld.idx.msk [tilespmem:v0+s18+$0xC070 ss:$0x1], $0xffff  }
0xd7: {  	v1 =	vld.idx.msk [tilespmem:v0+s18+$0xC000 ss:$0x1], $0xffff  }
0xd8: {  	v5 =	vld.idx.msk [tilespmem:v0+s17+$0x4010 ss:$0x1], $0xffff  }
0xd9: {  	v7 =	vld.idx.msk [tilespmem:v0+s18+$0xC010 ss:$0x1], $0xffff  }
0xda: {  	v8 =	vld.idx.msk [tilespmem:v0+s17+$0x4020 ss:$0x1], $0xffff  }
0xdb: {  	v9 =	vld.idx.msk [tilespmem:v0+s18+$0xC020 ss:$0x1], $0xffff  }
0xdc: {  	v10 =	vld.idx.msk [tilespmem:v0+s17+$0x4030 ss:$0x1], $0xffff  }
0xdd: {  	v11 =	vld.idx.msk [tilespmem:v0+s18+$0xC030 ss:$0x1], $0xffff  }
0xde: {  	v3 =	vld.idx.msk [tilespmem:v0+s17+$0x4040 ss:$0x1], $0xffff  }
0xdf: {  	v6 =	vld.idx.msk [tilespmem:v0+s18+$0xC040 ss:$0x1], $0xffff  }
0xe0: {  	v4 =	vadd.f32 v4, v2;
	v2 =	vld.idx.msk [tilespmem:v0+s17+$0x4050 ss:$0x1], $0xffff  }
0xe1: {  	v7 =	vadd.f32 v7, v5;
	v5 =	vld.idx.msk [tilespmem:v0+s18+$0xC050 ss:$0x1], $0xffff  }
0xe2: {  	v8 =	vadd.f32 v9, v8;
	[tilespmem:v0+s17+$0x4070 ss:$0x1] =	vst.idx.msk $0xffff, v4;
	v4 =	vld.idx.msk [tilespmem:v0+s17+$0x4060 ss:$0x1], $0xffff  }
0xe3: {  	v9 =	vadd.f32 v11, v10;
	[tilespmem:v0+s17+$0x4010 ss:$0x1] =	vst.idx.msk $0xffff, v7;
	v7 =	vld.idx.msk [tilespmem:v0+s18+$0xC060 ss:$0x1], $0xffff  }
0xe4: {  	s19 =	simm.s32 $0x0;
	s20 =	sadd.s32 $0x400, s17;
	[tilespmem:v0+s17+$0x4020 ss:$0x1] =	vst.idx.msk $0xffff, v8;
	v8 =	vld.idx.msk [tilespmem:v0+s17+$0x4000 ss:$0x1], $0xffff  }
.LBB2_15:
0xe5: {  	v10 =	vld.idx.msk [tilespmem:v0+s20+$0x4070 ss:$0x1], $0xffff;
	[tilespmem:v0+s17+$0x4030 ss:$0x1] =	vst.idx.msk $0xffff, v9;
	v3 =	vadd.f32 v6, v3;
	s18 =	sadd.s32 $0x400, s18  }
0xe6: {  	s19 =	sadd.s32 $0x80, s19;
	v6 =	vld.idx.msk [tilespmem:v0+s18+$0xC070 ss:$0x1], $0xffff  }
0xe7: {  	p0 =	slt.u32 s19, $0x380;
	v2 =	vadd.f32 v5, v2;
	v9 =	vld.idx.msk [tilespmem:v0+s18+$0xC000 ss:$0x1], $0xffff;
	[tilespmem:v0+s17+$0x4040 ss:$0x1] =	vst.idx.msk $0xffff, v3  }
0xe8: {  	v5 =	vld.idx.msk [tilespmem:v0+s20+$0x4010 ss:$0x1], $0xffff  }
0xe9: {  	v11 =	vld.idx.msk [tilespmem:v0+s18+$0xC010 ss:$0x1], $0xffff;
	[tilespmem:v0+s17+$0x4050 ss:$0x1] =	vst.idx.msk $0xffff, v2;
	v2 =	vadd.f32 v7, v4  }
0xea: {  	v3 =	vadd.f32 v1, v8;
	v4 =	vld.idx.msk [tilespmem:v0+s20+$0x4020 ss:$0x1], $0xffff  }
0xeb: {  	v7 =	vld.idx.msk [tilespmem:v0+s18+$0xC020 ss:$0x1], $0xffff;
	[tilespmem:v0+s17+$0x4060 ss:$0x1] =	vst.idx.msk $0xffff, v2  }
0xec: {  	v2 =	vadd.f32 v6, v10;
	v8 =	vld.idx.msk [tilespmem:v0+s20+$0x4030 ss:$0x1], $0xffff;
	[tilespmem:v0+s17+$0x4000 ss:$0x1] =	vst.idx.msk $0xffff, v3;
	s17 =	smov.u32 s20  }
0xed: {  	v1 =	vmov v9;
	v10 =	vld.idx.msk [tilespmem:v0+s18+$0xC030 ss:$0x1], $0xffff  }
0xee: {  	v3 =	vld.idx.msk [tilespmem:v0+s20+$0x4040 ss:$0x1], $0xffff;
	[tilespmem:v0+s20+$0x4070 ss:$0x1] =	vst.idx.msk $0xffff, v2  }
0xef: {  	v5 =	vadd.f32 v11, v5;
	v6 =	vld.idx.msk [tilespmem:v0+s18+$0xC040 ss:$0x1], $0xffff  }
.Ltmp6:
0xf0: {  	v2 =	vld.idx.msk [tilespmem:v0+s20+$0x4050 ss:$0x1], $0xffff;
	(pc) =	sbr.rel @p0 .LBB2_15-.Ltmp6, $4  }
0xf1: {  	v7 =	vadd.f32 v7, v4;
	[tilespmem:v0+s20+$0x4010 ss:$0x1] =	vst.idx.msk $0xffff, v5;
	v5 =	vld.idx.msk [tilespmem:v0+s18+$0xC050 ss:$0x1], $0xffff  }
0xf2: {  	v4 =	vld.idx.msk [tilespmem:v0+s20+$0x4060 ss:$0x1], $0xffff  }
0xf3: {  	v9 =	vadd.f32 v10, v8;
	[tilespmem:v0+s20+$0x4020 ss:$0x1] =	vst.idx.msk $0xffff, v7;
	v7 =	vld.idx.msk [tilespmem:v0+s18+$0xC060 ss:$0x1], $0xffff  }
0xf4: {  	s20 =	sadd.s32 $0x400, s20;
	v8 =	vld.idx.msk [tilespmem:v0+s17+$0x4000 ss:$0x1], $0xffff  }
0xf5: {  	_ =	sdelay $0x1  }
0xf6: {  	s16 =	sadd.s32 $0x1, s16  }
0xf7: {  	v3 =	vadd.f32 v6, v3;
	p0 =	sne.s32 s16, $0x10  }
.Ltmp7:
0xf8: {  	[tilespmem:v0+s17+$0x4030 ss:$0x1] =	vst.idx.msk $0xffff, v9;
	v2 =	vadd.f32 v5, v2;
	(pc) =	sbr.rel @p0 .LBB2_14-.Ltmp7, $4  }
0xf9: {  	[tilespmem:v0+s17+$0x4040 ss:$0x1] =	vst.idx.msk $0xffff, v3;
	v63 =	vadd.f32 v7, v4  }
0xfa: {  	[tilespmem:v0+s17+$0x4050 ss:$0x1] =	vst.idx.msk $0xffff, v2;
	v1 =	vadd.f32 v1, v8  }
0xfb: {  	[tilespmem:v0+s17+$0x4060 ss:$0x1] =	vst.idx.msk $0xffff, v63  }
0xfc: {  	s15 =	sadd.s32 $0x1, s15;
	s14 =	sadd.s32 $0x400, s14;
	[tilespmem:v0+s17+$0x4000 ss:$0x1] =	vst.idx.msk $0xffff, v1  }
0xfd: {  	s14 =	simm.s32 $0x0;
	s15 =	rddreg [dreg:$0xb]  }
0xfe: {  	[hbm4b:s15+s14] =	stream.linear.scatter [tilespmem:s8], [sflag:$0x4], $0x4000, $0x38;
	[tilespmem:$0x18000] =	vst v63  }
0xff: {  	_ =	swait.ge [sflag:s12], $0x4000  }
0x100: {  	[sflag:s12] =	ssyncset.done $0x0  }
0x101: {  	s20 =	rddreg [dreg:$0xc];
	[sflag:s12] =	ssyncadd.s32 $0xFFFFC000  }
0x102: {  	[tilespmem:s8], [sflag:$0x2] =	stream.linear.gather [hbm4b:s20+s14], $0x4000, $0x38;
	[tilespmem:$0x18000] =	vst v63  }
0x103: {  	_ =	swait.ge [sflag:s9], $0x4000  }
0x104: {  	[sflag:s9] =	ssyncset.done $0x0  }
0x105: {  	s16 =	simm.s32 $0x0;
	s15 =	simm.s32 $0x0;
	[sflag:s9] =	ssyncadd.s32 $0xFFFFC000  }
.LBB2_18:
0x106: {  	s17 =	sshll.u32 s15, $0x2;
	s18 =	sand.u32 $0x7, s14  }
0x107: {  	s17 =	sand.u32 $0xFFFF8000, s17;
	s18 =	sshll.u32 s18, $0x9  }
0x108: {  	s17 =	sor.u32 s18, s17  }
0x109: {  	s18 =	sshrl.u32 s17, $0x2  }
0x10a: {  	s17 =	sadd.s32 $0x10040, s18  }
0x10b: {  	s18 =	sor.u32 $0x40, s18;
	v1 =	vld [tilespmem:s17+$0x30]  }
0x10c: {  	v2 =	vld [tilespmem:s18+$0x30]  }
0x10d: {  	v0 =	vld [tilespmem:s18+$0xFFFFFFC0]  }
0x10e: {  	v3 =	vld [tilespmem:s17+$0xFFFFFFD0]  }
0x10f: {  	v4 =	vld [tilespmem:s18+$0xFFFFFFD0]  }
0x110: {  	v5 =	vld [tilespmem:s17+$0xFFFFFFE0]  }
0x111: {  	v6 =	vld [tilespmem:s18+$0xFFFFFFE0]  }
0x112: {  	v7 =	vld [tilespmem:s17+$0xFFFFFFF0]  }
0x113: {  	v8 =	vld [tilespmem:s18+$0xFFFFFFF0]  }
0x114: {  	v9 =	vld [tilespmem:s17+$0x0]  }
0x115: {  	v10 =	vld [tilespmem:s18+$0x0];
	v2 =	vadd.f32 v2, v1  }
0x116: {  	v4 =	vadd.f32 v4, v3;
	v1 =	vld [tilespmem:s17+$0x10]  }
0x117: {  	v5 =	vadd.f32 v6, v5;
	v3 =	vld [tilespmem:s18+$0x10];
	[tilespmem:s17+$0x30] =	vst v2  }
0x118: {  	v6 =	vadd.f32 v8, v7;
	[tilespmem:s17+$0xFFFFFFD0] =	vst v4;
	v2 =	vld [tilespmem:s17+$0x20]  }
0x119: {  	[tilespmem:s17+$0xFFFFFFE0] =	vst v5;
	v5 =	vld [tilespmem:s18+$0x20]  }
0x11a: {  	s19 =	simm.s32 $0x0;
	s20 =	sadd.s32 $0x400, s17;
	v4 =	vld [tilespmem:s17+$0xFFFFFFC0];
	[tilespmem:s17+$0xFFFFFFF0] =	vst v6;
	v6 =	vadd.f32 v10, v9  }
.LBB2_19:
0x11b: {  	v7 =	vld [tilespmem:s20+$0x30];
	s18 =	sadd.s32 $0x400, s18  }
0x11c: {  	s19 =	sadd.s32 $0x80, s19;
	v8 =	vld [tilespmem:s18+$0x30];
	[tilespmem:s17+$0x0] =	vst v6;
	v1 =	vadd.f32 v3, v1  }
0x11d: {  	p0 =	slt.u32 s19, $0x380;
	v3 =	vld [tilespmem:s18+$0xFFFFFFC0]  }
0x11e: {  	v6 =	vld [tilespmem:s20+$0xFFFFFFD0];
	[tilespmem:s17+$0x10] =	vst v1;
	v1 =	vadd.f32 v5, v2  }
0x11f: {  	v2 =	vld [tilespmem:s18+$0xFFFFFFD0];
	v9 =	vadd.f32 v0, v4  }
0x120: {  	v4 =	vld [tilespmem:s20+$0xFFFFFFE0];
	[tilespmem:s17+$0x20] =	vst v1  }
0x121: {  	v1 =	vld [tilespmem:s18+$0xFFFFFFE0];
	v5 =	vadd.f32 v8, v7;
	[tilespmem:s17+$0xFFFFFFC0] =	vst v9;
	s17 =	smov.u32 s20  }
0x122: {  	v7 =	vld [tilespmem:s20+$0xFFFFFFF0];
	v0 =	vmov v3  }
0x123: {  	v8 =	vld [tilespmem:s18+$0xFFFFFFF0];
	[tilespmem:s20+$0x30] =	vst v5  }
0x124: {  	v2 =	vadd.f32 v2, v6;
	v6 =	vld [tilespmem:s20+$0x0]  }
0x125: {  	v9 =	vld [tilespmem:s18+$0x0]  }
.Ltmp8:
0x126: {  	[tilespmem:s20+$0xFFFFFFD0] =	vst v2;
	v2 =	vadd.f32 v1, v4;
	v1 =	vld [tilespmem:s20+$0x10];
	(pc) =	sbr.rel @p0 .LBB2_19-.Ltmp8, $4  }
0x127: {  	v3 =	vld [tilespmem:s18+$0x10]  }
0x128: {  	[tilespmem:s20+$0xFFFFFFE0] =	vst v2;
	v7 =	vadd.f32 v8, v7;
	v2 =	vld [tilespmem:s20+$0x20]  }
0x129: {  	v5 =	vld [tilespmem:s18+$0x20]  }
0x12a: {  	s20 =	sadd.s32 $0x400, s20;
	v4 =	vld [tilespmem:s17+$0xFFFFFFC0];
	[tilespmem:s17+$0xFFFFFFF0] =	vst v7;
	v6 =	vadd.f32 v9, v6  }
0x12b: {  	s16 =	sadd.s32 $0x1, s16  }
0x12c: {  	p0 =	sne.s32 s16, $0x10  }
.Ltmp9:
0x12d: {  	v1 =	vadd.f32 v3, v1;
	(pc) =	sbr.rel @p0 .LBB2_18-.Ltmp9, $4  }
0x12e: {  	[tilespmem:s17+$0x0] =	vst v6;
	v2 =	vadd.f32 v5, v2  }
0x12f: {  	[tilespmem:s17+$0x10] =	vst v1;
	v0 =	vadd.f32 v0, v4  }
0x130: {  	[tilespmem:s17+$0x20] =	vst v2  }
0x131: {  	s15 =	sadd.s32 $0x400, s15;
	s14 =	sadd.s32 $0x1, s14;
	[tilespmem:s17+$0xFFFFFFC0] =	vst v0  }
0x132: {  	s14 =	simm.s32 $0x0;
	s15 =	rddreg [dreg:$0xd]  }
0x133: {  	[hbm4b:s15+s14] =	stream.linear.scatter [tilespmem:s7], [sflag:$0x3], $0x4000, $0x38;
	[tilespmem:$0x18000] =	vst v63  }
0x134: {  	_ =	swait.ge [sflag:s10], $0x4000  }
0x135: {  	[sflag:s10] =	ssyncset.done $0x0  }
0x136: {  	s20 =	rddreg [dreg:$0xe];
	[sflag:s10] =	ssyncadd.s32 $0xFFFFC000  }
0x137: {  	[tilespmem:s7], [sflag:$0x1] =	stream.linear.gather [hbm4b:s20+s14], $0x4000, $0x38;
	[tilespmem:$0x18000] =	vst v63  }
0x138: {  	_ =	swait.ge [sflag:s11], $0x4000  }
0x139: {  	[sflag:s11] =	ssyncset.done $0x0  }
0x13a: {  	s16 =	simm.s32 $0x0;
	s15 =	simm.s32 $0x0;
	[sflag:s11] =	ssyncadd.s32 $0xFFFFC000  }
.LBB2_22:
0x13b: {  	s17 =	sand.u32 $0x7, s15  }
0x13c: {  	s17 =	sshll.u32 s17, $0x9  }
0x13d: {  	s17 =	sshrl.u32 s17, $0x2  }
0x13e: {  	v0 =	vmov s17;
	_ =	sdelay $0x2  }
0x13f: {  	s18 =	sand.u32 $0x3FFFE000, s14  }
0x140: {  	s17 =	sadd.s32 $0x10000, s18  }
0x141: {  	v2 =	vld.idx.msk [tilespmem:v0+s17+$0x4070 ss:$0x1], $0xffff  }
0x142: {  	v4 =	vld.idx.msk [tilespmem:v0+s18+$0x4070 ss:$0x1], $0xffff  }
0x143: {  	v1 =	vld.idx.msk [tilespmem:v0+s18+$0x4000 ss:$0x1], $0xffff  }
0x144: {  	v5 =	vld.idx.msk [tilespmem:v0+s17+$0x4010 ss:$0x1], $0xffff  }
0x145: {  	v7 =	vld.idx.msk [tilespmem:v0+s18+$0x4010 ss:$0x1], $0xffff  }
0x146: {  	v8 =	vld.idx.msk [tilespmem:v0+s17+$0x4020 ss:$0x1], $0xffff  }
0x147: {  	v9 =	vld.idx.msk [tilespmem:v0+s18+$0x4020 ss:$0x1], $0xffff  }
0x148: {  	v10 =	vld.idx.msk [tilespmem:v0+s17+$0x4030 ss:$0x1], $0xffff  }
0x149: {  	v11 =	vld.idx.msk [tilespmem:v0+s18+$0x4030 ss:$0x1], $0xffff  }
0x14a: {  	v3 =	vld.idx.msk [tilespmem:v0+s17+$0x4040 ss:$0x1], $0xffff  }
0x14b: {  	v6 =	vld.idx.msk [tilespmem:v0+s18+$0x4040 ss:$0x1], $0xffff  }
0x14c: {  	v4 =	vadd.f32 v4, v2;
	v2 =	vld.idx.msk [tilespmem:v0+s17+$0x4050 ss:$0x1], $0xffff  }
0x14d: {  	v7 =	vadd.f32 v7, v5;
	v5 =	vld.idx.msk [tilespmem:v0+s18+$0x4050 ss:$0x1], $0xffff  }
0x14e: {  	v8 =	vadd.f32 v9, v8;
	[tilespmem:v0+s17+$0x4070 ss:$0x1] =	vst.idx.msk $0xffff, v4;
	v4 =	vld.idx.msk [tilespmem:v0+s17+$0x4060 ss:$0x1], $0xffff  }
0x14f: {  	v9 =	vadd.f32 v11, v10;
	[tilespmem:v0+s17+$0x4010 ss:$0x1] =	vst.idx.msk $0xffff, v7;
	v7 =	vld.idx.msk [tilespmem:v0+s18+$0x4060 ss:$0x1], $0xffff  }
0x150: {  	s19 =	simm.s32 $0x0;
	s20 =	sadd.s32 $0x400, s17;
	[tilespmem:v0+s17+$0x4020 ss:$0x1] =	vst.idx.msk $0xffff, v8;
	v8 =	vld.idx.msk [tilespmem:v0+s17+$0x4000 ss:$0x1], $0xffff  }
.LBB2_23:
0x151: {  	v10 =	vld.idx.msk [tilespmem:v0+s20+$0x4070 ss:$0x1], $0xffff;
	[tilespmem:v0+s17+$0x4030 ss:$0x1] =	vst.idx.msk $0xffff, v9;
	v3 =	vadd.f32 v6, v3;
	s18 =	sadd.s32 $0x400, s18  }
0x152: {  	s19 =	sadd.s32 $0x80, s19;
	v6 =	vld.idx.msk [tilespmem:v0+s18+$0x4070 ss:$0x1], $0xffff  }
0x153: {  	p0 =	slt.u32 s19, $0x380;
	v2 =	vadd.f32 v5, v2;
	v9 =	vld.idx.msk [tilespmem:v0+s18+$0x4000 ss:$0x1], $0xffff;
	[tilespmem:v0+s17+$0x4040 ss:$0x1] =	vst.idx.msk $0xffff, v3  }
0x154: {  	v5 =	vld.idx.msk [tilespmem:v0+s20+$0x4010 ss:$0x1], $0xffff  }
0x155: {  	v11 =	vld.idx.msk [tilespmem:v0+s18+$0x4010 ss:$0x1], $0xffff;
	[tilespmem:v0+s17+$0x4050 ss:$0x1] =	vst.idx.msk $0xffff, v2;
	v2 =	vadd.f32 v7, v4  }
0x156: {  	v3 =	vadd.f32 v1, v8;
	v4 =	vld.idx.msk [tilespmem:v0+s20+$0x4020 ss:$0x1], $0xffff  }
0x157: {  	v7 =	vld.idx.msk [tilespmem:v0+s18+$0x4020 ss:$0x1], $0xffff;
	[tilespmem:v0+s17+$0x4060 ss:$0x1] =	vst.idx.msk $0xffff, v2  }
0x158: {  	v2 =	vadd.f32 v6, v10;
	v8 =	vld.idx.msk [tilespmem:v0+s20+$0x4030 ss:$0x1], $0xffff;
	[tilespmem:v0+s17+$0x4000 ss:$0x1] =	vst.idx.msk $0xffff, v3;
	s17 =	smov.u32 s20  }
0x159: {  	v1 =	vmov v9;
	v10 =	vld.idx.msk [tilespmem:v0+s18+$0x4030 ss:$0x1], $0xffff  }
0x15a: {  	v3 =	vld.idx.msk [tilespmem:v0+s20+$0x4040 ss:$0x1], $0xffff;
	[tilespmem:v0+s20+$0x4070 ss:$0x1] =	vst.idx.msk $0xffff, v2  }
0x15b: {  	v5 =	vadd.f32 v11, v5;
	v6 =	vld.idx.msk [tilespmem:v0+s18+$0x4040 ss:$0x1], $0xffff  }
.Ltmp10:
0x15c: {  	v2 =	vld.idx.msk [tilespmem:v0+s20+$0x4050 ss:$0x1], $0xffff;
	(pc) =	sbr.rel @p0 .LBB2_23-.Ltmp10, $4  }
0x15d: {  	v7 =	vadd.f32 v7, v4;
	[tilespmem:v0+s20+$0x4010 ss:$0x1] =	vst.idx.msk $0xffff, v5;
	v5 =	vld.idx.msk [tilespmem:v0+s18+$0x4050 ss:$0x1], $0xffff  }
0x15e: {  	v4 =	vld.idx.msk [tilespmem:v0+s20+$0x4060 ss:$0x1], $0xffff  }
0x15f: {  	v9 =	vadd.f32 v10, v8;
	[tilespmem:v0+s20+$0x4020 ss:$0x1] =	vst.idx.msk $0xffff, v7;
	v7 =	vld.idx.msk [tilespmem:v0+s18+$0x4060 ss:$0x1], $0xffff  }
0x160: {  	s20 =	sadd.s32 $0x400, s20;
	v8 =	vld.idx.msk [tilespmem:v0+s17+$0x4000 ss:$0x1], $0xffff  }
0x161: {  	_ =	sdelay $0x1  }
0x162: {  	s16 =	sadd.s32 $0x1, s16  }
0x163: {  	v3 =	vadd.f32 v6, v3;
	p0 =	sne.s32 s16, $0x10  }
.Ltmp11:
0x164: {  	[tilespmem:v0+s17+$0x4030 ss:$0x1] =	vst.idx.msk $0xffff, v9;
	v2 =	vadd.f32 v5, v2;
	(pc) =	sbr.rel @p0 .LBB2_22-.Ltmp11, $4  }
0x165: {  	[tilespmem:v0+s17+$0x4040 ss:$0x1] =	vst.idx.msk $0xffff, v3;
	v63 =	vadd.f32 v7, v4  }
0x166: {  	[tilespmem:v0+s17+$0x4050 ss:$0x1] =	vst.idx.msk $0xffff, v2;
	v1 =	vadd.f32 v1, v8  }
0x167: {  	[tilespmem:v0+s17+$0x4060 ss:$0x1] =	vst.idx.msk $0xffff, v63  }
0x168: {  	s15 =	sadd.s32 $0x1, s15;
	s14 =	sadd.s32 $0x400, s14;
	[tilespmem:v0+s17+$0x4000 ss:$0x1] =	vst.idx.msk $0xffff, v1  }
0x169: {  	s14 =	simm.s32 $0x0;
	s15 =	rddreg [dreg:$0xf]  }
0x16a: {  	[hbm4b:s15+s14] =	stream.linear.scatter [tilespmem:s8], [sflag:$0x4], $0x4000, $0x38;
	[tilespmem:$0x18000] =	vst v63  }
0x16b: {  	_ =	swait.ge [sflag:s12], $0x4000  }
0x16c: {  	[sflag:s12] =	ssyncset.done $0x0  }
0x16d: {  	s20 =	rddreg [dreg:$0x10];
	[sflag:s12] =	ssyncadd.s32 $0xFFFFC000  }
0x16e: {  	[tilespmem:s8], [sflag:$0x2] =	stream.linear.gather [hbm4b:s20+s14], $0x4000, $0x38;
	[tilespmem:$0x18000] =	vst v63  }
0x16f: {  	_ =	swait.ge [sflag:s9], $0x4000  }
0x170: {  	[sflag:s9] =	ssyncset.done $0x0  }
0x171: {  	s16 =	simm.s32 $0x0;
	s15 =	simm.s32 $0x0;
	[sflag:s9] =	ssyncadd.s32 $0xFFFFC000  }
.LBB2_26:
0x172: {  	s17 =	sand.u32 $0x7, s15  }
0x173: {  	s17 =	sshll.u32 s17, $0x9  }
0x174: {  	s17 =	sshrl.u32 s17, $0x2  }
0x175: {  	v0 =	vmov s17;
	_ =	sdelay $0x2  }
0x176: {  	s18 =	sand.u32 $0x3FFFE000, s14  }
0x177: {  	s17 =	sadd.s32 $0x10040, s18  }
0x178: {  	v2 =	vld.idx.msk [tilespmem:v0+s17+$0x30 ss:$0x1], $0xffff  }
0x179: {  	v4 =	vld.idx.msk [tilespmem:v0+s18+$0x8070 ss:$0x1], $0xffff  }
0x17a: {  	v1 =	vld.idx.msk [tilespmem:v0+s18+$0x8000 ss:$0x1], $0xffff  }
0x17b: {  	v5 =	vld.idx.msk [tilespmem:v0+s17+$0xFFFFFFD0 ss:$0x1], $0xffff  }
0x17c: {  	v7 =	vld.idx.msk [tilespmem:v0+s18+$0x8010 ss:$0x1], $0xffff  }
0x17d: {  	v8 =	vld.idx.msk [tilespmem:v0+s17+$0xFFFFFFE0 ss:$0x1], $0xffff  }
0x17e: {  	v9 =	vld.idx.msk [tilespmem:v0+s18+$0x8020 ss:$0x1], $0xffff  }
0x17f: {  	v10 =	vld.idx.msk [tilespmem:v0+s17+$0xFFFFFFF0 ss:$0x1], $0xffff  }
0x180: {  	v11 =	vld.idx.msk [tilespmem:v0+s18+$0x8030 ss:$0x1], $0xffff  }
0x181: {  	v3 =	vld.idx.msk [tilespmem:v0+s17+$0x0 ss:$0x1], $0xffff  }
0x182: {  	v6 =	vld.idx.msk [tilespmem:v0+s18+$0x8040 ss:$0x1], $0xffff  }
0x183: {  	v4 =	vadd.f32 v4, v2;
	v2 =	vld.idx.msk [tilespmem:v0+s17+$0x10 ss:$0x1], $0xffff  }
0x184: {  	v7 =	vadd.f32 v7, v5;
	v5 =	vld.idx.msk [tilespmem:v0+s18+$0x8050 ss:$0x1], $0xffff  }
0x185: {  	v8 =	vadd.f32 v9, v8;
	[tilespmem:v0+s17+$0x30 ss:$0x1] =	vst.idx.msk $0xffff, v4;
	v4 =	vld.idx.msk [tilespmem:v0+s17+$0x20 ss:$0x1], $0xffff  }
0x186: {  	v9 =	vadd.f32 v11, v10;
	[tilespmem:v0+s17+$0xFFFFFFD0 ss:$0x1] =	vst.idx.msk $0xffff, v7;
	v7 =	vld.idx.msk [tilespmem:v0+s18+$0x8060 ss:$0x1], $0xffff  }
0x187: {  	s19 =	simm.s32 $0x0;
	s20 =	sadd.s32 $0x400, s17;
	[tilespmem:v0+s17+$0xFFFFFFE0 ss:$0x1] =	vst.idx.msk $0xffff, v8;
	v8 =	vld.idx.msk [tilespmem:v0+s17+$0xFFFFFFC0 ss:$0x1], $0xffff  }
.LBB2_27:
0x188: {  	v10 =	vld.idx.msk [tilespmem:v0+s20+$0x30 ss:$0x1], $0xffff;
	[tilespmem:v0+s17+$0xFFFFFFF0 ss:$0x1] =	vst.idx.msk $0xffff, v9;
	v3 =	vadd.f32 v6, v3;
	s18 =	sadd.s32 $0x400, s18  }
0x189: {  	s19 =	sadd.s32 $0x80, s19;
	v6 =	vld.idx.msk [tilespmem:v0+s18+$0x8070 ss:$0x1], $0xffff  }
0x18a: {  	p0 =	slt.u32 s19, $0x380;
	v2 =	vadd.f32 v5, v2;
	v9 =	vld.idx.msk [tilespmem:v0+s18+$0x8000 ss:$0x1], $0xffff;
	[tilespmem:v0+s17+$0x0 ss:$0x1] =	vst.idx.msk $0xffff, v3  }
0x18b: {  	v5 =	vld.idx.msk [tilespmem:v0+s20+$0xFFFFFFD0 ss:$0x1], $0xffff  }
0x18c: {  	v11 =	vld.idx.msk [tilespmem:v0+s18+$0x8010 ss:$0x1], $0xffff;
	[tilespmem:v0+s17+$0x10 ss:$0x1] =	vst.idx.msk $0xffff, v2;
	v2 =	vadd.f32 v7, v4  }
0x18d: {  	v3 =	vadd.f32 v1, v8;
	v4 =	vld.idx.msk [tilespmem:v0+s20+$0xFFFFFFE0 ss:$0x1], $0xffff  }
0x18e: {  	v7 =	vld.idx.msk [tilespmem:v0+s18+$0x8020 ss:$0x1], $0xffff;
	[tilespmem:v0+s17+$0x20 ss:$0x1] =	vst.idx.msk $0xffff, v2  }
0x18f: {  	v2 =	vadd.f32 v6, v10;
	v8 =	vld.idx.msk [tilespmem:v0+s20+$0xFFFFFFF0 ss:$0x1], $0xffff;
	[tilespmem:v0+s17+$0xFFFFFFC0 ss:$0x1] =	vst.idx.msk $0xffff, v3;
	s17 =	smov.u32 s20  }
0x190: {  	v1 =	vmov v9;
	v10 =	vld.idx.msk [tilespmem:v0+s18+$0x8030 ss:$0x1], $0xffff  }
0x191: {  	v3 =	vld.idx.msk [tilespmem:v0+s20+$0x0 ss:$0x1], $0xffff;
	[tilespmem:v0+s20+$0x30 ss:$0x1] =	vst.idx.msk $0xffff, v2  }
0x192: {  	v5 =	vadd.f32 v11, v5;
	v6 =	vld.idx.msk [tilespmem:v0+s18+$0x8040 ss:$0x1], $0xffff  }
.Ltmp12:
0x193: {  	v2 =	vld.idx.msk [tilespmem:v0+s20+$0x10 ss:$0x1], $0xffff;
	(pc) =	sbr.rel @p0 .LBB2_27-.Ltmp12, $4  }
0x194: {  	v7 =	vadd.f32 v7, v4;
	[tilespmem:v0+s20+$0xFFFFFFD0 ss:$0x1] =	vst.idx.msk $0xffff, v5;
	v5 =	vld.idx.msk [tilespmem:v0+s18+$0x8050 ss:$0x1], $0xffff  }
0x195: {  	v4 =	vld.idx.msk [tilespmem:v0+s20+$0x20 ss:$0x1], $0xffff  }
0x196: {  	v9 =	vadd.f32 v10, v8;
	[tilespmem:v0+s20+$0xFFFFFFE0 ss:$0x1] =	vst.idx.msk $0xffff, v7;
	v7 =	vld.idx.msk [tilespmem:v0+s18+$0x8060 ss:$0x1], $0xffff  }
0x197: {  	s20 =	sadd.s32 $0x400, s20;
	v8 =	vld.idx.msk [tilespmem:v0+s17+$0xFFFFFFC0 ss:$0x1], $0xffff  }
0x198: {  	_ =	sdelay $0x1  }
0x199: {  	s16 =	sadd.s32 $0x1, s16  }
0x19a: {  	v3 =	vadd.f32 v6, v3;
	p0 =	sne.s32 s16, $0x10  }
.Ltmp13:
0x19b: {  	[tilespmem:v0+s17+$0xFFFFFFF0 ss:$0x1] =	vst.idx.msk $0xffff, v9;
	v2 =	vadd.f32 v5, v2;
	(pc) =	sbr.rel @p0 .LBB2_26-.Ltmp13, $4  }
0x19c: {  	[tilespmem:v0+s17+$0x0 ss:$0x1] =	vst.idx.msk $0xffff, v3;
	v63 =	vadd.f32 v7, v4  }
0x19d: {  	[tilespmem:v0+s17+$0x10 ss:$0x1] =	vst.idx.msk $0xffff, v2;
	v1 =	vadd.f32 v1, v8  }
0x19e: {  	[tilespmem:v0+s17+$0x20 ss:$0x1] =	vst.idx.msk $0xffff, v63  }
0x19f: {  	s15 =	sadd.s32 $0x1, s15;
	s14 =	sadd.s32 $0x400, s14;
	[tilespmem:v0+s17+$0xFFFFFFC0 ss:$0x1] =	vst.idx.msk $0xffff, v1  }
0x1a0: {  	s14 =	simm.s32 $0x0;
	s15 =	rddreg [dreg:$0x11]  }
0x1a1: {  	[hbm4b:s15+s14] =	stream.linear.scatter [tilespmem:s7], [sflag:$0x3], $0x4000, $0x38;
	[tilespmem:$0x18000] =	vst v63  }
0x1a2: {  	_ =	swait.ge [sflag:s10], $0x4000  }
0x1a3: {  	[sflag:s10] =	ssyncset.done $0x0  }
0x1a4: {  	s20 =	rddreg [dreg:$0x12];
	[sflag:s10] =	ssyncadd.s32 $0xFFFFC000  }
0x1a5: {  	[tilespmem:s7], [sflag:$0x1] =	stream.linear.gather [hbm4b:s20+s14], $0x4000, $0x38;
	[tilespmem:$0x18000] =	vst v63  }
0x1a6: {  	_ =	swait.ge [sflag:s11], $0x4000  }
0x1a7: {  	[sflag:s11] =	ssyncset.done $0x0  }
0x1a8: {  	s16 =	simm.s32 $0x0;
	s15 =	simm.s32 $0x0;
	[sflag:s11] =	ssyncadd.s32 $0xFFFFC000  }
.LBB2_30:
0x1a9: {  	s17 =	sand.u32 $0x7, s15  }
0x1aa: {  	s17 =	sshll.u32 s17, $0x9  }
0x1ab: {  	s17 =	sshrl.u32 s17, $0x2  }
0x1ac: {  	v0 =	vmov s17;
	_ =	sdelay $0x2  }
0x1ad: {  	s18 =	sand.u32 $0x3FFFE000, s14  }
0x1ae: {  	s17 =	sadd.s32 $0x10000, s18  }
0x1af: {  	v2 =	vld.idx.msk [tilespmem:v0+s17+$0x4070 ss:$0x1], $0xffff  }
0x1b0: {  	v4 =	vld.idx.msk [tilespmem:v0+s18+$0xC070 ss:$0x1], $0xffff  }
0x1b1: {  	v1 =	vld.idx.msk [tilespmem:v0+s18+$0xC000 ss:$0x1], $0xffff  }
0x1b2: {  	v5 =	vld.idx.msk [tilespmem:v0+s17+$0x4010 ss:$0x1], $0xffff  }
0x1b3: {  	v7 =	vld.idx.msk [tilespmem:v0+s18+$0xC010 ss:$0x1], $0xffff  }
0x1b4: {  	v8 =	vld.idx.msk [tilespmem:v0+s17+$0x4020 ss:$0x1], $0xffff  }
0x1b5: {  	v9 =	vld.idx.msk [tilespmem:v0+s18+$0xC020 ss:$0x1], $0xffff  }
0x1b6: {  	v10 =	vld.idx.msk [tilespmem:v0+s17+$0x4030 ss:$0x1], $0xffff  }
0x1b7: {  	v11 =	vld.idx.msk [tilespmem:v0+s18+$0xC030 ss:$0x1], $0xffff  }
0x1b8: {  	v3 =	vld.idx.msk [tilespmem:v0+s17+$0x4040 ss:$0x1], $0xffff  }
0x1b9: {  	v6 =	vld.idx.msk [tilespmem:v0+s18+$0xC040 ss:$0x1], $0xffff  }
0x1ba: {  	v4 =	vadd.f32 v4, v2;
	v2 =	vld.idx.msk [tilespmem:v0+s17+$0x4050 ss:$0x1], $0xffff  }
0x1bb: {  	v7 =	vadd.f32 v7, v5;
	v5 =	vld.idx.msk [tilespmem:v0+s18+$0xC050 ss:$0x1], $0xffff  }
0x1bc: {  	v8 =	vadd.f32 v9, v8;
	[tilespmem:v0+s17+$0x4070 ss:$0x1] =	vst.idx.msk $0xffff, v4;
	v4 =	vld.idx.msk [tilespmem:v0+s17+$0x4060 ss:$0x1], $0xffff  }
0x1bd: {  	v9 =	vadd.f32 v11, v10;
	[tilespmem:v0+s17+$0x4010 ss:$0x1] =	vst.idx.msk $0xffff, v7;
	v7 =	vld.idx.msk [tilespmem:v0+s18+$0xC060 ss:$0x1], $0xffff  }
0x1be: {  	s19 =	simm.s32 $0x0;
	s20 =	sadd.s32 $0x400, s17;
	[tilespmem:v0+s17+$0x4020 ss:$0x1] =	vst.idx.msk $0xffff, v8;
	v8 =	vld.idx.msk [tilespmem:v0+s17+$0x4000 ss:$0x1], $0xffff  }
.LBB2_31:
0x1bf: {  	v10 =	vld.idx.msk [tilespmem:v0+s20+$0x4070 ss:$0x1], $0xffff;
	[tilespmem:v0+s17+$0x4030 ss:$0x1] =	vst.idx.msk $0xffff, v9;
	v3 =	vadd.f32 v6, v3;
	s18 =	sadd.s32 $0x400, s18  }
0x1c0: {  	s19 =	sadd.s32 $0x80, s19;
	v6 =	vld.idx.msk [tilespmem:v0+s18+$0xC070 ss:$0x1], $0xffff  }
0x1c1: {  	p0 =	slt.u32 s19, $0x380;
	v2 =	vadd.f32 v5, v2;
	v9 =	vld.idx.msk [tilespmem:v0+s18+$0xC000 ss:$0x1], $0xffff;
	[tilespmem:v0+s17+$0x4040 ss:$0x1] =	vst.idx.msk $0xffff, v3  }
0x1c2: {  	v5 =	vld.idx.msk [tilespmem:v0+s20+$0x4010 ss:$0x1], $0xffff  }
0x1c3: {  	v11 =	vld.idx.msk [tilespmem:v0+s18+$0xC010 ss:$0x1], $0xffff;
	[tilespmem:v0+s17+$0x4050 ss:$0x1] =	vst.idx.msk $0xffff, v2;
	v2 =	vadd.f32 v7, v4  }
0x1c4: {  	v3 =	vadd.f32 v1, v8;
	v4 =	vld.idx.msk [tilespmem:v0+s20+$0x4020 ss:$0x1], $0xffff  }
0x1c5: {  	v7 =	vld.idx.msk [tilespmem:v0+s18+$0xC020 ss:$0x1], $0xffff;
	[tilespmem:v0+s17+$0x4060 ss:$0x1] =	vst.idx.msk $0xffff, v2  }
0x1c6: {  	v2 =	vadd.f32 v6, v10;
	v8 =	vld.idx.msk [tilespmem:v0+s20+$0x4030 ss:$0x1], $0xffff;
	[tilespmem:v0+s17+$0x4000 ss:$0x1] =	vst.idx.msk $0xffff, v3;
	s17 =	smov.u32 s20  }
0x1c7: {  	v1 =	vmov v9;
	v10 =	vld.idx.msk [tilespmem:v0+s18+$0xC030 ss:$0x1], $0xffff  }
0x1c8: {  	v3 =	vld.idx.msk [tilespmem:v0+s20+$0x4040 ss:$0x1], $0xffff;
	[tilespmem:v0+s20+$0x4070 ss:$0x1] =	vst.idx.msk $0xffff, v2  }
0x1c9: {  	v5 =	vadd.f32 v11, v5;
	v6 =	vld.idx.msk [tilespmem:v0+s18+$0xC040 ss:$0x1], $0xffff  }
.Ltmp14:
0x1ca: {  	v2 =	vld.idx.msk [tilespmem:v0+s20+$0x4050 ss:$0x1], $0xffff;
	(pc) =	sbr.rel @p0 .LBB2_31-.Ltmp14, $4  }
0x1cb: {  	v7 =	vadd.f32 v7, v4;
	[tilespmem:v0+s20+$0x4010 ss:$0x1] =	vst.idx.msk $0xffff, v5;
	v5 =	vld.idx.msk [tilespmem:v0+s18+$0xC050 ss:$0x1], $0xffff  }
0x1cc: {  	v4 =	vld.idx.msk [tilespmem:v0+s20+$0x4060 ss:$0x1], $0xffff  }
0x1cd: {  	v9 =	vadd.f32 v10, v8;
	[tilespmem:v0+s20+$0x4020 ss:$0x1] =	vst.idx.msk $0xffff, v7;
	v7 =	vld.idx.msk [tilespmem:v0+s18+$0xC060 ss:$0x1], $0xffff  }
0x1ce: {  	s20 =	sadd.s32 $0x400, s20;
	v8 =	vld.idx.msk [tilespmem:v0+s17+$0x4000 ss:$0x1], $0xffff  }
0x1cf: {  	_ =	sdelay $0x1  }
0x1d0: {  	s16 =	sadd.s32 $0x1, s16  }
0x1d1: {  	v3 =	vadd.f32 v6, v3;
	p0 =	sne.s32 s16, $0x10  }
.Ltmp15:
0x1d2: {  	[tilespmem:v0+s17+$0x4030 ss:$0x1] =	vst.idx.msk $0xffff, v9;
	v2 =	vadd.f32 v5, v2;
	(pc) =	sbr.rel @p0 .LBB2_30-.Ltmp15, $4  }
0x1d3: {  	[tilespmem:v0+s17+$0x4040 ss:$0x1] =	vst.idx.msk $0xffff, v3;
	v63 =	vadd.f32 v7, v4  }
0x1d4: {  	[tilespmem:v0+s17+$0x4050 ss:$0x1] =	vst.idx.msk $0xffff, v2;
	v1 =	vadd.f32 v1, v8  }
0x1d5: {  	[tilespmem:v0+s17+$0x4060 ss:$0x1] =	vst.idx.msk $0xffff, v63  }
0x1d6: {  	s15 =	sadd.s32 $0x1, s15;
	s14 =	sadd.s32 $0x400, s14;
	[tilespmem:v0+s17+$0x4000 ss:$0x1] =	vst.idx.msk $0xffff, v1  }
0x1d7: {  	s14 =	simm.s32 $0x0;
	s15 =	rddreg [dreg:$0x13]  }
0x1d8: {  	[hbm4b:s15+s14] =	stream.linear.scatter [tilespmem:s8], [sflag:$0x4], $0x4000, $0x38;
	[tilespmem:$0x18000] =	vst v63  }
0x1d9: {  	_ =	swait.ge [sflag:s12], $0x4000  }
0x1da: {  	[sflag:s12] =	ssyncset.done $0x0  }
0x1db: {  	s20 =	rddreg [dreg:$0x14];
	[sflag:s12] =	ssyncadd.s32 $0xFFFFC000  }
0x1dc: {  	[tilespmem:s8], [sflag:$0x2] =	stream.linear.gather [hbm4b:s20+s14], $0x4000, $0x38;
	[tilespmem:$0x18000] =	vst v63  }
0x1dd: {  	_ =	swait.ge [sflag:s9], $0x4000  }
0x1de: {  	[sflag:s9] =	ssyncset.done $0x0  }
0x1df: {  	s16 =	simm.s32 $0x0;
	s15 =	simm.s32 $0x0;
	[sflag:s9] =	ssyncadd.s32 $0xFFFFC000  }
.LBB2_34:
0x1e0: {  	s17 =	sshll.u32 s15, $0x2;
	s18 =	sand.u32 $0x7, s14  }
0x1e1: {  	s17 =	sand.u32 $0xFFFF8000, s17;
	s18 =	sshll.u32 s18, $0x9  }
0x1e2: {  	s17 =	sor.u32 s18, s17  }
0x1e3: {  	s18 =	sshrl.u32 s17, $0x2  }
0x1e4: {  	s17 =	sadd.s32 $0x10040, s18  }
0x1e5: {  	s18 =	sor.u32 $0x40, s18;
	v1 =	vld [tilespmem:s17+$0x30]  }
0x1e6: {  	v2 =	vld [tilespmem:s18+$0x30]  }
0x1e7: {  	v0 =	vld [tilespmem:s18+$0xFFFFFFC0]  }
0x1e8: {  	v3 =	vld [tilespmem:s17+$0xFFFFFFD0]  }
0x1e9: {  	v4 =	vld [tilespmem:s18+$0xFFFFFFD0]  }
0x1ea: {  	v5 =	vld [tilespmem:s17+$0xFFFFFFE0]  }
0x1eb: {  	v6 =	vld [tilespmem:s18+$0xFFFFFFE0]  }
0x1ec: {  	v7 =	vld [tilespmem:s17+$0xFFFFFFF0]  }
0x1ed: {  	v8 =	vld [tilespmem:s18+$0xFFFFFFF0]  }
0x1ee: {  	v9 =	vld [tilespmem:s17+$0x0]  }
0x1ef: {  	v10 =	vld [tilespmem:s18+$0x0];
	v2 =	vadd.f32 v2, v1  }
0x1f0: {  	v4 =	vadd.f32 v4, v3;
	v1 =	vld [tilespmem:s17+$0x10]  }
0x1f1: {  	v5 =	vadd.f32 v6, v5;
	v3 =	vld [tilespmem:s18+$0x10];
	[tilespmem:s17+$0x30] =	vst v2  }
0x1f2: {  	v6 =	vadd.f32 v8, v7;
	[tilespmem:s17+$0xFFFFFFD0] =	vst v4;
	v2 =	vld [tilespmem:s17+$0x20]  }
0x1f3: {  	[tilespmem:s17+$0xFFFFFFE0] =	vst v5;
	v5 =	vld [tilespmem:s18+$0x20]  }
0x1f4: {  	s19 =	simm.s32 $0x0;
	s20 =	sadd.s32 $0x400, s17;
	v4 =	vld [tilespmem:s17+$0xFFFFFFC0];
	[tilespmem:s17+$0xFFFFFFF0] =	vst v6;
	v6 =	vadd.f32 v10, v9  }
.LBB2_35:
0x1f5: {  	v7 =	vld [tilespmem:s20+$0x30];
	s18 =	sadd.s32 $0x400, s18  }
0x1f6: {  	s19 =	sadd.s32 $0x80, s19;
	v8 =	vld [tilespmem:s18+$0x30];
	[tilespmem:s17+$0x0] =	vst v6;
	v1 =	vadd.f32 v3, v1  }
0x1f7: {  	p0 =	slt.u32 s19, $0x380;
	v3 =	vld [tilespmem:s18+$0xFFFFFFC0]  }
0x1f8: {  	v6 =	vld [tilespmem:s20+$0xFFFFFFD0];
	[tilespmem:s17+$0x10] =	vst v1;
	v1 =	vadd.f32 v5, v2  }
0x1f9: {  	v2 =	vld [tilespmem:s18+$0xFFFFFFD0];
	v9 =	vadd.f32 v0, v4  }
0x1fa: {  	v4 =	vld [tilespmem:s20+$0xFFFFFFE0];
	[tilespmem:s17+$0x20] =	vst v1  }
0x1fb: {  	v1 =	vld [tilespmem:s18+$0xFFFFFFE0];
	v5 =	vadd.f32 v8, v7;
	[tilespmem:s17+$0xFFFFFFC0] =	vst v9;
	s17 =	smov.u32 s20  }
0x1fc: {  	v7 =	vld [tilespmem:s20+$0xFFFFFFF0];
	v0 =	vmov v3  }
0x1fd: {  	v8 =	vld [tilespmem:s18+$0xFFFFFFF0];
	[tilespmem:s20+$0x30] =	vst v5  }
0x1fe: {  	v2 =	vadd.f32 v2, v6;
	v6 =	vld [tilespmem:s20+$0x0]  }
0x1ff: {  	v9 =	vld [tilespmem:s18+$0x0]  }
.Ltmp16:
0x200: {  	[tilespmem:s20+$0xFFFFFFD0] =	vst v2;
	v2 =	vadd.f32 v1, v4;
	v1 =	vld [tilespmem:s20+$0x10];
	(pc) =	sbr.rel @p0 .LBB2_35-.Ltmp16, $4  }
0x201: {  	v3 =	vld [tilespmem:s18+$0x10]  }
0x202: {  	[tilespmem:s20+$0xFFFFFFE0] =	vst v2;
	v7 =	vadd.f32 v8, v7;
	v2 =	vld [tilespmem:s20+$0x20]  }
0x203: {  	v5 =	vld [tilespmem:s18+$0x20]  }
0x204: {  	s20 =	sadd.s32 $0x400, s20;
	v4 =	vld [tilespmem:s17+$0xFFFFFFC0];
	[tilespmem:s17+$0xFFFFFFF0] =	vst v7;
	v6 =	vadd.f32 v9, v6  }
0x205: {  	s16 =	sadd.s32 $0x1, s16  }
0x206: {  	p0 =	sne.s32 s16, $0x10  }
.Ltmp17:
0x207: {  	v1 =	vadd.f32 v3, v1;
	(pc) =	sbr.rel @p0 .LBB2_34-.Ltmp17, $4  }
0x208: {  	[tilespmem:s17+$0x0] =	vst v6;
	v2 =	vadd.f32 v5, v2  }
0x209: {  	[tilespmem:s17+$0x10] =	vst v1;
	v0 =	vadd.f32 v0, v4  }
0x20a: {  	[tilespmem:s17+$0x20] =	vst v2  }
0x20b: {  	s15 =	sadd.s32 $0x400, s15;
	s14 =	sadd.s32 $0x1, s14;
	[tilespmem:s17+$0xFFFFFFC0] =	vst v0  }
0x20c: {  	s14 =	simm.s32 $0x0;
	s15 =	rddreg [dreg:$0x15]  }
0x20d: {  	[hbm4b:s15+s14] =	stream.linear.scatter [tilespmem:s7], [sflag:$0x3], $0x4000, $0x38;
	[tilespmem:$0x18000] =	vst v63  }
0x20e: {  	_ =	swait.ge [sflag:s10], $0x4000  }
0x20f: {  	[sflag:s10] =	ssyncset.done $0x0  }
0x210: {  	[sflag:s10] =	ssyncadd.s32 $0xFFFFC000  }
0x211: {  	[tilespmem:s7], [sflag:$0x1] =	stream.linear.gather [hbm4b:s21+s14], $0x4000, $0x38;
	[tilespmem:$0x18000] =	vst v63  }
0x212: {  	_ =	swait.ge [sflag:s11], $0x4000  }
0x213: {  	[sflag:s11] =	ssyncset.done $0x0  }
0x214: {  	s16 =	simm.s32 $0x0;
	s15 =	simm.s32 $0x0;
	[sflag:s11] =	ssyncadd.s32 $0xFFFFC000  }
.LBB2_38:
0x215: {  	s17 =	sand.u32 $0x7, s15  }
0x216: {  	s17 =	sshll.u32 s17, $0x9  }
0x217: {  	s17 =	sshrl.u32 s17, $0x2  }
0x218: {  	v0 =	vmov s17;
	_ =	sdelay $0x2  }
0x219: {  	s18 =	sand.u32 $0x3FFFE000, s14  }
0x21a: {  	s17 =	sadd.s32 $0x10000, s18  }
0x21b: {  	v2 =	vld.idx.msk [tilespmem:v0+s17+$0x4070 ss:$0x1], $0xffff  }
0x21c: {  	v4 =	vld.idx.msk [tilespmem:v0+s18+$0x4070 ss:$0x1], $0xffff  }
0x21d: {  	v1 =	vld.idx.msk [tilespmem:v0+s18+$0x4000 ss:$0x1], $0xffff  }
0x21e: {  	v5 =	vld.idx.msk [tilespmem:v0+s17+$0x4010 ss:$0x1], $0xffff  }
0x21f: {  	v7 =	vld.idx.msk [tilespmem:v0+s18+$0x4010 ss:$0x1], $0xffff  }
0x220: {  	v8 =	vld.idx.msk [tilespmem:v0+s17+$0x4020 ss:$0x1], $0xffff  }
0x221: {  	v9 =	vld.idx.msk [tilespmem:v0+s18+$0x4020 ss:$0x1], $0xffff  }
0x222: {  	v10 =	vld.idx.msk [tilespmem:v0+s17+$0x4030 ss:$0x1], $0xffff  }
0x223: {  	v11 =	vld.idx.msk [tilespmem:v0+s18+$0x4030 ss:$0x1], $0xffff  }
0x224: {  	v3 =	vld.idx.msk [tilespmem:v0+s17+$0x4040 ss:$0x1], $0xffff  }
0x225: {  	v6 =	vld.idx.msk [tilespmem:v0+s18+$0x4040 ss:$0x1], $0xffff  }
0x226: {  	v4 =	vadd.f32 v4, v2;
	v2 =	vld.idx.msk [tilespmem:v0+s17+$0x4050 ss:$0x1], $0xffff  }
0x227: {  	v7 =	vadd.f32 v7, v5;
	v5 =	vld.idx.msk [tilespmem:v0+s18+$0x4050 ss:$0x1], $0xffff  }
0x228: {  	v8 =	vadd.f32 v9, v8;
	[tilespmem:v0+s17+$0x4070 ss:$0x1] =	vst.idx.msk $0xffff, v4;
	v4 =	vld.idx.msk [tilespmem:v0+s17+$0x4060 ss:$0x1], $0xffff  }
0x229: {  	v9 =	vadd.f32 v11, v10;
	[tilespmem:v0+s17+$0x4010 ss:$0x1] =	vst.idx.msk $0xffff, v7;
	v7 =	vld.idx.msk [tilespmem:v0+s18+$0x4060 ss:$0x1], $0xffff  }
0x22a: {  	s19 =	simm.s32 $0x0;
	s20 =	sadd.s32 $0x400, s17;
	[tilespmem:v0+s17+$0x4020 ss:$0x1] =	vst.idx.msk $0xffff, v8;
	v8 =	vld.idx.msk [tilespmem:v0+s17+$0x4000 ss:$0x1], $0xffff  }
.LBB2_39:
0x22b: {  	v10 =	vld.idx.msk [tilespmem:v0+s20+$0x4070 ss:$0x1], $0xffff;
	[tilespmem:v0+s17+$0x4030 ss:$0x1] =	vst.idx.msk $0xffff, v9;
	v3 =	vadd.f32 v6, v3;
	s18 =	sadd.s32 $0x400, s18  }
0x22c: {  	s19 =	sadd.s32 $0x80, s19;
	v6 =	vld.idx.msk [tilespmem:v0+s18+$0x4070 ss:$0x1], $0xffff  }
0x22d: {  	p0 =	slt.u32 s19, $0x380;
	v2 =	vadd.f32 v5, v2;
	v9 =	vld.idx.msk [tilespmem:v0+s18+$0x4000 ss:$0x1], $0xffff;
	[tilespmem:v0+s17+$0x4040 ss:$0x1] =	vst.idx.msk $0xffff, v3  }
0x22e: {  	v5 =	vld.idx.msk [tilespmem:v0+s20+$0x4010 ss:$0x1], $0xffff  }
0x22f: {  	v11 =	vld.idx.msk [tilespmem:v0+s18+$0x4010 ss:$0x1], $0xffff;
	[tilespmem:v0+s17+$0x4050 ss:$0x1] =	vst.idx.msk $0xffff, v2;
	v2 =	vadd.f32 v7, v4  }
0x230: {  	v3 =	vadd.f32 v1, v8;
	v4 =	vld.idx.msk [tilespmem:v0+s20+$0x4020 ss:$0x1], $0xffff  }
0x231: {  	v7 =	vld.idx.msk [tilespmem:v0+s18+$0x4020 ss:$0x1], $0xffff;
	[tilespmem:v0+s17+$0x4060 ss:$0x1] =	vst.idx.msk $0xffff, v2  }
0x232: {  	v2 =	vadd.f32 v6, v10;
	v8 =	vld.idx.msk [tilespmem:v0+s20+$0x4030 ss:$0x1], $0xffff;
	[tilespmem:v0+s17+$0x4000 ss:$0x1] =	vst.idx.msk $0xffff, v3;
	s17 =	smov.u32 s20  }
0x233: {  	v1 =	vmov v9;
	v10 =	vld.idx.msk [tilespmem:v0+s18+$0x4030 ss:$0x1], $0xffff  }
0x234: {  	v3 =	vld.idx.msk [tilespmem:v0+s20+$0x4040 ss:$0x1], $0xffff;
	[tilespmem:v0+s20+$0x4070 ss:$0x1] =	vst.idx.msk $0xffff, v2  }
0x235: {  	v5 =	vadd.f32 v11, v5;
	v6 =	vld.idx.msk [tilespmem:v0+s18+$0x4040 ss:$0x1], $0xffff  }
.Ltmp18:
0x236: {  	v2 =	vld.idx.msk [tilespmem:v0+s20+$0x4050 ss:$0x1], $0xffff;
	(pc) =	sbr.rel @p0 .LBB2_39-.Ltmp18, $4  }
0x237: {  	v7 =	vadd.f32 v7, v4;
	[tilespmem:v0+s20+$0x4010 ss:$0x1] =	vst.idx.msk $0xffff, v5;
	v5 =	vld.idx.msk [tilespmem:v0+s18+$0x4050 ss:$0x1], $0xffff  }
0x238: {  	v4 =	vld.idx.msk [tilespmem:v0+s20+$0x4060 ss:$0x1], $0xffff  }
0x239: {  	v9 =	vadd.f32 v10, v8;
	[tilespmem:v0+s20+$0x4020 ss:$0x1] =	vst.idx.msk $0xffff, v7;
	v7 =	vld.idx.msk [tilespmem:v0+s18+$0x4060 ss:$0x1], $0xffff  }
0x23a: {  	s20 =	sadd.s32 $0x400, s20;
	v8 =	vld.idx.msk [tilespmem:v0+s17+$0x4000 ss:$0x1], $0xffff  }
0x23b: {  	_ =	sdelay $0x1  }
0x23c: {  	s16 =	sadd.s32 $0x1, s16  }
0x23d: {  	v3 =	vadd.f32 v6, v3;
	p0 =	sne.s32 s16, $0x10  }
.Ltmp19:
0x23e: {  	[tilespmem:v0+s17+$0x4030 ss:$0x1] =	vst.idx.msk $0xffff, v9;
	v2 =	vadd.f32 v5, v2;
	(pc) =	sbr.rel @p0 .LBB2_38-.Ltmp19, $4  }
0x23f: {  	[tilespmem:v0+s17+$0x4040 ss:$0x1] =	vst.idx.msk $0xffff, v3;
	v63 =	vadd.f32 v7, v4  }
0x240: {  	[tilespmem:v0+s17+$0x4050 ss:$0x1] =	vst.idx.msk $0xffff, v2;
	v1 =	vadd.f32 v1, v8  }
0x241: {  	[tilespmem:v0+s17+$0x4060 ss:$0x1] =	vst.idx.msk $0xffff, v63  }
0x242: {  	s15 =	sadd.s32 $0x1, s15;
	s14 =	sadd.s32 $0x400, s14;
	[tilespmem:v0+s17+$0x4000 ss:$0x1] =	vst.idx.msk $0xffff, v1  }
0x243: {  	s14 =	simm.s32 $0x0;
	s15 =	rddreg [dreg:$0x16]  }
0x244: {  	[hbm4b:s15+s14] =	stream.linear.scatter [tilespmem:s8], [sflag:$0x4], $0x4000, $0x38;
	[tilespmem:$0x18000] =	vst v63  }
0x245: {  	_ =	swait.ge [sflag:s12], $0x4000  }
0x246: {  	[sflag:s12] =	ssyncset.done $0x0  }
0x247: {  	[sflag:s12] =	ssyncadd.s32 $0xFFFFC000  }
0x248: {  	[tilespmem:s8], [sflag:$0x2] =	stream.linear.gather [hbm4b:s23+s14], $0x4000, $0x38;
	[tilespmem:$0x18000] =	vst v63  }
0x249: {  	_ =	swait.ge [sflag:s9], $0x4000  }
0x24a: {  	[sflag:s9] =	ssyncset.done $0x0  }
0x24b: {  	s16 =	simm.s32 $0x0;
	s15 =	simm.s32 $0x0;
	[sflag:s9] =	ssyncadd.s32 $0xFFFFC000  }
.LBB2_42:
0x24c: {  	s17 =	sand.u32 $0x7, s15  }
0x24d: {  	s17 =	sshll.u32 s17, $0x9  }
0x24e: {  	s17 =	sshrl.u32 s17, $0x2  }
0x24f: {  	v0 =	vmov s17;
	_ =	sdelay $0x2  }
0x250: {  	s18 =	sand.u32 $0x3FFFE000, s14  }
0x251: {  	s17 =	sadd.s32 $0x10040, s18  }
0x252: {  	v2 =	vld.idx.msk [tilespmem:v0+s17+$0x30 ss:$0x1], $0xffff  }
0x253: {  	v4 =	vld.idx.msk [tilespmem:v0+s18+$0x8070 ss:$0x1], $0xffff  }
0x254: {  	v1 =	vld.idx.msk [tilespmem:v0+s18+$0x8000 ss:$0x1], $0xffff  }
0x255: {  	v5 =	vld.idx.msk [tilespmem:v0+s17+$0xFFFFFFD0 ss:$0x1], $0xffff  }
0x256: {  	v7 =	vld.idx.msk [tilespmem:v0+s18+$0x8010 ss:$0x1], $0xffff  }
0x257: {  	v8 =	vld.idx.msk [tilespmem:v0+s17+$0xFFFFFFE0 ss:$0x1], $0xffff  }
0x258: {  	v9 =	vld.idx.msk [tilespmem:v0+s18+$0x8020 ss:$0x1], $0xffff  }
0x259: {  	v10 =	vld.idx.msk [tilespmem:v0+s17+$0xFFFFFFF0 ss:$0x1], $0xffff  }
0x25a: {  	v11 =	vld.idx.msk [tilespmem:v0+s18+$0x8030 ss:$0x1], $0xffff  }
0x25b: {  	v3 =	vld.idx.msk [tilespmem:v0+s17+$0x0 ss:$0x1], $0xffff  }
0x25c: {  	v6 =	vld.idx.msk [tilespmem:v0+s18+$0x8040 ss:$0x1], $0xffff  }
0x25d: {  	v4 =	vadd.f32 v4, v2;
	v2 =	vld.idx.msk [tilespmem:v0+s17+$0x10 ss:$0x1], $0xffff  }
0x25e: {  	v7 =	vadd.f32 v7, v5;
	v5 =	vld.idx.msk [tilespmem:v0+s18+$0x8050 ss:$0x1], $0xffff  }
0x25f: {  	v8 =	vadd.f32 v9, v8;
	[tilespmem:v0+s17+$0x30 ss:$0x1] =	vst.idx.msk $0xffff, v4;
	v4 =	vld.idx.msk [tilespmem:v0+s17+$0x20 ss:$0x1], $0xffff  }
0x260: {  	v9 =	vadd.f32 v11, v10;
	[tilespmem:v0+s17+$0xFFFFFFD0 ss:$0x1] =	vst.idx.msk $0xffff, v7;
	v7 =	vld.idx.msk [tilespmem:v0+s18+$0x8060 ss:$0x1], $0xffff  }
0x261: {  	s19 =	simm.s32 $0x0;
	s20 =	sadd.s32 $0x400, s17;
	[tilespmem:v0+s17+$0xFFFFFFE0 ss:$0x1] =	vst.idx.msk $0xffff, v8;
	v8 =	vld.idx.msk [tilespmem:v0+s17+$0xFFFFFFC0 ss:$0x1], $0xffff  }
.LBB2_43:
0x262: {  	v10 =	vld.idx.msk [tilespmem:v0+s20+$0x30 ss:$0x1], $0xffff;
	[tilespmem:v0+s17+$0xFFFFFFF0 ss:$0x1] =	vst.idx.msk $0xffff, v9;
	v3 =	vadd.f32 v6, v3;
	s18 =	sadd.s32 $0x400, s18  }
0x263: {  	s19 =	sadd.s32 $0x80, s19;
	v6 =	vld.idx.msk [tilespmem:v0+s18+$0x8070 ss:$0x1], $0xffff  }
0x264: {  	p0 =	slt.u32 s19, $0x380;
	v2 =	vadd.f32 v5, v2;
	v9 =	vld.idx.msk [tilespmem:v0+s18+$0x8000 ss:$0x1], $0xffff;
	[tilespmem:v0+s17+$0x0 ss:$0x1] =	vst.idx.msk $0xffff, v3  }
0x265: {  	v5 =	vld.idx.msk [tilespmem:v0+s20+$0xFFFFFFD0 ss:$0x1], $0xffff  }
0x266: {  	v11 =	vld.idx.msk [tilespmem:v0+s18+$0x8010 ss:$0x1], $0xffff;
	[tilespmem:v0+s17+$0x10 ss:$0x1] =	vst.idx.msk $0xffff, v2;
	v2 =	vadd.f32 v7, v4  }
0x267: {  	v3 =	vadd.f32 v1, v8;
	v4 =	vld.idx.msk [tilespmem:v0+s20+$0xFFFFFFE0 ss:$0x1], $0xffff  }
0x268: {  	v7 =	vld.idx.msk [tilespmem:v0+s18+$0x8020 ss:$0x1], $0xffff;
	[tilespmem:v0+s17+$0x20 ss:$0x1] =	vst.idx.msk $0xffff, v2  }
0x269: {  	v2 =	vadd.f32 v6, v10;
	v8 =	vld.idx.msk [tilespmem:v0+s20+$0xFFFFFFF0 ss:$0x1], $0xffff;
	[tilespmem:v0+s17+$0xFFFFFFC0 ss:$0x1] =	vst.idx.msk $0xffff, v3;
	s17 =	smov.u32 s20  }
0x26a: {  	v1 =	vmov v9;
	v10 =	vld.idx.msk [tilespmem:v0+s18+$0x8030 ss:$0x1], $0xffff  }
0x26b: {  	v3 =	vld.idx.msk [tilespmem:v0+s20+$0x0 ss:$0x1], $0xffff;
	[tilespmem:v0+s20+$0x30 ss:$0x1] =	vst.idx.msk $0xffff, v2  }
0x26c: {  	v5 =	vadd.f32 v11, v5;
	v6 =	vld.idx.msk [tilespmem:v0+s18+$0x8040 ss:$0x1], $0xffff  }
.Ltmp20:
0x26d: {  	v2 =	vld.idx.msk [tilespmem:v0+s20+$0x10 ss:$0x1], $0xffff;
	(pc) =	sbr.rel @p0 .LBB2_43-.Ltmp20, $4  }
0x26e: {  	v7 =	vadd.f32 v7, v4;
	[tilespmem:v0+s20+$0xFFFFFFD0 ss:$0x1] =	vst.idx.msk $0xffff, v5;
	v5 =	vld.idx.msk [tilespmem:v0+s18+$0x8050 ss:$0x1], $0xffff  }
0x26f: {  	v4 =	vld.idx.msk [tilespmem:v0+s20+$0x20 ss:$0x1], $0xffff  }
0x270: {  	v9 =	vadd.f32 v10, v8;
	[tilespmem:v0+s20+$0xFFFFFFE0 ss:$0x1] =	vst.idx.msk $0xffff, v7;
	v7 =	vld.idx.msk [tilespmem:v0+s18+$0x8060 ss:$0x1], $0xffff  }
0x271: {  	s20 =	sadd.s32 $0x400, s20;
	v8 =	vld.idx.msk [tilespmem:v0+s17+$0xFFFFFFC0 ss:$0x1], $0xffff  }
0x272: {  	_ =	sdelay $0x1  }
0x273: {  	s16 =	sadd.s32 $0x1, s16  }
0x274: {  	v3 =	vadd.f32 v6, v3;
	p0 =	sne.s32 s16, $0x10  }
.Ltmp21:
0x275: {  	[tilespmem:v0+s17+$0xFFFFFFF0 ss:$0x1] =	vst.idx.msk $0xffff, v9;
	v2 =	vadd.f32 v5, v2;
	(pc) =	sbr.rel @p0 .LBB2_42-.Ltmp21, $4  }
0x276: {  	[tilespmem:v0+s17+$0x0 ss:$0x1] =	vst.idx.msk $0xffff, v3;
	v63 =	vadd.f32 v7, v4  }
0x277: {  	[tilespmem:v0+s17+$0x10 ss:$0x1] =	vst.idx.msk $0xffff, v2;
	v1 =	vadd.f32 v1, v8  }
0x278: {  	[tilespmem:v0+s17+$0x20 ss:$0x1] =	vst.idx.msk $0xffff, v63  }
0x279: {  	s15 =	sadd.s32 $0x1, s15;
	s14 =	sadd.s32 $0x400, s14;
	[tilespmem:v0+s17+$0xFFFFFFC0 ss:$0x1] =	vst.idx.msk $0xffff, v1  }
0x27a: {  	s14 =	simm.s32 $0x0  }
0x27b: {  	[hbm4b:s22+s14] =	stream.linear.scatter [tilespmem:s7], [sflag:$0x3], $0x4000, $0x38;
	[tilespmem:$0x18000] =	vst v63  }
0x27c: {  	_ =	swait.ge [sflag:s10], $0x4000  }
0x27d: {  	[sflag:s10] =	ssyncset.done $0x0  }
0x27e: {  	[sflag:s10] =	ssyncadd.s32 $0xFFFFC000  }
0x27f: {  	[tilespmem:s7], [sflag:$0x1] =	stream.linear.gather [hbm4b:s25+s14], $0x4000, $0x38;
	[tilespmem:$0x18000] =	vst v63  }
0x280: {  	_ =	swait.ge [sflag:s11], $0x4000  }
0x281: {  	[sflag:s11] =	ssyncset.done $0x0  }
0x282: {  	s15 =	simm.s32 $0x0;
	s16 =	simm.s32 $0x0;
	[sflag:s11] =	ssyncadd.s32 $0xFFFFC000  }
.LBB2_46:
0x283: {  	s17 =	sand.u32 $0x7, s15  }
0x284: {  	s17 =	sshll.u32 s17, $0x9  }
0x285: {  	s17 =	sshrl.u32 s17, $0x2  }
0x286: {  	v0 =	vmov s17;
	_ =	sdelay $0x2  }
0x287: {  	s18 =	sand.u32 $0x3FFFE000, s14  }
0x288: {  	s17 =	sadd.s32 $0x10000, s18  }
0x289: {  	v2 =	vld.idx.msk [tilespmem:v0+s17+$0x4070 ss:$0x1], $0xffff  }
0x28a: {  	v4 =	vld.idx.msk [tilespmem:v0+s18+$0xC070 ss:$0x1], $0xffff  }
0x28b: {  	v1 =	vld.idx.msk [tilespmem:v0+s18+$0xC000 ss:$0x1], $0xffff  }
0x28c: {  	v5 =	vld.idx.msk [tilespmem:v0+s17+$0x4010 ss:$0x1], $0xffff  }
0x28d: {  	v7 =	vld.idx.msk [tilespmem:v0+s18+$0xC010 ss:$0x1], $0xffff  }
0x28e: {  	v8 =	vld.idx.msk [tilespmem:v0+s17+$0x4020 ss:$0x1], $0xffff  }
0x28f: {  	v9 =	vld.idx.msk [tilespmem:v0+s18+$0xC020 ss:$0x1], $0xffff  }
0x290: {  	v10 =	vld.idx.msk [tilespmem:v0+s17+$0x4030 ss:$0x1], $0xffff  }
0x291: {  	v11 =	vld.idx.msk [tilespmem:v0+s18+$0xC030 ss:$0x1], $0xffff  }
0x292: {  	v3 =	vld.idx.msk [tilespmem:v0+s17+$0x4040 ss:$0x1], $0xffff  }
0x293: {  	v6 =	vld.idx.msk [tilespmem:v0+s18+$0xC040 ss:$0x1], $0xffff  }
0x294: {  	v4 =	vadd.f32 v4, v2;
	v2 =	vld.idx.msk [tilespmem:v0+s17+$0x4050 ss:$0x1], $0xffff  }
0x295: {  	v7 =	vadd.f32 v7, v5;
	v5 =	vld.idx.msk [tilespmem:v0+s18+$0xC050 ss:$0x1], $0xffff  }
0x296: {  	v8 =	vadd.f32 v9, v8;
	[tilespmem:v0+s17+$0x4070 ss:$0x1] =	vst.idx.msk $0xffff, v4;
	v4 =	vld.idx.msk [tilespmem:v0+s17+$0x4060 ss:$0x1], $0xffff  }
0x297: {  	v9 =	vadd.f32 v11, v10;
	[tilespmem:v0+s17+$0x4010 ss:$0x1] =	vst.idx.msk $0xffff, v7;
	v7 =	vld.idx.msk [tilespmem:v0+s18+$0xC060 ss:$0x1], $0xffff  }
0x298: {  	s19 =	simm.s32 $0x0;
	s20 =	sadd.s32 $0x400, s17;
	[tilespmem:v0+s17+$0x4020 ss:$0x1] =	vst.idx.msk $0xffff, v8;
	v8 =	vld.idx.msk [tilespmem:v0+s17+$0x4000 ss:$0x1], $0xffff  }
.LBB2_47:
0x299: {  	v10 =	vld.idx.msk [tilespmem:v0+s20+$0x4070 ss:$0x1], $0xffff;
	[tilespmem:v0+s17+$0x4030 ss:$0x1] =	vst.idx.msk $0xffff, v9;
	v3 =	vadd.f32 v6, v3;
	s18 =	sadd.s32 $0x400, s18  }
0x29a: {  	s19 =	sadd.s32 $0x80, s19;
	v6 =	vld.idx.msk [tilespmem:v0+s18+$0xC070 ss:$0x1], $0xffff  }
0x29b: {  	p0 =	slt.u32 s19, $0x380;
	v2 =	vadd.f32 v5, v2;
	v9 =	vld.idx.msk [tilespmem:v0+s18+$0xC000 ss:$0x1], $0xffff;
	[tilespmem:v0+s17+$0x4040 ss:$0x1] =	vst.idx.msk $0xffff, v3  }
0x29c: {  	v5 =	vld.idx.msk [tilespmem:v0+s20+$0x4010 ss:$0x1], $0xffff  }
0x29d: {  	v11 =	vld.idx.msk [tilespmem:v0+s18+$0xC010 ss:$0x1], $0xffff;
	[tilespmem:v0+s17+$0x4050 ss:$0x1] =	vst.idx.msk $0xffff, v2;
	v2 =	vadd.f32 v7, v4  }
0x29e: {  	v3 =	vadd.f32 v1, v8;
	v4 =	vld.idx.msk [tilespmem:v0+s20+$0x4020 ss:$0x1], $0xffff  }
0x29f: {  	v7 =	vld.idx.msk [tilespmem:v0+s18+$0xC020 ss:$0x1], $0xffff;
	[tilespmem:v0+s17+$0x4060 ss:$0x1] =	vst.idx.msk $0xffff, v2  }
0x2a0: {  	v2 =	vadd.f32 v6, v10;
	v8 =	vld.idx.msk [tilespmem:v0+s20+$0x4030 ss:$0x1], $0xffff;
	[tilespmem:v0+s17+$0x4000 ss:$0x1] =	vst.idx.msk $0xffff, v3;
	s17 =	smov.u32 s20  }
0x2a1: {  	v1 =	vmov v9;
	v10 =	vld.idx.msk [tilespmem:v0+s18+$0xC030 ss:$0x1], $0xffff  }
0x2a2: {  	v3 =	vld.idx.msk [tilespmem:v0+s20+$0x4040 ss:$0x1], $0xffff;
	[tilespmem:v0+s20+$0x4070 ss:$0x1] =	vst.idx.msk $0xffff, v2  }
0x2a3: {  	v5 =	vadd.f32 v11, v5;
	v6 =	vld.idx.msk [tilespmem:v0+s18+$0xC040 ss:$0x1], $0xffff  }
.Ltmp22:
0x2a4: {  	v2 =	vld.idx.msk [tilespmem:v0+s20+$0x4050 ss:$0x1], $0xffff;
	(pc) =	sbr.rel @p0 .LBB2_47-.Ltmp22, $4  }
0x2a5: {  	v7 =	vadd.f32 v7, v4;
	[tilespmem:v0+s20+$0x4010 ss:$0x1] =	vst.idx.msk $0xffff, v5;
	v5 =	vld.idx.msk [tilespmem:v0+s18+$0xC050 ss:$0x1], $0xffff  }
0x2a6: {  	v4 =	vld.idx.msk [tilespmem:v0+s20+$0x4060 ss:$0x1], $0xffff  }
0x2a7: {  	v9 =	vadd.f32 v10, v8;
	[tilespmem:v0+s20+$0x4020 ss:$0x1] =	vst.idx.msk $0xffff, v7;
	v7 =	vld.idx.msk [tilespmem:v0+s18+$0xC060 ss:$0x1], $0xffff  }
0x2a8: {  	s20 =	sadd.s32 $0x400, s20;
	v8 =	vld.idx.msk [tilespmem:v0+s17+$0x4000 ss:$0x1], $0xffff  }
0x2a9: {  	_ =	sdelay $0x1  }
0x2aa: {  	s16 =	sadd.s32 $0x1, s16  }
0x2ab: {  	v3 =	vadd.f32 v6, v3;
	p0 =	sne.s32 s16, $0x10  }
.Ltmp23:
0x2ac: {  	[tilespmem:v0+s17+$0x4030 ss:$0x1] =	vst.idx.msk $0xffff, v9;
	v2 =	vadd.f32 v5, v2;
	(pc) =	sbr.rel @p0 .LBB2_46-.Ltmp23, $4  }
0x2ad: {  	[tilespmem:v0+s17+$0x4040 ss:$0x1] =	vst.idx.msk $0xffff, v3;
	v63 =	vadd.f32 v7, v4  }
0x2ae: {  	[tilespmem:v0+s17+$0x4050 ss:$0x1] =	vst.idx.msk $0xffff, v2;
	v1 =	vadd.f32 v1, v8  }
0x2af: {  	[tilespmem:v0+s17+$0x4060 ss:$0x1] =	vst.idx.msk $0xffff, v63  }
0x2b0: {  	s15 =	sadd.s32 $0x1, s15;
	s14 =	sadd.s32 $0x400, s14;
	[tilespmem:v0+s17+$0x4000 ss:$0x1] =	vst.idx.msk $0xffff, v1  }
0x2b1: {  	s14 =	simm.s32 $0x0  }
0x2b2: {  	[hbm4b:s24+s14] =	stream.linear.scatter [tilespmem:s8], [sflag:$0x4], $0x4000, $0x38;
	[tilespmem:$0x18000] =	vst v63  }
0x2b3: {  	_ =	swait.ge [sflag:s12], $0x4000  }
0x2b4: {  	[sflag:s12] =	ssyncset.done $0x0  }
0x2b5: {  	[sflag:s12] =	ssyncadd.s32 $0xFFFFC000  }
0x2b6: {  	[tilespmem:s8], [sflag:$0x2] =	stream.linear.gather [hbm4b:s28+s14], $0x4000, $0x38;
	[tilespmem:$0x18000] =	vst v63  }
0x2b7: {  	_ =	swait.ge [sflag:s9], $0x4000  }
0x2b8: {  	[sflag:s9] =	ssyncset.done $0x0  }
0x2b9: {  	s15 =	simm.s32 $0x0;
	s16 =	simm.s32 $0x0;
	[sflag:s9] =	ssyncadd.s32 $0xFFFFC000  }
.LBB2_50:
0x2ba: {  	s17 =	sshll.u32 s15, $0x2;
	s18 =	sand.u32 $0x7, s14  }
0x2bb: {  	s17 =	sand.u32 $0xFFFF8000, s17;
	s18 =	sshll.u32 s18, $0x9  }
0x2bc: {  	s17 =	sor.u32 s18, s17  }
0x2bd: {  	s18 =	sshrl.u32 s17, $0x2  }
0x2be: {  	s17 =	sadd.s32 $0x10040, s18  }
0x2bf: {  	s18 =	sor.u32 $0x40, s18;
	v1 =	vld [tilespmem:s17+$0x30]  }
0x2c0: {  	v2 =	vld [tilespmem:s18+$0x30]  }
0x2c1: {  	v0 =	vld [tilespmem:s18+$0xFFFFFFC0]  }
0x2c2: {  	v3 =	vld [tilespmem:s17+$0xFFFFFFD0]  }
0x2c3: {  	v4 =	vld [tilespmem:s18+$0xFFFFFFD0]  }
0x2c4: {  	v5 =	vld [tilespmem:s17+$0xFFFFFFE0]  }
0x2c5: {  	v6 =	vld [tilespmem:s18+$0xFFFFFFE0]  }
0x2c6: {  	v7 =	vld [tilespmem:s17+$0xFFFFFFF0]  }
0x2c7: {  	v8 =	vld [tilespmem:s18+$0xFFFFFFF0]  }
0x2c8: {  	v9 =	vld [tilespmem:s17+$0x0]  }
0x2c9: {  	v10 =	vld [tilespmem:s18+$0x0];
	v2 =	vadd.f32 v2, v1  }
0x2ca: {  	v4 =	vadd.f32 v4, v3;
	v1 =	vld [tilespmem:s17+$0x10]  }
0x2cb: {  	v5 =	vadd.f32 v6, v5;
	v3 =	vld [tilespmem:s18+$0x10];
	[tilespmem:s17+$0x30] =	vst v2  }
0x2cc: {  	v6 =	vadd.f32 v8, v7;
	[tilespmem:s17+$0xFFFFFFD0] =	vst v4;
	v2 =	vld [tilespmem:s17+$0x20]  }
0x2cd: {  	[tilespmem:s17+$0xFFFFFFE0] =	vst v5;
	v5 =	vld [tilespmem:s18+$0x20]  }
0x2ce: {  	s19 =	simm.s32 $0x0;
	s20 =	sadd.s32 $0x400, s17;
	v4 =	vld [tilespmem:s17+$0xFFFFFFC0];
	[tilespmem:s17+$0xFFFFFFF0] =	vst v6;
	v6 =	vadd.f32 v10, v9  }
.LBB2_51:
0x2cf: {  	v7 =	vld [tilespmem:s20+$0x30];
	s18 =	sadd.s32 $0x400, s18  }
0x2d0: {  	s19 =	sadd.s32 $0x80, s19;
	v8 =	vld [tilespmem:s18+$0x30];
	[tilespmem:s17+$0x0] =	vst v6;
	v1 =	vadd.f32 v3, v1  }
0x2d1: {  	p0 =	slt.u32 s19, $0x380;
	v3 =	vld [tilespmem:s18+$0xFFFFFFC0]  }
0x2d2: {  	v6 =	vld [tilespmem:s20+$0xFFFFFFD0];
	[tilespmem:s17+$0x10] =	vst v1;
	v1 =	vadd.f32 v5, v2  }
0x2d3: {  	v2 =	vld [tilespmem:s18+$0xFFFFFFD0];
	v9 =	vadd.f32 v0, v4  }
0x2d4: {  	v4 =	vld [tilespmem:s20+$0xFFFFFFE0];
	[tilespmem:s17+$0x20] =	vst v1  }
0x2d5: {  	v1 =	vld [tilespmem:s18+$0xFFFFFFE0];
	v5 =	vadd.f32 v8, v7;
	[tilespmem:s17+$0xFFFFFFC0] =	vst v9;
	s17 =	smov.u32 s20  }
0x2d6: {  	v7 =	vld [tilespmem:s20+$0xFFFFFFF0];
	v0 =	vmov v3  }
0x2d7: {  	v8 =	vld [tilespmem:s18+$0xFFFFFFF0];
	[tilespmem:s20+$0x30] =	vst v5  }
0x2d8: {  	v2 =	vadd.f32 v2, v6;
	v6 =	vld [tilespmem:s20+$0x0]  }
0x2d9: {  	v9 =	vld [tilespmem:s18+$0x0]  }
.Ltmp24:
0x2da: {  	[tilespmem:s20+$0xFFFFFFD0] =	vst v2;
	v2 =	vadd.f32 v1, v4;
	v1 =	vld [tilespmem:s20+$0x10];
	(pc) =	sbr.rel @p0 .LBB2_51-.Ltmp24, $4  }
0x2db: {  	v3 =	vld [tilespmem:s18+$0x10]  }
0x2dc: {  	[tilespmem:s20+$0xFFFFFFE0] =	vst v2;
	v7 =	vadd.f32 v8, v7;
	v2 =	vld [tilespmem:s20+$0x20]  }
0x2dd: {  	v5 =	vld [tilespmem:s18+$0x20]  }
0x2de: {  	s20 =	sadd.s32 $0x400, s20;
	v4 =	vld [tilespmem:s17+$0xFFFFFFC0];
	[tilespmem:s17+$0xFFFFFFF0] =	vst v7;
	v6 =	vadd.f32 v9, v6  }
0x2df: {  	s16 =	sadd.s32 $0x1, s16  }
0x2e0: {  	p0 =	sne.s32 s16, $0x10  }
.Ltmp25:
0x2e1: {  	v1 =	vadd.f32 v3, v1;
	(pc) =	sbr.rel @p0 .LBB2_50-.Ltmp25, $4  }
0x2e2: {  	[tilespmem:s17+$0x0] =	vst v6;
	v2 =	vadd.f32 v5, v2  }
0x2e3: {  	[tilespmem:s17+$0x10] =	vst v1;
	v0 =	vadd.f32 v0, v4  }
0x2e4: {  	[tilespmem:s17+$0x20] =	vst v2  }
0x2e5: {  	s15 =	sadd.s32 $0x400, s15;
	s14 =	sadd.s32 $0x1, s14;
	[tilespmem:s17+$0xFFFFFFC0] =	vst v0  }
0x2e6: {  	s14 =	simm.s32 $0x0  }
0x2e7: {  	[hbm4b:s26+s14] =	stream.linear.scatter [tilespmem:s7], [sflag:$0x3], $0x4000, $0x38;
	[tilespmem:$0x18000] =	vst v63  }
0x2e8: {  	_ =	swait.ge [sflag:s10], $0x4000  }
0x2e9: {  	[sflag:s10] =	ssyncset.done $0x0  }
0x2ea: {  	[sflag:s10] =	ssyncadd.s32 $0xFFFFC000  }
0x2eb: {  	[tilespmem:s7], [sflag:$0x1] =	stream.linear.gather [hbm4b:s0+s14], $0x4000, $0x38;
	[tilespmem:$0x18000] =	vst v63  }
0x2ec: {  	_ =	swait.ge [sflag:s11], $0x4000  }
0x2ed: {  	[sflag:s11] =	ssyncset.done $0x0  }
0x2ee: {  	s15 =	simm.s32 $0x0;
	s16 =	simm.s32 $0x0;
	[sflag:s11] =	ssyncadd.s32 $0xFFFFC000  }
.LBB2_54:
0x2ef: {  	s17 =	sand.u32 $0x7, s15  }
0x2f0: {  	s17 =	sshll.u32 s17, $0x9  }
0x2f1: {  	s17 =	sshrl.u32 s17, $0x2  }
0x2f2: {  	v0 =	vmov s17;
	_ =	sdelay $0x2  }
0x2f3: {  	s18 =	sand.u32 $0x3FFFE000, s14  }
0x2f4: {  	s17 =	sadd.s32 $0x10000, s18  }
0x2f5: {  	v2 =	vld.idx.msk [tilespmem:v0+s17+$0x4070 ss:$0x1], $0xffff  }
0x2f6: {  	v4 =	vld.idx.msk [tilespmem:v0+s18+$0x4070 ss:$0x1], $0xffff  }
0x2f7: {  	v1 =	vld.idx.msk [tilespmem:v0+s18+$0x4000 ss:$0x1], $0xffff  }
0x2f8: {  	v5 =	vld.idx.msk [tilespmem:v0+s17+$0x4010 ss:$0x1], $0xffff  }
0x2f9: {  	v7 =	vld.idx.msk [tilespmem:v0+s18+$0x4010 ss:$0x1], $0xffff  }
0x2fa: {  	v8 =	vld.idx.msk [tilespmem:v0+s17+$0x4020 ss:$0x1], $0xffff  }
0x2fb: {  	v9 =	vld.idx.msk [tilespmem:v0+s18+$0x4020 ss:$0x1], $0xffff  }
0x2fc: {  	v10 =	vld.idx.msk [tilespmem:v0+s17+$0x4030 ss:$0x1], $0xffff  }
0x2fd: {  	v11 =	vld.idx.msk [tilespmem:v0+s18+$0x4030 ss:$0x1], $0xffff  }
0x2fe: {  	v3 =	vld.idx.msk [tilespmem:v0+s17+$0x4040 ss:$0x1], $0xffff  }
0x2ff: {  	v6 =	vld.idx.msk [tilespmem:v0+s18+$0x4040 ss:$0x1], $0xffff  }
0x300: {  	v4 =	vadd.f32 v4, v2;
	v2 =	vld.idx.msk [tilespmem:v0+s17+$0x4050 ss:$0x1], $0xffff  }
0x301: {  	v7 =	vadd.f32 v7, v5;
	v5 =	vld.idx.msk [tilespmem:v0+s18+$0x4050 ss:$0x1], $0xffff  }
0x302: {  	v8 =	vadd.f32 v9, v8;
	[tilespmem:v0+s17+$0x4070 ss:$0x1] =	vst.idx.msk $0xffff, v4;
	v4 =	vld.idx.msk [tilespmem:v0+s17+$0x4060 ss:$0x1], $0xffff  }
0x303: {  	v9 =	vadd.f32 v11, v10;
	[tilespmem:v0+s17+$0x4010 ss:$0x1] =	vst.idx.msk $0xffff, v7;
	v7 =	vld.idx.msk [tilespmem:v0+s18+$0x4060 ss:$0x1], $0xffff  }
0x304: {  	s19 =	simm.s32 $0x0;
	s20 =	sadd.s32 $0x400, s17;
	[tilespmem:v0+s17+$0x4020 ss:$0x1] =	vst.idx.msk $0xffff, v8;
	v8 =	vld.idx.msk [tilespmem:v0+s17+$0x4000 ss:$0x1], $0xffff  }
.LBB2_55:
0x305: {  	v10 =	vld.idx.msk [tilespmem:v0+s20+$0x4070 ss:$0x1], $0xffff;
	[tilespmem:v0+s17+$0x4030 ss:$0x1] =	vst.idx.msk $0xffff, v9;
	v3 =	vadd.f32 v6, v3;
	s18 =	sadd.s32 $0x400, s18  }
0x306: {  	s19 =	sadd.s32 $0x80, s19;
	v6 =	vld.idx.msk [tilespmem:v0+s18+$0x4070 ss:$0x1], $0xffff  }
0x307: {  	p0 =	slt.u32 s19, $0x380;
	v2 =	vadd.f32 v5, v2;
	v9 =	vld.idx.msk [tilespmem:v0+s18+$0x4000 ss:$0x1], $0xffff;
	[tilespmem:v0+s17+$0x4040 ss:$0x1] =	vst.idx.msk $0xffff, v3  }
0x308: {  	v5 =	vld.idx.msk [tilespmem:v0+s20+$0x4010 ss:$0x1], $0xffff  }
0x309: {  	v11 =	vld.idx.msk [tilespmem:v0+s18+$0x4010 ss:$0x1], $0xffff;
	[tilespmem:v0+s17+$0x4050 ss:$0x1] =	vst.idx.msk $0xffff, v2;
	v2 =	vadd.f32 v7, v4  }
0x30a: {  	v3 =	vadd.f32 v1, v8;
	v4 =	vld.idx.msk [tilespmem:v0+s20+$0x4020 ss:$0x1], $0xffff  }
0x30b: {  	v7 =	vld.idx.msk [tilespmem:v0+s18+$0x4020 ss:$0x1], $0xffff;
	[tilespmem:v0+s17+$0x4060 ss:$0x1] =	vst.idx.msk $0xffff, v2  }
0x30c: {  	v2 =	vadd.f32 v6, v10;
	v8 =	vld.idx.msk [tilespmem:v0+s20+$0x4030 ss:$0x1], $0xffff;
	[tilespmem:v0+s17+$0x4000 ss:$0x1] =	vst.idx.msk $0xffff, v3;
	s17 =	smov.u32 s20  }
0x30d: {  	v1 =	vmov v9;
	v10 =	vld.idx.msk [tilespmem:v0+s18+$0x4030 ss:$0x1], $0xffff  }
0x30e: {  	v3 =	vld.idx.msk [tilespmem:v0+s20+$0x4040 ss:$0x1], $0xffff;
	[tilespmem:v0+s20+$0x4070 ss:$0x1] =	vst.idx.msk $0xffff, v2  }
0x30f: {  	v5 =	vadd.f32 v11, v5;
	v6 =	vld.idx.msk [tilespmem:v0+s18+$0x4040 ss:$0x1], $0xffff  }
.Ltmp26:
0x310: {  	v2 =	vld.idx.msk [tilespmem:v0+s20+$0x4050 ss:$0x1], $0xffff;
	(pc) =	sbr.rel @p0 .LBB2_55-.Ltmp26, $4  }
0x311: {  	v7 =	vadd.f32 v7, v4;
	[tilespmem:v0+s20+$0x4010 ss:$0x1] =	vst.idx.msk $0xffff, v5;
	v5 =	vld.idx.msk [tilespmem:v0+s18+$0x4050 ss:$0x1], $0xffff  }
0x312: {  	v4 =	vld.idx.msk [tilespmem:v0+s20+$0x4060 ss:$0x1], $0xffff  }
0x313: {  	v9 =	vadd.f32 v10, v8;
	[tilespmem:v0+s20+$0x4020 ss:$0x1] =	vst.idx.msk $0xffff, v7;
	v7 =	vld.idx.msk [tilespmem:v0+s18+$0x4060 ss:$0x1], $0xffff  }
0x314: {  	s20 =	sadd.s32 $0x400, s20;
	v8 =	vld.idx.msk [tilespmem:v0+s17+$0x4000 ss:$0x1], $0xffff  }
0x315: {  	_ =	sdelay $0x1  }
0x316: {  	s16 =	sadd.s32 $0x1, s16  }
0x317: {  	v3 =	vadd.f32 v6, v3;
	p0 =	sne.s32 s16, $0x10  }
.Ltmp27:
0x318: {  	[tilespmem:v0+s17+$0x4030 ss:$0x1] =	vst.idx.msk $0xffff, v9;
	v2 =	vadd.f32 v5, v2;
	(pc) =	sbr.rel @p0 .LBB2_54-.Ltmp27, $4  }
0x319: {  	[tilespmem:v0+s17+$0x4040 ss:$0x1] =	vst.idx.msk $0xffff, v3;
	v63 =	vadd.f32 v7, v4  }
0x31a: {  	[tilespmem:v0+s17+$0x4050 ss:$0x1] =	vst.idx.msk $0xffff, v2;
	v1 =	vadd.f32 v1, v8  }
0x31b: {  	[tilespmem:v0+s17+$0x4060 ss:$0x1] =	vst.idx.msk $0xffff, v63  }
0x31c: {  	s15 =	sadd.s32 $0x1, s15;
	s14 =	sadd.s32 $0x400, s14;
	[tilespmem:v0+s17+$0x4000 ss:$0x1] =	vst.idx.msk $0xffff, v1  }
0x31d: {  	s14 =	simm.s32 $0x0  }
0x31e: {  	[hbm4b:s29+s14] =	stream.linear.scatter [tilespmem:s8], [sflag:$0x4], $0x4000, $0x38;
	[tilespmem:$0x18000] =	vst v63  }
0x31f: {  	_ =	swait.ge [sflag:s12], $0x4000  }
0x320: {  	[sflag:s12] =	ssyncset.done $0x0  }
0x321: {  	[sflag:s12] =	ssyncadd.s32 $0xFFFFC000  }
0x322: {  	[tilespmem:s8], [sflag:$0x2] =	stream.linear.gather [hbm4b:s2+s14], $0x4000, $0x38;
	[tilespmem:$0x18000] =	vst v63  }
0x323: {  	_ =	swait.ge [sflag:s9], $0x4000  }
0x324: {  	[sflag:s9] =	ssyncset.done $0x0  }
0x325: {  	s15 =	simm.s32 $0x0;
	s16 =	simm.s32 $0x0;
	[sflag:s9] =	ssyncadd.s32 $0xFFFFC000  }
.LBB2_58:
0x326: {  	s17 =	sand.u32 $0x7, s15  }
0x327: {  	s17 =	sshll.u32 s17, $0x9  }
0x328: {  	s17 =	sshrl.u32 s17, $0x2  }
0x329: {  	v0 =	vmov s17;
	_ =	sdelay $0x2  }
0x32a: {  	s18 =	sand.u32 $0x3FFFE000, s14  }
0x32b: {  	s17 =	sadd.s32 $0x10040, s18  }
0x32c: {  	v2 =	vld.idx.msk [tilespmem:v0+s17+$0x30 ss:$0x1], $0xffff  }
0x32d: {  	v4 =	vld.idx.msk [tilespmem:v0+s18+$0x8070 ss:$0x1], $0xffff  }
0x32e: {  	v1 =	vld.idx.msk [tilespmem:v0+s18+$0x8000 ss:$0x1], $0xffff  }
0x32f: {  	v5 =	vld.idx.msk [tilespmem:v0+s17+$0xFFFFFFD0 ss:$0x1], $0xffff  }
0x330: {  	v7 =	vld.idx.msk [tilespmem:v0+s18+$0x8010 ss:$0x1], $0xffff  }
0x331: {  	v8 =	vld.idx.msk [tilespmem:v0+s17+$0xFFFFFFE0 ss:$0x1], $0xffff  }
0x332: {  	v9 =	vld.idx.msk [tilespmem:v0+s18+$0x8020 ss:$0x1], $0xffff  }
0x333: {  	v10 =	vld.idx.msk [tilespmem:v0+s17+$0xFFFFFFF0 ss:$0x1], $0xffff  }
0x334: {  	v11 =	vld.idx.msk [tilespmem:v0+s18+$0x8030 ss:$0x1], $0xffff  }
0x335: {  	v3 =	vld.idx.msk [tilespmem:v0+s17+$0x0 ss:$0x1], $0xffff  }
0x336: {  	v6 =	vld.idx.msk [tilespmem:v0+s18+$0x8040 ss:$0x1], $0xffff  }
0x337: {  	v4 =	vadd.f32 v4, v2;
	v2 =	vld.idx.msk [tilespmem:v0+s17+$0x10 ss:$0x1], $0xffff  }
0x338: {  	v7 =	vadd.f32 v7, v5;
	v5 =	vld.idx.msk [tilespmem:v0+s18+$0x8050 ss:$0x1], $0xffff  }
0x339: {  	v8 =	vadd.f32 v9, v8;
	[tilespmem:v0+s17+$0x30 ss:$0x1] =	vst.idx.msk $0xffff, v4;
	v4 =	vld.idx.msk [tilespmem:v0+s17+$0x20 ss:$0x1], $0xffff  }
0x33a: {  	v9 =	vadd.f32 v11, v10;
	[tilespmem:v0+s17+$0xFFFFFFD0 ss:$0x1] =	vst.idx.msk $0xffff, v7;
	v7 =	vld.idx.msk [tilespmem:v0+s18+$0x8060 ss:$0x1], $0xffff  }
0x33b: {  	s19 =	simm.s32 $0x0;
	s20 =	sadd.s32 $0x400, s17;
	[tilespmem:v0+s17+$0xFFFFFFE0 ss:$0x1] =	vst.idx.msk $0xffff, v8;
	v8 =	vld.idx.msk [tilespmem:v0+s17+$0xFFFFFFC0 ss:$0x1], $0xffff  }
.LBB2_59:
0x33c: {  	v10 =	vld.idx.msk [tilespmem:v0+s20+$0x30 ss:$0x1], $0xffff;
	[tilespmem:v0+s17+$0xFFFFFFF0 ss:$0x1] =	vst.idx.msk $0xffff, v9;
	v3 =	vadd.f32 v6, v3;
	s18 =	sadd.s32 $0x400, s18  }
0x33d: {  	s19 =	sadd.s32 $0x80, s19;
	v6 =	vld.idx.msk [tilespmem:v0+s18+$0x8070 ss:$0x1], $0xffff  }
0x33e: {  	p0 =	slt.u32 s19, $0x380;
	v2 =	vadd.f32 v5, v2;
	v9 =	vld.idx.msk [tilespmem:v0+s18+$0x8000 ss:$0x1], $0xffff;
	[tilespmem:v0+s17+$0x0 ss:$0x1] =	vst.idx.msk $0xffff, v3  }
0x33f: {  	v5 =	vld.idx.msk [tilespmem:v0+s20+$0xFFFFFFD0 ss:$0x1], $0xffff  }
0x340: {  	v11 =	vld.idx.msk [tilespmem:v0+s18+$0x8010 ss:$0x1], $0xffff;
	[tilespmem:v0+s17+$0x10 ss:$0x1] =	vst.idx.msk $0xffff, v2;
	v2 =	vadd.f32 v7, v4  }
0x341: {  	v3 =	vadd.f32 v1, v8;
	v4 =	vld.idx.msk [tilespmem:v0+s20+$0xFFFFFFE0 ss:$0x1], $0xffff  }
0x342: {  	v7 =	vld.idx.msk [tilespmem:v0+s18+$0x8020 ss:$0x1], $0xffff;
	[tilespmem:v0+s17+$0x20 ss:$0x1] =	vst.idx.msk $0xffff, v2  }
0x343: {  	v2 =	vadd.f32 v6, v10;
	v8 =	vld.idx.msk [tilespmem:v0+s20+$0xFFFFFFF0 ss:$0x1], $0xffff;
	[tilespmem:v0+s17+$0xFFFFFFC0 ss:$0x1] =	vst.idx.msk $0xffff, v3;
	s17 =	smov.u32 s20  }
0x344: {  	v1 =	vmov v9;
	v10 =	vld.idx.msk [tilespmem:v0+s18+$0x8030 ss:$0x1], $0xffff  }
0x345: {  	v3 =	vld.idx.msk [tilespmem:v0+s20+$0x0 ss:$0x1], $0xffff;
	[tilespmem:v0+s20+$0x30 ss:$0x1] =	vst.idx.msk $0xffff, v2  }
0x346: {  	v5 =	vadd.f32 v11, v5;
	v6 =	vld.idx.msk [tilespmem:v0+s18+$0x8040 ss:$0x1], $0xffff  }
.Ltmp28:
0x347: {  	v2 =	vld.idx.msk [tilespmem:v0+s20+$0x10 ss:$0x1], $0xffff;
	(pc) =	sbr.rel @p0 .LBB2_59-.Ltmp28, $4  }
0x348: {  	v7 =	vadd.f32 v7, v4;
	[tilespmem:v0+s20+$0xFFFFFFD0 ss:$0x1] =	vst.idx.msk $0xffff, v5;
	v5 =	vld.idx.msk [tilespmem:v0+s18+$0x8050 ss:$0x1], $0xffff  }
0x349: {  	v4 =	vld.idx.msk [tilespmem:v0+s20+$0x20 ss:$0x1], $0xffff  }
0x34a: {  	v9 =	vadd.f32 v10, v8;
	[tilespmem:v0+s20+$0xFFFFFFE0 ss:$0x1] =	vst.idx.msk $0xffff, v7;
	v7 =	vld.idx.msk [tilespmem:v0+s18+$0x8060 ss:$0x1], $0xffff  }
0x34b: {  	s20 =	sadd.s32 $0x400, s20;
	v8 =	vld.idx.msk [tilespmem:v0+s17+$0xFFFFFFC0 ss:$0x1], $0xffff  }
0x34c: {  	_ =	sdelay $0x1  }
0x34d: {  	s16 =	sadd.s32 $0x1, s16  }
0x34e: {  	v3 =	vadd.f32 v6, v3;
	p0 =	sne.s32 s16, $0x10  }
.Ltmp29:
0x34f: {  	[tilespmem:v0+s17+$0xFFFFFFF0 ss:$0x1] =	vst.idx.msk $0xffff, v9;
	v2 =	vadd.f32 v5, v2;
	(pc) =	sbr.rel @p0 .LBB2_58-.Ltmp29, $4  }
0x350: {  	[tilespmem:v0+s17+$0x0 ss:$0x1] =	vst.idx.msk $0xffff, v3;
	v63 =	vadd.f32 v7, v4  }
0x351: {  	[tilespmem:v0+s17+$0x10 ss:$0x1] =	vst.idx.msk $0xffff, v2;
	v1 =	vadd.f32 v1, v8  }
0x352: {  	[tilespmem:v0+s17+$0x20 ss:$0x1] =	vst.idx.msk $0xffff, v63  }
0x353: {  	s15 =	sadd.s32 $0x1, s15;
	s14 =	sadd.s32 $0x400, s14;
	[tilespmem:v0+s17+$0xFFFFFFC0 ss:$0x1] =	vst.idx.msk $0xffff, v1  }
0x354: {  	s14 =	simm.s32 $0x0  }
0x355: {  	[hbm4b:s3+s14] =	stream.linear.scatter [tilespmem:s7], [sflag:$0x3], $0x4000, $0x38;
	[tilespmem:$0x18000] =	vst v63  }
0x356: {  	_ =	swait.ge [sflag:s11], $0x4000  }
0x357: {  	[sflag:s11] =	ssyncset.done $0x0  }
0x358: {  	s15 =	simm.s32 $0x0;
	s16 =	simm.s32 $0x0;
	[sflag:s11] =	ssyncadd.s32 $0xFFFFC000  }
.LBB2_62:
0x359: {  	s17 =	sand.u32 $0x7, s15  }
0x35a: {  	s17 =	sshll.u32 s17, $0x9  }
0x35b: {  	s17 =	sshrl.u32 s17, $0x2  }
0x35c: {  	v0 =	vmov s17;
	_ =	sdelay $0x2  }
0x35d: {  	s18 =	sand.u32 $0x3FFFE000, s14  }
0x35e: {  	s17 =	sadd.s32 $0x10000, s18  }
0x35f: {  	v2 =	vld.idx.msk [tilespmem:v0+s17+$0x4070 ss:$0x1], $0xffff  }
0x360: {  	v4 =	vld.idx.msk [tilespmem:v0+s18+$0xC070 ss:$0x1], $0xffff  }
0x361: {  	v1 =	vld.idx.msk [tilespmem:v0+s18+$0xC000 ss:$0x1], $0xffff  }
0x362: {  	v5 =	vld.idx.msk [tilespmem:v0+s17+$0x4010 ss:$0x1], $0xffff  }
0x363: {  	v7 =	vld.idx.msk [tilespmem:v0+s18+$0xC010 ss:$0x1], $0xffff  }
0x364: {  	v8 =	vld.idx.msk [tilespmem:v0+s17+$0x4020 ss:$0x1], $0xffff  }
0x365: {  	v9 =	vld.idx.msk [tilespmem:v0+s18+$0xC020 ss:$0x1], $0xffff  }
0x366: {  	v10 =	vld.idx.msk [tilespmem:v0+s17+$0x4030 ss:$0x1], $0xffff  }
0x367: {  	v11 =	vld.idx.msk [tilespmem:v0+s18+$0xC030 ss:$0x1], $0xffff  }
0x368: {  	v3 =	vld.idx.msk [tilespmem:v0+s17+$0x4040 ss:$0x1], $0xffff  }
0x369: {  	v6 =	vld.idx.msk [tilespmem:v0+s18+$0xC040 ss:$0x1], $0xffff  }
0x36a: {  	v4 =	vadd.f32 v4, v2;
	v2 =	vld.idx.msk [tilespmem:v0+s17+$0x4050 ss:$0x1], $0xffff  }
0x36b: {  	v7 =	vadd.f32 v7, v5;
	v5 =	vld.idx.msk [tilespmem:v0+s18+$0xC050 ss:$0x1], $0xffff  }
0x36c: {  	v8 =	vadd.f32 v9, v8;
	[tilespmem:v0+s17+$0x4070 ss:$0x1] =	vst.idx.msk $0xffff, v4;
	v4 =	vld.idx.msk [tilespmem:v0+s17+$0x4060 ss:$0x1], $0xffff  }
0x36d: {  	v9 =	vadd.f32 v11, v10;
	[tilespmem:v0+s17+$0x4010 ss:$0x1] =	vst.idx.msk $0xffff, v7;
	v7 =	vld.idx.msk [tilespmem:v0+s18+$0xC060 ss:$0x1], $0xffff  }
0x36e: {  	s19 =	simm.s32 $0x0;
	s20 =	sadd.s32 $0x400, s17;
	[tilespmem:v0+s17+$0x4020 ss:$0x1] =	vst.idx.msk $0xffff, v8;
	v8 =	vld.idx.msk [tilespmem:v0+s17+$0x4000 ss:$0x1], $0xffff  }
.LBB2_63:
0x36f: {  	v10 =	vld.idx.msk [tilespmem:v0+s20+$0x4070 ss:$0x1], $0xffff;
	[tilespmem:v0+s17+$0x4030 ss:$0x1] =	vst.idx.msk $0xffff, v9;
	v3 =	vadd.f32 v6, v3;
	s18 =	sadd.s32 $0x400, s18  }
0x370: {  	s19 =	sadd.s32 $0x80, s19;
	v6 =	vld.idx.msk [tilespmem:v0+s18+$0xC070 ss:$0x1], $0xffff  }
0x371: {  	p0 =	slt.u32 s19, $0x380;
	v2 =	vadd.f32 v5, v2;
	v9 =	vld.idx.msk [tilespmem:v0+s18+$0xC000 ss:$0x1], $0xffff;
	[tilespmem:v0+s17+$0x4040 ss:$0x1] =	vst.idx.msk $0xffff, v3  }
0x372: {  	v5 =	vld.idx.msk [tilespmem:v0+s20+$0x4010 ss:$0x1], $0xffff  }
0x373: {  	v11 =	vld.idx.msk [tilespmem:v0+s18+$0xC010 ss:$0x1], $0xffff;
	[tilespmem:v0+s17+$0x4050 ss:$0x1] =	vst.idx.msk $0xffff, v2;
	v2 =	vadd.f32 v7, v4  }
0x374: {  	v3 =	vadd.f32 v1, v8;
	v4 =	vld.idx.msk [tilespmem:v0+s20+$0x4020 ss:$0x1], $0xffff  }
0x375: {  	v7 =	vld.idx.msk [tilespmem:v0+s18+$0xC020 ss:$0x1], $0xffff;
	[tilespmem:v0+s17+$0x4060 ss:$0x1] =	vst.idx.msk $0xffff, v2  }
0x376: {  	v2 =	vadd.f32 v6, v10;
	v8 =	vld.idx.msk [tilespmem:v0+s20+$0x4030 ss:$0x1], $0xffff;
	[tilespmem:v0+s17+$0x4000 ss:$0x1] =	vst.idx.msk $0xffff, v3;
	s17 =	smov.u32 s20  }
0x377: {  	v1 =	vmov v9;
	v10 =	vld.idx.msk [tilespmem:v0+s18+$0xC030 ss:$0x1], $0xffff  }
0x378: {  	v3 =	vld.idx.msk [tilespmem:v0+s20+$0x4040 ss:$0x1], $0xffff;
	[tilespmem:v0+s20+$0x4070 ss:$0x1] =	vst.idx.msk $0xffff, v2  }
0x379: {  	v5 =	vadd.f32 v11, v5;
	v6 =	vld.idx.msk [tilespmem:v0+s18+$0xC040 ss:$0x1], $0xffff  }
.Ltmp30:
0x37a: {  	v2 =	vld.idx.msk [tilespmem:v0+s20+$0x4050 ss:$0x1], $0xffff;
	(pc) =	sbr.rel @p0 .LBB2_63-.Ltmp30, $4  }
0x37b: {  	v7 =	vadd.f32 v7, v4;
	[tilespmem:v0+s20+$0x4010 ss:$0x1] =	vst.idx.msk $0xffff, v5;
	v5 =	vld.idx.msk [tilespmem:v0+s18+$0xC050 ss:$0x1], $0xffff  }
0x37c: {  	v4 =	vld.idx.msk [tilespmem:v0+s20+$0x4060 ss:$0x1], $0xffff  }
0x37d: {  	v9 =	vadd.f32 v10, v8;
	[tilespmem:v0+s20+$0x4020 ss:$0x1] =	vst.idx.msk $0xffff, v7;
	v7 =	vld.idx.msk [tilespmem:v0+s18+$0xC060 ss:$0x1], $0xffff  }
0x37e: {  	s20 =	sadd.s32 $0x400, s20;
	v8 =	vld.idx.msk [tilespmem:v0+s17+$0x4000 ss:$0x1], $0xffff  }
0x37f: {  	_ =	sdelay $0x1  }
0x380: {  	s16 =	sadd.s32 $0x1, s16  }
0x381: {  	v3 =	vadd.f32 v6, v3;
	p0 =	sne.s32 s16, $0x10  }
.Ltmp31:
0x382: {  	[tilespmem:v0+s17+$0x4030 ss:$0x1] =	vst.idx.msk $0xffff, v9;
	v2 =	vadd.f32 v5, v2;
	(pc) =	sbr.rel @p0 .LBB2_62-.Ltmp31, $4  }
0x383: {  	[tilespmem:v0+s17+$0x4040 ss:$0x1] =	vst.idx.msk $0xffff, v3;
	v63 =	vadd.f32 v7, v4  }
0x384: {  	[tilespmem:v0+s17+$0x4050 ss:$0x1] =	vst.idx.msk $0xffff, v2;
	v1 =	vadd.f32 v1, v8  }
0x385: {  	[tilespmem:v0+s17+$0x4060 ss:$0x1] =	vst.idx.msk $0xffff, v63  }
0x386: {  	s15 =	sadd.s32 $0x1, s15;
	s14 =	sadd.s32 $0x400, s14;
	[tilespmem:v0+s17+$0x4000 ss:$0x1] =	vst.idx.msk $0xffff, v1  }
0x387: {  	[hbm4b:s4+s1] =	stream.linear.scatter [tilespmem:s8], [sflag:$0x4], $0x4000, $0x38;
	[tilespmem:$0x18000] =	vst v63  }
0x388: {  	s13 =	sadd.s32 $0x1, s13  }
0x389: {  	_ =	swait.ge [sflag:s10], $0x4000;
	p0 =	sne.s32 s13, s5  }
.Ltmp32:
0x38a: {  	[sflag:s10] =	ssyncset.done $0x0;
	(pc) =	sbr.rel @p0 .LBB2_1-.Ltmp32, $4  }
0x38b: {  	[sflag:s10] =	ssyncadd.s32 $0xFFFFC000  }
0x38c: {  	_ =	swait.ge [sflag:s12], $0x4000  }
0x38d: {  	[sflag:s12] =	ssyncset.done $0x0  }
0x38e: {  	[sflag:s12] =	ssyncadd.s32 $0xFFFFC000  }
0x38f: {  	_ =	sfence.sel $0x180000  }
0x390: {  	[bflag:$0x0] =	sbarrier.arrive $0xFFFF  }
0x391: {  	_ =	strace $0x90000047  }
0x392: {  	s0 =	stileid.u32;
	[bflag:$0x2] =	sbarrier.arrive $0xFFFF  }
0x393: {  	p0 =	sne.s32 s0, $0x0;
	s0 =	rddreg [dreg:$0x3]  }
0x394: {  	s0 =	sadd.s32 @!p0 $0x100000, s0  }
0x395: {  	[sflag:s0] =	ssyncadd.tile.s32 @!p0 $0x1;
	_ =	shalt  }
.Lfunc_end2:
_tile_overlayer_lowered:
.L_overlay_start_2:
0x396: {  	(tag) =	ssettag $0x2  }
0x397: {  	s0 =	rddreg [dreg:$0x0];
	s2 =	stileid.u32  }
0x398: {  	s1 =	rddreg [dreg:$0x1];
	p0 =	sne.s32 s2, $0x0  }
0x399: {  	s3 =	rddreg [dreg:$0x2];
	[bflag:$0x3] =	sbarrier.arrive $0xFFFF;
	s2 =	simm.s32 @!p0 $0x1C05  }
0x39a: {  	[timem:s3], [sflag:s2] =	dma.local @!p0 [hbm:s0], s1  }
0x39b: {  	s0 =	simm.s32 @!p0 $0x5  }
0x39c: {  	_ =	swait.ge @!p0 [sflag:s0], s1  }
0x39d: {  	s1 =	ssub.s32 @!p0 $0x0, s1;
	[sflag:s0] =	ssyncset.done @!p0 $0x0  }
0x39e: {  	[sflag:s0] =	ssyncadd.s32 @!p0 s1  }
0x39f: {  	[bflag:$0x3] =	sbarrier.arrive $0xFFFF  }
0x3a0: {  	_ =	shalt  }

</sc_bundles>
